<compile_context>
chip_gen: v7x
topology: tpu7x:2x2x1
jax: 0.10.2.dev20260603
libtpu: 0.0.44.dev20260713+nightly
codegen_flags: <defaults>
</compile_context>

<pallas_src>
import functools

import jax
import jax.numpy as jnp
from jax import lax
from jax.experimental import pallas as pl
from jax.experimental.pallas import tpu as pltpu
from jax.experimental.pallas import tpu_sc as plsc

B = 16384
F = 512
OUT = 64
N = B * F
N_F = float(N)
DDOF = float(N / (N - 1.0))

NBINS = 65536
ROWS_PER_STEP = 1024
K1_STEPS = B // ROWS_PER_STEP

NWORKERS = 32
PER_W = N // NWORKERS
CROWS = 16
NCHUNK = (B // NWORKERS) // CROWS


def _k1_body(x_ref, mom_ref):
    i = pl.program_id(0)
    xb = x_ref[...]
    x2 = xb * xb

    def fold(v, op):
        return op(v.reshape(4, 128), axis=0)

    s1 = fold(jnp.sum(xb, axis=0), jnp.sum)
    s2 = fold(jnp.sum(x2, axis=0), jnp.sum)
    s3 = fold(jnp.sum(x2 * xb, axis=0), jnp.sum)
    s4 = fold(jnp.sum(x2 * x2, axis=0), jnp.sum)
    mn = fold(jnp.min(xb, axis=0), jnp.min)
    mx = fold(jnp.max(xb, axis=0), jnp.max)
    part = jnp.stack([s1, s2, s3, s4, mn, mx, mn, mx])

    @pl.when(i == 0)
    def _():
        mom_ref[...] = part

    @pl.when(i != 0)
    def _():
        old = mom_ref[...]
        mom_ref[...] = jnp.concatenate(
            [
                old[0:4] + part[0:4],
                jnp.minimum(old[4:5], part[4:5]),
                jnp.maximum(old[5:6], part[5:6]),
                old[6:8],
            ],
            axis=0,
        )


def _k1(x):
    return pl.pallas_call(
        _k1_body,
        grid=(K1_STEPS,),
        in_specs=[pl.BlockSpec((ROWS_PER_STEP, F), lambda i: (i, 0))],
        out_specs=pl.BlockSpec((8, 128), lambda i: (0, 0)),
        out_shape=jax.ShapeDtypeStruct((8, 128), jnp.float32),
    )(x)


def _k1b_body(mom_ref, par_ref):
    acc = mom_ref[...]
    lo = jnp.min(acc[4])
    hi = jnp.max(acc[5])
    scale = NBINS / jnp.maximum(hi - lo, 1e-30)
    par_ref[...] = jnp.concatenate(
        [jnp.full((1, 128), lo, jnp.float32),
         jnp.full((1, 128), scale, jnp.float32)],
        axis=0,
    )


def _k1b(mom):
    return pl.pallas_call(
        _k1b_body,
        out_shape=jax.ShapeDtypeStruct((2, 128), jnp.float32),
    )(mom)


def _sc_hist_body(x_hbm, par_hbm, out_hbm, hist, buf0, buf1, lobuf, scbuf, sem0, sem1):
    wid = lax.axis_index("s") * 2 + lax.axis_index("c")
    base_row = wid * (B // NWORKERS)

    pltpu.async_copy(x_hbm.at[pl.ds(base_row, CROWS), :], buf0, sem0)
    pltpu.async_copy(x_hbm.at[pl.ds(base_row + CROWS, CROWS), :], buf1, sem1)

    pltpu.sync_copy(par_hbm.at[pl.ds(0, 16)], lobuf)
    pltpu.sync_copy(par_hbm.at[pl.ds(128, 16)], scbuf)
    lo_v = lobuf[...]
    sc_v = scbuf[...]
    ones = jnp.ones((16,), jnp.float32)
    maxbin = jnp.float32(NBINS - 1)

    @plsc.parallel_loop(0, NBINS // 128, unroll=2)
    def _(i):
        for u in range(8):
            hist[pl.ds(i * 128 + u * 16, 16)] = jnp.zeros((16,), jnp.float32)

    def process(buf):
        for r in range(CROWS):
            @plsc.parallel_loop(0, F // 64, unroll=4)
            def _(c):
                for u in range(4):
                    v = buf[r, pl.ds(c * 64 + u * 16, 16)]
                    t = jnp.clip((v - lo_v) * sc_v, 0.0, maxbin)
                    plsc.addupdate_scatter(hist, [t.astype(jnp.int32)], ones)

    def pair(jj, _):
        r0 = base_row + (2 * jj) * CROWS
        pltpu.make_async_copy(x_hbm.at[pl.ds(r0, CROWS), :], buf0, sem0).wait()
        process(buf0)

        @pl.when(jj < NCHUNK // 2 - 1)
        def _():
            pltpu.async_copy(
                x_hbm.at[pl.ds(r0 + 2 * CROWS, CROWS), :], buf0, sem0)

        pltpu.make_async_copy(
            x_hbm.at[pl.ds(r0 + CROWS, CROWS), :], buf1, sem1).wait()
        process(buf1)

        @pl.when(jj < NCHUNK // 2 - 1)
        def _():
            pltpu.async_copy(
                x_hbm.at[pl.ds(r0 + 3 * CROWS, CROWS), :], buf1, sem1)

        return 0

    lax.fori_loop(0, NCHUNK // 2, pair, 0)

    pltpu.sync_copy(hist, out_hbm.at[wid])


@functools.cache
def _sc_hist():
    mesh = plsc.VectorSubcoreMesh(core_axis_name="c", subcore_axis_name="s")
    return pl.kernel(
        _sc_hist_body,
        out_type=jax.ShapeDtypeStruct((NWORKERS, NBINS), jnp.float32),
        mesh=mesh,
        scratch_types=[
            pltpu.VMEM((NBINS,), jnp.float32),
            pltpu.VMEM((CROWS, F), jnp.float32),
            pltpu.VMEM((CROWS, F), jnp.float32),
            pltpu.VMEM((16,), jnp.float32),
            pltpu.VMEM((16,), jnp.float32),
            pltpu.SemaphoreType.DMA,
            pltpu.SemaphoreType.DMA,
        ],
        compiler_params=pltpu.CompilerParams(needs_layout_passes=False),
    )


def _k3_body(mom_ref, hist_ref, sw_ref, W1_ref, b1_ref, W2_ref, b2_ref, out_ref):
    acc = mom_ref[...]
    s1 = jnp.sum(acc[0])
    s2 = jnp.sum(acc[1])
    s3 = jnp.sum(acc[2])
    s4 = jnp.sum(acc[3])
    lo = jnp.min(acc[4])
    hi = jnp.max(acc[5])
    width = jnp.maximum(hi - lo, 1e-30) / NBINS

    h = jnp.sum(hist_ref[...], axis=0).reshape(512, 128)

    cs = h
    k = 1
    while k < 128:
        cs = cs + jnp.concatenate(
            [jnp.zeros((512, k), jnp.float32), cs[:, :-k]], axis=1)
        k *= 2
    rt = cs[:, 127:128]
    rtc = rt
    k = 1
    while k < 512:
        rtc = rtc + jnp.concatenate(
            [jnp.zeros((k, 1), jnp.float32), rtc[:-k, :]], axis=0)
        k *= 2
    cdf = cs + (rtc - rt)

    gi = lax.broadcasted_iota(jnp.int32, (512, 128), 0)
    gj = lax.broadcasted_iota(jnp.int32, (512, 128), 1)
    gidx = (gi * 128 + gj).astype(jnp.float32)

    def orderstat(k):
        kf = jnp.float32(k)
        isge = cdf >= kf
        b = jnp.min(jnp.where(isge, gidx, jnp.float32(NBINS)))
        cdfp = jnp.max(jnp.where(isge, 0.0, cdf))
        cdfb = jnp.min(jnp.where(isge, cdf, jnp.float32(2 * N)))
        cnt = jnp.maximum(cdfb - cdfp, 1.0)
        frac = (kf - cdfp - 0.5) / cnt
        return lo + (b + frac) * width

    q25 = orderstat(N // 4 + 1)
    med_a = orderstat(N // 2)
    med_b = orderstat(N // 2 + 1)
    q75 = orderstat(3 * N // 4 + 1)

    mean = s1 / N_F
    m2r = s2 / N_F
    m3r = s3 / N_F
    m4r = s4 / N_F
    var_s = (m2r - mean * mean) * DDOF
    std = jnp.sqrt(jnp.maximum(var_s, 0.0)) + 1e-8
    var_o = var_s + 1e-8
    c3 = m3r - 3.0 * mean * m2r + 2.0 * mean * mean * mean
    c4 = m4r - 4.0 * mean * m3r + 6.0 * mean * mean * m2r - 3.0 * mean ** 4
    skew = c3 / (std * std * std + 1e-8)
    kurt = c4 / (std * std * std * std + 1e-8) - 3.0
    rng = hi - lo
    median = 0.5 * (med_a + med_b)
    iqr = q75 - q25

    stats = jnp.stack([mean, median, std, var_o, skew, kurt, rng, iqr])
    w = stats * sw_ref[...]
    h1 = jax.nn.relu(jnp.sum(W1_ref[...] * w[None, :], axis=1) + b1_ref[...])
    o = jnp.sum(W2_ref[...] * h1[None, :], axis=1) + b2_ref[...]
    out_ref[...] = jnp.broadcast_to(o[None, :], (B, OUT))


def _k3(mom, hist, sw, W1, b1, W2, b2):
    return pl.pallas_call(
        _k3_body,
        out_shape=jax.ShapeDtypeStruct((B, OUT), jnp.float32),
    )(mom, hist, sw, W1, b1, W2, b2)


def kernel(x, stat_weights, W1, b1, W2, b2):
    mom = _k1(x)
    par = _k1b(mom)
    hist = _sc_hist()(x, par.reshape(-1))
    return _k3(mom, hist, stat_weights, W1, b1, W2, b2)

# --- scband reference (transcript-rebuilt; emitter-appended) ---
"""Pipeline reference for scband-advanced-statistical-extractor-317827580065 (READ-ONLY COPY).

The authoritative reference and input builder live on the scoring server;
editing this copy changes nothing except your own understanding.
"""

import jax, jax.numpy as jnp
import numpy as np

B = 16384
F = 512
OUT = 64

def setup_inputs(seed: int = 0) -> dict:
    key = jax.random.key(seed)
    k1, k2, k3, k4, k5 = jax.random.split(key, 5)
    x = jax.random.normal(k1, (B, F), dtype=jnp.float32)
    stat_weights = jnp.ones((8,), dtype=jnp.float32)
    W1 = jax.random.normal(k2, (32, 8), dtype=jnp.float32) * (1.0 / np.sqrt(8))
    b1 = jax.random.uniform(k3, (32,), dtype=jnp.float32, minval=-1.0/np.sqrt(8), maxval=1.0/np.sqrt(8))
    W2 = jax.random.normal(k4, (OUT, 32), dtype=jnp.float32) * (1.0 / np.sqrt(32))
    b2 = jax.random.uniform(k5, (OUT,), dtype=jnp.float32, minval=-1.0/np.sqrt(32), maxval=1.0/np.sqrt(32))
    return {"x": x, "stat_weights": stat_weights, "W1": W1, "b1": b1, "W2": W2, "b2": b2}

def reference(x, stat_weights, W1, b1, W2, b2):
    batch_size = x.shape[0]
    mean = x.mean()
    std = jnp.std(x, ddof=1) + 1e-08
    var = jnp.var(x, ddof=1) + 1e-08
    flat = x.reshape(-1)
    sorted_vals = jnp.sort(flat)
    n = flat.shape[0]
    if n % 2 == 1:
        median = sorted_vals[n // 2]
    else:
        median = (sorted_vals[n // 2 - 1] + sorted_vals[n // 2]) / 2
    centered = x - mean
    skew_approx = (centered ** 3).mean() / (std ** 3 + 1e-08)
    kurt_approx = (centered ** 4).mean() / (std ** 4 + 1e-08) - 3
    global_range = flat.max() - flat.min()
    q25_idx = n // 4
    q75_idx = 3 * n // 4
    if n > 4:
        iqr = sorted_vals[q75_idx] - sorted_vals[q25_idx]
    else:
        iqr = jnp.asarray(0.0, dtype=x.dtype)
    stats = jnp.stack([mean, median, std, var, skew_approx, kurt_approx, global_range, iqr])
    stats_b = jnp.broadcast_to(stats[None, :], (batch_size, 8))
    weighted_stats = stats_b * stat_weights[None, :]
    h = jax.nn.relu(weighted_stats @ W1.T + b1)
    out = h @ W2.T + b2
    return out

if __name__ == "__main__":
    import jax
    _d = setup_inputs()
    print(jax.jit(kernel)(*tuple(_d.values())))

</pallas_src>

<mosaic_0001>
#map = affine_map<(d0, d1) -> (0, 0)>
#map1 = affine_map<(d0, d1) -> (0)>
module attributes {stable_mosaic.version = 14 : i64} {
  func.func @_sc_hist_body(%arg0: i32, %arg1: i32, %arg2: memref<16384x512xf32, #tpu.memory_space<hbm>>, %arg3: memref<256xf32, #tpu.memory_space<hbm>>, %arg4: memref<32x65536xf32, #tpu.memory_space<hbm>>, %arg5: memref<65536xf32, #tpu.memory_space<vmem>>, %arg6: memref<16x512xf32, #tpu.memory_space<vmem>>, %arg7: memref<16x512xf32, #tpu.memory_space<vmem>>, %arg8: memref<16xf32, #tpu.memory_space<vmem>>, %arg9: memref<16xf32, #tpu.memory_space<vmem>>, %arg10: memref<!tpu.dma_semaphore, #tpu.memory_space<semaphore_mem>>, %arg11: memref<!tpu.dma_semaphore, #tpu.memory_space<semaphore_mem>>) attributes {dimension_semantics = [#tpu.dimension_semantics<core_parallel>, #tpu.dimension_semantics<subcore_parallel>], iteration_bounds = array<i64: 2, 16>, scalar_prefetch = 0 : i64, scratch_operands = 7 : i64, tpu.core_type = #tpu.core_type<sc_vector_subcore>, window_params = [{transform_indices = #map}, {transform_indices = #map1}, {transform_indices = #map}]} {
    %mul3A = arith.constant 2 : i32
    %mul3A_0 = arith.muli %arg1, %mul3A : i32
    %add3A = arith.addi %mul3A_0, %arg0 : i32
    %mul3A_1 = arith.constant 512 : i32
    %mul3A_2 = arith.muli %add3A, %mul3A_1 : i32
    %dma_start3A = arith.constant 0 : i32
    %dma_start3A_3 = tpu.memref_slice %arg2[%mul3A_2, %dma_start3A] : memref<16384x512xf32, #tpu.memory_space<hbm>> -> memref<16x512xf32, #tpu.memory_space<hbm>>
    %dma_start3A_4 = arith.constant 0 : i32
    %dma_start3A_5 = tpu.memref_slice %arg2[%mul3A_2, %dma_start3A_4] : memref<16384x512xf32, #tpu.memory_space<hbm>> -> memref<16x512xf32, #tpu.memory_space<hbm>>
    tpu.enqueue_dma source(%dma_start3A_5 : memref<16x512xf32, #tpu.memory_space<hbm>>) target(%arg6 : memref<16x512xf32, #tpu.memory_space<vmem>>) target_semaphore(%arg10 : memref<!tpu.dma_semaphore, #tpu.memory_space<semaphore_mem>>)
    %add3A_6 = arith.constant 16 : i32
    %add3A_7 = arith.addi %mul3A_2, %add3A_6 : i32
    %dma_start3A_8 = arith.constant 0 : i32
    %dma_start3A_9 = tpu.memref_slice %arg2[%add3A_7, %dma_start3A_8] : memref<16384x512xf32, #tpu.memory_space<hbm>> -> memref<16x512xf32, #tpu.memory_space<hbm>>
    %dma_start3A_10 = arith.constant 0 : i32
    %dma_start3A_11 = tpu.memref_slice %arg2[%add3A_7, %dma_start3A_10] : memref<16384x512xf32, #tpu.memory_space<hbm>> -> memref<16x512xf32, #tpu.memory_space<hbm>>
    tpu.enqueue_dma source(%dma_start3A_11 : memref<16x512xf32, #tpu.memory_space<hbm>>) target(%arg7 : memref<16x512xf32, #tpu.memory_space<vmem>>) target_semaphore(%arg11 : memref<!tpu.dma_semaphore, #tpu.memory_space<semaphore_mem>>)
    "tpu.region"() ({
      %run_scoped3A = tpu.sem_alloc : memref<!tpu.dma_semaphore, #tpu.memory_space<semaphore_mem>>
      %dma_start3A_25 = arith.constant 0 : i32
      %dma_start3A_26 = tpu.memref_slice %arg3[%dma_start3A_25] : memref<256xf32, #tpu.memory_space<hbm>> -> memref<16xf32, #tpu.memory_space<hbm>>
      %dma_start3A_27 = arith.constant 0 : i32
      %dma_start3A_28 = tpu.memref_slice %arg3[%dma_start3A_27] : memref<256xf32, #tpu.memory_space<hbm>> -> memref<16xf32, #tpu.memory_space<hbm>>
      tpu.enqueue_dma source(%dma_start3A_28 : memref<16xf32, #tpu.memory_space<hbm>>) target(%arg8 : memref<16xf32, #tpu.memory_space<vmem>>) target_semaphore(%run_scoped3A : memref<!tpu.dma_semaphore, #tpu.memory_space<semaphore_mem>>)
      %dma_wait3A = arith.constant 0 : i32
      %dma_wait3A_29 = tpu.memref_slice %arg3[%dma_wait3A] : memref<256xf32, #tpu.memory_space<hbm>> -> memref<16xf32, #tpu.memory_space<hbm>>
      %dma_wait3A_30 = arith.constant 0 : i32
      %dma_wait3A_31 = tpu.memref_slice %arg3[%dma_wait3A_30] : memref<256xf32, #tpu.memory_space<hbm>> -> memref<16xf32, #tpu.memory_space<hbm>>
      tpu.wait_dma2 semaphore(%run_scoped3A : memref<!tpu.dma_semaphore, #tpu.memory_space<semaphore_mem>>) src(%dma_wait3A_31 : memref<16xf32, #tpu.memory_space<hbm>>) dst(%arg8 : memref<16xf32, #tpu.memory_space<vmem>>)
      tpu.yield
    }) : () -> ()
    "tpu.region"() ({
      %run_scoped3A = tpu.sem_alloc : memref<!tpu.dma_semaphore, #tpu.memory_space<semaphore_mem>>
      %dma_start3A_25 = arith.constant 128 : i32
      %dma_start3A_26 = tpu.memref_slice %arg3[%dma_start3A_25] : memref<256xf32, #tpu.memory_space<hbm>> -> memref<16xf32, #tpu.memory_space<hbm>>
      %dma_start3A_27 = arith.constant 128 : i32
      %dma_start3A_28 = tpu.memref_slice %arg3[%dma_start3A_27] : memref<256xf32, #tpu.memory_space<hbm>> -> memref<16xf32, #tpu.memory_space<hbm>>
      tpu.enqueue_dma source(%dma_start3A_28 : memref<16xf32, #tpu.memory_space<hbm>>) target(%arg9 : memref<16xf32, #tpu.memory_space<vmem>>) target_semaphore(%run_scoped3A : memref<!tpu.dma_semaphore, #tpu.memory_space<semaphore_mem>>)
      %dma_wait3A = arith.constant 128 : i32
      %dma_wait3A_29 = tpu.memref_slice %arg3[%dma_wait3A] : memref<256xf32, #tpu.memory_space<hbm>> -> memref<16xf32, #tpu.memory_space<hbm>>
      %dma_wait3A_30 = arith.constant 128 : i32
      %dma_wait3A_31 = tpu.memref_slice %arg3[%dma_wait3A_30] : memref<256xf32, #tpu.memory_space<hbm>> -> memref<16xf32, #tpu.memory_space<hbm>>
      tpu.wait_dma2 semaphore(%run_scoped3A : memref<!tpu.dma_semaphore, #tpu.memory_space<semaphore_mem>>) src(%dma_wait3A_31 : memref<16xf32, #tpu.memory_space<hbm>>) dst(%arg9 : memref<16xf32, #tpu.memory_space<vmem>>)
      tpu.yield
    }) : () -> ()
    %get3A = arith.constant 0 : index
    %get3A_12 = tpu.vector_load %arg8[%get3A] {strides = array<i32>} : memref<16xf32, #tpu.memory_space<vmem>>, vector<16xf32>,
    %get3A_13 = arith.constant 0 : index
    %get3A_14 = tpu.vector_load %arg9[%get3A_13] {strides = array<i32>} : memref<16xf32, #tpu.memory_space<vmem>>, vector<16xf32>,
    %broadcast_in_dim3A = arith.constant 1.000000e+00 : f32
    %broadcast_in_dim3A_15 = vector.broadcast %broadcast_in_dim3A : f32 to vector<16xf32>
    %parallel_loop3A = arith.constant 0 : i32
    %parallel_loop3A_16 = arith.constant 512 : i32
    %parallel_loop3A_17 = arith.constant 1 : i32
    scf.for %parallel_loop3A_25 = %parallel_loop3A to %parallel_loop3A_16 step %parallel_loop3A_17  : i32 {
      %parallel_loop3A_26 = arith.constant 0.000000e+00 : f32
      %parallel_loop3A_27 = vector.broadcast %parallel_loop3A_26 : f32 to vector<16xf32>
      %parallel_loop3A_28 = arith.constant 128 : i32
      %parallel_loop3A_29 = arith.muli %parallel_loop3A_25, %parallel_loop3A_28 : i32
      %parallel_loop3A_30 = arith.constant 0 : i32
      %parallel_loop3A_31 = arith.addi %parallel_loop3A_29, %parallel_loop3A_30 : i32
      %parallel_loop3A_32 = arith.index_cast %parallel_loop3A_31 : i32 to index
      %parallel_loop3A_33 = tpu.vector_load %arg5[%parallel_loop3A_32] {strides = array<i32>} : memref<65536xf32, #tpu.memory_space<vmem>>, vector<16xf32>,
      tpu.vector_store %arg5[%parallel_loop3A_32], %parallel_loop3A_27 {strides = array<i32>} : memref<65536xf32, #tpu.memory_space<vmem>>, vector<16xf32>,
      %parallel_loop3A_34 = arith.constant 0.000000e+00 : f32
      %parallel_loop3A_35 = vector.broadcast %parallel_loop3A_34 : f32 to vector<16xf32>
      %parallel_loop3A_36 = arith.constant 128 : i32
      %parallel_loop3A_37 = arith.muli %parallel_loop3A_25, %parallel_loop3A_36 : i32
      %parallel_loop3A_38 = arith.constant 16 : i32
      %parallel_loop3A_39 = arith.addi %parallel_loop3A_37, %parallel_loop3A_38 : i32
      %parallel_loop3A_40 = arith.index_cast %parallel_loop3A_39 : i32 to index
      %parallel_loop3A_41 = tpu.vector_load %arg5[%parallel_loop3A_40] {strides = array<i32>} : memref<65536xf32, #tpu.memory_space<vmem>>, vector<16xf32>,
      tpu.vector_store %arg5[%parallel_loop3A_40], %parallel_loop3A_35 {strides = array<i32>} : memref<65536xf32, #tpu.memory_space<vmem>>, vector<16xf32>,
      %parallel_loop3A_42 = arith.constant 0.000000e+00 : f32
      %parallel_loop3A_43 = vector.broadcast %parallel_loop3A_42 : f32 to vector<16xf32>
      %parallel_loop3A_44 = arith.constant 128 : i32
      %parallel_loop3A_45 = arith.muli %parallel_loop3A_25, %parallel_loop3A_44 : i32
      %parallel_loop3A_46 = arith.constant 32 : i32
      %parallel_loop3A_47 = arith.addi %parallel_loop3A_45, %parallel_loop3A_46 : i32
      %parallel_loop3A_48 = arith.index_cast %parallel_loop3A_47 : i32 to index
      %parallel_loop3A_49 = tpu.vector_load %arg5[%parallel_loop3A_48] {strides = array<i32>} : memref<65536xf32, #tpu.memory_space<vmem>>, vector<16xf32>,
      tpu.vector_store %arg5[%parallel_loop3A_48], %parallel_loop3A_43 {strides = array<i32>} : memref<65536xf32, #tpu.memory_space<vmem>>, vector<16xf32>,
      %parallel_loop3A_50 = arith.constant 0.000000e+00 : f32
      %parallel_loop3A_51 = vector.broadcast %parallel_loop3A_50 : f32 to vector<16xf32>
      %parallel_loop3A_52 = arith.constant 128 : i32
      %parallel_loop3A_53 = arith.muli %parallel_loop3A_25, %parallel_loop3A_52 : i32
      %parallel_loop3A_54 = arith.constant 48 : i32
      %parallel_loop3A_55 = arith.addi %parallel_loop3A_53, %parallel_loop3A_54 : i32
      %parallel_loop3A_56 = arith.index_cast %parallel_loop3A_55 : i32 to index
      %parallel_loop3A_57 = tpu.vector_load %arg5[%parallel_loop3A_56] {strides = array<i32>} : memref<65536xf32, #tpu.memory_space<vmem>>, vector<16xf32>,
      tpu.vector_store %arg5[%parallel_loop3A_56], %parallel_loop3A_51 {strides = array<i32>} : memref<65536xf32, #tpu.memory_space<vmem>>, vector<16xf32>,
      %parallel_loop3A_58 = arith.constant 0.000000e+00 : f32
      %parallel_loop3A_59 = vector.broadcast %parallel_loop3A_58 : f32 to vector<16xf32>
      %parallel_loop3A_60 = arith.constant 128 : i32
      %parallel_loop3A_61 = arith.muli %parallel_loop3A_25, %parallel_loop3A_60 : i32
      %parallel_loop3A_62 = arith.constant 64 : i32
      %parallel_loop3A_63 = arith.addi %parallel_loop3A_61, %parallel_loop3A_62 : i32
      %parallel_loop3A_64 = arith.index_cast %parallel_loop3A_63 : i32 to index
      %parallel_loop3A_65 = tpu.vector_load %arg5[%parallel_loop3A_64] {strides = array<i32>} : memref<65536xf32, #tpu.memory_space<vmem>>, vector<16xf32>,
      tpu.vector_store %arg5[%parallel_loop3A_64], %parallel_loop3A_59 {strides = array<i32>} : memref<65536xf32, #tpu.memory_space<vmem>>, vector<16xf32>,
      %parallel_loop3A_66 = arith.constant 0.000000e+00 : f32
      %parallel_loop3A_67 = vector.broadcast %parallel_loop3A_66 : f32 to vector<16xf32>
      %parallel_loop3A_68 = arith.constant 128 : i32
      %parallel_loop3A_69 = arith.muli %parallel_loop3A_25, %parallel_loop3A_68 : i32
      %parallel_loop3A_70 = arith.constant 80 : i32
      %parallel_loop3A_71 = arith.addi %parallel_loop3A_69, %parallel_loop3A_70 : i32
      %parallel_loop3A_72 = arith.index_cast %parallel_loop3A_71 : i32 to index
      %parallel_loop3A_73 = tpu.vector_load %arg5[%parallel_loop3A_72] {strides = array<i32>} : memref<65536xf32, #tpu.memory_space<vmem>>, vector<16xf32>,
      tpu.vector_store %arg5[%parallel_loop3A_72], %parallel_loop3A_67 {strides = array<i32>} : memref<65536xf32, #tpu.memory_space<vmem>>, vector<16xf32>,
      %parallel_loop3A_74 = arith.constant 0.000000e+00 : f32
      %parallel_loop3A_75 = vector.broadcast %parallel_loop3A_74 : f32 to vector<16xf32>
      %parallel_loop3A_76 = arith.constant 128 : i32
      %parallel_loop3A_77 = arith.muli %parallel_loop3A_25, %parallel_loop3A_76 : i32
      %parallel_loop3A_78 = arith.constant 96 : i32
      %parallel_loop3A_79 = arith.addi %parallel_loop3A_77, %parallel_loop3A_78 : i32
      %parallel_loop3A_80 = arith.index_cast %parallel_loop3A_79 : i32 to index
      %parallel_loop3A_81 = tpu.vector_load %arg5[%parallel_loop3A_80] {strides = array<i32>} : memref<65536xf32, #tpu.memory_space<vmem>>, vector<16xf32>,
      tpu.vector_store %arg5[%parallel_loop3A_80], %parallel_loop3A_75 {strides = array<i32>} : memref<65536xf32, #tpu.memory_space<vmem>>, vector<16xf32>,
      %parallel_loop3A_82 = arith.constant 0.000000e+00 : f32
      %parallel_loop3A_83 = vector.broadcast %parallel_loop3A_82 : f32 to vector<16xf32>
      %parallel_loop3A_84 = arith.constant 128 : i32
      %parallel_loop3A_85 = arith.muli %parallel_loop3A_25, %parallel_loop3A_84 : i32
      %parallel_loop3A_86 = arith.constant 112 : i32
      %parallel_loop3A_87 = arith.addi %parallel_loop3A_85, %parallel_loop3A_86 : i32
      %parallel_loop3A_88 = arith.index_cast %parallel_loop3A_87 : i32 to index
      %parallel_loop3A_89 = tpu.vector_load %arg5[%parallel_loop3A_88] {strides = array<i32>} : memref<65536xf32, #tpu.memory_space<vmem>>, vector<16xf32>,
      tpu.vector_store %arg5[%parallel_loop3A_88], %parallel_loop3A_83 {strides = array<i32>} : memref<65536xf32, #tpu.memory_space<vmem>>, vector<16xf32>,
    } {sc.loop_unroll_factor = 2 : i64, sc.parallel_access}
    %scan3A = arith.constant 6.553500e+04 : f32
    %scan3A_18 = arith.constant 0 : i32
    %scan3A_19 = arith.constant 0 : i32
    %scan3A_20 = arith.constant 16 : i32
    %scan3A_21 = arith.addi %scan3A_19, %scan3A_20 : i32
    %scan3A_22 = arith.constant 1 : i32
    %scan3A_23 = scf.for %scan3A_25 = %scan3A_19 to %scan3A_21 step %scan3A_22 iter_args(%scan3A_26 = %scan3A_18) -> (i32)  : i32 {
      %mul3A_27 = arith.constant 2 : i32
      %mul3A_28 = arith.muli %mul3A_27, %scan3A_25 : i32
      %mul3A_29 = arith.constant 16 : i32
      %mul3A_30 = arith.muli %mul3A_28, %mul3A_29 : i32
      %add3A_31 = arith.addi %mul3A_2, %mul3A_30 : i32
      %dma_wait3A = arith.constant 0 : i32
      %dma_wait3A_32 = tpu.memref_slice %arg2[%add3A_31, %dma_wait3A] : memref<16384x512xf32, #tpu.memory_space<hbm>> -> memref<16x512xf32, #tpu.memory_space<hbm>>
      %dma_wait3A_33 = arith.constant 0 : i32
      %dma_wait3A_34 = tpu.memref_slice %arg2[%add3A_31, %dma_wait3A_33] : memref<16384x512xf32, #tpu.memory_space<hbm>> -> memref<16x512xf32, #tpu.memory_space<hbm>>
      tpu.wait_dma2 semaphore(%arg10 : memref<!tpu.dma_semaphore, #tpu.memory_space<semaphore_mem>>) src(%dma_wait3A_34 : memref<16x512xf32, #tpu.memory_space<hbm>>) dst(%arg6 : memref<16x512xf32, #tpu.memory_space<vmem>>)
      %parallel_loop3A_35 = arith.constant 0 : i32
      %parallel_loop3A_36 = arith.constant 8 : i32
      %parallel_loop3A_37 = arith.constant 1 : i32
      scf.for %parallel_loop3A_145 = %parallel_loop3A_35 to %parallel_loop3A_36 step %parallel_loop3A_37  : i32 {
        %parallel_loop3A_146 = arith.constant 64 : i32
        %parallel_loop3A_147 = arith.muli %parallel_loop3A_145, %parallel_loop3A_146 : i32
        %parallel_loop3A_148 = arith.constant 0 : i32
        %parallel_loop3A_149 = arith.addi %parallel_loop3A_147, %parallel_loop3A_148 : i32
        %parallel_loop3A_150 = arith.constant 0 : i32
        %parallel_loop3A_151 = arith.index_cast %parallel_loop3A_150 : i32 to index
        %parallel_loop3A_152 = arith.index_cast %parallel_loop3A_149 : i32 to index
        %parallel_loop3A_153 = tpu.vector_load %arg6[%parallel_loop3A_151, %parallel_loop3A_152] {strides = array<i32>} : memref<16x512xf32, #tpu.memory_space<vmem>>, vector<16xf32>,
        %parallel_loop3A_154 = arith.subf %parallel_loop3A_153, %get3A_12 : vector<16xf32>
        %parallel_loop3A_155 = arith.mulf %parallel_loop3A_154, %get3A_14 : vector<16xf32>
        %parallel_loop3A_156 = arith.constant 0.000000e+00 : f32
        %parallel_loop3A_157 = vector.broadcast %parallel_loop3A_156 : f32 to vector<16xf32>
        %parallel_loop3A_158 = arith.maximumf %parallel_loop3A_157, %parallel_loop3A_155 : vector<16xf32>
        %parallel_loop3A_159 = vector.broadcast %scan3A : f32 to vector<16xf32>
        %parallel_loop3A_160 = arith.minimumf %parallel_loop3A_159, %parallel_loop3A_158 : vector<16xf32>
        %parallel_loop3A_161 = arith.fptosi %parallel_loop3A_160 : vector<16xf32> to vector<16xi32>
        tpu.vector_store_idx %arg5[%parallel_loop3A_161], %broadcast_in_dim3A_15 {add = true} : memref<65536xf32, #tpu.memory_space<vmem>>[vector<16xi32>], vector<16xf32>,
        %parallel_loop3A_162 = arith.constant 64 : i32
        %parallel_loop3A_163 = arith.muli %parallel_loop3A_145, %parallel_loop3A_162 : i32
        %parallel_loop3A_164 = arith.constant 16 : i32
        %parallel_loop3A_165 = arith.addi %parallel_loop3A_163, %parallel_loop3A_164 : i32
        %parallel_loop3A_166 = arith.constant 0 : i32
        %parallel_loop3A_167 = arith.index_cast %parallel_loop3A_166 : i32 to index
        %parallel_loop3A_168 = arith.index_cast %parallel_loop3A_165 : i32 to index
        %parallel_loop3A_169 = tpu.vector_load %arg6[%parallel_loop3A_167, %parallel_loop3A_168] {strides = array<i32>} : memref<16x512xf32, #tpu.memory_space<vmem>>, vector<16xf32>,
        %parallel_loop3A_170 = arith.subf %parallel_loop3A_169, %get3A_12 : vector<16xf32>
        %parallel_loop3A_171 = arith.mulf %parallel_loop3A_170, %get3A_14 : vector<16xf32>
        %parallel_loop3A_172 = arith.constant 0.000000e+00 : f32
        %parallel_loop3A_173 = vector.broadcast %parallel_loop3A_172 : f32 to vector<16xf32>
        %parallel_loop3A_174 = arith.maximumf %parallel_loop3A_173, %parallel_loop3A_171 : vector<16xf32>
        %parallel_loop3A_175 = vector.broadcast %scan3A : f32 to vector<16xf32>
        %parallel_loop3A_176 = arith.minimumf %parallel_loop3A_175, %parallel_loop3A_174 : vector<16xf32>
        %parallel_loop3A_177 = arith.fptosi %parallel_loop3A_176 : vector<16xf32> to vector<16xi32>
        tpu.vector_store_idx %arg5[%parallel_loop3A_177], %broadcast_in_dim3A_15 {add = true} : memref<65536xf32, #tpu.memory_space<vmem>>[vector<16xi32>], vector<16xf32>,
        %parallel_loop3A_178 = arith.constant 64 : i32
        %parallel_loop3A_179 = arith.muli %parallel_loop3A_145, %parallel_loop3A_178 : i32
        %parallel_loop3A_180 = arith.constant 32 : i32
        %parallel_loop3A_181 = arith.addi %parallel_loop3A_179, %parallel_loop3A_180 : i32
        %parallel_loop3A_182 = arith.constant 0 : i32
        %parallel_loop3A_183 = arith.index_cast %parallel_loop3A_182 : i32 to index
        %parallel_loop3A_184 = arith.index_cast %parallel_loop3A_181 : i32 to index
        %parallel_loop3A_185 = tpu.vector_load %arg6[%parallel_loop3A_183, %parallel_loop3A_184] {strides = array<i32>} : memref<16x512xf32, #tpu.memory_space<vmem>>, vector<16xf32>,
        %parallel_loop3A_186 = arith.subf %parallel_loop3A_185, %get3A_12 : vector<16xf32>
        %parallel_loop3A_187 = arith.mulf %parallel_loop3A_186, %get3A_14 : vector<16xf32>
        %parallel_loop3A_188 = arith.constant 0.000000e+00 : f32
        %parallel_loop3A_189 = vector.broadcast %parallel_loop3A_188 : f32 to vector<16xf32>
        %parallel_loop3A_190 = arith.maximumf %parallel_loop3A_189, %parallel_loop3A_187 : vector<16xf32>
        %parallel_loop3A_191 = vector.broadcast %scan3A : f32 to vector<16xf32>
        %parallel_loop3A_192 = arith.minimumf %parallel_loop3A_191, %parallel_loop3A_190 : vector<16xf32>
        %parallel_loop3A_193 = arith.fptosi %parallel_loop3A_192 : vector<16xf32> to vector<16xi32>
        tpu.vector_store_idx %arg5[%parallel_loop3A_193], %broadcast_in_dim3A_15 {add = true} : memref<65536xf32, #tpu.memory_space<vmem>>[vector<16xi32>], vector<16xf32>,
        %parallel_loop3A_194 = arith.constant 64 : i32
        %parallel_loop3A_195 = arith.muli %parallel_loop3A_145, %parallel_loop3A_194 : i32
        %parallel_loop3A_196 = arith.constant 48 : i32
        %parallel_loop3A_197 = arith.addi %parallel_loop3A_195, %parallel_loop3A_196 : i32
        %parallel_loop3A_198 = arith.constant 0 : i32
        %parallel_loop3A_199 = arith.index_cast %parallel_loop3A_198 : i32 to index
        %parallel_loop3A_200 = arith.index_cast %parallel_loop3A_197 : i32 to index
        %parallel_loop3A_201 = tpu.vector_load %arg6[%parallel_loop3A_199, %parallel_loop3A_200] {strides = array<i32>} : memref<16x512xf32, #tpu.memory_space<vmem>>, vector<16xf32>,
        %parallel_loop3A_202 = arith.subf %parallel_loop3A_201, %get3A_12 : vector<16xf32>
        %parallel_loop3A_203 = arith.mulf %parallel_loop3A_202, %get3A_14 : vector<16xf32>
        %parallel_loop3A_204 = arith.constant 0.000000e+00 : f32
        %parallel_loop3A_205 = vector.broadcast %parallel_loop3A_204 : f32 to vector<16xf32>
        %parallel_loop3A_206 = arith.maximumf %parallel_loop3A_205, %parallel_loop3A_203 : vector<16xf32>
        %parallel_loop3A_207 = vector.broadcast %scan3A : f32 to vector<16xf32>
        %parallel_loop3A_208 = arith.minimumf %parallel_loop3A_207, %parallel_loop3A_206 : vector<16xf32>
        %parallel_loop3A_209 = arith.fptosi %parallel_loop3A_208 : vector<16xf32> to vector<16xi32>
        tpu.vector_store_idx %arg5[%parallel_loop3A_209], %broadcast_in_dim3A_15 {add = true} : memref<65536xf32, #tpu.memory_space<vmem>>[vector<16xi32>], vector<16xf32>,
      } {sc.loop_unroll_factor = 4 : i64, sc.parallel_access}
      %parallel_loop3A_38 = arith.constant 0 : i32
      %parallel_loop3A_39 = arith.constant 8 : i32
      %parallel_loop3A_40 = arith.constant 1 : i32
      scf.for %parallel_loop3A_145 = %parallel_loop3A_38 to %parallel_loop3A_39 step %parallel_loop3A_40  : i32 {
        %parallel_loop3A_146 = arith.constant 64 : i32
        %parallel_loop3A_147 = arith.muli %parallel_loop3A_145, %parallel_loop3A_146 : i32
        %parallel_loop3A_148 = arith.constant 0 : i32
        %parallel_loop3A_149 = arith.addi %parallel_loop3A_147, %parallel_loop3A_148 : i32
        %parallel_loop3A_150 = arith.constant 1 : i32
        %parallel_loop3A_151 = arith.index_cast %parallel_loop3A_150 : i32 to index
        %parallel_loop3A_152 = arith.index_cast %parallel_loop3A_149 : i32 to index
        %parallel_loop3A_153 = tpu.vector_load %arg6[%parallel_loop3A_151, %parallel_loop3A_152] {strides = array<i32>} : memref<16x512xf32, #tpu.memory_space<vmem>>, vector<16xf32>,
        %parallel_loop3A_154 = arith.subf %parallel_loop3A_153, %get3A_12 : vector<16xf32>
        %parallel_loop3A_155 = arith.mulf %parallel_loop3A_154, %get3A_14 : vector<16xf32>
        %parallel_loop3A_156 = arith.constant 0.000000e+00 : f32
        %parallel_loop3A_157 = vector.broadcast %parallel_loop3A_156 : f32 to vector<16xf32>
        %parallel_loop3A_158 = arith.maximumf %parallel_loop3A_157, %parallel_loop3A_155 : vector<16xf32>
        %parallel_loop3A_159 = vector.broadcast %scan3A : f32 to vector<16xf32>
        %parallel_loop3A_160 = arith.minimumf %parallel_loop3A_159, %parallel_loop3A_158 : vector<16xf32>
        %parallel_loop3A_161 = arith.fptosi %parallel_loop3A_160 : vector<16xf32> to vector<16xi32>
        tpu.vector_store_idx %arg5[%parallel_loop3A_161], %broadcast_in_dim3A_15 {add = true} : memref<65536xf32, #tpu.memory_space<vmem>>[vector<16xi32>], vector<16xf32>,
        %parallel_loop3A_162 = arith.constant 64 : i32
        %parallel_loop3A_163 = arith.muli %parallel_loop3A_145, %parallel_loop3A_162 : i32
        %parallel_loop3A_164 = arith.constant 16 : i32
        %parallel_loop3A_165 = arith.addi %parallel_loop3A_163, %parallel_loop3A_164 : i32
        %parallel_loop3A_166 = arith.constant 1 : i32
        %parallel_loop3A_167 = arith.index_cast %parallel_loop3A_166 : i32 to index
        %parallel_loop3A_168 = arith.index_cast %parallel_loop3A_165 : i32 to index
        %parallel_loop3A_169 = tpu.vector_load %arg6[%parallel_loop3A_167, %parallel_loop3A_168] {strides = array<i32>} : memref<16x512xf32, #tpu.memory_space<vmem>>, vector<16xf32>,
        %parallel_loop3A_170 = arith.subf %parallel_loop3A_169, %get3A_12 : vector<16xf32>
        %parallel_loop3A_171 = arith.mulf %parallel_loop3A_170, %get3A_14 : vector<16xf32>
        %parallel_loop3A_172 = arith.constant 0.000000e+00 : f32
        %parallel_loop3A_173 = vector.broadcast %parallel_loop3A_172 : f32 to vector<16xf32>
        %parallel_loop3A_174 = arith.maximumf %parallel_loop3A_173, %parallel_loop3A_171 : vector<16xf32>
        %parallel_loop3A_175 = vector.broadcast %scan3A : f32 to vector<16xf32>
        %parallel_loop3A_176 = arith.minimumf %parallel_loop3A_175, %parallel_loop3A_174 : vector<16xf32>
        %parallel_loop3A_177 = arith.fptosi %parallel_loop3A_176 : vector<16xf32> to vector<16xi32>
        tpu.vector_store_idx %arg5[%parallel_loop3A_177], %broadcast_in_dim3A_15 {add = true} : memref<65536xf32, #tpu.memory_space<vmem>>[vector<16xi32>], vector<16xf32>,
        %parallel_loop3A_178 = arith.constant 64 : i32
        %parallel_loop3A_179 = arith.muli %parallel_loop3A_145, %parallel_loop3A_178 : i32
        %parallel_loop3A_180 = arith.constant 32 : i32
        %parallel_loop3A_181 = arith.addi %parallel_loop3A_179, %parallel_loop3A_180 : i32
        %parallel_loop3A_182 = arith.constant 1 : i32
        %parallel_loop3A_183 = arith.index_cast %parallel_loop3A_182 : i32 to index
        %parallel_loop3A_184 = arith.index_cast %parallel_loop3A_181 : i32 to index
        %parallel_loop3A_185 = tpu.vector_load %arg6[%parallel_loop3A_183, %parallel_loop3A_184] {strides = array<i32>} : memref<16x512xf32, #tpu.memory_space<vmem>>, vector<16xf32>,
        %parallel_loop3A_186 = arith.subf %parallel_loop3A_185, %get3A_12 : vector<16xf32>
        %parallel_loop3A_187 = arith.mulf %parallel_loop3A_186, %get3A_14 : vector<16xf32>
        %parallel_loop3A_188 = arith.constant 0.000000e+00 : f32
        %parallel_loop3A_189 = vector.broadcast %parallel_loop3A_188 : f32 to vector<16xf32>
        %parallel_loop3A_190 = arith.maximumf %parallel_loop3A_189, %parallel_loop3A_187 : vector<16xf32>
        %parallel_loop3A_191 = vector.broadcast %scan3A : f32 to vector<16xf32>
        %parallel_loop3A_192 = arith.minimumf %parallel_loop3A_191, %parallel_loop3A_190 : vector<16xf32>
        %parallel_loop3A_193 = arith.fptosi %parallel_loop3A_192 : vector<16xf32> to vector<16xi32>
        tpu.vector_store_idx %arg5[%parallel_loop3A_193], %broadcast_in_dim3A_15 {add = true} : memref<65536xf32, #tpu.memory_space<vmem>>[vector<16xi32>], vector<16xf32>,
        %parallel_loop3A_194 = arith.constant 64 : i32
        %parallel_loop3A_195 = arith.muli %parallel_loop3A_145, %parallel_loop3A_194 : i32
        %parallel_loop3A_196 = arith.constant 48 : i32
        %parallel_loop3A_197 = arith.addi %parallel_loop3A_195, %parallel_loop3A_196 : i32
        %parallel_loop3A_198 = arith.constant 1 : i32
        %parallel_loop3A_199 = arith.index_cast %parallel_loop3A_198 : i32 to index
        %parallel_loop3A_200 = arith.index_cast %parallel_loop3A_197 : i32 to index
        %parallel_loop3A_201 = tpu.vector_load %arg6[%parallel_loop3A_199, %parallel_loop3A_200] {strides = array<i32>} : memref<16x512xf32, #tpu.memory_space<vmem>>, vector<16xf32>,
        %parallel_loop3A_202 = arith.subf %parallel_loop3A_201, %get3A_12 : vector<16xf32>
        %parallel_loop3A_203 = arith.mulf %parallel_loop3A_202, %get3A_14 : vector<16xf32>
        %parallel_loop3A_204 = arith.constant 0.000000e+00 : f32
        %parallel_loop3A_205 = vector.broadcast %parallel_loop3A_204 : f32 to vector<16xf32>
        %parallel_loop3A_206 = arith.maximumf %parallel_loop3A_205, %parallel_loop3A_203 : vector<16xf32>
        %parallel_loop3A_207 = vector.broadcast %scan3A : f32 to vector<16xf32>
        %parallel_loop3A_208 = arith.minimumf %parallel_loop3A_207, %parallel_loop3A_206 : vector<16xf32>
        %parallel_loop3A_209 = arith.fptosi %parallel_loop3A_208 : vector<16xf32> to vector<16xi32>
        tpu.vector_store_idx %arg5[%parallel_loop3A_209], %broadcast_in_dim3A_15 {add = true} : memref<65536xf32, #tpu.memory_space<vmem>>[vector<16xi32>], vector<16xf32>,
      } {sc.loop_unroll_factor = 4 : i64, sc.parallel_access}
      %parallel_loop3A_41 = arith.constant 0 : i32
      %parallel_loop3A_42 = arith.constant 8 : i32
      %parallel_loop3A_43 = arith.constant 1 : i32
      scf.for %parallel_loop3A_145 = %parallel_loop3A_41 to %parallel_loop3A_42 step %parallel_loop3A_43  : i32 {
        %parallel_loop3A_146 = arith.constant 64 : i32
        %parallel_loop3A_147 = arith.muli %parallel_loop3A_145, %parallel_loop3A_146 : i32
        %parallel_loop3A_148 = arith.constant 0 : i32
        %parallel_loop3A_149 = arith.addi %parallel_loop3A_147, %parallel_loop3A_148 : i32
        %parallel_loop3A_150 = arith.constant 2 : i32
        %parallel_loop3A_151 = arith.index_cast %parallel_loop3A_150 : i32 to index
        %parallel_loop3A_152 = arith.index_cast %parallel_loop3A_149 : i32 to index
        %parallel_loop3A_153 = tpu.vector_load %arg6[%parallel_loop3A_151, %parallel_loop3A_152] {strides = array<i32>} : memref<16x512xf32, #tpu.memory_space<vmem>>, vector<16xf32>,
        %parallel_loop3A_154 = arith.subf %parallel_loop3A_153, %get3A_12 : vector<16xf32>
        %parallel_loop3A_155 = arith.mulf %parallel_loop3A_154, %get3A_14 : vector<16xf32>
        %parallel_loop3A_156 = arith.constant 0.000000e+00 : f32
        %parallel_loop3A_157 = vector.broadcast %parallel_loop3A_156 : f32 to vector<16xf32>
        %parallel_loop3A_158 = arith.maximumf %parallel_loop3A_157, %parallel_loop3A_155 : vector<16xf32>
        %parallel_loop3A_159 = vector.broadcast %scan3A : f32 to vector<16xf32>
        %parallel_loop3A_160 = arith.minimumf %parallel_loop3A_159, %parallel_loop3A_158 : vector<16xf32>
        %parallel_loop3A_161 = arith.fptosi %parallel_loop3A_160 : vector<16xf32> to vector<16xi32>
        tpu.vector_store_idx %arg5[%parallel_loop3A_161], %broadcast_in_dim3A_15 {add = true} : memref<65536xf32, #tpu.memory_space<vmem>>[vector<16xi32>], vector<16xf32>,
        %parallel_loop3A_162 = arith.constant 64 : i32
        %parallel_loop3A_163 = arith.muli %parallel_loop3A_145, %parallel_loop3A_162 : i32
        %parallel_loop3A_164 = arith.constant 16 : i32
        %parallel_loop3A_165 = arith.addi %parallel_loop3A_163, %parallel_loop3A_164 : i32
        %parallel_loop3A_166 = arith.constant 2 : i32
        %parallel_loop3A_167 = arith.index_cast %parallel_loop3A_166 : i32 to index
        %parallel_loop3A_168 = arith.index_cast %parallel_loop3A_165 : i32 to index
        %parallel_loop3A_169 = tpu.vector_load %arg6[%parallel_loop3A_167, %parallel_loop3A_168] {strides = array<i32>} : memref<16x512xf32, #tpu.memory_space<vmem>>, vector<16xf32>,
        %parallel_loop3A_170 = arith.subf %parallel_loop3A_169, %get3A_12 : vector<16xf32>
        %parallel_loop3A_171 = arith.mulf %parallel_loop3A_170, %get3A_14 : vector<16xf32>
        %parallel_loop3A_172 = arith.constant 0.000000e+00 : f32
        %parallel_loop3A_173 = vector.broadcast %parallel_loop3A_172 : f32 to vector<16xf32>
        %parallel_loop3A_174 = arith.maximumf %parallel_loop3A_173, %parallel_loop3A_171 : vector<16xf32>
        %parallel_loop3A_175 = vector.broadcast %scan3A : f32 to vector<16xf32>
        %parallel_loop3A_176 = arith.minimumf %parallel_loop3A_175, %parallel_loop3A_174 : vector<16xf32>
        %parallel_loop3A_177 = arith.fptosi %parallel_loop3A_176 : vector<16xf32> to vector<16xi32>
        tpu.vector_store_idx %arg5[%parallel_loop3A_177], %broadcast_in_dim3A_15 {add = true} : memref<65536xf32, #tpu.memory_space<vmem>>[vector<16xi32>], vector<16xf32>,
        %parallel_loop3A_178 = arith.constant 64 : i32
        %parallel_loop3A_179 = arith.muli %parallel_loop3A_145, %parallel_loop3A_178 : i32
        %parallel_loop3A_180 = arith.constant 32 : i32
        %parallel_loop3A_181 = arith.addi %parallel_loop3A_179, %parallel_loop3A_180 : i32
        %parallel_loop3A_182 = arith.constant 2 : i32
        %parallel_loop3A_183 = arith.index_cast %parallel_loop3A_182 : i32 to index
        %parallel_loop3A_184 = arith.index_cast %parallel_loop3A_181 : i32 to index
        %parallel_loop3A_185 = tpu.vector_load %arg6[%parallel_loop3A_183, %parallel_loop3A_184] {strides = array<i32>} : memref<16x512xf32, #tpu.memory_space<vmem>>, vector<16xf32>,
        %parallel_loop3A_186 = arith.subf %parallel_loop3A_185, %get3A_12 : vector<16xf32>
        %parallel_loop3A_187 = arith.mulf %parallel_loop3A_186, %get3A_14 : vector<16xf32>
        %parallel_loop3A_188 = arith.constant 0.000000e+00 : f32
        %parallel_loop3A_189 = vector.broadcast %parallel_loop3A_188 : f32 to vector<16xf32>
        %parallel_loop3A_190 = arith.maximumf %parallel_loop3A_189, %parallel_loop3A_187 : vector<16xf32>
        %parallel_loop3A_191 = vector.broadcast %scan3A : f32 to vector<16xf32>
        %parallel_loop3A_192 = arith.minimumf %parallel_loop3A_191, %parallel_loop3A_190 : vector<16xf32>
        %parallel_loop3A_193 = arith.fptosi %parallel_loop3A_192 : vector<16xf32> to vector<16xi32>
        tpu.vector_store_idx %arg5[%parallel_loop3A_193], %broadcast_in_dim3A_15 {add = true} : memref<65536xf32, #tpu.memory_space<vmem>>[vector<16xi32>], vector<16xf32>,
        %parallel_loop3A_194 = arith.constant 64 : i32
        %parallel_loop3A_195 = arith.muli %parallel_loop3A_145, %parallel_loop3A_194 : i32
        %parallel_loop3A_196 = arith.constant 48 : i32
        %parallel_loop3A_197 = arith.addi %parallel_loop3A_195, %parallel_loop3A_196 : i32
        %parallel_loop3A_198 = arith.constant 2 : i32
        %parallel_loop3A_199 = arith.index_cast %parallel_loop3A_198 : i32 to index
        %parallel_loop3A_200 = arith.index_cast %parallel_loop3A_197 : i32 to index
        %parallel_loop3A_201 = tpu.vector_load %arg6[%parallel_loop3A_199, %parallel_loop3A_200] {strides = array<i32>} : memref<16x512xf32, #tpu.memory_space<vmem>>, vector<16xf32>,
        %parallel_loop3A_202 = arith.subf %parallel_loop3A_201, %get3A_12 : vector<16xf32>
        %parallel_loop3A_203 = arith.mulf %parallel_loop3A_202, %get3A_14 : vector<16xf32>
        %parallel_loop3A_204 = arith.constant 0.000000e+00 : f32
        %parallel_loop3A_205 = vector.broadcast %parallel_loop3A_204 : f32 to vector<16xf32>
        %parallel_loop3A_206 = arith.maximumf %parallel_loop3A_205, %parallel_loop3A_203 : vector<16xf32>
        %parallel_loop3A_207 = vector.broadcast %scan3A : f32 to vector<16xf32>
        %parallel_loop3A_208 = arith.minimumf %parallel_loop3A_207, %parallel_loop3A_206 : vector<16xf32>
        %parallel_loop3A_209 = arith.fptosi %parallel_loop3A_208 : vector<16xf32> to vector<16xi32>
        tpu.vector_store_idx %arg5[%parallel_loop3A_209], %broadcast_in_dim3A_15 {add = true} : memref<65536xf32, #tpu.memory_space<vmem>>[vector<16xi32>], vector<16xf32>,
      } {sc.loop_unroll_factor = 4 : i64, sc.parallel_access}
      %parallel_loop3A_44 = arith.constant 0 : i32
      %parallel_loop3A_45 = arith.constant 8 : i32
      %parallel_loop3A_46 = arith.constant 1 : i32
      scf.for %parallel_loop3A_145 = %parallel_loop3A_44 to %parallel_loop3A_45 step %parallel_loop3A_46  : i32 {
        %parallel_loop3A_146 = arith.constant 64 : i32
        %parallel_loop3A_147 = arith.muli %parallel_loop3A_145, %parallel_loop3A_146 : i32
        %parallel_loop3A_148 = arith.constant 0 : i32
        %parallel_loop3A_149 = arith.addi %parallel_loop3A_147, %parallel_loop3A_148 : i32
        %parallel_loop3A_150 = arith.constant 3 : i32
        %parallel_loop3A_151 = arith.index_cast %parallel_loop3A_150 : i32 to index
        %parallel_loop3A_152 = arith.index_cast %parallel_loop3A_149 : i32 to index
        %parallel_loop3A_153 = tpu.vector_load %arg6[%parallel_loop3A_151, %parallel_loop3A_152] {strides = array<i32>} : memref<16x512xf32, #tpu.memory_space<vmem>>, vector<16xf32>,
        %parallel_loop3A_154 = arith.subf %parallel_loop3A_153, %get3A_12 : vector<16xf32>
        %parallel_loop3A_155 = arith.mulf %parallel_loop3A_154, %get3A_14 : vector<16xf32>
        %parallel_loop3A_156 = arith.constant 0.000000e+00 : f32
        %parallel_loop3A_157 = vector.broadcast %parallel_loop3A_156 : f32 to vector<16xf32>
        %parallel_loop3A_158 = arith.maximumf %parallel_loop3A_157, %parallel_loop3A_155 : vector<16xf32>
        %parallel_loop3A_159 = vector.broadcast %scan3A : f32 to vector<16xf32>
        %parallel_loop3A_160 = arith.minimumf %parallel_loop3A_159, %parallel_loop3A_158 : vector<16xf32>
        %parallel_loop3A_161 = arith.fptosi %parallel_loop3A_160 : vector<16xf32> to vector<16xi32>
        tpu.vector_store_idx %arg5[%parallel_loop3A_161], %broadcast_in_dim3A_15 {add = true} : memref<65536xf32, #tpu.memory_space<vmem>>[vector<16xi32>], vector<16xf32>,
        %parallel_loop3A_162 = arith.constant 64 : i32
        %parallel_loop3A_163 = arith.muli %parallel_loop3A_145, %parallel_loop3A_162 : i32
        %parallel_loop3A_164 = arith.constant 16 : i32
        %parallel_loop3A_165 = arith.addi %parallel_loop3A_163, %parallel_loop3A_164 : i32
        %parallel_loop3A_166 = arith.constant 3 : i32
        %parallel_loop3A_167 = arith.index_cast %parallel_loop3A_166 : i32 to index
        %parallel_loop3A_168 = arith.index_cast %parallel_loop3A_165 : i32 to index
        %parallel_loop3A_169 = tpu.vector_load %arg6[%parallel_loop3A_167, %parallel_loop3A_168] {strides = array<i32>} : memref<16x512xf32, #tpu.memory_space<vmem>>, vector<16xf32>,
        %parallel_loop3A_170 = arith.subf %parallel_loop3A_169, %get3A_12 : vector<16xf32>
        %parallel_loop3A_171 = arith.mulf %parallel_loop3A_170, %get3A_14 : vector<16xf32>
        %parallel_loop3A_172 = arith.constant 0.000000e+00 : f32
        %parallel_loop3A_173 = vector.broadcast %parallel_loop3A_172 : f32 to vector<16xf32>
        %parallel_loop3A_174 = arith.maximumf %parallel_loop3A_173, %parallel_loop3A_171 : vector<16xf32>
        %parallel_loop3A_175 = vector.broadcast %scan3A : f32 to vector<16xf32>
        %parallel_loop3A_176 = arith.minimumf %parallel_loop3A_175, %parallel_loop3A_174 : vector<16xf32>
        %parallel_loop3A_177 = arith.fptosi %parallel_loop3A_176 : vector<16xf32> to vector<16xi32>
        tpu.vector_store_idx %arg5[%parallel_loop3A_177], %broadcast_in_dim3A_15 {add = true} : memref<65536xf32, #tpu.memory_space<vmem>>[vector<16xi32>], vector<16xf32>,
        %parallel_loop3A_178 = arith.constant 64 : i32
        %parallel_loop3A_179 = arith.muli %parallel_loop3A_145, %parallel_loop3A_178 : i32
        %parallel_loop3A_180 = arith.constant 32 : i32
        %parallel_loop3A_181 = arith.addi %parallel_loop3A_179, %parallel_loop3A_180 : i32
        %parallel_loop3A_182 = arith.constant 3 : i32
        %parallel_loop3A_183 = arith.index_cast %parallel_loop3A_182 : i32 to index
        %parallel_loop3A_184 = arith.index_cast %parallel_loop3A_181 : i32 to index
        %parallel_loop3A_185 = tpu.vector_load %arg6[%parallel_loop3A_183, %parallel_loop3A_184] {strides = array<i32>} : memref<16x512xf32, #tpu.memory_space<vmem>>, vector<16xf32>,
        %parallel_loop3A_186 = arith.subf %parallel_loop3A_185, %get3A_12 : vector<16xf32>
        %parallel_loop3A_187 = arith.mulf %parallel_loop3A_186, %get3A_14 : vector<16xf32>
        %parallel_loop3A_188 = arith.constant 0.000000e+00 : f32
        %parallel_loop3A_189 = vector.broadcast %parallel_loop3A_188 : f32 to vector<16xf32>
        %parallel_loop3A_190 = arith.maximumf %parallel_loop3A_189, %parallel_loop3A_187 : vector<16xf32>
        %parallel_loop3A_191 = vector.broadcast %scan3A : f32 to vector<16xf32>
        %parallel_loop3A_192 = arith.minimumf %parallel_loop3A_191, %parallel_loop3A_190 : vector<16xf32>
        %parallel_loop3A_193 = arith.fptosi %parallel_loop3A_192 : vector<16xf32> to vector<16xi32>
        tpu.vector_store_idx %arg5[%parallel_loop3A_193], %broadcast_in_dim3A_15 {add = true} : memref<65536xf32, #tpu.memory_space<vmem>>[vector<16xi32>], vector<16xf32>,
        %parallel_loop3A_194 = arith.constant 64 : i32
        %parallel_loop3A_195 = arith.muli %parallel_loop3A_145, %parallel_loop3A_194 : i32
        %parallel_loop3A_196 = arith.constant 48 : i32
        %parallel_loop3A_197 = arith.addi %parallel_loop3A_195, %parallel_loop3A_196 : i32
        %parallel_loop3A_198 = arith.constant 3 : i32
        %parallel_loop3A_199 = arith.index_cast %parallel_loop3A_198 : i32 to index
        %parallel_loop3A_200 = arith.index_cast %parallel_loop3A_197 : i32 to index
        %parallel_loop3A_201 = tpu.vector_load %arg6[%parallel_loop3A_199, %parallel_loop3A_200] {strides = array<i32>} : memref<16x512xf32, #tpu.memory_space<vmem>>, vector<16xf32>,
        %parallel_loop3A_202 = arith.subf %parallel_loop3A_201, %get3A_12 : vector<16xf32>
        %parallel_loop3A_203 = arith.mulf %parallel_loop3A_202, %get3A_14 : vector<16xf32>
        %parallel_loop3A_204 = arith.constant 0.000000e+00 : f32
        %parallel_loop3A_205 = vector.broadcast %parallel_loop3A_204 : f32 to vector<16xf32>
        %parallel_loop3A_206 = arith.maximumf %parallel_loop3A_205, %parallel_loop3A_203 : vector<16xf32>
        %parallel_loop3A_207 = vector.broadcast %scan3A : f32 to vector<16xf32>
        %parallel_loop3A_208 = arith.minimumf %parallel_loop3A_207, %parallel_loop3A_206 : vector<16xf32>
        %parallel_loop3A_209 = arith.fptosi %parallel_loop3A_208 : vector<16xf32> to vector<16xi32>
        tpu.vector_store_idx %arg5[%parallel_loop3A_209], %broadcast_in_dim3A_15 {add = true} : memref<65536xf32, #tpu.memory_space<vmem>>[vector<16xi32>], vector<16xf32>,
      } {sc.loop_unroll_factor = 4 : i64, sc.parallel_access}
      %parallel_loop3A_47 = arith.constant 0 : i32
      %parallel_loop3A_48 = arith.constant 8 : i32
      %parallel_loop3A_49 = arith.constant 1 : i32
      scf.for %parallel_loop3A_145 = %parallel_loop3A_47 to %parallel_loop3A_48 step %parallel_loop3A_49  : i32 {
        %parallel_loop3A_146 = arith.constant 64 : i32
        %parallel_loop3A_147 = arith.muli %parallel_loop3A_145, %parallel_loop3A_146 : i32
        %parallel_loop3A_148 = arith.constant 0 : i32
        %parallel_loop3A_149 = arith.addi %parallel_loop3A_147, %parallel_loop3A_148 : i32
        %parallel_loop3A_150 = arith.constant 4 : i32
        %parallel_loop3A_151 = arith.index_cast %parallel_loop3A_150 : i32 to index
        %parallel_loop3A_152 = arith.index_cast %parallel_loop3A_149 : i32 to index
        %parallel_loop3A_153 = tpu.vector_load %arg6[%parallel_loop3A_151, %parallel_loop3A_152] {strides = array<i32>} : memref<16x512xf32, #tpu.memory_space<vmem>>, vector<16xf32>,
        %parallel_loop3A_154 = arith.subf %parallel_loop3A_153, %get3A_12 : vector<16xf32>
        %parallel_loop3A_155 = arith.mulf %parallel_loop3A_154, %get3A_14 : vector<16xf32>
        %parallel_loop3A_156 = arith.constant 0.000000e+00 : f32
        %parallel_loop3A_157 = vector.broadcast %parallel_loop3A_156 : f32 to vector<16xf32>
        %parallel_loop3A_158 = arith.maximumf %parallel_loop3A_157, %parallel_loop3A_155 : vector<16xf32>
        %parallel_loop3A_159 = vector.broadcast %scan3A : f32 to vector<16xf32>
        %parallel_loop3A_160 = arith.minimumf %parallel_loop3A_159, %parallel_loop3A_158 : vector<16xf32>
        %parallel_loop3A_161 = arith.fptosi %parallel_loop3A_160 : vector<16xf32> to vector<16xi32>
        tpu.vector_store_idx %arg5[%parallel_loop3A_161], %broadcast_in_dim3A_15 {add = true} : memref<65536xf32, #tpu.memory_space<vmem>>[vector<16xi32>], vector<16xf32>,
        %parallel_loop3A_162 = arith.constant 64 : i32
        %parallel_loop3A_163 = arith.muli %parallel_loop3A_145, %parallel_loop3A_162 : i32
        %parallel_loop3A_164 = arith.constant 16 : i32
        %parallel_loop3A_165 = arith.addi %parallel_loop3A_163, %parallel_loop3A_164 : i32
        %parallel_loop3A_166 = arith.constant 4 : i32
        %parallel_loop3A_167 = arith.index_cast %parallel_loop3A_166 : i32 to index
        %parallel_loop3A_168 = arith.index_cast %parallel_loop3A_165 : i32 to index
        %parallel_loop3A_169 = tpu.vector_load %arg6[%parallel_loop3A_167, %parallel_loop3A_168] {strides = array<i32>} : memref<16x512xf32, #tpu.memory_space<vmem>>, vector<16xf32>,
        %parallel_loop3A_170 = arith.subf %parallel_loop3A_169, %get3A_12 : vector<16xf32>
        %parallel_loop3A_171 = arith.mulf %parallel_loop3A_170, %get3A_14 : vector<16xf32>
        %parallel_loop3A_172 = arith.constant 0.000000e+00 : f32
        %parallel_loop3A_173 = vector.broadcast %parallel_loop3A_172 : f32 to vector<16xf32>
        %parallel_loop3A_174 = arith.maximumf %parallel_loop3A_173, %parallel_loop3A_171 : vector<16xf32>
        %parallel_loop3A_175 = vector.broadcast %scan3A : f32 to vector<16xf32>
        %parallel_loop3A_176 = arith.minimumf %parallel_loop3A_175, %parallel_loop3A_174 : vector<16xf32>
        %parallel_loop3A_177 = arith.fptosi %parallel_loop3A_176 : vector<16xf32> to vector<16xi32>
        tpu.vector_store_idx %arg5[%parallel_loop3A_177], %broadcast_in_dim3A_15 {add = true} : memref<65536xf32, #tpu.memory_space<vmem>>[vector<16xi32>], vector<16xf32>,
        %parallel_loop3A_178 = arith.constant 64 : i32
        %parallel_loop3A_179 = arith.muli %parallel_loop3A_145, %parallel_loop3A_178 : i32
        %parallel_loop3A_180 = arith.constant 32 : i32
        %parallel_loop3A_181 = arith.addi %parallel_loop3A_179, %parallel_loop3A_180 : i32
        %parallel_loop3A_182 = arith.constant 4 : i32
        %parallel_loop3A_183 = arith.index_cast %parallel_loop3A_182 : i32 to index
        %parallel_loop3A_184 = arith.index_cast %parallel_loop3A_181 : i32 to index
        %parallel_loop3A_185 = tpu.vector_load %arg6[%parallel_loop3A_183, %parallel_loop3A_184] {strides = array<i32>} : memref<16x512xf32, #tpu.memory_space<vmem>>, vector<16xf32>,
        %parallel_loop3A_186 = arith.subf %parallel_loop3A_185, %get3A_12 : vector<16xf32>
        %parallel_loop3A_187 = arith.mulf %parallel_loop3A_186, %get3A_14 : vector<16xf32>
        %parallel_loop3A_188 = arith.constant 0.000000e+00 : f32
        %parallel_loop3A_189 = vector.broadcast %parallel_loop3A_188 : f32 to vector<16xf32>
        %parallel_loop3A_190 = arith.maximumf %parallel_loop3A_189, %parallel_loop3A_187 : vector<16xf32>
        %parallel_loop3A_191 = vector.broadcast %scan3A : f32 to vector<16xf32>
        %parallel_loop3A_192 = arith.minimumf %parallel_loop3A_191, %parallel_loop3A_190 : vector<16xf32>
        %parallel_loop3A_193 = arith.fptosi %parallel_loop3A_192 : vector<16xf32> to vector<16xi32>
        tpu.vector_store_idx %arg5[%parallel_loop3A_193], %broadcast_in_dim3A_15 {add = true} : memref<65536xf32, #tpu.memory_space<vmem>>[vector<16xi32>], vector<16xf32>,
        %parallel_loop3A_194 = arith.constant 64 : i32
        %parallel_loop3A_195 = arith.muli %parallel_loop3A_145, %parallel_loop3A_194 : i32
        %parallel_loop3A_196 = arith.constant 48 : i32
        %parallel_loop3A_197 = arith.addi %parallel_loop3A_195, %parallel_loop3A_196 : i32
        %parallel_loop3A_198 = arith.constant 4 : i32
        %parallel_loop3A_199 = arith.index_cast %parallel_loop3A_198 : i32 to index
        %parallel_loop3A_200 = arith.index_cast %parallel_loop3A_197 : i32 to index
        %parallel_loop3A_201 = tpu.vector_load %arg6[%parallel_loop3A_199, %parallel_loop3A_200] {strides = array<i32>} : memref<16x512xf32, #tpu.memory_space<vmem>>, vector<16xf32>,
        %parallel_loop3A_202 = arith.subf %parallel_loop3A_201, %get3A_12 : vector<16xf32>
        %parallel_loop3A_203 = arith.mulf %parallel_loop3A_202, %get3A_14 : vector<16xf32>
        %parallel_loop3A_204 = arith.constant 0.000000e+00 : f32
        %parallel_loop3A_205 = vector.broadcast %parallel_loop3A_204 : f32 to vector<16xf32>
        %parallel_loop3A_206 = arith.maximumf %parallel_loop3A_205, %parallel_loop3A_203 : vector<16xf32>
        %parallel_loop3A_207 = vector.broadcast %scan3A : f32 to vector<16xf32>
        %parallel_loop3A_208 = arith.minimumf %parallel_loop3A_207, %parallel_loop3A_206 : vector<16xf32>
        %parallel_loop3A_209 = arith.fptosi %parallel_loop3A_208 : vector<16xf32> to vector<16xi32>
        tpu.vector_store_idx %arg5[%parallel_loop3A_209], %broadcast_in_dim3A_15 {add = true} : memref<65536xf32, #tpu.memory_space<vmem>>[vector<16xi32>], vector<16xf32>,
      } {sc.loop_unroll_factor = 4 : i64, sc.parallel_access}
      %parallel_loop3A_50 = arith.constant 0 : i32
      %parallel_loop3A_51 = arith.constant 8 : i32
      %parallel_loop3A_52 = arith.constant 1 : i32
      scf.for %parallel_loop3A_145 = %parallel_loop3A_50 to %parallel_loop3A_51 step %parallel_loop3A_52  : i32 {
        %parallel_loop3A_146 = arith.constant 64 : i32
        %parallel_loop3A_147 = arith.muli %parallel_loop3A_145, %parallel_loop3A_146 : i32
        %parallel_loop3A_148 = arith.constant 0 : i32
        %parallel_loop3A_149 = arith.addi %parallel_loop3A_147, %parallel_loop3A_148 : i32
        %parallel_loop3A_150 = arith.constant 5 : i32
        %parallel_loop3A_151 = arith.index_cast %parallel_loop3A_150 : i32 to index
        %parallel_loop3A_152 = arith.index_cast %parallel_loop3A_149 : i32 to index
        %parallel_loop3A_153 = tpu.vector_load %arg6[%parallel_loop3A_151, %parallel_loop3A_152] {strides = array<i32>} : memref<16x512xf32, #tpu.memory_space<vmem>>, vector<16xf32>,
        %parallel_loop3A_154 = arith.subf %parallel_loop3A_153, %get3A_12 : vector<16xf32>
        %parallel_loop3A_155 = arith.mulf %parallel_loop3A_154, %get3A_14 : vector<16xf32>
        %parallel_loop3A_156 = arith.constant 0.000000e+00 : f32
        %parallel_loop3A_157 = vector.broadcast %parallel_loop3A_156 : f32 to vector<16xf32>
        %parallel_loop3A_158 = arith.maximumf %parallel_loop3A_157, %parallel_loop3A_155 : vector<16xf32>
        %parallel_loop3A_159 = vector.broadcast %scan3A : f32 to vector<16xf32>
        %parallel_loop3A_160 = arith.minimumf %parallel_loop3A_159, %parallel_loop3A_158 : vector<16xf32>
        %parallel_loop3A_161 = arith.fptosi %parallel_loop3A_160 : vector<16xf32> to vector<16xi32>
        tpu.vector_store_idx %arg5[%parallel_loop3A_161], %broadcast_in_dim3A_15 {add = true} : memref<65536xf32, #tpu.memory_space<vmem>>[vector<16xi32>], vector<16xf32>,
        %parallel_loop3A_162 = arith.constant 64 : i32
        %parallel_loop3A_163 = arith.muli %parallel_loop3A_145, %parallel_loop3A_162 : i32
        %parallel_loop3A_164 = arith.constant 16 : i32
        %parallel_loop3A_165 = arith.addi %parallel_loop3A_163, %parallel_loop3A_164 : i32
        %parallel_loop3A_166 = arith.constant 5 : i32
        %parallel_loop3A_167 = arith.index_cast %parallel_loop3A_166 : i32 to index
        %parallel_loop3A_168 = arith.index_cast %parallel_loop3A_165 : i32 to index
        %parallel_loop3A_169 = tpu.vector_load %arg6[%parallel_loop3A_167, %parallel_loop3A_168] {strides = array<i32>} : memref<16x512xf32, #tpu.memory_space<vmem>>, vector<16xf32>,
        %parallel_loop3A_170 = arith.subf %parallel_loop3A_169, %get3A_12 : vector<16xf32>
        %parallel_loop3A_171 = arith.mulf %parallel_loop3A_170, %get3A_14 : vector<16xf32>
        %parallel_loop3A_172 = arith.constant 0.000000e+00 : f32
        %parallel_loop3A_173 = vector.broadcast %parallel_loop3A_172 : f32 to vector<16xf32>
        %parallel_loop3A_174 = arith.maximumf %parallel_loop3A_173, %parallel_loop3A_171 : vector<16xf32>
        %parallel_loop3A_175 = vector.broadcast %scan3A : f32 to vector<16xf32>
        %parallel_loop3A_176 = arith.minimumf %parallel_loop3A_175, %parallel_loop3A_174 : vector<16xf32>
        %parallel_loop3A_177 = arith.fptosi %parallel_loop3A_176 : vector<16xf32> to vector<16xi32>
        tpu.vector_store_idx %arg5[%parallel_loop3A_177], %broadcast_in_dim3A_15 {add = true} : memref<65536xf32, #tpu.memory_space<vmem>>[vector<16xi32>], vector<16xf32>,
        %parallel_loop3A_178 = arith.constant 64 : i32
        %parallel_loop3A_179 = arith.muli %parallel_loop3A_145, %parallel_loop3A_178 : i32
        %parallel_loop3A_180 = arith.constant 32 : i32
        %parallel_loop3A_181 = arith.addi %parallel_loop3A_179, %parallel_loop3A_180 : i32
        %parallel_loop3A_182 = arith.constant 5 : i32
        %parallel_loop3A_183 = arith.index_cast %parallel_loop3A_182 : i32 to index
        %parallel_loop3A_184 = arith.index_cast %parallel_loop3A_181 : i32 to index
        %parallel_loop3A_185 = tpu.vector_load %arg6[%parallel_loop3A_183, %parallel_loop3A_184] {strides = array<i32>} : memref<16x512xf32, #tpu.memory_space<vmem>>, vector<16xf32>,
        %parallel_loop3A_186 = arith.subf %parallel_loop3A_185, %get3A_12 : vector<16xf32>
        %parallel_loop3A_187 = arith.mulf %parallel_loop3A_186, %get3A_14 : vector<16xf32>
        %parallel_loop3A_188 = arith.constant 0.000000e+00 : f32
        %parallel_loop3A_189 = vector.broadcast %parallel_loop3A_188 : f32 to vector<16xf32>
        %parallel_loop3A_190 = arith.maximumf %parallel_loop3A_189, %parallel_loop3A_187 : vector<16xf32>
        %parallel_loop3A_191 = vector.broadcast %scan3A : f32 to vector<16xf32>
        %parallel_loop3A_192 = arith.minimumf %parallel_loop3A_191, %parallel_loop3A_190 : vector<16xf32>
        %parallel_loop3A_193 = arith.fptosi %parallel_loop3A_192 : vector<16xf32> to vector<16xi32>
        tpu.vector_store_idx %arg5[%parallel_loop3A_193], %broadcast_in_dim3A_15 {add = true} : memref<65536xf32, #tpu.memory_space<vmem>>[vector<16xi32>], vector<16xf32>,
        %parallel_loop3A_194 = arith.constant 64 : i32
        %parallel_loop3A_195 = arith.muli %parallel_loop3A_145, %parallel_loop3A_194 : i32
        %parallel_loop3A_196 = arith.constant 48 : i32
        %parallel_loop3A_197 = arith.addi %parallel_loop3A_195, %parallel_loop3A_196 : i32
        %parallel_loop3A_198 = arith.constant 5 : i32
        %parallel_loop3A_199 = arith.index_cast %parallel_loop3A_198 : i32 to index
        %parallel_loop3A_200 = arith.index_cast %parallel_loop3A_197 : i32 to index
        %parallel_loop3A_201 = tpu.vector_load %arg6[%parallel_loop3A_199, %parallel_loop3A_200] {strides = array<i32>} : memref<16x512xf32, #tpu.memory_space<vmem>>, vector<16xf32>,
        %parallel_loop3A_202 = arith.subf %parallel_loop3A_201, %get3A_12 : vector<16xf32>
        %parallel_loop3A_203 = arith.mulf %parallel_loop3A_202, %get3A_14 : vector<16xf32>
        %parallel_loop3A_204 = arith.constant 0.000000e+00 : f32
        %parallel_loop3A_205 = vector.broadcast %parallel_loop3A_204 : f32 to vector<16xf32>
        %parallel_loop3A_206 = arith.maximumf %parallel_loop3A_205, %parallel_loop3A_203 : vector<16xf32>
        %parallel_loop3A_207 = vector.broadcast %scan3A : f32 to vector<16xf32>
        %parallel_loop3A_208 = arith.minimumf %parallel_loop3A_207, %parallel_loop3A_206 : vector<16xf32>
        %parallel_loop3A_209 = arith.fptosi %parallel_loop3A_208 : vector<16xf32> to vector<16xi32>
        tpu.vector_store_idx %arg5[%parallel_loop3A_209], %broadcast_in_dim3A_15 {add = true} : memref<65536xf32, #tpu.memory_space<vmem>>[vector<16xi32>], vector<16xf32>,
      } {sc.loop_unroll_factor = 4 : i64, sc.parallel_access}
      %parallel_loop3A_53 = arith.constant 0 : i32
      %parallel_loop3A_54 = arith.constant 8 : i32
      %parallel_loop3A_55 = arith.constant 1 : i32
      scf.for %parallel_loop3A_145 = %parallel_loop3A_53 to %parallel_loop3A_54 step %parallel_loop3A_55  : i32 {
        %parallel_loop3A_146 = arith.constant 64 : i32
        %parallel_loop3A_147 = arith.muli %parallel_loop3A_145, %parallel_loop3A_146 : i32
        %parallel_loop3A_148 = arith.constant 0 : i32
        %parallel_loop3A_149 = arith.addi %parallel_loop3A_147, %parallel_loop3A_148 : i32
        %parallel_loop3A_150 = arith.constant 6 : i32
        %parallel_loop3A_151 = arith.index_cast %parallel_loop3A_150 : i32 to index
        %parallel_loop3A_152 = arith.index_cast %parallel_loop3A_149 : i32 to index
        %parallel_loop3A_153 = tpu.vector_load %arg6[%parallel_loop3A_151, %parallel_loop3A_152] {strides = array<i32>} : memref<16x512xf32, #tpu.memory_space<vmem>>, vector<16xf32>,
        %parallel_loop3A_154 = arith.subf %parallel_loop3A_153, %get3A_12 : vector<16xf32>
        %parallel_loop3A_155 = arith.mulf %parallel_loop3A_154, %get3A_14 : vector<16xf32>
        %parallel_loop3A_156 = arith.constant 0.000000e+00 : f32
        %parallel_loop3A_157 = vector.broadcast %parallel_loop3A_156 : f32 to vector<16xf32>
        %parallel_loop3A_158 = arith.maximumf %parallel_loop3A_157, %parallel_loop3A_155 : vector<16xf32>
        %parallel_loop3A_159 = vector.broadcast %scan3A : f32 to vector<16xf32>
        %parallel_loop3A_160 = arith.minimumf %parallel_loop3A_159, %parallel_loop3A_158 : vector<16xf32>
        %parallel_loop3A_161 = arith.fptosi %parallel_loop3A_160 : vector<16xf32> to vector<16xi32>
        tpu.vector_store_idx %arg5[%parallel_loop3A_161], %broadcast_in_dim3A_15 {add = true} : memref<65536xf32, #tpu.memory_space<vmem>>[vector<16xi32>], vector<16xf32>,
        %parallel_loop3A_162 = arith.constant 64 : i32
        %parallel_loop3A_163 = arith.muli %parallel_loop3A_145, %parallel_loop3A_162 : i32
        %parallel_loop3A_164 = arith.constant 16 : i32
        %parallel_loop3A_165 = arith.addi %parallel_loop3A_163, %parallel_loop3A_164 : i32
        %parallel_loop3A_166 = arith.constant 6 : i32
        %parallel_loop3A_167 = arith.index_cast %parallel_loop3A_166 : i32 to index
        %parallel_loop3A_168 = arith.index_cast %parallel_loop3A_165 : i32 to index
        %parallel_loop3A_169 = tpu.vector_load %arg6[%parallel_loop3A_167, %parallel_loop3A_168] {strides = array<i32>} : memref<16x512xf32, #tpu.memory_space<vmem>>, vector<16xf32>,
        %parallel_loop3A_170 = arith.subf %parallel_loop3A_169, %get3A_12 : vector<16xf32>
        %parallel_loop3A_171 = arith.mulf %parallel_loop3A_170, %get3A_14 : vector<16xf32>
        %parallel_loop3A_172 = arith.constant 0.000000e+00 : f32
        %parallel_loop3A_173 = vector.broadcast %parallel_loop3A_172 : f32 to vector<16xf32>
        %parallel_loop3A_174 = arith.maximumf %parallel_loop3A_173, %parallel_loop3A_171 : vector<16xf32>
        %parallel_loop3A_175 = vector.broadcast %scan3A : f32 to vector<16xf32>
        %parallel_loop3A_176 = arith.minimumf %parallel_loop3A_175, %parallel_loop3A_174 : vector<16xf32>
        %parallel_loop3A_177 = arith.fptosi %parallel_loop3A_176 : vector<16xf32> to vector<16xi32>
        tpu.vector_store_idx %arg5[%parallel_loop3A_177], %broadcast_in_dim3A_15 {add = true} : memref<65536xf32, #tpu.memory_space<vmem>>[vector<16xi32>], vector<16xf32>,
        %parallel_loop3A_178 = arith.constant 64 : i32
        %parallel_loop3A_179 = arith.muli %parallel_loop3A_145, %parallel_loop3A_178 : i32
        %parallel_loop3A_180 = arith.constant 32 : i32
        %parallel_loop3A_181 = arith.addi %parallel_loop3A_179, %parallel_loop3A_180 : i32
        %parallel_loop3A_182 = arith.constant 6 : i32
        %parallel_loop3A_183 = arith.index_cast %parallel_loop3A_182 : i32 to index
        %parallel_loop3A_184 = arith.index_cast %parallel_loop3A_181 : i32 to index
        %parallel_loop3A_185 = tpu.vector_load %arg6[%parallel_loop3A_183, %parallel_loop3A_184] {strides = array<i32>} : memref<16x512xf32, #tpu.memory_space<vmem>>, vector<16xf32>,
        %parallel_loop3A_186 = arith.subf %parallel_loop3A_185, %get3A_12 : vector<16xf32>
        %parallel_loop3A_187 = arith.mulf %parallel_loop3A_186, %get3A_14 : vector<16xf32>
        %parallel_loop3A_188 = arith.constant 0.000000e+00 : f32
        %parallel_loop3A_189 = vector.broadcast %parallel_loop3A_188 : f32 to vector<16xf32>
        %parallel_loop3A_190 = arith.maximumf %parallel_loop3A_189, %parallel_loop3A_187 : vector<16xf32>
        %parallel_loop3A_191 = vector.broadcast %scan3A : f32 to vector<16xf32>
        %parallel_loop3A_192 = arith.minimumf %parallel_loop3A_191, %parallel_loop3A_190 : vector<16xf32>
        %parallel_loop3A_193 = arith.fptosi %parallel_loop3A_192 : vector<16xf32> to vector<16xi32>
        tpu.vector_store_idx %arg5[%parallel_loop3A_193], %broadcast_in_dim3A_15 {add = true} : memref<65536xf32, #tpu.memory_space<vmem>>[vector<16xi32>], vector<16xf32>,
        %parallel_loop3A_194 = arith.constant 64 : i32
        %parallel_loop3A_195 = arith.muli %parallel_loop3A_145, %parallel_loop3A_194 : i32
        %parallel_loop3A_196 = arith.constant 48 : i32
        %parallel_loop3A_197 = arith.addi %parallel_loop3A_195, %parallel_loop3A_196 : i32
        %parallel_loop3A_198 = arith.constant 6 : i32
        %parallel_loop3A_199 = arith.index_cast %parallel_loop3A_198 : i32 to index
        %parallel_loop3A_200 = arith.index_cast %parallel_loop3A_197 : i32 to index
        %parallel_loop3A_201 = tpu.vector_load %arg6[%parallel_loop3A_199, %parallel_loop3A_200] {strides = array<i32>} : memref<16x512xf32, #tpu.memory_space<vmem>>, vector<16xf32>,
        %parallel_loop3A_202 = arith.subf %parallel_loop3A_201, %get3A_12 : vector<16xf32>
        %parallel_loop3A_203 = arith.mulf %parallel_loop3A_202, %get3A_14 : vector<16xf32>
        %parallel_loop3A_204 = arith.constant 0.000000e+00 : f32
        %parallel_loop3A_205 = vector.broadcast %parallel_loop3A_204 : f32 to vector<16xf32>
        %parallel_loop3A_206 = arith.maximumf %parallel_loop3A_205, %parallel_loop3A_203 : vector<16xf32>
        %parallel_loop3A_207 = vector.broadcast %scan3A : f32 to vector<16xf32>
        %parallel_loop3A_208 = arith.minimumf %parallel_loop3A_207, %parallel_loop3A_206 : vector<16xf32>
        %parallel_loop3A_209 = arith.fptosi %parallel_loop3A_208 : vector<16xf32> to vector<16xi32>
        tpu.vector_store_idx %arg5[%parallel_loop3A_209], %broadcast_in_dim3A_15 {add = true} : memref<65536xf32, #tpu.memory_space<vmem>>[vector<16xi32>], vector<16xf32>,
      } {sc.loop_unroll_factor = 4 : i64, sc.parallel_access}
      %parallel_loop3A_56 = arith.constant 0 : i32
      %parallel_loop3A_57 = arith.constant 8 : i32
      %parallel_loop3A_58 = arith.constant 1 : i32
      scf.for %parallel_loop3A_145 = %parallel_loop3A_56 to %parallel_loop3A_57 step %parallel_loop3A_58  : i32 {
        %parallel_loop3A_146 = arith.constant 64 : i32
        %parallel_loop3A_147 = arith.muli %parallel_loop3A_145, %parallel_loop3A_146 : i32
        %parallel_loop3A_148 = arith.constant 0 : i32
        %parallel_loop3A_149 = arith.addi %parallel_loop3A_147, %parallel_loop3A_148 : i32
        %parallel_loop3A_150 = arith.constant 7 : i32
        %parallel_loop3A_151 = arith.index_cast %parallel_loop3A_150 : i32 to index
        %parallel_loop3A_152 = arith.index_cast %parallel_loop3A_149 : i32 to index
        %parallel_loop3A_153 = tpu.vector_load %arg6[%parallel_loop3A_151, %parallel_loop3A_152] {strides = array<i32>} : memref<16x512xf32, #tpu.memory_space<vmem>>, vector<16xf32>,
        %parallel_loop3A_154 = arith.subf %parallel_loop3A_153, %get3A_12 : vector<16xf32>
        %parallel_loop3A_155 = arith.mulf %parallel_loop3A_154, %get3A_14 : vector<16xf32>
        %parallel_loop3A_156 = arith.constant 0.000000e+00 : f32
        %parallel_loop3A_157 = vector.broadcast %parallel_loop3A_156 : f32 to vector<16xf32>
        %parallel_loop3A_158 = arith.maximumf %parallel_loop3A_157, %parallel_loop3A_155 : vector<16xf32>
        %parallel_loop3A_159 = vector.broadcast %scan3A : f32 to vector<16xf32>
        %parallel_loop3A_160 = arith.minimumf %parallel_loop3A_159, %parallel_loop3A_158 : vector<16xf32>
        %parallel_loop3A_161 = arith.fptosi %parallel_loop3A_160 : vector<16xf32> to vector<16xi32>
        tpu.vector_store_idx %arg5[%parallel_loop3A_161], %broadcast_in_dim3A_15 {add = true} : memref<65536xf32, #tpu.memory_space<vmem>>[vector<16xi32>], vector<16xf32>,
        %parallel_loop3A_162 = arith.constant 64 : i32
        %parallel_loop3A_163 = arith.muli %parallel_loop3A_145, %parallel_loop3A_162 : i32
        %parallel_loop3A_164 = arith.constant 16 : i32
        %parallel_loop3A_165 = arith.addi %parallel_loop3A_163, %parallel_loop3A_164 : i32
        %parallel_loop3A_166 = arith.constant 7 : i32
        %parallel_loop3A_167 = arith.index_cast %parallel_loop3A_166 : i32 to index
        %parallel_loop3A_168 = arith.index_cast %parallel_loop3A_165 : i32 to index
        %parallel_loop3A_169 = tpu.vector_load %arg6[%parallel_loop3A_167, %parallel_loop3A_168] {strides = array<i32>} : memref<16x512xf32, #tpu.memory_space<vmem>>, vector<16xf32>,
        %parallel_loop3A_170 = arith.subf %parallel_loop3A_169, %get3A_12 : vector<16xf32>
        %parallel_loop3A_171 = arith.mulf %parallel_loop3A_170, %get3A_14 : vector<16xf32>
        %parallel_loop3A_172 = arith.constant 0.000000e+00 : f32
        %parallel_loop3A_173 = vector.broadcast %parallel_loop3A_172 : f32 to vector<16xf32>
        %parallel_loop3A_174 = arith.maximumf %parallel_loop3A_173, %parallel_loop3A_171 : vector<16xf32>
        %parallel_loop3A_175 = vector.broadcast %scan3A : f32 to vector<16xf32>
        %parallel_loop3A_176 = arith.minimumf %parallel_loop3A_175, %parallel_loop3A_174 : vector<16xf32>
        %parallel_loop3A_177 = arith.fptosi %parallel_loop3A_176 : vector<16xf32> to vector<16xi32>
        tpu.vector_store_idx %arg5[%parallel_loop3A_177], %broadcast_in_dim3A_15 {add = true} : memref<65536xf32, #tpu.memory_space<vmem>>[vector<16xi32>], vector<16xf32>,
        %parallel_loop3A_178 = arith.constant 64 : i32
        %parallel_loop3A_179 = arith.muli %parallel_loop3A_145, %parallel_loop3A_178 : i32
        %parallel_loop3A_180 = arith.constant 32 : i32
        %parallel_loop3A_181 = arith.addi %parallel_loop3A_179, %parallel_loop3A_180 : i32
        %parallel_loop3A_182 = arith.constant 7 : i32
        %parallel_loop3A_183 = arith.index_cast %parallel_loop3A_182 : i32 to index
        %parallel_loop3A_184 = arith.index_cast %parallel_loop3A_181 : i32 to index
        %parallel_loop3A_185 = tpu.vector_load %arg6[%parallel_loop3A_183, %parallel_loop3A_184] {strides = array<i32>} : memref<16x512xf32, #tpu.memory_space<vmem>>, vector<16xf32>,
        %parallel_loop3A_186 = arith.subf %parallel_loop3A_185, %get3A_12 : vector<16xf32>
        %parallel_loop3A_187 = arith.mulf %parallel_loop3A_186, %get3A_14 : vector<16xf32>
        %parallel_loop3A_188 = arith.constant 0.000000e+00 : f32
        %parallel_loop3A_189 = vector.broadcast %parallel_loop3A_188 : f32 to vector<16xf32>
        %parallel_loop3A_190 = arith.maximumf %parallel_loop3A_189, %parallel_loop3A_187 : vector<16xf32>
        %parallel_loop3A_191 = vector.broadcast %scan3A : f32 to vector<16xf32>
        %parallel_loop3A_192 = arith.minimumf %parallel_loop3A_191, %parallel_loop3A_190 : vector<16xf32>
        %parallel_loop3A_193 = arith.fptosi %parallel_loop3A_192 : vector<16xf32> to vector<16xi32>
        tpu.vector_store_idx %arg5[%parallel_loop3A_193], %broadcast_in_dim3A_15 {add = true} : memref<65536xf32, #tpu.memory_space<vmem>>[vector<16xi32>], vector<16xf32>,
        %parallel_loop3A_194 = arith.constant 64 : i32
        %parallel_loop3A_195 = arith.muli %parallel_loop3A_145, %parallel_loop3A_194 : i32
        %parallel_loop3A_196 = arith.constant 48 : i32
        %parallel_loop3A_197 = arith.addi %parallel_loop3A_195, %parallel_loop3A_196 : i32
        %parallel_loop3A_198 = arith.constant 7 : i32
        %parallel_loop3A_199 = arith.index_cast %parallel_loop3A_198 : i32 to index
        %parallel_loop3A_200 = arith.index_cast %parallel_loop3A_197 : i32 to index
        %parallel_loop3A_201 = tpu.vector_load %arg6[%parallel_loop3A_199, %parallel_loop3A_200] {strides = array<i32>} : memref<16x512xf32, #tpu.memory_space<vmem>>, vector<16xf32>,
        %parallel_loop3A_202 = arith.subf %parallel_loop3A_201, %get3A_12 : vector<16xf32>
        %parallel_loop3A_203 = arith.mulf %parallel_loop3A_202, %get3A_14 : vector<16xf32>
        %parallel_loop3A_204 = arith.constant 0.000000e+00 : f32
        %parallel_loop3A_205 = vector.broadcast %parallel_loop3A_204 : f32 to vector<16xf32>
        %parallel_loop3A_206 = arith.maximumf %parallel_loop3A_205, %parallel_loop3A_203 : vector<16xf32>
        %parallel_loop3A_207 = vector.broadcast %scan3A : f32 to vector<16xf32>
        %parallel_loop3A_208 = arith.minimumf %parallel_loop3A_207, %parallel_loop3A_206 : vector<16xf32>
        %parallel_loop3A_209 = arith.fptosi %parallel_loop3A_208 : vector<16xf32> to vector<16xi32>
        tpu.vector_store_idx %arg5[%parallel_loop3A_209], %broadcast_in_dim3A_15 {add = true} : memref<65536xf32, #tpu.memory_space<vmem>>[vector<16xi32>], vector<16xf32>,
      } {sc.loop_unroll_factor = 4 : i64, sc.parallel_access}
      %parallel_loop3A_59 = arith.constant 0 : i32
      %parallel_loop3A_60 = arith.constant 8 : i32
      %parallel_loop3A_61 = arith.constant 1 : i32
      scf.for %parallel_loop3A_145 = %parallel_loop3A_59 to %parallel_loop3A_60 step %parallel_loop3A_61  : i32 {
        %parallel_loop3A_146 = arith.constant 64 : i32
        %parallel_loop3A_147 = arith.muli %parallel_loop3A_145, %parallel_loop3A_146 : i32
        %parallel_loop3A_148 = arith.constant 0 : i32
        %parallel_loop3A_149 = arith.addi %parallel_loop3A_147, %parallel_loop3A_148 : i32
        %parallel_loop3A_150 = arith.constant 8 : i32
        %parallel_loop3A_151 = arith.index_cast %parallel_loop3A_150 : i32 to index
        %parallel_loop3A_152 = arith.index_cast %parallel_loop3A_149 : i32 to index
        %parallel_loop3A_153 = tpu.vector_load %arg6[%parallel_loop3A_151, %parallel_loop3A_152] {strides = array<i32>} : memref<16x512xf32, #tpu.memory_space<vmem>>, vector<16xf32>,
        %parallel_loop3A_154 = arith.subf %parallel_loop3A_153, %get3A_12 : vector<16xf32>
        %parallel_loop3A_155 = arith.mulf %parallel_loop3A_154, %get3A_14 : vector<16xf32>
        %parallel_loop3A_156 = arith.constant 0.000000e+00 : f32
        %parallel_loop3A_157 = vector.broadcast %parallel_loop3A_156 : f32 to vector<16xf32>
        %parallel_loop3A_158 = arith.maximumf %parallel_loop3A_157, %parallel_loop3A_155 : vector<16xf32>
        %parallel_loop3A_159 = vector.broadcast %scan3A : f32 to vector<16xf32>
        %parallel_loop3A_160 = arith.minimumf %parallel_loop3A_159, %parallel_loop3A_158 : vector<16xf32>
        %parallel_loop3A_161 = arith.fptosi %parallel_loop3A_160 : vector<16xf32> to vector<16xi32>
        tpu.vector_store_idx %arg5[%parallel_loop3A_161], %broadcast_in_dim3A_15 {add = true} : memref<65536xf32, #tpu.memory_space<vmem>>[vector<16xi32>], vector<16xf32>,
        %parallel_loop3A_162 = arith.constant 64 : i32
        %parallel_loop3A_163 = arith.muli %parallel_loop3A_145, %parallel_loop3A_162 : i32
        %parallel_loop3A_164 = arith.constant 16 : i32
        %parallel_loop3A_165 = arith.addi %parallel_loop3A_163, %parallel_loop3A_164 : i32
        %parallel_loop3A_166 = arith.constant 8 : i32
        %parallel_loop3A_167 = arith.index_cast %parallel_loop3A_166 : i32 to index
        %parallel_loop3A_168 = arith.index_cast %parallel_loop3A_165 : i32 to index
        %parallel_loop3A_169 = tpu.vector_load %arg6[%parallel_loop3A_167, %parallel_loop3A_168] {strides = array<i32>} : memref<16x512xf32, #tpu.memory_space<vmem>>, vector<16xf32>,
        %parallel_loop3A_170 = arith.subf %parallel_loop3A_169, %get3A_12 : vector<16xf32>
        %parallel_loop3A_171 = arith.mulf %parallel_loop3A_170, %get3A_14 : vector<16xf32>
        %parallel_loop3A_172 = arith.constant 0.000000e+00 : f32
        %parallel_loop3A_173 = vector.broadcast %parallel_loop3A_172 : f32 to vector<16xf32>
        %parallel_loop3A_174 = arith.maximumf %parallel_loop3A_173, %parallel_loop3A_171 : vector<16xf32>
        %parallel_loop3A_175 = vector.broadcast %scan3A : f32 to vector<16xf32>
        %parallel_loop3A_176 = arith.minimumf %parallel_loop3A_175, %parallel_loop3A_174 : vector<16xf32>
        %parallel_loop3A_177 = arith.fptosi %parallel_loop3A_176 : vector<16xf32> to vector<16xi32>
        tpu.vector_store_idx %arg5[%parallel_loop3A_177], %broadcast_in_dim3A_15 {add = true} : memref<65536xf32, #tpu.memory_space<vmem>>[vector<16xi32>], vector<16xf32>,
        %parallel_loop3A_178 = arith.constant 64 : i32
        %parallel_loop3A_179 = arith.muli %parallel_loop3A_145, %parallel_loop3A_178 : i32
        %parallel_loop3A_180 = arith.constant 32 : i32
        %parallel_loop3A_181 = arith.addi %parallel_loop3A_179, %parallel_loop3A_180 : i32
        %parallel_loop3A_182 = arith.constant 8 : i32
        %parallel_loop3A_183 = arith.index_cast %parallel_loop3A_182 : i32 to index
        %parallel_loop3A_184 = arith.index_cast %parallel_loop3A_181 : i32 to index
        %parallel_loop3A_185 = tpu.vector_load %arg6[%parallel_loop3A_183, %parallel_loop3A_184] {strides = array<i32>} : memref<16x512xf32, #tpu.memory_space<vmem>>, vector<16xf32>,
        %parallel_loop3A_186 = arith.subf %parallel_loop3A_185, %get3A_12 : vector<16xf32>
        %parallel_loop3A_187 = arith.mulf %parallel_loop3A_186, %get3A_14 : vector<16xf32>
        %parallel_loop3A_188 = arith.constant 0.000000e+00 : f32
        %parallel_loop3A_189 = vector.broadcast %parallel_loop3A_188 : f32 to vector<16xf32>
        %parallel_loop3A_190 = arith.maximumf %parallel_loop3A_189, %parallel_loop3A_187 : vector<16xf32>
        %parallel_loop3A_191 = vector.broadcast %scan3A : f32 to vector<16xf32>
        %parallel_loop3A_192 = arith.minimumf %parallel_loop3A_191, %parallel_loop3A_190 : vector<16xf32>
        %parallel_loop3A_193 = arith.fptosi %parallel_loop3A_192 : vector<16xf32> to vector<16xi32>
        tpu.vector_store_idx %arg5[%parallel_loop3A_193], %broadcast_in_dim3A_15 {add = true} : memref<65536xf32, #tpu.memory_space<vmem>>[vector<16xi32>], vector<16xf32>,
        %parallel_loop3A_194 = arith.constant 64 : i32
        %parallel_loop3A_195 = arith.muli %parallel_loop3A_145, %parallel_loop3A_194 : i32
        %parallel_loop3A_196 = arith.constant 48 : i32
        %parallel_loop3A_197 = arith.addi %parallel_loop3A_195, %parallel_loop3A_196 : i32
        %parallel_loop3A_198 = arith.constant 8 : i32
        %parallel_loop3A_199 = arith.index_cast %parallel_loop3A_198 : i32 to index
        %parallel_loop3A_200 = arith.index_cast %parallel_loop3A_197 : i32 to index
        %parallel_loop3A_201 = tpu.vector_load %arg6[%parallel_loop3A_199, %parallel_loop3A_200] {strides = array<i32>} : memref<16x512xf32, #tpu.memory_space<vmem>>, vector<16xf32>,
        %parallel_loop3A_202 = arith.subf %parallel_loop3A_201, %get3A_12 : vector<16xf32>
        %parallel_loop3A_203 = arith.mulf %parallel_loop3A_202, %get3A_14 : vector<16xf32>
        %parallel_loop3A_204 = arith.constant 0.000000e+00 : f32
        %parallel_loop3A_205 = vector.broadcast %parallel_loop3A_204 : f32 to vector<16xf32>
        %parallel_loop3A_206 = arith.maximumf %parallel_loop3A_205, %parallel_loop3A_203 : vector<16xf32>
        %parallel_loop3A_207 = vector.broadcast %scan3A : f32 to vector<16xf32>
        %parallel_loop3A_208 = arith.minimumf %parallel_loop3A_207, %parallel_loop3A_206 : vector<16xf32>
        %parallel_loop3A_209 = arith.fptosi %parallel_loop3A_208 : vector<16xf32> to vector<16xi32>
        tpu.vector_store_idx %arg5[%parallel_loop3A_209], %broadcast_in_dim3A_15 {add = true} : memref<65536xf32, #tpu.memory_space<vmem>>[vector<16xi32>], vector<16xf32>,
      } {sc.loop_unroll_factor = 4 : i64, sc.parallel_access}
      %parallel_loop3A_62 = arith.constant 0 : i32
      %parallel_loop3A_63 = arith.constant 8 : i32
      %parallel_loop3A_64 = arith.constant 1 : i32
      scf.for %parallel_loop3A_145 = %parallel_loop3A_62 to %parallel_loop3A_63 step %parallel_loop3A_64  : i32 {
        %parallel_loop3A_146 = arith.constant 64 : i32
        %parallel_loop3A_147 = arith.muli %parallel_loop3A_145, %parallel_loop3A_146 : i32
        %parallel_loop3A_148 = arith.constant 0 : i32
        %parallel_loop3A_149 = arith.addi %parallel_loop3A_147, %parallel_loop3A_148 : i32
        %parallel_loop3A_150 = arith.constant 9 : i32
        %parallel_loop3A_151 = arith.index_cast %parallel_loop3A_150 : i32 to index
        %parallel_loop3A_152 = arith.index_cast %parallel_loop3A_149 : i32 to index
        %parallel_loop3A_153 = tpu.vector_load %arg6[%parallel_loop3A_151, %parallel_loop3A_152] {strides = array<i32>} : memref<16x512xf32, #tpu.memory_space<vmem>>, vector<16xf32>,
        %parallel_loop3A_154 = arith.subf %parallel_loop3A_153, %get3A_12 : vector<16xf32>
        %parallel_loop3A_155 = arith.mulf %parallel_loop3A_154, %get3A_14 : vector<16xf32>
        %parallel_loop3A_156 = arith.constant 0.000000e+00 : f32
        %parallel_loop3A_157 = vector.broadcast %parallel_loop3A_156 : f32 to vector<16xf32>
        %parallel_loop3A_158 = arith.maximumf %parallel_loop3A_157, %parallel_loop3A_155 : vector<16xf32>
        %parallel_loop3A_159 = vector.broadcast %scan3A : f32 to vector<16xf32>
        %parallel_loop3A_160 = arith.minimumf %parallel_loop3A_159, %parallel_loop3A_158 : vector<16xf32>
        %parallel_loop3A_161 = arith.fptosi %parallel_loop3A_160 : vector<16xf32> to vector<16xi32>
        tpu.vector_store_idx %arg5[%parallel_loop3A_161], %broadcast_in_dim3A_15 {add = true} : memref<65536xf32, #tpu.memory_space<vmem>>[vector<16xi32>], vector<16xf32>,
        %parallel_loop3A_162 = arith.constant 64 : i32
        %parallel_loop3A_163 = arith.muli %parallel_loop3A_145, %parallel_loop3A_162 : i32
        %parallel_loop3A_164 = arith.constant 16 : i32
        %parallel_loop3A_165 = arith.addi %parallel_loop3A_163, %parallel_loop3A_164 : i32
        %parallel_loop3A_166 = arith.constant 9 : i32
        %parallel_loop3A_167 = arith.index_cast %parallel_loop3A_166 : i32 to index
        %parallel_loop3A_168 = arith.index_cast %parallel_loop3A_165 : i32 to index
        %parallel_loop3A_169 = tpu.vector_load %arg6[%parallel_loop3A_167, %parallel_loop3A_168] {strides = array<i32>} : memref<16x512xf32, #tpu.memory_space<vmem>>, vector<16xf32>,
        %parallel_loop3A_170 = arith.subf %parallel_loop3A_169, %get3A_12 : vector<16xf32>
        %parallel_loop3A_171 = arith.mulf %parallel_loop3A_170, %get3A_14 : vector<16xf32>
        %parallel_loop3A_172 = arith.constant 0.000000e+00 : f32
        %parallel_loop3A_173 = vector.broadcast %parallel_loop3A_172 : f32 to vector<16xf32>
        %parallel_loop3A_174 = arith.maximumf %parallel_loop3A_173, %parallel_loop3A_171 : vector<16xf32>
        %parallel_loop3A_175 = vector.broadcast %scan3A : f32 to vector<16xf32>
        %parallel_loop3A_176 = arith.minimumf %parallel_loop3A_175, %parallel_loop3A_174 : vector<16xf32>
        %parallel_loop3A_177 = arith.fptosi %parallel_loop3A_176 : vector<16xf32> to vector<16xi32>
        tpu.vector_store_idx %arg5[%parallel_loop3A_177], %broadcast_in_dim3A_15 {add = true} : memref<65536xf32, #tpu.memory_space<vmem>>[vector<16xi32>], vector<16xf32>,
        %parallel_loop3A_178 = arith.constant 64 : i32
        %parallel_loop3A_179 = arith.muli %parallel_loop3A_145, %parallel_loop3A_178 : i32
        %parallel_loop3A_180 = arith.constant 32 : i32
        %parallel_loop3A_181 = arith.addi %parallel_loop3A_179, %parallel_loop3A_180 : i32
        %parallel_loop3A_182 = arith.constant 9 : i32
        %parallel_loop3A_183 = arith.index_cast %parallel_loop3A_182 : i32 to index
        %parallel_loop3A_184 = arith.index_cast %parallel_loop3A_181 : i32 to index
        %parallel_loop3A_185 = tpu.vector_load %arg6[%parallel_loop3A_183, %parallel_loop3A_184] {strides = array<i32>} : memref<16x512xf32, #tpu.memory_space<vmem>>, vector<16xf32>,
        %parallel_loop3A_186 = arith.subf %parallel_loop3A_185, %get3A_12 : vector<16xf32>
        %parallel_loop3A_187 = arith.mulf %parallel_loop3A_186, %get3A_14 : vector<16xf32>
        %parallel_loop3A_188 = arith.constant 0.000000e+00 : f32
        %parallel_loop3A_189 = vector.broadcast %parallel_loop3A_188 : f32 to vector<16xf32>
        %parallel_loop3A_190 = arith.maximumf %parallel_loop3A_189, %parallel_loop3A_187 : vector<16xf32>
        %parallel_loop3A_191 = vector.broadcast %scan3A : f32 to vector<16xf32>
        %parallel_loop3A_192 = arith.minimumf %parallel_loop3A_191, %parallel_loop3A_190 : vector<16xf32>
        %parallel_loop3A_193 = arith.fptosi %parallel_loop3A_192 : vector<16xf32> to vector<16xi32>
        tpu.vector_store_idx %arg5[%parallel_loop3A_193], %broadcast_in_dim3A_15 {add = true} : memref<65536xf32, #tpu.memory_space<vmem>>[vector<16xi32>], vector<16xf32>,
        %parallel_loop3A_194 = arith.constant 64 : i32
        %parallel_loop3A_195 = arith.muli %parallel_loop3A_145, %parallel_loop3A_194 : i32
        %parallel_loop3A_196 = arith.constant 48 : i32
        %parallel_loop3A_197 = arith.addi %parallel_loop3A_195, %parallel_loop3A_196 : i32
        %parallel_loop3A_198 = arith.constant 9 : i32
        %parallel_loop3A_199 = arith.index_cast %parallel_loop3A_198 : i32 to index
        %parallel_loop3A_200 = arith.index_cast %parallel_loop3A_197 : i32 to index
        %parallel_loop3A_201 = tpu.vector_load %arg6[%parallel_loop3A_199, %parallel_loop3A_200] {strides = array<i32>} : memref<16x512xf32, #tpu.memory_space<vmem>>, vector<16xf32>,
        %parallel_loop3A_202 = arith.subf %parallel_loop3A_201, %get3A_12 : vector<16xf32>
        %parallel_loop3A_203 = arith.mulf %parallel_loop3A_202, %get3A_14 : vector<16xf32>
        %parallel_loop3A_204 = arith.constant 0.000000e+00 : f32
        %parallel_loop3A_205 = vector.broadcast %parallel_loop3A_204 : f32 to vector<16xf32>
        %parallel_loop3A_206 = arith.maximumf %parallel_loop3A_205, %parallel_loop3A_203 : vector<16xf32>
        %parallel_loop3A_207 = vector.broadcast %scan3A : f32 to vector<16xf32>
        %parallel_loop3A_208 = arith.minimumf %parallel_loop3A_207, %parallel_loop3A_206 : vector<16xf32>
        %parallel_loop3A_209 = arith.fptosi %parallel_loop3A_208 : vector<16xf32> to vector<16xi32>
        tpu.vector_store_idx %arg5[%parallel_loop3A_209], %broadcast_in_dim3A_15 {add = true} : memref<65536xf32, #tpu.memory_space<vmem>>[vector<16xi32>], vector<16xf32>,
      } {sc.loop_unroll_factor = 4 : i64, sc.parallel_access}
      %parallel_loop3A_65 = arith.constant 0 : i32
      %parallel_loop3A_66 = arith.constant 8 : i32
      %parallel_loop3A_67 = arith.constant 1 : i32
      scf.for %parallel_loop3A_145 = %parallel_loop3A_65 to %parallel_loop3A_66 step %parallel_loop3A_67  : i32 {
        %parallel_loop3A_146 = arith.constant 64 : i32
        %parallel_loop3A_147 = arith.muli %parallel_loop3A_145, %parallel_loop3A_146 : i32
        %parallel_loop3A_148 = arith.constant 0 : i32
        %parallel_loop3A_149 = arith.addi %parallel_loop3A_147, %parallel_loop3A_148 : i32
        %parallel_loop3A_150 = arith.constant 10 : i32
        %parallel_loop3A_151 = arith.index_cast %parallel_loop3A_150 : i32 to index
        %parallel_loop3A_152 = arith.index_cast %parallel_loop3A_149 : i32 to index
        %parallel_loop3A_153 = tpu.vector_load %arg6[%parallel_loop3A_151, %parallel_loop3A_152] {strides = array<i32>} : memref<16x512xf32, #tpu.memory_space<vmem>>, vector<16xf32>,
        %parallel_loop3A_154 = arith.subf %parallel_loop3A_153, %get3A_12 : vector<16xf32>
        %parallel_loop3A_155 = arith.mulf %parallel_loop3A_154, %get3A_14 : vector<16xf32>
        %parallel_loop3A_156 = arith.constant 0.000000e+00 : f32
        %parallel_loop3A_157 = vector.broadcast %parallel_loop3A_156 : f32 to vector<16xf32>
        %parallel_loop3A_158 = arith.maximumf %parallel_loop3A_157, %parallel_loop3A_155 : vector<16xf32>
        %parallel_loop3A_159 = vector.broadcast %scan3A : f32 to vector<16xf32>
        %parallel_loop3A_160 = arith.minimumf %parallel_loop3A_159, %parallel_loop3A_158 : vector<16xf32>
        %parallel_loop3A_161 = arith.fptosi %parallel_loop3A_160 : vector<16xf32> to vector<16xi32>
        tpu.vector_store_idx %arg5[%parallel_loop3A_161], %broadcast_in_dim3A_15 {add = true} : memref<65536xf32, #tpu.memory_space<vmem>>[vector<16xi32>], vector<16xf32>,
        %parallel_loop3A_162 = arith.constant 64 : i32
        %parallel_loop3A_163 = arith.muli %parallel_loop3A_145, %parallel_loop3A_162 : i32
        %parallel_loop3A_164 = arith.constant 16 : i32
        %parallel_loop3A_165 = arith.addi %parallel_loop3A_163, %parallel_loop3A_164 : i32
        %parallel_loop3A_166 = arith.constant 10 : i32
        %parallel_loop3A_167 = arith.index_cast %parallel_loop3A_166 : i32 to index
        %parallel_loop3A_168 = arith.index_cast %parallel_loop3A_165 : i32 to index
        %parallel_loop3A_169 = tpu.vector_load %arg6[%parallel_loop3A_167, %parallel_loop3A_168] {strides = array<i32>} : memref<16x512xf32, #tpu.memory_space<vmem>>, vector<16xf32>,
        %parallel_loop3A_170 = arith.subf %parallel_loop3A_169, %get3A_12 : vector<16xf32>
        %parallel_loop3A_171 = arith.mulf %parallel_loop3A_170, %get3A_14 : vector<16xf32>
        %parallel_loop3A_172 = arith.constant 0.000000e+00 : f32
        %parallel_loop3A_173 = vector.broadcast %parallel_loop3A_172 : f32 to vector<16xf32>
        %parallel_loop3A_174 = arith.maximumf %parallel_loop3A_173, %parallel_loop3A_171 : vector<16xf32>
        %parallel_loop3A_175 = vector.broadcast %scan3A : f32 to vector<16xf32>
        %parallel_loop3A_176 = arith.minimumf %parallel_loop3A_175, %parallel_loop3A_174 : vector<16xf32>
        %parallel_loop3A_177 = arith.fptosi %parallel_loop3A_176 : vector<16xf32> to vector<16xi32>
        tpu.vector_store_idx %arg5[%parallel_loop3A_177], %broadcast_in_dim3A_15 {add = true} : memref<65536xf32, #tpu.memory_space<vmem>>[vector<16xi32>], vector<16xf32>,
        %parallel_loop3A_178 = arith.constant 64 : i32
        %parallel_loop3A_179 = arith.muli %parallel_loop3A_145, %parallel_loop3A_178 : i32
        %parallel_loop3A_180 = arith.constant 32 : i32
        %parallel_loop3A_181 = arith.addi %parallel_loop3A_179, %parallel_loop3A_180 : i32
        %parallel_loop3A_182 = arith.constant 10 : i32
        %parallel_loop3A_183 = arith.index_cast %parallel_loop3A_182 : i32 to index
        %parallel_loop3A_184 = arith.index_cast %parallel_loop3A_181 : i32 to index
        %parallel_loop3A_185 = tpu.vector_load %arg6[%parallel_loop3A_183, %parallel_loop3A_184] {strides = array<i32>} : memref<16x512xf32, #tpu.memory_space<vmem>>, vector<16xf32>,
        %parallel_loop3A_186 = arith.subf %parallel_loop3A_185, %get3A_12 : vector<16xf32>
        %parallel_loop3A_187 = arith.mulf %parallel_loop3A_186, %get3A_14 : vector<16xf32>
        %parallel_loop3A_188 = arith.constant 0.000000e+00 : f32
        %parallel_loop3A_189 = vector.broadcast %parallel_loop3A_188 : f32 to vector<16xf32>
        %parallel_loop3A_190 = arith.maximumf %parallel_loop3A_189, %parallel_loop3A_187 : vector<16xf32>
        %parallel_loop3A_191 = vector.broadcast %scan3A : f32 to vector<16xf32>
        %parallel_loop3A_192 = arith.minimumf %parallel_loop3A_191, %parallel_loop3A_190 : vector<16xf32>
        %parallel_loop3A_193 = arith.fptosi %parallel_loop3A_192 : vector<16xf32> to vector<16xi32>
        tpu.vector_store_idx %arg5[%parallel_loop3A_193], %broadcast_in_dim3A_15 {add = true} : memref<65536xf32, #tpu.memory_space<vmem>>[vector<16xi32>], vector<16xf32>,
        %parallel_loop3A_194 = arith.constant 64 : i32
        %parallel_loop3A_195 = arith.muli %parallel_loop3A_145, %parallel_loop3A_194 : i32
        %parallel_loop3A_196 = arith.constant 48 : i32
        %parallel_loop3A_197 = arith.addi %parallel_loop3A_195, %parallel_loop3A_196 : i32
        %parallel_loop3A_198 = arith.constant 10 : i32
        %parallel_loop3A_199 = arith.index_cast %parallel_loop3A_198 : i32 to index
        %parallel_loop3A_200 = arith.index_cast %parallel_loop3A_197 : i32 to index
        %parallel_loop3A_201 = tpu.vector_load %arg6[%parallel_loop3A_199, %parallel_loop3A_200] {strides = array<i32>} : memref<16x512xf32, #tpu.memory_space<vmem>>, vector<16xf32>,
        %parallel_loop3A_202 = arith.subf %parallel_loop3A_201, %get3A_12 : vector<16xf32>
        %parallel_loop3A_203 = arith.mulf %parallel_loop3A_202, %get3A_14 : vector<16xf32>
        %parallel_loop3A_204 = arith.constant 0.000000e+00 : f32
        %parallel_loop3A_205 = vector.broadcast %parallel_loop3A_204 : f32 to vector<16xf32>
        %parallel_loop3A_206 = arith.maximumf %parallel_loop3A_205, %parallel_loop3A_203 : vector<16xf32>
        %parallel_loop3A_207 = vector.broadcast %scan3A : f32 to vector<16xf32>
        %parallel_loop3A_208 = arith.minimumf %parallel_loop3A_207, %parallel_loop3A_206 : vector<16xf32>
        %parallel_loop3A_209 = arith.fptosi %parallel_loop3A_208 : vector<16xf32> to vector<16xi32>
        tpu.vector_store_idx %arg5[%parallel_loop3A_209], %broadcast_in_dim3A_15 {add = true} : memref<65536xf32, #tpu.memory_space<vmem>>[vector<16xi32>], vector<16xf32>,
      } {sc.loop_unroll_factor = 4 : i64, sc.parallel_access}
      %parallel_loop3A_68 = arith.constant 0 : i32
      %parallel_loop3A_69 = arith.constant 8 : i32
      %parallel_loop3A_70 = arith.constant 1 : i32
      scf.for %parallel_loop3A_145 = %parallel_loop3A_68 to %parallel_loop3A_69 step %parallel_loop3A_70  : i32 {
        %parallel_loop3A_146 = arith.constant 64 : i32
        %parallel_loop3A_147 = arith.muli %parallel_loop3A_145, %parallel_loop3A_146 : i32
        %parallel_loop3A_148 = arith.constant 0 : i32
        %parallel_loop3A_149 = arith.addi %parallel_loop3A_147, %parallel_loop3A_148 : i32
        %parallel_loop3A_150 = arith.constant 11 : i32
        %parallel_loop3A_151 = arith.index_cast %parallel_loop3A_150 : i32 to index
        %parallel_loop3A_152 = arith.index_cast %parallel_loop3A_149 : i32 to index
        %parallel_loop3A_153 = tpu.vector_load %arg6[%parallel_loop3A_151, %parallel_loop3A_152] {strides = array<i32>} : memref<16x512xf32, #tpu.memory_space<vmem>>, vector<16xf32>,
        %parallel_loop3A_154 = arith.subf %parallel_loop3A_153, %get3A_12 : vector<16xf32>
        %parallel_loop3A_155 = arith.mulf %parallel_loop3A_154, %get3A_14 : vector<16xf32>
        %parallel_loop3A_156 = arith.constant 0.000000e+00 : f32
        %parallel_loop3A_157 = vector.broadcast %parallel_loop3A_156 : f32 to vector<16xf32>
        %parallel_loop3A_158 = arith.maximumf %parallel_loop3A_157, %parallel_loop3A_155 : vector<16xf32>
        %parallel_loop3A_159 = vector.broadcast %scan3A : f32 to vector<16xf32>
        %parallel_loop3A_160 = arith.minimumf %parallel_loop3A_159, %parallel_loop3A_158 : vector<16xf32>
        %parallel_loop3A_161 = arith.fptosi %parallel_loop3A_160 : vector<16xf32> to vector<16xi32>
        tpu.vector_store_idx %arg5[%parallel_loop3A_161], %broadcast_in_dim3A_15 {add = true} : memref<65536xf32, #tpu.memory_space<vmem>>[vector<16xi32>], vector<16xf32>,
        %parallel_loop3A_162 = arith.constant 64 : i32
        %parallel_loop3A_163 = arith.muli %parallel_loop3A_145, %parallel_loop3A_162 : i32
        %parallel_loop3A_164 = arith.constant 16 : i32
        %parallel_loop3A_165 = arith.addi %parallel_loop3A_163, %parallel_loop3A_164 : i32
        %parallel_loop3A_166 = arith.constant 11 : i32
        %parallel_loop3A_167 = arith.index_cast %parallel_loop3A_166 : i32 to index
        %parallel_loop3A_168 = arith.index_cast %parallel_loop3A_165 : i32 to index
        %parallel_loop3A_169 = tpu.vector_load %arg6[%parallel_loop3A_167, %parallel_loop3A_168] {strides = array<i32>} : memref<16x512xf32, #tpu.memory_space<vmem>>, vector<16xf32>,
        %parallel_loop3A_170 = arith.subf %parallel_loop3A_169, %get3A_12 : vector<16xf32>
        %parallel_loop3A_171 = arith.mulf %parallel_loop3A_170, %get3A_14 : vector<16xf32>
        %parallel_loop3A_172 = arith.constant 0.000000e+00 : f32
        %parallel_loop3A_173 = vector.broadcast %parallel_loop3A_172 : f32 to vector<16xf32>
        %parallel_loop3A_174 = arith.maximumf %parallel_loop3A_173, %parallel_loop3A_171 : vector<16xf32>
        %parallel_loop3A_175 = vector.broadcast %scan3A : f32 to vector<16xf32>
        %parallel_loop3A_176 = arith.minimumf %parallel_loop3A_175, %parallel_loop3A_174 : vector<16xf32>
        %parallel_loop3A_177 = arith.fptosi %parallel_loop3A_176 : vector<16xf32> to vector<16xi32>
        tpu.vector_store_idx %arg5[%parallel_loop3A_177], %broadcast_in_dim3A_15 {add = true} : memref<65536xf32, #tpu.memory_space<vmem>>[vector<16xi32>], vector<16xf32>,
        %parallel_loop3A_178 = arith.constant 64 : i32
        %parallel_loop3A_179 = arith.muli %parallel_loop3A_145, %parallel_loop3A_178 : i32
        %parallel_loop3A_180 = arith.constant 32 : i32
        %parallel_loop3A_181 = arith.addi %parallel_loop3A_179, %parallel_loop3A_180 : i32
        %parallel_loop3A_182 = arith.constant 11 : i32
        %parallel_loop3A_183 = arith.index_cast %parallel_loop3A_182 : i32 to index
        %parallel_loop3A_184 = arith.index_cast %parallel_loop3A_181 : i32 to index
        %parallel_loop3A_185 = tpu.vector_load %arg6[%parallel_loop3A_183, %parallel_loop3A_184] {strides = array<i32>} : memref<16x512xf32, #tpu.memory_space<vmem>>, vector<16xf32>,
        %parallel_loop3A_186 = arith.subf %parallel_loop3A_185, %get3A_12 : vector<16xf32>
        %parallel_loop3A_187 = arith.mulf %parallel_loop3A_186, %get3A_14 : vector<16xf32>
        %parallel_loop3A_188 = arith.constant 0.000000e+00 : f32
        %parallel_loop3A_189 = vector.broadcast %parallel_loop3A_188 : f32 to vector<16xf32>
        %parallel_loop3A_190 = arith.maximumf %parallel_loop3A_189, %parallel_loop3A_187 : vector<16xf32>
        %parallel_loop3A_191 = vector.broadcast %scan3A : f32 to vector<16xf32>
        %parallel_loop3A_192 = arith.minimumf %parallel_loop3A_191, %parallel_loop3A_190 : vector<16xf32>
        %parallel_loop3A_193 = arith.fptosi %parallel_loop3A_192 : vector<16xf32> to vector<16xi32>
        tpu.vector_store_idx %arg5[%parallel_loop3A_193], %broadcast_in_dim3A_15 {add = true} : memref<65536xf32, #tpu.memory_space<vmem>>[vector<16xi32>], vector<16xf32>,
        %parallel_loop3A_194 = arith.constant 64 : i32
        %parallel_loop3A_195 = arith.muli %parallel_loop3A_145, %parallel_loop3A_194 : i32
        %parallel_loop3A_196 = arith.constant 48 : i32
        %parallel_loop3A_197 = arith.addi %parallel_loop3A_195, %parallel_loop3A_196 : i32
        %parallel_loop3A_198 = arith.constant 11 : i32
        %parallel_loop3A_199 = arith.index_cast %parallel_loop3A_198 : i32 to index
        %parallel_loop3A_200 = arith.index_cast %parallel_loop3A_197 : i32 to index
        %parallel_loop3A_201 = tpu.vector_load %arg6[%parallel_loop3A_199, %parallel_loop3A_200] {strides = array<i32>} : memref<16x512xf32, #tpu.memory_space<vmem>>, vector<16xf32>,
        %parallel_loop3A_202 = arith.subf %parallel_loop3A_201, %get3A_12 : vector<16xf32>
        %parallel_loop3A_203 = arith.mulf %parallel_loop3A_202, %get3A_14 : vector<16xf32>
        %parallel_loop3A_204 = arith.constant 0.000000e+00 : f32
        %parallel_loop3A_205 = vector.broadcast %parallel_loop3A_204 : f32 to vector<16xf32>
        %parallel_loop3A_206 = arith.maximumf %parallel_loop3A_205, %parallel_loop3A_203 : vector<16xf32>
        %parallel_loop3A_207 = vector.broadcast %scan3A : f32 to vector<16xf32>
        %parallel_loop3A_208 = arith.minimumf %parallel_loop3A_207, %parallel_loop3A_206 : vector<16xf32>
        %parallel_loop3A_209 = arith.fptosi %parallel_loop3A_208 : vector<16xf32> to vector<16xi32>
        tpu.vector_store_idx %arg5[%parallel_loop3A_209], %broadcast_in_dim3A_15 {add = true} : memref<65536xf32, #tpu.memory_space<vmem>>[vector<16xi32>], vector<16xf32>,
      } {sc.loop_unroll_factor = 4 : i64, sc.parallel_access}
      %parallel_loop3A_71 = arith.constant 0 : i32
      %parallel_loop3A_72 = arith.constant 8 : i32
      %parallel_loop3A_73 = arith.constant 1 : i32
      scf.for %parallel_loop3A_145 = %parallel_loop3A_71 to %parallel_loop3A_72 step %parallel_loop3A_73  : i32 {
        %parallel_loop3A_146 = arith.constant 64 : i32
        %parallel_loop3A_147 = arith.muli %parallel_loop3A_145, %parallel_loop3A_146 : i32
        %parallel_loop3A_148 = arith.constant 0 : i32
        %parallel_loop3A_149 = arith.addi %parallel_loop3A_147, %parallel_loop3A_148 : i32
        %parallel_loop3A_150 = arith.constant 12 : i32
        %parallel_loop3A_151 = arith.index_cast %parallel_loop3A_150 : i32 to index
        %parallel_loop3A_152 = arith.index_cast %parallel_loop3A_149 : i32 to index
        %parallel_loop3A_153 = tpu.vector_load %arg6[%parallel_loop3A_151, %parallel_loop3A_152] {strides = array<i32>} : memref<16x512xf32, #tpu.memory_space<vmem>>, vector<16xf32>,
        %parallel_loop3A_154 = arith.subf %parallel_loop3A_153, %get3A_12 : vector<16xf32>
        %parallel_loop3A_155 = arith.mulf %parallel_loop3A_154, %get3A_14 : vector<16xf32>
        %parallel_loop3A_156 = arith.constant 0.000000e+00 : f32
        %parallel_loop3A_157 = vector.broadcast %parallel_loop3A_156 : f32 to vector<16xf32>
        %parallel_loop3A_158 = arith.maximumf %parallel_loop3A_157, %parallel_loop3A_155 : vector<16xf32>
        %parallel_loop3A_159 = vector.broadcast %scan3A : f32 to vector<16xf32>
        %parallel_loop3A_160 = arith.minimumf %parallel_loop3A_159, %parallel_loop3A_158 : vector<16xf32>
        %parallel_loop3A_161 = arith.fptosi %parallel_loop3A_160 : vector<16xf32> to vector<16xi32>
        tpu.vector_store_idx %arg5[%parallel_loop3A_161], %broadcast_in_dim3A_15 {add = true} : memref<65536xf32, #tpu.memory_space<vmem>>[vector<16xi32>], vector<16xf32>,
        %parallel_loop3A_162 = arith.constant 64 : i32
        %parallel_loop3A_163 = arith.muli %parallel_loop3A_145, %parallel_loop3A_162 : i32
        %parallel_loop3A_164 = arith.constant 16 : i32
        %parallel_loop3A_165 = arith.addi %parallel_loop3A_163, %parallel_loop3A_164 : i32
        %parallel_loop3A_166 = arith.constant 12 : i32
        %parallel_loop3A_167 = arith.index_cast %parallel_loop3A_166 : i32 to index
        %parallel_loop3A_168 = arith.index_cast %parallel_loop3A_165 : i32 to index
        %parallel_loop3A_169 = tpu.vector_load %arg6[%parallel_loop3A_167, %parallel_loop3A_168] {strides = array<i32>} : memref<16x512xf32, #tpu.memory_space<vmem>>, vector<16xf32>,
        %parallel_loop3A_170 = arith.subf %parallel_loop3A_169, %get3A_12 : vector<16xf32>
        %parallel_loop3A_171 = arith.mulf %parallel_loop3A_170, %get3A_14 : vector<16xf32>
        %parallel_loop3A_172 = arith.constant 0.000000e+00 : f32
        %parallel_loop3A_173 = vector.broadcast %parallel_loop3A_172 : f32 to vector<16xf32>
        %parallel_loop3A_174 = arith.maximumf %parallel_loop3A_173, %parallel_loop3A_171 : vector<16xf32>
        %parallel_loop3A_175 = vector.broadcast %scan3A : f32 to vector<16xf32>
        %parallel_loop3A_176 = arith.minimumf %parallel_loop3A_175, %parallel_loop3A_174 : vector<16xf32>
        %parallel_loop3A_177 = arith.fptosi %parallel_loop3A_176 : vector<16xf32> to vector<16xi32>
        tpu.vector_store_idx %arg5[%parallel_loop3A_177], %broadcast_in_dim3A_15 {add = true} : memref<65536xf32, #tpu.memory_space<vmem>>[vector<16xi32>], vector<16xf32>,
        %parallel_loop3A_178 = arith.constant 64 : i32
        %parallel_loop3A_179 = arith.muli %parallel_loop3A_145, %parallel_loop3A_178 : i32
        %parallel_loop3A_180 = arith.constant 32 : i32
        %parallel_loop3A_181 = arith.addi %parallel_loop3A_179, %parallel_loop3A_180 : i32
        %parallel_loop3A_182 = arith.constant 12 : i32
        %parallel_loop3A_183 = arith.index_cast %parallel_loop3A_182 : i32 to index
        %parallel_loop3A_184 = arith.index_cast %parallel_loop3A_181 : i32 to index
        %parallel_loop3A_185 = tpu.vector_load %arg6[%parallel_loop3A_183, %parallel_loop3A_184] {strides = array<i32>} : memref<16x512xf32, #tpu.memory_space<vmem>>, vector<16xf32>,
        %parallel_loop3A_186 = arith.subf %parallel_loop3A_185, %get3A_12 : vector<16xf32>
        %parallel_loop3A_187 = arith.mulf %parallel_loop3A_186, %get3A_14 : vector<16xf32>
        %parallel_loop3A_188 = arith.constant 0.000000e+00 : f32
        %parallel_loop3A_189 = vector.broadcast %parallel_loop3A_188 : f32 to vector<16xf32>
        %parallel_loop3A_190 = arith.maximumf %parallel_loop3A_189, %parallel_loop3A_187 : vector<16xf32>
        %parallel_loop3A_191 = vector.broadcast %scan3A : f32 to vector<16xf32>
        %parallel_loop3A_192 = arith.minimumf %parallel_loop3A_191, %parallel_loop3A_190 : vector<16xf32>
        %parallel_loop3A_193 = arith.fptosi %parallel_loop3A_192 : vector<16xf32> to vector<16xi32>
        tpu.vector_store_idx %arg5[%parallel_loop3A_193], %broadcast_in_dim3A_15 {add = true} : memref<65536xf32, #tpu.memory_space<vmem>>[vector<16xi32>], vector<16xf32>,
        %parallel_loop3A_194 = arith.constant 64 : i32
        %parallel_loop3A_195 = arith.muli %parallel_loop3A_145, %parallel_loop3A_194 : i32
        %parallel_loop3A_196 = arith.constant 48 : i32
        %parallel_loop3A_197 = arith.addi %parallel_loop3A_195, %parallel_loop3A_196 : i32
        %parallel_loop3A_198 = arith.constant 12 : i32
        %parallel_loop3A_199 = arith.index_cast %parallel_loop3A_198 : i32 to index
        %parallel_loop3A_200 = arith.index_cast %parallel_loop3A_197 : i32 to index
        %parallel_loop3A_201 = tpu.vector_load %arg6[%parallel_loop3A_199, %parallel_loop3A_200] {strides = array<i32>} : memref<16x512xf32, #tpu.memory_space<vmem>>, vector<16xf32>,
        %parallel_loop3A_202 = arith.subf %parallel_loop3A_201, %get3A_12 : vector<16xf32>
        %parallel_loop3A_203 = arith.mulf %parallel_loop3A_202, %get3A_14 : vector<16xf32>
        %parallel_loop3A_204 = arith.constant 0.000000e+00 : f32
        %parallel_loop3A_205 = vector.broadcast %parallel_loop3A_204 : f32 to vector<16xf32>
        %parallel_loop3A_206 = arith.maximumf %parallel_loop3A_205, %parallel_loop3A_203 : vector<16xf32>
        %parallel_loop3A_207 = vector.broadcast %scan3A : f32 to vector<16xf32>
        %parallel_loop3A_208 = arith.minimumf %parallel_loop3A_207, %parallel_loop3A_206 : vector<16xf32>
        %parallel_loop3A_209 = arith.fptosi %parallel_loop3A_208 : vector<16xf32> to vector<16xi32>
        tpu.vector_store_idx %arg5[%parallel_loop3A_209], %broadcast_in_dim3A_15 {add = true} : memref<65536xf32, #tpu.memory_space<vmem>>[vector<16xi32>], vector<16xf32>,
      } {sc.loop_unroll_factor = 4 : i64, sc.parallel_access}
      %parallel_loop3A_74 = arith.constant 0 : i32
      %parallel_loop3A_75 = arith.constant 8 : i32
      %parallel_loop3A_76 = arith.constant 1 : i32
      scf.for %parallel_loop3A_145 = %parallel_loop3A_74 to %parallel_loop3A_75 step %parallel_loop3A_76  : i32 {
        %parallel_loop3A_146 = arith.constant 64 : i32
        %parallel_loop3A_147 = arith.muli %parallel_loop3A_145, %parallel_loop3A_146 : i32
        %parallel_loop3A_148 = arith.constant 0 : i32
        %parallel_loop3A_149 = arith.addi %parallel_loop3A_147, %parallel_loop3A_148 : i32
        %parallel_loop3A_150 = arith.constant 13 : i32
        %parallel_loop3A_151 = arith.index_cast %parallel_loop3A_150 : i32 to index
        %parallel_loop3A_152 = arith.index_cast %parallel_loop3A_149 : i32 to index
        %parallel_loop3A_153 = tpu.vector_load %arg6[%parallel_loop3A_151, %parallel_loop3A_152] {strides = array<i32>} : memref<16x512xf32, #tpu.memory_space<vmem>>, vector<16xf32>,
        %parallel_loop3A_154 = arith.subf %parallel_loop3A_153, %get3A_12 : vector<16xf32>
        %parallel_loop3A_155 = arith.mulf %parallel_loop3A_154, %get3A_14 : vector<16xf32>
        %parallel_loop3A_156 = arith.constant 0.000000e+00 : f32
        %parallel_loop3A_157 = vector.broadcast %parallel_loop3A_156 : f32 to vector<16xf32>
        %parallel_loop3A_158 = arith.maximumf %parallel_loop3A_157, %parallel_loop3A_155 : vector<16xf32>
        %parallel_loop3A_159 = vector.broadcast %scan3A : f32 to vector<16xf32>
        %parallel_loop3A_160 = arith.minimumf %parallel_loop3A_159, %parallel_loop3A_158 : vector<16xf32>
        %parallel_loop3A_161 = arith.fptosi %parallel_loop3A_160 : vector<16xf32> to vector<16xi32>
        tpu.vector_store_idx %arg5[%parallel_loop3A_161], %broadcast_in_dim3A_15 {add = true} : memref<65536xf32, #tpu.memory_space<vmem>>[vector<16xi32>], vector<16xf32>,
        %parallel_loop3A_162 = arith.constant 64 : i32
        %parallel_loop3A_163 = arith.muli %parallel_loop3A_145, %parallel_loop3A_162 : i32
        %parallel_loop3A_164 = arith.constant 16 : i32
        %parallel_loop3A_165 = arith.addi %parallel_loop3A_163, %parallel_loop3A_164 : i32
        %parallel_loop3A_166 = arith.constant 13 : i32
        %parallel_loop3A_167 = arith.index_cast %parallel_loop3A_166 : i32 to index
        %parallel_loop3A_168 = arith.index_cast %parallel_loop3A_165 : i32 to index
        %parallel_loop3A_169 = tpu.vector_load %arg6[%parallel_loop3A_167, %parallel_loop3A_168] {strides = array<i32>} : memref<16x512xf32, #tpu.memory_space<vmem>>, vector<16xf32>,
        %parallel_loop3A_170 = arith.subf %parallel_loop3A_169, %get3A_12 : vector<16xf32>
        %parallel_loop3A_171 = arith.mulf %parallel_loop3A_170, %get3A_14 : vector<16xf32>
        %parallel_loop3A_172 = arith.constant 0.000000e+00 : f32
        %parallel_loop3A_173 = vector.broadcast %parallel_loop3A_172 : f32 to vector<16xf32>
        %parallel_loop3A_174 = arith.maximumf %parallel_loop3A_173, %parallel_loop3A_171 : vector<16xf32>
        %parallel_loop3A_175 = vector.broadcast %scan3A : f32 to vector<16xf32>
        %parallel_loop3A_176 = arith.minimumf %parallel_loop3A_175, %parallel_loop3A_174 : vector<16xf32>
        %parallel_loop3A_177 = arith.fptosi %parallel_loop3A_176 : vector<16xf32> to vector<16xi32>
        tpu.vector_store_idx %arg5[%parallel_loop3A_177], %broadcast_in_dim3A_15 {add = true} : memref<65536xf32, #tpu.memory_space<vmem>>[vector<16xi32>], vector<16xf32>,
        %parallel_loop3A_178 = arith.constant 64 : i32
        %parallel_loop3A_179 = arith.muli %parallel_loop3A_145, %parallel_loop3A_178 : i32
        %parallel_loop3A_180 = arith.constant 32 : i32
        %parallel_loop3A_181 = arith.addi %parallel_loop3A_179, %parallel_loop3A_180 : i32
        %parallel_loop3A_182 = arith.constant 13 : i32
        %parallel_loop3A_183 = arith.index_cast %parallel_loop3A_182 : i32 to index
        %parallel_loop3A_184 = arith.index_cast %parallel_loop3A_181 : i32 to index
        %parallel_loop3A_185 = tpu.vector_load %arg6[%parallel_loop3A_183, %parallel_loop3A_184] {strides = array<i32>} : memref<16x512xf32, #tpu.memory_space<vmem>>, vector<16xf32>,
        %parallel_loop3A_186 = arith.subf %parallel_loop3A_185, %get3A_12 : vector<16xf32>
        %parallel_loop3A_187 = arith.mulf %parallel_loop3A_186, %get3A_14 : vector<16xf32>
        %parallel_loop3A_188 = arith.constant 0.000000e+00 : f32
        %parallel_loop3A_189 = vector.broadcast %parallel_loop3A_188 : f32 to vector<16xf32>
        %parallel_loop3A_190 = arith.maximumf %parallel_loop3A_189, %parallel_loop3A_187 : vector<16xf32>
        %parallel_loop3A_191 = vector.broadcast %scan3A : f32 to vector<16xf32>
        %parallel_loop3A_192 = arith.minimumf %parallel_loop3A_191, %parallel_loop3A_190 : vector<16xf32>
        %parallel_loop3A_193 = arith.fptosi %parallel_loop3A_192 : vector<16xf32> to vector<16xi32>
        tpu.vector_store_idx %arg5[%parallel_loop3A_193], %broadcast_in_dim3A_15 {add = true} : memref<65536xf32, #tpu.memory_space<vmem>>[vector<16xi32>], vector<16xf32>,
        %parallel_loop3A_194 = arith.constant 64 : i32
        %parallel_loop3A_195 = arith.muli %parallel_loop3A_145, %parallel_loop3A_194 : i32
        %parallel_loop3A_196 = arith.constant 48 : i32
        %parallel_loop3A_197 = arith.addi %parallel_loop3A_195, %parallel_loop3A_196 : i32
        %parallel_loop3A_198 = arith.constant 13 : i32
        %parallel_loop3A_199 = arith.index_cast %parallel_loop3A_198 : i32 to index
        %parallel_loop3A_200 = arith.index_cast %parallel_loop3A_197 : i32 to index
        %parallel_loop3A_201 = tpu.vector_load %arg6[%parallel_loop3A_199, %parallel_loop3A_200] {strides = array<i32>} : memref<16x512xf32, #tpu.memory_space<vmem>>, vector<16xf32>,
        %parallel_loop3A_202 = arith.subf %parallel_loop3A_201, %get3A_12 : vector<16xf32>
        %parallel_loop3A_203 = arith.mulf %parallel_loop3A_202, %get3A_14 : vector<16xf32>
        %parallel_loop3A_204 = arith.constant 0.000000e+00 : f32
        %parallel_loop3A_205 = vector.broadcast %parallel_loop3A_204 : f32 to vector<16xf32>
        %parallel_loop3A_206 = arith.maximumf %parallel_loop3A_205, %parallel_loop3A_203 : vector<16xf32>
        %parallel_loop3A_207 = vector.broadcast %scan3A : f32 to vector<16xf32>
        %parallel_loop3A_208 = arith.minimumf %parallel_loop3A_207, %parallel_loop3A_206 : vector<16xf32>
        %parallel_loop3A_209 = arith.fptosi %parallel_loop3A_208 : vector<16xf32> to vector<16xi32>
        tpu.vector_store_idx %arg5[%parallel_loop3A_209], %broadcast_in_dim3A_15 {add = true} : memref<65536xf32, #tpu.memory_space<vmem>>[vector<16xi32>], vector<16xf32>,
      } {sc.loop_unroll_factor = 4 : i64, sc.parallel_access}
      %parallel_loop3A_77 = arith.constant 0 : i32
      %parallel_loop3A_78 = arith.constant 8 : i32
      %parallel_loop3A_79 = arith.constant 1 : i32
      scf.for %parallel_loop3A_145 = %parallel_loop3A_77 to %parallel_loop3A_78 step %parallel_loop3A_79  : i32 {
        %parallel_loop3A_146 = arith.constant 64 : i32
        %parallel_loop3A_147 = arith.muli %parallel_loop3A_145, %parallel_loop3A_146 : i32
        %parallel_loop3A_148 = arith.constant 0 : i32
        %parallel_loop3A_149 = arith.addi %parallel_loop3A_147, %parallel_loop3A_148 : i32
        %parallel_loop3A_150 = arith.constant 14 : i32
        %parallel_loop3A_151 = arith.index_cast %parallel_loop3A_150 : i32 to index
        %parallel_loop3A_152 = arith.index_cast %parallel_loop3A_149 : i32 to index
        %parallel_loop3A_153 = tpu.vector_load %arg6[%parallel_loop3A_151, %parallel_loop3A_152] {strides = array<i32>} : memref<16x512xf32, #tpu.memory_space<vmem>>, vector<16xf32>,
        %parallel_loop3A_154 = arith.subf %parallel_loop3A_153, %get3A_12 : vector<16xf32>
        %parallel_loop3A_155 = arith.mulf %parallel_loop3A_154, %get3A_14 : vector<16xf32>
        %parallel_loop3A_156 = arith.constant 0.000000e+00 : f32
        %parallel_loop3A_157 = vector.broadcast %parallel_loop3A_156 : f32 to vector<16xf32>
        %parallel_loop3A_158 = arith.maximumf %parallel_loop3A_157, %parallel_loop3A_155 : vector<16xf32>
        %parallel_loop3A_159 = vector.broadcast %scan3A : f32 to vector<16xf32>
        %parallel_loop3A_160 = arith.minimumf %parallel_loop3A_159, %parallel_loop3A_158 : vector<16xf32>
        %parallel_loop3A_161 = arith.fptosi %parallel_loop3A_160 : vector<16xf32> to vector<16xi32>
        tpu.vector_store_idx %arg5[%parallel_loop3A_161], %broadcast_in_dim3A_15 {add = true} : memref<65536xf32, #tpu.memory_space<vmem>>[vector<16xi32>], vector<16xf32>,
        %parallel_loop3A_162 = arith.constant 64 : i32
        %parallel_loop3A_163 = arith.muli %parallel_loop3A_145, %parallel_loop3A_162 : i32
        %parallel_loop3A_164 = arith.constant 16 : i32
        %parallel_loop3A_165 = arith.addi %parallel_loop3A_163, %parallel_loop3A_164 : i32
        %parallel_loop3A_166 = arith.constant 14 : i32
        %parallel_loop3A_167 = arith.index_cast %parallel_loop3A_166 : i32 to index
        %parallel_loop3A_168 = arith.index_cast %parallel_loop3A_165 : i32 to index
        %parallel_loop3A_169 = tpu.vector_load %arg6[%parallel_loop3A_167, %parallel_loop3A_168] {strides = array<i32>} : memref<16x512xf32, #tpu.memory_space<vmem>>, vector<16xf32>,
        %parallel_loop3A_170 = arith.subf %parallel_loop3A_169, %get3A_12 : vector<16xf32>
        %parallel_loop3A_171 = arith.mulf %parallel_loop3A_170, %get3A_14 : vector<16xf32>
        %parallel_loop3A_172 = arith.constant 0.000000e+00 : f32
        %parallel_loop3A_173 = vector.broadcast %parallel_loop3A_172 : f32 to vector<16xf32>
        %parallel_loop3A_174 = arith.maximumf %parallel_loop3A_173, %parallel_loop3A_171 : vector<16xf32>
        %parallel_loop3A_175 = vector.broadcast %scan3A : f32 to vector<16xf32>
        %parallel_loop3A_176 = arith.minimumf %parallel_loop3A_175, %parallel_loop3A_174 : vector<16xf32>
        %parallel_loop3A_177 = arith.fptosi %parallel_loop3A_176 : vector<16xf32> to vector<16xi32>
        tpu.vector_store_idx %arg5[%parallel_loop3A_177], %broadcast_in_dim3A_15 {add = true} : memref<65536xf32, #tpu.memory_space<vmem>>[vector<16xi32>], vector<16xf32>,
        %parallel_loop3A_178 = arith.constant 64 : i32
        %parallel_loop3A_179 = arith.muli %parallel_loop3A_145, %parallel_loop3A_178 : i32
        %parallel_loop3A_180 = arith.constant 32 : i32
        %parallel_loop3A_181 = arith.addi %parallel_loop3A_179, %parallel_loop3A_180 : i32
        %parallel_loop3A_182 = arith.constant 14 : i32
        %parallel_loop3A_183 = arith.index_cast %parallel_loop3A_182 : i32 to index
        %parallel_loop3A_184 = arith.index_cast %parallel_loop3A_181 : i32 to index
        %parallel_loop3A_185 = tpu.vector_load %arg6[%parallel_loop3A_183, %parallel_loop3A_184] {strides = array<i32>} : memref<16x512xf32, #tpu.memory_space<vmem>>, vector<16xf32>,
        %parallel_loop3A_186 = arith.subf %parallel_loop3A_185, %get3A_12 : vector<16xf32>
        %parallel_loop3A_187 = arith.mulf %parallel_loop3A_186, %get3A_14 : vector<16xf32>
        %parallel_loop3A_188 = arith.constant 0.000000e+00 : f32
        %parallel_loop3A_189 = vector.broadcast %parallel_loop3A_188 : f32 to vector<16xf32>
        %parallel_loop3A_190 = arith.maximumf %parallel_loop3A_189, %parallel_loop3A_187 : vector<16xf32>
        %parallel_loop3A_191 = vector.broadcast %scan3A : f32 to vector<16xf32>
        %parallel_loop3A_192 = arith.minimumf %parallel_loop3A_191, %parallel_loop3A_190 : vector<16xf32>
        %parallel_loop3A_193 = arith.fptosi %parallel_loop3A_192 : vector<16xf32> to vector<16xi32>
        tpu.vector_store_idx %arg5[%parallel_loop3A_193], %broadcast_in_dim3A_15 {add = true} : memref<65536xf32, #tpu.memory_space<vmem>>[vector<16xi32>], vector<16xf32>,
        %parallel_loop3A_194 = arith.constant 64 : i32
        %parallel_loop3A_195 = arith.muli %parallel_loop3A_145, %parallel_loop3A_194 : i32
        %parallel_loop3A_196 = arith.constant 48 : i32
        %parallel_loop3A_197 = arith.addi %parallel_loop3A_195, %parallel_loop3A_196 : i32
        %parallel_loop3A_198 = arith.constant 14 : i32
        %parallel_loop3A_199 = arith.index_cast %parallel_loop3A_198 : i32 to index
        %parallel_loop3A_200 = arith.index_cast %parallel_loop3A_197 : i32 to index
        %parallel_loop3A_201 = tpu.vector_load %arg6[%parallel_loop3A_199, %parallel_loop3A_200] {strides = array<i32>} : memref<16x512xf32, #tpu.memory_space<vmem>>, vector<16xf32>,
        %parallel_loop3A_202 = arith.subf %parallel_loop3A_201, %get3A_12 : vector<16xf32>
        %parallel_loop3A_203 = arith.mulf %parallel_loop3A_202, %get3A_14 : vector<16xf32>
        %parallel_loop3A_204 = arith.constant 0.000000e+00 : f32
        %parallel_loop3A_205 = vector.broadcast %parallel_loop3A_204 : f32 to vector<16xf32>
        %parallel_loop3A_206 = arith.maximumf %parallel_loop3A_205, %parallel_loop3A_203 : vector<16xf32>
        %parallel_loop3A_207 = vector.broadcast %scan3A : f32 to vector<16xf32>
        %parallel_loop3A_208 = arith.minimumf %parallel_loop3A_207, %parallel_loop3A_206 : vector<16xf32>
        %parallel_loop3A_209 = arith.fptosi %parallel_loop3A_208 : vector<16xf32> to vector<16xi32>
        tpu.vector_store_idx %arg5[%parallel_loop3A_209], %broadcast_in_dim3A_15 {add = true} : memref<65536xf32, #tpu.memory_space<vmem>>[vector<16xi32>], vector<16xf32>,
      } {sc.loop_unroll_factor = 4 : i64, sc.parallel_access}
      %parallel_loop3A_80 = arith.constant 0 : i32
      %parallel_loop3A_81 = arith.constant 8 : i32
      %parallel_loop3A_82 = arith.constant 1 : i32
      scf.for %parallel_loop3A_145 = %parallel_loop3A_80 to %parallel_loop3A_81 step %parallel_loop3A_82  : i32 {
        %parallel_loop3A_146 = arith.constant 64 : i32
        %parallel_loop3A_147 = arith.muli %parallel_loop3A_145, %parallel_loop3A_146 : i32
        %parallel_loop3A_148 = arith.constant 0 : i32
        %parallel_loop3A_149 = arith.addi %parallel_loop3A_147, %parallel_loop3A_148 : i32
        %parallel_loop3A_150 = arith.constant 15 : i32
        %parallel_loop3A_151 = arith.index_cast %parallel_loop3A_150 : i32 to index
        %parallel_loop3A_152 = arith.index_cast %parallel_loop3A_149 : i32 to index
        %parallel_loop3A_153 = tpu.vector_load %arg6[%parallel_loop3A_151, %parallel_loop3A_152] {strides = array<i32>} : memref<16x512xf32, #tpu.memory_space<vmem>>, vector<16xf32>,
        %parallel_loop3A_154 = arith.subf %parallel_loop3A_153, %get3A_12 : vector<16xf32>
        %parallel_loop3A_155 = arith.mulf %parallel_loop3A_154, %get3A_14 : vector<16xf32>
        %parallel_loop3A_156 = arith.constant 0.000000e+00 : f32
        %parallel_loop3A_157 = vector.broadcast %parallel_loop3A_156 : f32 to vector<16xf32>
        %parallel_loop3A_158 = arith.maximumf %parallel_loop3A_157, %parallel_loop3A_155 : vector<16xf32>
        %parallel_loop3A_159 = vector.broadcast %scan3A : f32 to vector<16xf32>
        %parallel_loop3A_160 = arith.minimumf %parallel_loop3A_159, %parallel_loop3A_158 : vector<16xf32>
        %parallel_loop3A_161 = arith.fptosi %parallel_loop3A_160 : vector<16xf32> to vector<16xi32>
        tpu.vector_store_idx %arg5[%parallel_loop3A_161], %broadcast_in_dim3A_15 {add = true} : memref<65536xf32, #tpu.memory_space<vmem>>[vector<16xi32>], vector<16xf32>,
        %parallel_loop3A_162 = arith.constant 64 : i32
        %parallel_loop3A_163 = arith.muli %parallel_loop3A_145, %parallel_loop3A_162 : i32
        %parallel_loop3A_164 = arith.constant 16 : i32
        %parallel_loop3A_165 = arith.addi %parallel_loop3A_163, %parallel_loop3A_164 : i32
        %parallel_loop3A_166 = arith.constant 15 : i32
        %parallel_loop3A_167 = arith.index_cast %parallel_loop3A_166 : i32 to index
        %parallel_loop3A_168 = arith.index_cast %parallel_loop3A_165 : i32 to index
        %parallel_loop3A_169 = tpu.vector_load %arg6[%parallel_loop3A_167, %parallel_loop3A_168] {strides = array<i32>} : memref<16x512xf32, #tpu.memory_space<vmem>>, vector<16xf32>,
        %parallel_loop3A_170 = arith.subf %parallel_loop3A_169, %get3A_12 : vector<16xf32>
        %parallel_loop3A_171 = arith.mulf %parallel_loop3A_170, %get3A_14 : vector<16xf32>
        %parallel_loop3A_172 = arith.constant 0.000000e+00 : f32
        %parallel_loop3A_173 = vector.broadcast %parallel_loop3A_172 : f32 to vector<16xf32>
        %parallel_loop3A_174 = arith.maximumf %parallel_loop3A_173, %parallel_loop3A_171 : vector<16xf32>
        %parallel_loop3A_175 = vector.broadcast %scan3A : f32 to vector<16xf32>
        %parallel_loop3A_176 = arith.minimumf %parallel_loop3A_175, %parallel_loop3A_174 : vector<16xf32>
        %parallel_loop3A_177 = arith.fptosi %parallel_loop3A_176 : vector<16xf32> to vector<16xi32>
        tpu.vector_store_idx %arg5[%parallel_loop3A_177], %broadcast_in_dim3A_15 {add = true} : memref<65536xf32, #tpu.memory_space<vmem>>[vector<16xi32>], vector<16xf32>,
        %parallel_loop3A_178 = arith.constant 64 : i32
        %parallel_loop3A_179 = arith.muli %parallel_loop3A_145, %parallel_loop3A_178 : i32
        %parallel_loop3A_180 = arith.constant 32 : i32
        %parallel_loop3A_181 = arith.addi %parallel_loop3A_179, %parallel_loop3A_180 : i32
        %parallel_loop3A_182 = arith.constant 15 : i32
        %parallel_loop3A_183 = arith.index_cast %parallel_loop3A_182 : i32 to index
        %parallel_loop3A_184 = arith.index_cast %parallel_loop3A_181 : i32 to index
        %parallel_loop3A_185 = tpu.vector_load %arg6[%parallel_loop3A_183, %parallel_loop3A_184] {strides = array<i32>} : memref<16x512xf32, #tpu.memory_space<vmem>>, vector<16xf32>,
        %parallel_loop3A_186 = arith.subf %parallel_loop3A_185, %get3A_12 : vector<16xf32>
        %parallel_loop3A_187 = arith.mulf %parallel_loop3A_186, %get3A_14 : vector<16xf32>
        %parallel_loop3A_188 = arith.constant 0.000000e+00 : f32
        %parallel_loop3A_189 = vector.broadcast %parallel_loop3A_188 : f32 to vector<16xf32>
        %parallel_loop3A_190 = arith.maximumf %parallel_loop3A_189, %parallel_loop3A_187 : vector<16xf32>
        %parallel_loop3A_191 = vector.broadcast %scan3A : f32 to vector<16xf32>
        %parallel_loop3A_192 = arith.minimumf %parallel_loop3A_191, %parallel_loop3A_190 : vector<16xf32>
        %parallel_loop3A_193 = arith.fptosi %parallel_loop3A_192 : vector<16xf32> to vector<16xi32>
        tpu.vector_store_idx %arg5[%parallel_loop3A_193], %broadcast_in_dim3A_15 {add = true} : memref<65536xf32, #tpu.memory_space<vmem>>[vector<16xi32>], vector<16xf32>,
        %parallel_loop3A_194 = arith.constant 64 : i32
        %parallel_loop3A_195 = arith.muli %parallel_loop3A_145, %parallel_loop3A_194 : i32
        %parallel_loop3A_196 = arith.constant 48 : i32
        %parallel_loop3A_197 = arith.addi %parallel_loop3A_195, %parallel_loop3A_196 : i32
        %parallel_loop3A_198 = arith.constant 15 : i32
        %parallel_loop3A_199 = arith.index_cast %parallel_loop3A_198 : i32 to index
        %parallel_loop3A_200 = arith.index_cast %parallel_loop3A_197 : i32 to index
        %parallel_loop3A_201 = tpu.vector_load %arg6[%parallel_loop3A_199, %parallel_loop3A_200] {strides = array<i32>} : memref<16x512xf32, #tpu.memory_space<vmem>>, vector<16xf32>,
        %parallel_loop3A_202 = arith.subf %parallel_loop3A_201, %get3A_12 : vector<16xf32>
        %parallel_loop3A_203 = arith.mulf %parallel_loop3A_202, %get3A_14 : vector<16xf32>
        %parallel_loop3A_204 = arith.constant 0.000000e+00 : f32
        %parallel_loop3A_205 = vector.broadcast %parallel_loop3A_204 : f32 to vector<16xf32>
        %parallel_loop3A_206 = arith.maximumf %parallel_loop3A_205, %parallel_loop3A_203 : vector<16xf32>
        %parallel_loop3A_207 = vector.broadcast %scan3A : f32 to vector<16xf32>
        %parallel_loop3A_208 = arith.minimumf %parallel_loop3A_207, %parallel_loop3A_206 : vector<16xf32>
        %parallel_loop3A_209 = arith.fptosi %parallel_loop3A_208 : vector<16xf32> to vector<16xi32>
        tpu.vector_store_idx %arg5[%parallel_loop3A_209], %broadcast_in_dim3A_15 {add = true} : memref<65536xf32, #tpu.memory_space<vmem>>[vector<16xi32>], vector<16xf32>,
      } {sc.loop_unroll_factor = 4 : i64, sc.parallel_access}
      %lt3A = arith.constant 15 : i32
      %lt3A_83 = arith.cmpi slt, %scan3A_25, %lt3A : i32
      %convert_element_type3A = arith.extui %lt3A_83 : i1 to i32
      %cond3A = arith.constant 0 : i32
      %cond3A_84 = arith.cmpi ne, %convert_element_type3A, %cond3A : i32
      scf.if %cond3A_84 {
        %add3A_145 = arith.constant 32 : i32
        %add3A_146 = arith.addi %add3A_31, %add3A_145 : i32
        %dma_start3A_147 = arith.constant 0 : i32
        %dma_start3A_148 = tpu.memref_slice %arg2[%add3A_146, %dma_start3A_147] : memref<16384x512xf32, #tpu.memory_space<hbm>> -> memref<16x512xf32, #tpu.memory_space<hbm>>
        %dma_start3A_149 = arith.constant 0 : i32
        %dma_start3A_150 = tpu.memref_slice %arg2[%add3A_146, %dma_start3A_149] : memref<16384x512xf32, #tpu.memory_space<hbm>> -> memref<16x512xf32, #tpu.memory_space<hbm>>
        tpu.enqueue_dma source(%dma_start3A_150 : memref<16x512xf32, #tpu.memory_space<hbm>>) target(%arg6 : memref<16x512xf32, #tpu.memory_space<vmem>>) target_semaphore(%arg10 : memref<!tpu.dma_semaphore, #tpu.memory_space<semaphore_mem>>)
      } else {
      }
      %add3A_85 = arith.constant 16 : i32
      %add3A_86 = arith.addi %add3A_31, %add3A_85 : i32
      %dma_wait3A_87 = arith.constant 0 : i32
      %dma_wait3A_88 = tpu.memref_slice %arg2[%add3A_86, %dma_wait3A_87] : memref<16384x512xf32, #tpu.memory_space<hbm>> -> memref<16x512xf32, #tpu.memory_space<hbm>>
      %dma_wait3A_89 = arith.constant 0 : i32
      %dma_wait3A_90 = tpu.memref_slice %arg2[%add3A_86, %dma_wait3A_89] : memref<16384x512xf32, #tpu.memory_space<hbm>> -> memref<16x512xf32, #tpu.memory_space<hbm>>
      tpu.wait_dma2 semaphore(%arg11 : memref<!tpu.dma_semaphore, #tpu.memory_space<semaphore_mem>>) src(%dma_wait3A_90 : memref<16x512xf32, #tpu.memory_space<hbm>>) dst(%arg7 : memref<16x512xf32, #tpu.memory_space<vmem>>)
      %parallel_loop3A_91 = arith.constant 0 : i32
      %parallel_loop3A_92 = arith.constant 8 : i32
      %parallel_loop3A_93 = arith.constant 1 : i32
      scf.for %parallel_loop3A_145 = %parallel_loop3A_91 to %parallel_loop3A_92 step %parallel_loop3A_93  : i32 {
        %parallel_loop3A_146 = arith.constant 64 : i32
        %parallel_loop3A_147 = arith.muli %parallel_loop3A_145, %parallel_loop3A_146 : i32
        %parallel_loop3A_148 = arith.constant 0 : i32
        %parallel_loop3A_149 = arith.addi %parallel_loop3A_147, %parallel_loop3A_148 : i32
        %parallel_loop3A_150 = arith.constant 0 : i32
        %parallel_loop3A_151 = arith.index_cast %parallel_loop3A_150 : i32 to index
        %parallel_loop3A_152 = arith.index_cast %parallel_loop3A_149 : i32 to index
        %parallel_loop3A_153 = tpu.vector_load %arg7[%parallel_loop3A_151, %parallel_loop3A_152] {strides = array<i32>} : memref<16x512xf32, #tpu.memory_space<vmem>>, vector<16xf32>,
        %parallel_loop3A_154 = arith.subf %parallel_loop3A_153, %get3A_12 : vector<16xf32>
        %parallel_loop3A_155 = arith.mulf %parallel_loop3A_154, %get3A_14 : vector<16xf32>
        %parallel_loop3A_156 = arith.constant 0.000000e+00 : f32
        %parallel_loop3A_157 = vector.broadcast %parallel_loop3A_156 : f32 to vector<16xf32>
        %parallel_loop3A_158 = arith.maximumf %parallel_loop3A_157, %parallel_loop3A_155 : vector<16xf32>
        %parallel_loop3A_159 = vector.broadcast %scan3A : f32 to vector<16xf32>
        %parallel_loop3A_160 = arith.minimumf %parallel_loop3A_159, %parallel_loop3A_158 : vector<16xf32>
        %parallel_loop3A_161 = arith.fptosi %parallel_loop3A_160 : vector<16xf32> to vector<16xi32>
        tpu.vector_store_idx %arg5[%parallel_loop3A_161], %broadcast_in_dim3A_15 {add = true} : memref<65536xf32, #tpu.memory_space<vmem>>[vector<16xi32>], vector<16xf32>,
        %parallel_loop3A_162 = arith.constant 64 : i32
        %parallel_loop3A_163 = arith.muli %parallel_loop3A_145, %parallel_loop3A_162 : i32
        %parallel_loop3A_164 = arith.constant 16 : i32
        %parallel_loop3A_165 = arith.addi %parallel_loop3A_163, %parallel_loop3A_164 : i32
        %parallel_loop3A_166 = arith.constant 0 : i32
        %parallel_loop3A_167 = arith.index_cast %parallel_loop3A_166 : i32 to index
        %parallel_loop3A_168 = arith.index_cast %parallel_loop3A_165 : i32 to index
        %parallel_loop3A_169 = tpu.vector_load %arg7[%parallel_loop3A_167, %parallel_loop3A_168] {strides = array<i32>} : memref<16x512xf32, #tpu.memory_space<vmem>>, vector<16xf32>,
        %parallel_loop3A_170 = arith.subf %parallel_loop3A_169, %get3A_12 : vector<16xf32>
        %parallel_loop3A_171 = arith.mulf %parallel_loop3A_170, %get3A_14 : vector<16xf32>
        %parallel_loop3A_172 = arith.constant 0.000000e+00 : f32
        %parallel_loop3A_173 = vector.broadcast %parallel_loop3A_172 : f32 to vector<16xf32>
        %parallel_loop3A_174 = arith.maximumf %parallel_loop3A_173, %parallel_loop3A_171 : vector<16xf32>
        %parallel_loop3A_175 = vector.broadcast %scan3A : f32 to vector<16xf32>
        %parallel_loop3A_176 = arith.minimumf %parallel_loop3A_175, %parallel_loop3A_174 : vector<16xf32>
        %parallel_loop3A_177 = arith.fptosi %parallel_loop3A_176 : vector<16xf32> to vector<16xi32>
        tpu.vector_store_idx %arg5[%parallel_loop3A_177], %broadcast_in_dim3A_15 {add = true} : memref<65536xf32, #tpu.memory_space<vmem>>[vector<16xi32>], vector<16xf32>,
        %parallel_loop3A_178 = arith.constant 64 : i32
        %parallel_loop3A_179 = arith.muli %parallel_loop3A_145, %parallel_loop3A_178 : i32
        %parallel_loop3A_180 = arith.constant 32 : i32
        %parallel_loop3A_181 = arith.addi %parallel_loop3A_179, %parallel_loop3A_180 : i32
        %parallel_loop3A_182 = arith.constant 0 : i32
        %parallel_loop3A_183 = arith.index_cast %parallel_loop3A_182 : i32 to index
        %parallel_loop3A_184 = arith.index_cast %parallel_loop3A_181 : i32 to index
        %parallel_loop3A_185 = tpu.vector_load %arg7[%parallel_loop3A_183, %parallel_loop3A_184] {strides = array<i32>} : memref<16x512xf32, #tpu.memory_space<vmem>>, vector<16xf32>,
        %parallel_loop3A_186 = arith.subf %parallel_loop3A_185, %get3A_12 : vector<16xf32>
        %parallel_loop3A_187 = arith.mulf %parallel_loop3A_186, %get3A_14 : vector<16xf32>
        %parallel_loop3A_188 = arith.constant 0.000000e+00 : f32
        %parallel_loop3A_189 = vector.broadcast %parallel_loop3A_188 : f32 to vector<16xf32>
        %parallel_loop3A_190 = arith.maximumf %parallel_loop3A_189, %parallel_loop3A_187 : vector<16xf32>
        %parallel_loop3A_191 = vector.broadcast %scan3A : f32 to vector<16xf32>
        %parallel_loop3A_192 = arith.minimumf %parallel_loop3A_191, %parallel_loop3A_190 : vector<16xf32>
        %parallel_loop3A_193 = arith.fptosi %parallel_loop3A_192 : vector<16xf32> to vector<16xi32>
        tpu.vector_store_idx %arg5[%parallel_loop3A_193], %broadcast_in_dim3A_15 {add = true} : memref<65536xf32, #tpu.memory_space<vmem>>[vector<16xi32>], vector<16xf32>,
        %parallel_loop3A_194 = arith.constant 64 : i32
        %parallel_loop3A_195 = arith.muli %parallel_loop3A_145, %parallel_loop3A_194 : i32
        %parallel_loop3A_196 = arith.constant 48 : i32
        %parallel_loop3A_197 = arith.addi %parallel_loop3A_195, %parallel_loop3A_196 : i32
        %parallel_loop3A_198 = arith.constant 0 : i32
        %parallel_loop3A_199 = arith.index_cast %parallel_loop3A_198 : i32 to index
        %parallel_loop3A_200 = arith.index_cast %parallel_loop3A_197 : i32 to index
        %parallel_loop3A_201 = tpu.vector_load %arg7[%parallel_loop3A_199, %parallel_loop3A_200] {strides = array<i32>} : memref<16x512xf32, #tpu.memory_space<vmem>>, vector<16xf32>,
        %parallel_loop3A_202 = arith.subf %parallel_loop3A_201, %get3A_12 : vector<16xf32>
        %parallel_loop3A_203 = arith.mulf %parallel_loop3A_202, %get3A_14 : vector<16xf32>
        %parallel_loop3A_204 = arith.constant 0.000000e+00 : f32
        %parallel_loop3A_205 = vector.broadcast %parallel_loop3A_204 : f32 to vector<16xf32>
        %parallel_loop3A_206 = arith.maximumf %parallel_loop3A_205, %parallel_loop3A_203 : vector<16xf32>
        %parallel_loop3A_207 = vector.broadcast %scan3A : f32 to vector<16xf32>
        %parallel_loop3A_208 = arith.minimumf %parallel_loop3A_207, %parallel_loop3A_206 : vector<16xf32>
        %parallel_loop3A_209 = arith.fptosi %parallel_loop3A_208 : vector<16xf32> to vector<16xi32>
        tpu.vector_store_idx %arg5[%parallel_loop3A_209], %broadcast_in_dim3A_15 {add = true} : memref<65536xf32, #tpu.memory_space<vmem>>[vector<16xi32>], vector<16xf32>,
      } {sc.loop_unroll_factor = 4 : i64, sc.parallel_access}
      %parallel_loop3A_94 = arith.constant 0 : i32
      %parallel_loop3A_95 = arith.constant 8 : i32
      %parallel_loop3A_96 = arith.constant 1 : i32
      scf.for %parallel_loop3A_145 = %parallel_loop3A_94 to %parallel_loop3A_95 step %parallel_loop3A_96  : i32 {
        %parallel_loop3A_146 = arith.constant 64 : i32
        %parallel_loop3A_147 = arith.muli %parallel_loop3A_145, %parallel_loop3A_146 : i32
        %parallel_loop3A_148 = arith.constant 0 : i32
        %parallel_loop3A_149 = arith.addi %parallel_loop3A_147, %parallel_loop3A_148 : i32
        %parallel_loop3A_150 = arith.constant 1 : i32
        %parallel_loop3A_151 = arith.index_cast %parallel_loop3A_150 : i32 to index
        %parallel_loop3A_152 = arith.index_cast %parallel_loop3A_149 : i32 to index
        %parallel_loop3A_153 = tpu.vector_load %arg7[%parallel_loop3A_151, %parallel_loop3A_152] {strides = array<i32>} : memref<16x512xf32, #tpu.memory_space<vmem>>, vector<16xf32>,
        %parallel_loop3A_154 = arith.subf %parallel_loop3A_153, %get3A_12 : vector<16xf32>
        %parallel_loop3A_155 = arith.mulf %parallel_loop3A_154, %get3A_14 : vector<16xf32>
        %parallel_loop3A_156 = arith.constant 0.000000e+00 : f32
        %parallel_loop3A_157 = vector.broadcast %parallel_loop3A_156 : f32 to vector<16xf32>
        %parallel_loop3A_158 = arith.maximumf %parallel_loop3A_157, %parallel_loop3A_155 : vector<16xf32>
        %parallel_loop3A_159 = vector.broadcast %scan3A : f32 to vector<16xf32>
        %parallel_loop3A_160 = arith.minimumf %parallel_loop3A_159, %parallel_loop3A_158 : vector<16xf32>
        %parallel_loop3A_161 = arith.fptosi %parallel_loop3A_160 : vector<16xf32> to vector<16xi32>
        tpu.vector_store_idx %arg5[%parallel_loop3A_161], %broadcast_in_dim3A_15 {add = true} : memref<65536xf32, #tpu.memory_space<vmem>>[vector<16xi32>], vector<16xf32>,
        %parallel_loop3A_162 = arith.constant 64 : i32
        %parallel_loop3A_163 = arith.muli %parallel_loop3A_145, %parallel_loop3A_162 : i32
        %parallel_loop3A_164 = arith.constant 16 : i32
        %parallel_loop3A_165 = arith.addi %parallel_loop3A_163, %parallel_loop3A_164 : i32
        %parallel_loop3A_166 = arith.constant 1 : i32
        %parallel_loop3A_167 = arith.index_cast %parallel_loop3A_166 : i32 to index
        %parallel_loop3A_168 = arith.index_cast %parallel_loop3A_165 : i32 to index
        %parallel_loop3A_169 = tpu.vector_load %arg7[%parallel_loop3A_167, %parallel_loop3A_168] {strides = array<i32>} : memref<16x512xf32, #tpu.memory_space<vmem>>, vector<16xf32>,
        %parallel_loop3A_170 = arith.subf %parallel_loop3A_169, %get3A_12 : vector<16xf32>
        %parallel_loop3A_171 = arith.mulf %parallel_loop3A_170, %get3A_14 : vector<16xf32>
        %parallel_loop3A_172 = arith.constant 0.000000e+00 : f32
        %parallel_loop3A_173 = vector.broadcast %parallel_loop3A_172 : f32 to vector<16xf32>
        %parallel_loop3A_174 = arith.maximumf %parallel_loop3A_173, %parallel_loop3A_171 : vector<16xf32>
        %parallel_loop3A_175 = vector.broadcast %scan3A : f32 to vector<16xf32>
        %parallel_loop3A_176 = arith.minimumf %parallel_loop3A_175, %parallel_loop3A_174 : vector<16xf32>
        %parallel_loop3A_177 = arith.fptosi %parallel_loop3A_176 : vector<16xf32> to vector<16xi32>
        tpu.vector_store_idx %arg5[%parallel_loop3A_177], %broadcast_in_dim3A_15 {add = true} : memref<65536xf32, #tpu.memory_space<vmem>>[vector<16xi32>], vector<16xf32>,
        %parallel_loop3A_178 = arith.constant 64 : i32
        %parallel_loop3A_179 = arith.muli %parallel_loop3A_145, %parallel_loop3A_178 : i32
        %parallel_loop3A_180 = arith.constant 32 : i32
        %parallel_loop3A_181 = arith.addi %parallel_loop3A_179, %parallel_loop3A_180 : i32
        %parallel_loop3A_182 = arith.constant 1 : i32
        %parallel_loop3A_183 = arith.index_cast %parallel_loop3A_182 : i32 to index
        %parallel_loop3A_184 = arith.index_cast %parallel_loop3A_181 : i32 to index
        %parallel_loop3A_185 = tpu.vector_load %arg7[%parallel_loop3A_183, %parallel_loop3A_184] {strides = array<i32>} : memref<16x512xf32, #tpu.memory_space<vmem>>, vector<16xf32>,
        %parallel_loop3A_186 = arith.subf %parallel_loop3A_185, %get3A_12 : vector<16xf32>
        %parallel_loop3A_187 = arith.mulf %parallel_loop3A_186, %get3A_14 : vector<16xf32>
        %parallel_loop3A_188 = arith.constant 0.000000e+00 : f32
        %parallel_loop3A_189 = vector.broadcast %parallel_loop3A_188 : f32 to vector<16xf32>
        %parallel_loop3A_190 = arith.maximumf %parallel_loop3A_189, %parallel_loop3A_187 : vector<16xf32>
        %parallel_loop3A_191 = vector.broadcast %scan3A : f32 to vector<16xf32>
        %parallel_loop3A_192 = arith.minimumf %parallel_loop3A_191, %parallel_loop3A_190 : vector<16xf32>
        %parallel_loop3A_193 = arith.fptosi %parallel_loop3A_192 : vector<16xf32> to vector<16xi32>
        tpu.vector_store_idx %arg5[%parallel_loop3A_193], %broadcast_in_dim3A_15 {add = true} : memref<65536xf32, #tpu.memory_space<vmem>>[vector<16xi32>], vector<16xf32>,
        %parallel_loop3A_194 = arith.constant 64 : i32
        %parallel_loop3A_195 = arith.muli %parallel_loop3A_145, %parallel_loop3A_194 : i32
        %parallel_loop3A_196 = arith.constant 48 : i32
        %parallel_loop3A_197 = arith.addi %parallel_loop3A_195, %parallel_loop3A_196 : i32
        %parallel_loop3A_198 = arith.constant 1 : i32
        %parallel_loop3A_199 = arith.index_cast %parallel_loop3A_198 : i32 to index
        %parallel_loop3A_200 = arith.index_cast %parallel_loop3A_197 : i32 to index
        %parallel_loop3A_201 = tpu.vector_load %arg7[%parallel_loop3A_199, %parallel_loop3A_200] {strides = array<i32>} : memref<16x512xf32, #tpu.memory_space<vmem>>, vector<16xf32>,
        %parallel_loop3A_202 = arith.subf %parallel_loop3A_201, %get3A_12 : vector<16xf32>
        %parallel_loop3A_203 = arith.mulf %parallel_loop3A_202, %get3A_14 : vector<16xf32>
        %parallel_loop3A_204 = arith.constant 0.000000e+00 : f32
        %parallel_loop3A_205 = vector.broadcast %parallel_loop3A_204 : f32 to vector<16xf32>
        %parallel_loop3A_206 = arith.maximumf %parallel_loop3A_205, %parallel_loop3A_203 : vector<16xf32>
        %parallel_loop3A_207 = vector.broadcast %scan3A : f32 to vector<16xf32>
        %parallel_loop3A_208 = arith.minimumf %parallel_loop3A_207, %parallel_loop3A_206 : vector<16xf32>
        %parallel_loop3A_209 = arith.fptosi %parallel_loop3A_208 : vector<16xf32> to vector<16xi32>
        tpu.vector_store_idx %arg5[%parallel_loop3A_209], %broadcast_in_dim3A_15 {add = true} : memref<65536xf32, #tpu.memory_space<vmem>>[vector<16xi32>], vector<16xf32>,
      } {sc.loop_unroll_factor = 4 : i64, sc.parallel_access}
      %parallel_loop3A_97 = arith.constant 0 : i32
      %parallel_loop3A_98 = arith.constant 8 : i32
      %parallel_loop3A_99 = arith.constant 1 : i32
      scf.for %parallel_loop3A_145 = %parallel_loop3A_97 to %parallel_loop3A_98 step %parallel_loop3A_99  : i32 {
        %parallel_loop3A_146 = arith.constant 64 : i32
        %parallel_loop3A_147 = arith.muli %parallel_loop3A_145, %parallel_loop3A_146 : i32
        %parallel_loop3A_148 = arith.constant 0 : i32
        %parallel_loop3A_149 = arith.addi %parallel_loop3A_147, %parallel_loop3A_148 : i32
        %parallel_loop3A_150 = arith.constant 2 : i32
        %parallel_loop3A_151 = arith.index_cast %parallel_loop3A_150 : i32 to index
        %parallel_loop3A_152 = arith.index_cast %parallel_loop3A_149 : i32 to index
        %parallel_loop3A_153 = tpu.vector_load %arg7[%parallel_loop3A_151, %parallel_loop3A_152] {strides = array<i32>} : memref<16x512xf32, #tpu.memory_space<vmem>>, vector<16xf32>,
        %parallel_loop3A_154 = arith.subf %parallel_loop3A_153, %get3A_12 : vector<16xf32>
        %parallel_loop3A_155 = arith.mulf %parallel_loop3A_154, %get3A_14 : vector<16xf32>
        %parallel_loop3A_156 = arith.constant 0.000000e+00 : f32
        %parallel_loop3A_157 = vector.broadcast %parallel_loop3A_156 : f32 to vector<16xf32>
        %parallel_loop3A_158 = arith.maximumf %parallel_loop3A_157, %parallel_loop3A_155 : vector<16xf32>
        %parallel_loop3A_159 = vector.broadcast %scan3A : f32 to vector<16xf32>
        %parallel_loop3A_160 = arith.minimumf %parallel_loop3A_159, %parallel_loop3A_158 : vector<16xf32>
        %parallel_loop3A_161 = arith.fptosi %parallel_loop3A_160 : vector<16xf32> to vector<16xi32>
        tpu.vector_store_idx %arg5[%parallel_loop3A_161], %broadcast_in_dim3A_15 {add = true} : memref<65536xf32, #tpu.memory_space<vmem>>[vector<16xi32>], vector<16xf32>,
        %parallel_loop3A_162 = arith.constant 64 : i32
        %parallel_loop3A_163 = arith.muli %parallel_loop3A_145, %parallel_loop3A_162 : i32
        %parallel_loop3A_164 = arith.constant 16 : i32
        %parallel_loop3A_165 = arith.addi %parallel_loop3A_163, %parallel_loop3A_164 : i32
        %parallel_loop3A_166 = arith.constant 2 : i32
        %parallel_loop3A_167 = arith.index_cast %parallel_loop3A_166 : i32 to index
        %parallel_loop3A_168 = arith.index_cast %parallel_loop3A_165 : i32 to index
        %parallel_loop3A_169 = tpu.vector_load %arg7[%parallel_loop3A_167, %parallel_loop3A_168] {strides = array<i32>} : memref<16x512xf32, #tpu.memory_space<vmem>>, vector<16xf32>,
        %parallel_loop3A_170 = arith.subf %parallel_loop3A_169, %get3A_12 : vector<16xf32>
        %parallel_loop3A_171 = arith.mulf %parallel_loop3A_170, %get3A_14 : vector<16xf32>
        %parallel_loop3A_172 = arith.constant 0.000000e+00 : f32
        %parallel_loop3A_173 = vector.broadcast %parallel_loop3A_172 : f32 to vector<16xf32>
        %parallel_loop3A_174 = arith.maximumf %parallel_loop3A_173, %parallel_loop3A_171 : vector<16xf32>
        %parallel_loop3A_175 = vector.broadcast %scan3A : f32 to vector<16xf32>
        %parallel_loop3A_176 = arith.minimumf %parallel_loop3A_175, %parallel_loop3A_174 : vector<16xf32>
        %parallel_loop3A_177 = arith.fptosi %parallel_loop3A_176 : vector<16xf32> to vector<16xi32>
        tpu.vector_store_idx %arg5[%parallel_loop3A_177], %broadcast_in_dim3A_15 {add = true} : memref<65536xf32, #tpu.memory_space<vmem>>[vector<16xi32>], vector<16xf32>,
        %parallel_loop3A_178 = arith.constant 64 : i32
        %parallel_loop3A_179 = arith.muli %parallel_loop3A_145, %parallel_loop3A_178 : i32
        %parallel_loop3A_180 = arith.constant 32 : i32
        %parallel_loop3A_181 = arith.addi %parallel_loop3A_179, %parallel_loop3A_180 : i32
        %parallel_loop3A_182 = arith.constant 2 : i32
        %parallel_loop3A_183 = arith.index_cast %parallel_loop3A_182 : i32 to index
        %parallel_loop3A_184 = arith.index_cast %parallel_loop3A_181 : i32 to index
        %parallel_loop3A_185 = tpu.vector_load %arg7[%parallel_loop3A_183, %parallel_loop3A_184] {strides = array<i32>} : memref<16x512xf32, #tpu.memory_space<vmem>>, vector<16xf32>,
        %parallel_loop3A_186 = arith.subf %parallel_loop3A_185, %get3A_12 : vector<16xf32>
        %parallel_loop3A_187 = arith.mulf %parallel_loop3A_186, %get3A_14 : vector<16xf32>
        %parallel_loop3A_188 = arith.constant 0.000000e+00 : f32
        %parallel_loop3A_189 = vector.broadcast %parallel_loop3A_188 : f32 to vector<16xf32>
        %parallel_loop3A_190 = arith.maximumf %parallel_loop3A_189, %parallel_loop3A_187 : vector<16xf32>
        %parallel_loop3A_191 = vector.broadcast %scan3A : f32 to vector<16xf32>
        %parallel_loop3A_192 = arith.minimumf %parallel_loop3A_191, %parallel_loop3A_190 : vector<16xf32>
        %parallel_loop3A_193 = arith.fptosi %parallel_loop3A_192 : vector<16xf32> to vector<16xi32>
        tpu.vector_store_idx %arg5[%parallel_loop3A_193], %broadcast_in_dim3A_15 {add = true} : memref<65536xf32, #tpu.memory_space<vmem>>[vector<16xi32>], vector<16xf32>,
        %parallel_loop3A_194 = arith.constant 64 : i32
        %parallel_loop3A_195 = arith.muli %parallel_loop3A_145, %parallel_loop3A_194 : i32
        %parallel_loop3A_196 = arith.constant 48 : i32
        %parallel_loop3A_197 = arith.addi %parallel_loop3A_195, %parallel_loop3A_196 : i32
        %parallel_loop3A_198 = arith.constant 2 : i32
        %parallel_loop3A_199 = arith.index_cast %parallel_loop3A_198 : i32 to index
        %parallel_loop3A_200 = arith.index_cast %parallel_loop3A_197 : i32 to index
        %parallel_loop3A_201 = tpu.vector_load %arg7[%parallel_loop3A_199, %parallel_loop3A_200] {strides = array<i32>} : memref<16x512xf32, #tpu.memory_space<vmem>>, vector<16xf32>,
        %parallel_loop3A_202 = arith.subf %parallel_loop3A_201, %get3A_12 : vector<16xf32>
        %parallel_loop3A_203 = arith.mulf %parallel_loop3A_202, %get3A_14 : vector<16xf32>
        %parallel_loop3A_204 = arith.constant 0.000000e+00 : f32
        %parallel_loop3A_205 = vector.broadcast %parallel_loop3A_204 : f32 to vector<16xf32>
        %parallel_loop3A_206 = arith.maximumf %parallel_loop3A_205, %parallel_loop3A_203 : vector<16xf32>
        %parallel_loop3A_207 = vector.broadcast %scan3A : f32 to vector<16xf32>
        %parallel_loop3A_208 = arith.minimumf %parallel_loop3A_207, %parallel_loop3A_206 : vector<16xf32>
        %parallel_loop3A_209 = arith.fptosi %parallel_loop3A_208 : vector<16xf32> to vector<16xi32>
        tpu.vector_store_idx %arg5[%parallel_loop3A_209], %broadcast_in_dim3A_15 {add = true} : memref<65536xf32, #tpu.memory_space<vmem>>[vector<16xi32>], vector<16xf32>,
      } {sc.loop_unroll_factor = 4 : i64, sc.parallel_access}
      %parallel_loop3A_100 = arith.constant 0 : i32
      %parallel_loop3A_101 = arith.constant 8 : i32
      %parallel_loop3A_102 = arith.constant 1 : i32
      scf.for %parallel_loop3A_145 = %parallel_loop3A_100 to %parallel_loop3A_101 step %parallel_loop3A_102  : i32 {
        %parallel_loop3A_146 = arith.constant 64 : i32
        %parallel_loop3A_147 = arith.muli %parallel_loop3A_145, %parallel_loop3A_146 : i32
        %parallel_loop3A_148 = arith.constant 0 : i32
        %parallel_loop3A_149 = arith.addi %parallel_loop3A_147, %parallel_loop3A_148 : i32
        %parallel_loop3A_150 = arith.constant 3 : i32
        %parallel_loop3A_151 = arith.index_cast %parallel_loop3A_150 : i32 to index
        %parallel_loop3A_152 = arith.index_cast %parallel_loop3A_149 : i32 to index
        %parallel_loop3A_153 = tpu.vector_load %arg7[%parallel_loop3A_151, %parallel_loop3A_152] {strides = array<i32>} : memref<16x512xf32, #tpu.memory_space<vmem>>, vector<16xf32>,
        %parallel_loop3A_154 = arith.subf %parallel_loop3A_153, %get3A_12 : vector<16xf32>
        %parallel_loop3A_155 = arith.mulf %parallel_loop3A_154, %get3A_14 : vector<16xf32>
        %parallel_loop3A_156 = arith.constant 0.000000e+00 : f32
        %parallel_loop3A_157 = vector.broadcast %parallel_loop3A_156 : f32 to vector<16xf32>
        %parallel_loop3A_158 = arith.maximumf %parallel_loop3A_157, %parallel_loop3A_155 : vector<16xf32>
        %parallel_loop3A_159 = vector.broadcast %scan3A : f32 to vector<16xf32>
        %parallel_loop3A_160 = arith.minimumf %parallel_loop3A_159, %parallel_loop3A_158 : vector<16xf32>
        %parallel_loop3A_161 = arith.fptosi %parallel_loop3A_160 : vector<16xf32> to vector<16xi32>
        tpu.vector_store_idx %arg5[%parallel_loop3A_161], %broadcast_in_dim3A_15 {add = true} : memref<65536xf32, #tpu.memory_space<vmem>>[vector<16xi32>], vector<16xf32>,
        %parallel_loop3A_162 = arith.constant 64 : i32
        %parallel_loop3A_163 = arith.muli %parallel_loop3A_145, %parallel_loop3A_162 : i32
        %parallel_loop3A_164 = arith.constant 16 : i32
        %parallel_loop3A_165 = arith.addi %parallel_loop3A_163, %parallel_loop3A_164 : i32
        %parallel_loop3A_166 = arith.constant 3 : i32
        %parallel_loop3A_167 = arith.index_cast %parallel_loop3A_166 : i32 to index
        %parallel_loop3A_168 = arith.index_cast %parallel_loop3A_165 : i32 to index
        %parallel_loop3A_169 = tpu.vector_load %arg7[%parallel_loop3A_167, %parallel_loop3A_168] {strides = array<i32>} : memref<16x512xf32, #tpu.memory_space<vmem>>, vector<16xf32>,
        %parallel_loop3A_170 = arith.subf %parallel_loop3A_169, %get3A_12 : vector<16xf32>
        %parallel_loop3A_171 = arith.mulf %parallel_loop3A_170, %get3A_14 : vector<16xf32>
        %parallel_loop3A_172 = arith.constant 0.000000e+00 : f32
        %parallel_loop3A_173 = vector.broadcast %parallel_loop3A_172 : f32 to vector<16xf32>
        %parallel_loop3A_174 = arith.maximumf %parallel_loop3A_173, %parallel_loop3A_171 : vector<16xf32>
        %parallel_loop3A_175 = vector.broadcast %scan3A : f32 to vector<16xf32>
        %parallel_loop3A_176 = arith.minimumf %parallel_loop3A_175, %parallel_loop3A_174 : vector<16xf32>
        %parallel_loop3A_177 = arith.fptosi %parallel_loop3A_176 : vector<16xf32> to vector<16xi32>
        tpu.vector_store_idx %arg5[%parallel_loop3A_177], %broadcast_in_dim3A_15 {add = true} : memref<65536xf32, #tpu.memory_space<vmem>>[vector<16xi32>], vector<16xf32>,
        %parallel_loop3A_178 = arith.constant 64 : i32
        %parallel_loop3A_179 = arith.muli %parallel_loop3A_145, %parallel_loop3A_178 : i32
        %parallel_loop3A_180 = arith.constant 32 : i32
        %parallel_loop3A_181 = arith.addi %parallel_loop3A_179, %parallel_loop3A_180 : i32
        %parallel_loop3A_182 = arith.constant 3 : i32
        %parallel_loop3A_183 = arith.index_cast %parallel_loop3A_182 : i32 to index
        %parallel_loop3A_184 = arith.index_cast %parallel_loop3A_181 : i32 to index
        %parallel_loop3A_185 = tpu.vector_load %arg7[%parallel_loop3A_183, %parallel_loop3A_184] {strides = array<i32>} : memref<16x512xf32, #tpu.memory_space<vmem>>, vector<16xf32>,
        %parallel_loop3A_186 = arith.subf %parallel_loop3A_185, %get3A_12 : vector<16xf32>
        %parallel_loop3A_187 = arith.mulf %parallel_loop3A_186, %get3A_14 : vector<16xf32>
        %parallel_loop3A_188 = arith.constant 0.000000e+00 : f32
        %parallel_loop3A_189 = vector.broadcast %parallel_loop3A_188 : f32 to vector<16xf32>
        %parallel_loop3A_190 = arith.maximumf %parallel_loop3A_189, %parallel_loop3A_187 : vector<16xf32>
        %parallel_loop3A_191 = vector.broadcast %scan3A : f32 to vector<16xf32>
        %parallel_loop3A_192 = arith.minimumf %parallel_loop3A_191, %parallel_loop3A_190 : vector<16xf32>
        %parallel_loop3A_193 = arith.fptosi %parallel_loop3A_192 : vector<16xf32> to vector<16xi32>
        tpu.vector_store_idx %arg5[%parallel_loop3A_193], %broadcast_in_dim3A_15 {add = true} : memref<65536xf32, #tpu.memory_space<vmem>>[vector<16xi32>], vector<16xf32>,
        %parallel_loop3A_194 = arith.constant 64 : i32
        %parallel_loop3A_195 = arith.muli %parallel_loop3A_145, %parallel_loop3A_194 : i32
        %parallel_loop3A_196 = arith.constant 48 : i32
        %parallel_loop3A_197 = arith.addi %parallel_loop3A_195, %parallel_loop3A_196 : i32
        %parallel_loop3A_198 = arith.constant 3 : i32
        %parallel_loop3A_199 = arith.index_cast %parallel_loop3A_198 : i32 to index
        %parallel_loop3A_200 = arith.index_cast %parallel_loop3A_197 : i32 to index
        %parallel_loop3A_201 = tpu.vector_load %arg7[%parallel_loop3A_199, %parallel_loop3A_200] {strides = array<i32>} : memref<16x512xf32, #tpu.memory_space<vmem>>, vector<16xf32>,
        %parallel_loop3A_202 = arith.subf %parallel_loop3A_201, %get3A_12 : vector<16xf32>
        %parallel_loop3A_203 = arith.mulf %parallel_loop3A_202, %get3A_14 : vector<16xf32>
        %parallel_loop3A_204 = arith.constant 0.000000e+00 : f32
        %parallel_loop3A_205 = vector.broadcast %parallel_loop3A_204 : f32 to vector<16xf32>
        %parallel_loop3A_206 = arith.maximumf %parallel_loop3A_205, %parallel_loop3A_203 : vector<16xf32>
        %parallel_loop3A_207 = vector.broadcast %scan3A : f32 to vector<16xf32>
        %parallel_loop3A_208 = arith.minimumf %parallel_loop3A_207, %parallel_loop3A_206 : vector<16xf32>
        %parallel_loop3A_209 = arith.fptosi %parallel_loop3A_208 : vector<16xf32> to vector<16xi32>
        tpu.vector_store_idx %arg5[%parallel_loop3A_209], %broadcast_in_dim3A_15 {add = true} : memref<65536xf32, #tpu.memory_space<vmem>>[vector<16xi32>], vector<16xf32>,
      } {sc.loop_unroll_factor = 4 : i64, sc.parallel_access}
      %parallel_loop3A_103 = arith.constant 0 : i32
      %parallel_loop3A_104 = arith.constant 8 : i32
      %parallel_loop3A_105 = arith.constant 1 : i32
      scf.for %parallel_loop3A_145 = %parallel_loop3A_103 to %parallel_loop3A_104 step %parallel_loop3A_105  : i32 {
        %parallel_loop3A_146 = arith.constant 64 : i32
        %parallel_loop3A_147 = arith.muli %parallel_loop3A_145, %parallel_loop3A_146 : i32
        %parallel_loop3A_148 = arith.constant 0 : i32
        %parallel_loop3A_149 = arith.addi %parallel_loop3A_147, %parallel_loop3A_148 : i32
        %parallel_loop3A_150 = arith.constant 4 : i32
        %parallel_loop3A_151 = arith.index_cast %parallel_loop3A_150 : i32 to index
        %parallel_loop3A_152 = arith.index_cast %parallel_loop3A_149 : i32 to index
        %parallel_loop3A_153 = tpu.vector_load %arg7[%parallel_loop3A_151, %parallel_loop3A_152] {strides = array<i32>} : memref<16x512xf32, #tpu.memory_space<vmem>>, vector<16xf32>,
        %parallel_loop3A_154 = arith.subf %parallel_loop3A_153, %get3A_12 : vector<16xf32>
        %parallel_loop3A_155 = arith.mulf %parallel_loop3A_154, %get3A_14 : vector<16xf32>
        %parallel_loop3A_156 = arith.constant 0.000000e+00 : f32
        %parallel_loop3A_157 = vector.broadcast %parallel_loop3A_156 : f32 to vector<16xf32>
        %parallel_loop3A_158 = arith.maximumf %parallel_loop3A_157, %parallel_loop3A_155 : vector<16xf32>
        %parallel_loop3A_159 = vector.broadcast %scan3A : f32 to vector<16xf32>
        %parallel_loop3A_160 = arith.minimumf %parallel_loop3A_159, %parallel_loop3A_158 : vector<16xf32>
        %parallel_loop3A_161 = arith.fptosi %parallel_loop3A_160 : vector<16xf32> to vector<16xi32>
        tpu.vector_store_idx %arg5[%parallel_loop3A_161], %broadcast_in_dim3A_15 {add = true} : memref<65536xf32, #tpu.memory_space<vmem>>[vector<16xi32>], vector<16xf32>,
        %parallel_loop3A_162 = arith.constant 64 : i32
        %parallel_loop3A_163 = arith.muli %parallel_loop3A_145, %parallel_loop3A_162 : i32
        %parallel_loop3A_164 = arith.constant 16 : i32
        %parallel_loop3A_165 = arith.addi %parallel_loop3A_163, %parallel_loop3A_164 : i32
        %parallel_loop3A_166 = arith.constant 4 : i32
        %parallel_loop3A_167 = arith.index_cast %parallel_loop3A_166 : i32 to index
        %parallel_loop3A_168 = arith.index_cast %parallel_loop3A_165 : i32 to index
        %parallel_loop3A_169 = tpu.vector_load %arg7[%parallel_loop3A_167, %parallel_loop3A_168] {strides = array<i32>} : memref<16x512xf32, #tpu.memory_space<vmem>>, vector<16xf32>,
        %parallel_loop3A_170 = arith.subf %parallel_loop3A_169, %get3A_12 : vector<16xf32>
        %parallel_loop3A_171 = arith.mulf %parallel_loop3A_170, %get3A_14 : vector<16xf32>
        %parallel_loop3A_172 = arith.constant 0.000000e+00 : f32
        %parallel_loop3A_173 = vector.broadcast %parallel_loop3A_172 : f32 to vector<16xf32>
        %parallel_loop3A_174 = arith.maximumf %parallel_loop3A_173, %parallel_loop3A_171 : vector<16xf32>
        %parallel_loop3A_175 = vector.broadcast %scan3A : f32 to vector<16xf32>
        %parallel_loop3A_176 = arith.minimumf %parallel_loop3A_175, %parallel_loop3A_174 : vector<16xf32>
        %parallel_loop3A_177 = arith.fptosi %parallel_loop3A_176 : vector<16xf32> to vector<16xi32>
        tpu.vector_store_idx %arg5[%parallel_loop3A_177], %broadcast_in_dim3A_15 {add = true} : memref<65536xf32, #tpu.memory_space<vmem>>[vector<16xi32>], vector<16xf32>,
        %parallel_loop3A_178 = arith.constant 64 : i32
        %parallel_loop3A_179 = arith.muli %parallel_loop3A_145, %parallel_loop3A_178 : i32
        %parallel_loop3A_180 = arith.constant 32 : i32
        %parallel_loop3A_181 = arith.addi %parallel_loop3A_179, %parallel_loop3A_180 : i32
        %parallel_loop3A_182 = arith.constant 4 : i32
        %parallel_loop3A_183 = arith.index_cast %parallel_loop3A_182 : i32 to index
        %parallel_loop3A_184 = arith.index_cast %parallel_loop3A_181 : i32 to index
        %parallel_loop3A_185 = tpu.vector_load %arg7[%parallel_loop3A_183, %parallel_loop3A_184] {strides = array<i32>} : memref<16x512xf32, #tpu.memory_space<vmem>>, vector<16xf32>,
        %parallel_loop3A_186 = arith.subf %parallel_loop3A_185, %get3A_12 : vector<16xf32>
        %parallel_loop3A_187 = arith.mulf %parallel_loop3A_186, %get3A_14 : vector<16xf32>
        %parallel_loop3A_188 = arith.constant 0.000000e+00 : f32
        %parallel_loop3A_189 = vector.broadcast %parallel_loop3A_188 : f32 to vector<16xf32>
        %parallel_loop3A_190 = arith.maximumf %parallel_loop3A_189, %parallel_loop3A_187 : vector<16xf32>
        %parallel_loop3A_191 = vector.broadcast %scan3A : f32 to vector<16xf32>
        %parallel_loop3A_192 = arith.minimumf %parallel_loop3A_191, %parallel_loop3A_190 : vector<16xf32>
        %parallel_loop3A_193 = arith.fptosi %parallel_loop3A_192 : vector<16xf32> to vector<16xi32>
        tpu.vector_store_idx %arg5[%parallel_loop3A_193], %broadcast_in_dim3A_15 {add = true} : memref<65536xf32, #tpu.memory_space<vmem>>[vector<16xi32>], vector<16xf32>,
        %parallel_loop3A_194 = arith.constant 64 : i32
        %parallel_loop3A_195 = arith.muli %parallel_loop3A_145, %parallel_loop3A_194 : i32
        %parallel_loop3A_196 = arith.constant 48 : i32
        %parallel_loop3A_197 = arith.addi %parallel_loop3A_195, %parallel_loop3A_196 : i32
        %parallel_loop3A_198 = arith.constant 4 : i32
        %parallel_loop3A_199 = arith.index_cast %parallel_loop3A_198 : i32 to index
        %parallel_loop3A_200 = arith.index_cast %parallel_loop3A_197 : i32 to index
        %parallel_loop3A_201 = tpu.vector_load %arg7[%parallel_loop3A_199, %parallel_loop3A_200] {strides = array<i32>} : memref<16x512xf32, #tpu.memory_space<vmem>>, vector<16xf32>,
        %parallel_loop3A_202 = arith.subf %parallel_loop3A_201, %get3A_12 : vector<16xf32>
        %parallel_loop3A_203 = arith.mulf %parallel_loop3A_202, %get3A_14 : vector<16xf32>
        %parallel_loop3A_204 = arith.constant 0.000000e+00 : f32
        %parallel_loop3A_205 = vector.broadcast %parallel_loop3A_204 : f32 to vector<16xf32>
        %parallel_loop3A_206 = arith.maximumf %parallel_loop3A_205, %parallel_loop3A_203 : vector<16xf32>
        %parallel_loop3A_207 = vector.broadcast %scan3A : f32 to vector<16xf32>
        %parallel_loop3A_208 = arith.minimumf %parallel_loop3A_207, %parallel_loop3A_206 : vector<16xf32>
        %parallel_loop3A_209 = arith.fptosi %parallel_loop3A_208 : vector<16xf32> to vector<16xi32>
        tpu.vector_store_idx %arg5[%parallel_loop3A_209], %broadcast_in_dim3A_15 {add = true} : memref<65536xf32, #tpu.memory_space<vmem>>[vector<16xi32>], vector<16xf32>,
      } {sc.loop_unroll_factor = 4 : i64, sc.parallel_access}
      %parallel_loop3A_106 = arith.constant 0 : i32
      %parallel_loop3A_107 = arith.constant 8 : i32
      %parallel_loop3A_108 = arith.constant 1 : i32
      scf.for %parallel_loop3A_145 = %parallel_loop3A_106 to %parallel_loop3A_107 step %parallel_loop3A_108  : i32 {
        %parallel_loop3A_146 = arith.constant 64 : i32
        %parallel_loop3A_147 = arith.muli %parallel_loop3A_145, %parallel_loop3A_146 : i32
        %parallel_loop3A_148 = arith.constant 0 : i32
        %parallel_loop3A_149 = arith.addi %parallel_loop3A_147, %parallel_loop3A_148 : i32
        %parallel_loop3A_150 = arith.constant 5 : i32
        %parallel_loop3A_151 = arith.index_cast %parallel_loop3A_150 : i32 to index
        %parallel_loop3A_152 = arith.index_cast %parallel_loop3A_149 : i32 to index
        %parallel_loop3A_153 = tpu.vector_load %arg7[%parallel_loop3A_151, %parallel_loop3A_152] {strides = array<i32>} : memref<16x512xf32, #tpu.memory_space<vmem>>, vector<16xf32>,
        %parallel_loop3A_154 = arith.subf %parallel_loop3A_153, %get3A_12 : vector<16xf32>
        %parallel_loop3A_155 = arith.mulf %parallel_loop3A_154, %get3A_14 : vector<16xf32>
        %parallel_loop3A_156 = arith.constant 0.000000e+00 : f32
        %parallel_loop3A_157 = vector.broadcast %parallel_loop3A_156 : f32 to vector<16xf32>
        %parallel_loop3A_158 = arith.maximumf %parallel_loop3A_157, %parallel_loop3A_155 : vector<16xf32>
        %parallel_loop3A_159 = vector.broadcast %scan3A : f32 to vector<16xf32>
        %parallel_loop3A_160 = arith.minimumf %parallel_loop3A_159, %parallel_loop3A_158 : vector<16xf32>
        %parallel_loop3A_161 = arith.fptosi %parallel_loop3A_160 : vector<16xf32> to vector<16xi32>
        tpu.vector_store_idx %arg5[%parallel_loop3A_161], %broadcast_in_dim3A_15 {add = true} : memref<65536xf32, #tpu.memory_space<vmem>>[vector<16xi32>], vector<16xf32>,
        %parallel_loop3A_162 = arith.constant 64 : i32
        %parallel_loop3A_163 = arith.muli %parallel_loop3A_145, %parallel_loop3A_162 : i32
        %parallel_loop3A_164 = arith.constant 16 : i32
        %parallel_loop3A_165 = arith.addi %parallel_loop3A_163, %parallel_loop3A_164 : i32
        %parallel_loop3A_166 = arith.constant 5 : i32
        %parallel_loop3A_167 = arith.index_cast %parallel_loop3A_166 : i32 to index
        %parallel_loop3A_168 = arith.index_cast %parallel_loop3A_165 : i32 to index
        %parallel_loop3A_169 = tpu.vector_load %arg7[%parallel_loop3A_167, %parallel_loop3A_168] {strides = array<i32>} : memref<16x512xf32, #tpu.memory_space<vmem>>, vector<16xf32>,
        %parallel_loop3A_170 = arith.subf %parallel_loop3A_169, %get3A_12 : vector<16xf32>
        %parallel_loop3A_171 = arith.mulf %parallel_loop3A_170, %get3A_14 : vector<16xf32>
        %parallel_loop3A_172 = arith.constant 0.000000e+00 : f32
        %parallel_loop3A_173 = vector.broadcast %parallel_loop3A_172 : f32 to vector<16xf32>
        %parallel_loop3A_174 = arith.maximumf %parallel_loop3A_173, %parallel_loop3A_171 : vector<16xf32>
        %parallel_loop3A_175 = vector.broadcast %scan3A : f32 to vector<16xf32>
        %parallel_loop3A_176 = arith.minimumf %parallel_loop3A_175, %parallel_loop3A_174 : vector<16xf32>
        %parallel_loop3A_177 = arith.fptosi %parallel_loop3A_176 : vector<16xf32> to vector<16xi32>
        tpu.vector_store_idx %arg5[%parallel_loop3A_177], %broadcast_in_dim3A_15 {add = true} : memref<65536xf32, #tpu.memory_space<vmem>>[vector<16xi32>], vector<16xf32>,
        %parallel_loop3A_178 = arith.constant 64 : i32
        %parallel_loop3A_179 = arith.muli %parallel_loop3A_145, %parallel_loop3A_178 : i32
        %parallel_loop3A_180 = arith.constant 32 : i32
        %parallel_loop3A_181 = arith.addi %parallel_loop3A_179, %parallel_loop3A_180 : i32
        %parallel_loop3A_182 = arith.constant 5 : i32
        %parallel_loop3A_183 = arith.index_cast %parallel_loop3A_182 : i32 to index
        %parallel_loop3A_184 = arith.index_cast %parallel_loop3A_181 : i32 to index
        %parallel_loop3A_185 = tpu.vector_load %arg7[%parallel_loop3A_183, %parallel_loop3A_184] {strides = array<i32>} : memref<16x512xf32, #tpu.memory_space<vmem>>, vector<16xf32>,
        %parallel_loop3A_186 = arith.subf %parallel_loop3A_185, %get3A_12 : vector<16xf32>
        %parallel_loop3A_187 = arith.mulf %parallel_loop3A_186, %get3A_14 : vector<16xf32>
        %parallel_loop3A_188 = arith.constant 0.000000e+00 : f32
        %parallel_loop3A_189 = vector.broadcast %parallel_loop3A_188 : f32 to vector<16xf32>
        %parallel_loop3A_190 = arith.maximumf %parallel_loop3A_189, %parallel_loop3A_187 : vector<16xf32>
        %parallel_loop3A_191 = vector.broadcast %scan3A : f32 to vector<16xf32>
        %parallel_loop3A_192 = arith.minimumf %parallel_loop3A_191, %parallel_loop3A_190 : vector<16xf32>
        %parallel_loop3A_193 = arith.fptosi %parallel_loop3A_192 : vector<16xf32> to vector<16xi32>
        tpu.vector_store_idx %arg5[%parallel_loop3A_193], %broadcast_in_dim3A_15 {add = true} : memref<65536xf32, #tpu.memory_space<vmem>>[vector<16xi32>], vector<16xf32>,
        %parallel_loop3A_194 = arith.constant 64 : i32
        %parallel_loop3A_195 = arith.muli %parallel_loop3A_145, %parallel_loop3A_194 : i32
        %parallel_loop3A_196 = arith.constant 48 : i32
        %parallel_loop3A_197 = arith.addi %parallel_loop3A_195, %parallel_loop3A_196 : i32
        %parallel_loop3A_198 = arith.constant 5 : i32
        %parallel_loop3A_199 = arith.index_cast %parallel_loop3A_198 : i32 to index
        %parallel_loop3A_200 = arith.index_cast %parallel_loop3A_197 : i32 to index
        %parallel_loop3A_201 = tpu.vector_load %arg7[%parallel_loop3A_199, %parallel_loop3A_200] {strides = array<i32>} : memref<16x512xf32, #tpu.memory_space<vmem>>, vector<16xf32>,
        %parallel_loop3A_202 = arith.subf %parallel_loop3A_201, %get3A_12 : vector<16xf32>
        %parallel_loop3A_203 = arith.mulf %parallel_loop3A_202, %get3A_14 : vector<16xf32>
        %parallel_loop3A_204 = arith.constant 0.000000e+00 : f32
        %parallel_loop3A_205 = vector.broadcast %parallel_loop3A_204 : f32 to vector<16xf32>
        %parallel_loop3A_206 = arith.maximumf %parallel_loop3A_205, %parallel_loop3A_203 : vector<16xf32>
        %parallel_loop3A_207 = vector.broadcast %scan3A : f32 to vector<16xf32>
        %parallel_loop3A_208 = arith.minimumf %parallel_loop3A_207, %parallel_loop3A_206 : vector<16xf32>
        %parallel_loop3A_209 = arith.fptosi %parallel_loop3A_208 : vector<16xf32> to vector<16xi32>
        tpu.vector_store_idx %arg5[%parallel_loop3A_209], %broadcast_in_dim3A_15 {add = true} : memref<65536xf32, #tpu.memory_space<vmem>>[vector<16xi32>], vector<16xf32>,
      } {sc.loop_unroll_factor = 4 : i64, sc.parallel_access}
      %parallel_loop3A_109 = arith.constant 0 : i32
      %parallel_loop3A_110 = arith.constant 8 : i32
      %parallel_loop3A_111 = arith.constant 1 : i32
      scf.for %parallel_loop3A_145 = %parallel_loop3A_109 to %parallel_loop3A_110 step %parallel_loop3A_111  : i32 {
        %parallel_loop3A_146 = arith.constant 64 : i32
        %parallel_loop3A_147 = arith.muli %parallel_loop3A_145, %parallel_loop3A_146 : i32
        %parallel_loop3A_148 = arith.constant 0 : i32
        %parallel_loop3A_149 = arith.addi %parallel_loop3A_147, %parallel_loop3A_148 : i32
        %parallel_loop3A_150 = arith.constant 6 : i32
        %parallel_loop3A_151 = arith.index_cast %parallel_loop3A_150 : i32 to index
        %parallel_loop3A_152 = arith.index_cast %parallel_loop3A_149 : i32 to index
        %parallel_loop3A_153 = tpu.vector_load %arg7[%parallel_loop3A_151, %parallel_loop3A_152] {strides = array<i32>} : memref<16x512xf32, #tpu.memory_space<vmem>>, vector<16xf32>,
        %parallel_loop3A_154 = arith.subf %parallel_loop3A_153, %get3A_12 : vector<16xf32>
        %parallel_loop3A_155 = arith.mulf %parallel_loop3A_154, %get3A_14 : vector<16xf32>
        %parallel_loop3A_156 = arith.constant 0.000000e+00 : f32
        %parallel_loop3A_157 = vector.broadcast %parallel_loop3A_156 : f32 to vector<16xf32>
        %parallel_loop3A_158 = arith.maximumf %parallel_loop3A_157, %parallel_loop3A_155 : vector<16xf32>
        %parallel_loop3A_159 = vector.broadcast %scan3A : f32 to vector<16xf32>
        %parallel_loop3A_160 = arith.minimumf %parallel_loop3A_159, %parallel_loop3A_158 : vector<16xf32>
        %parallel_loop3A_161 = arith.fptosi %parallel_loop3A_160 : vector<16xf32> to vector<16xi32>
        tpu.vector_store_idx %arg5[%parallel_loop3A_161], %broadcast_in_dim3A_15 {add = true} : memref<65536xf32, #tpu.memory_space<vmem>>[vector<16xi32>], vector<16xf32>,
        %parallel_loop3A_162 = arith.constant 64 : i32
        %parallel_loop3A_163 = arith.muli %parallel_loop3A_145, %parallel_loop3A_162 : i32
        %parallel_loop3A_164 = arith.constant 16 : i32
        %parallel_loop3A_165 = arith.addi %parallel_loop3A_163, %parallel_loop3A_164 : i32
        %parallel_loop3A_166 = arith.constant 6 : i32
        %parallel_loop3A_167 = arith.index_cast %parallel_loop3A_166 : i32 to index
        %parallel_loop3A_168 = arith.index_cast %parallel_loop3A_165 : i32 to index
        %parallel_loop3A_169 = tpu.vector_load %arg7[%parallel_loop3A_167, %parallel_loop3A_168] {strides = array<i32>} : memref<16x512xf32, #tpu.memory_space<vmem>>, vector<16xf32>,
        %parallel_loop3A_170 = arith.subf %parallel_loop3A_169, %get3A_12 : vector<16xf32>
        %parallel_loop3A_171 = arith.mulf %parallel_loop3A_170, %get3A_14 : vector<16xf32>
        %parallel_loop3A_172 = arith.constant 0.000000e+00 : f32
        %parallel_loop3A_173 = vector.broadcast %parallel_loop3A_172 : f32 to vector<16xf32>
        %parallel_loop3A_174 = arith.maximumf %parallel_loop3A_173, %parallel_loop3A_171 : vector<16xf32>
        %parallel_loop3A_175 = vector.broadcast %scan3A : f32 to vector<16xf32>
        %parallel_loop3A_176 = arith.minimumf %parallel_loop3A_175, %parallel_loop3A_174 : vector<16xf32>
        %parallel_loop3A_177 = arith.fptosi %parallel_loop3A_176 : vector<16xf32> to vector<16xi32>
        tpu.vector_store_idx %arg5[%parallel_loop3A_177], %broadcast_in_dim3A_15 {add = true} : memref<65536xf32, #tpu.memory_space<vmem>>[vector<16xi32>], vector<16xf32>,
        %parallel_loop3A_178 = arith.constant 64 : i32
        %parallel_loop3A_179 = arith.muli %parallel_loop3A_145, %parallel_loop3A_178 : i32
        %parallel_loop3A_180 = arith.constant 32 : i32
        %parallel_loop3A_181 = arith.addi %parallel_loop3A_179, %parallel_loop3A_180 : i32
        %parallel_loop3A_182 = arith.constant 6 : i32
        %parallel_loop3A_183 = arith.index_cast %parallel_loop3A_182 : i32 to index
        %parallel_loop3A_184 = arith.index_cast %parallel_loop3A_181 : i32 to index
        %parallel_loop3A_185 = tpu.vector_load %arg7[%parallel_loop3A_183, %parallel_loop3A_184] {strides = array<i32>} : memref<16x512xf32, #tpu.memory_space<vmem>>, vector<16xf32>,
        %parallel_loop3A_186 = arith.subf %parallel_loop3A_185, %get3A_12 : vector<16xf32>
        %parallel_loop3A_187 = arith.mulf %parallel_loop3A_186, %get3A_14 : vector<16xf32>
        %parallel_loop3A_188 = arith.constant 0.000000e+00 : f32
        %parallel_loop3A_189 = vector.broadcast %parallel_loop3A_188 : f32 to vector<16xf32>
        %parallel_loop3A_190 = arith.maximumf %parallel_loop3A_189, %parallel_loop3A_187 : vector<16xf32>
        %parallel_loop3A_191 = vector.broadcast %scan3A : f32 to vector<16xf32>
        %parallel_loop3A_192 = arith.minimumf %parallel_loop3A_191, %parallel_loop3A_190 : vector<16xf32>
        %parallel_loop3A_193 = arith.fptosi %parallel_loop3A_192 : vector<16xf32> to vector<16xi32>
        tpu.vector_store_idx %arg5[%parallel_loop3A_193], %broadcast_in_dim3A_15 {add = true} : memref<65536xf32, #tpu.memory_space<vmem>>[vector<16xi32>], vector<16xf32>,
        %parallel_loop3A_194 = arith.constant 64 : i32
        %parallel_loop3A_195 = arith.muli %parallel_loop3A_145, %parallel_loop3A_194 : i32
        %parallel_loop3A_196 = arith.constant 48 : i32
        %parallel_loop3A_197 = arith.addi %parallel_loop3A_195, %parallel_loop3A_196 : i32
        %parallel_loop3A_198 = arith.constant 6 : i32
        %parallel_loop3A_199 = arith.index_cast %parallel_loop3A_198 : i32 to index
        %parallel_loop3A_200 = arith.index_cast %parallel_loop3A_197 : i32 to index
        %parallel_loop3A_201 = tpu.vector_load %arg7[%parallel_loop3A_199, %parallel_loop3A_200] {strides = array<i32>} : memref<16x512xf32, #tpu.memory_space<vmem>>, vector<16xf32>,
        %parallel_loop3A_202 = arith.subf %parallel_loop3A_201, %get3A_12 : vector<16xf32>
        %parallel_loop3A_203 = arith.mulf %parallel_loop3A_202, %get3A_14 : vector<16xf32>
        %parallel_loop3A_204 = arith.constant 0.000000e+00 : f32
        %parallel_loop3A_205 = vector.broadcast %parallel_loop3A_204 : f32 to vector<16xf32>
        %parallel_loop3A_206 = arith.maximumf %parallel_loop3A_205, %parallel_loop3A_203 : vector<16xf32>
        %parallel_loop3A_207 = vector.broadcast %scan3A : f32 to vector<16xf32>
        %parallel_loop3A_208 = arith.minimumf %parallel_loop3A_207, %parallel_loop3A_206 : vector<16xf32>
        %parallel_loop3A_209 = arith.fptosi %parallel_loop3A_208 : vector<16xf32> to vector<16xi32>
        tpu.vector_store_idx %arg5[%parallel_loop3A_209], %broadcast_in_dim3A_15 {add = true} : memref<65536xf32, #tpu.memory_space<vmem>>[vector<16xi32>], vector<16xf32>,
      } {sc.loop_unroll_factor = 4 : i64, sc.parallel_access}
      %parallel_loop3A_112 = arith.constant 0 : i32
      %parallel_loop3A_113 = arith.constant 8 : i32
      %parallel_loop3A_114 = arith.constant 1 : i32
      scf.for %parallel_loop3A_145 = %parallel_loop3A_112 to %parallel_loop3A_113 step %parallel_loop3A_114  : i32 {
        %parallel_loop3A_146 = arith.constant 64 : i32
        %parallel_loop3A_147 = arith.muli %parallel_loop3A_145, %parallel_loop3A_146 : i32
        %parallel_loop3A_148 = arith.constant 0 : i32
        %parallel_loop3A_149 = arith.addi %parallel_loop3A_147, %parallel_loop3A_148 : i32
        %parallel_loop3A_150 = arith.constant 7 : i32
        %parallel_loop3A_151 = arith.index_cast %parallel_loop3A_150 : i32 to index
        %parallel_loop3A_152 = arith.index_cast %parallel_loop3A_149 : i32 to index
        %parallel_loop3A_153 = tpu.vector_load %arg7[%parallel_loop3A_151, %parallel_loop3A_152] {strides = array<i32>} : memref<16x512xf32, #tpu.memory_space<vmem>>, vector<16xf32>,
        %parallel_loop3A_154 = arith.subf %parallel_loop3A_153, %get3A_12 : vector<16xf32>
        %parallel_loop3A_155 = arith.mulf %parallel_loop3A_154, %get3A_14 : vector<16xf32>
        %parallel_loop3A_156 = arith.constant 0.000000e+00 : f32
        %parallel_loop3A_157 = vector.broadcast %parallel_loop3A_156 : f32 to vector<16xf32>
        %parallel_loop3A_158 = arith.maximumf %parallel_loop3A_157, %parallel_loop3A_155 : vector<16xf32>
        %parallel_loop3A_159 = vector.broadcast %scan3A : f32 to vector<16xf32>
        %parallel_loop3A_160 = arith.minimumf %parallel_loop3A_159, %parallel_loop3A_158 : vector<16xf32>
        %parallel_loop3A_161 = arith.fptosi %parallel_loop3A_160 : vector<16xf32> to vector<16xi32>
        tpu.vector_store_idx %arg5[%parallel_loop3A_161], %broadcast_in_dim3A_15 {add = true} : memref<65536xf32, #tpu.memory_space<vmem>>[vector<16xi32>], vector<16xf32>,
        %parallel_loop3A_162 = arith.constant 64 : i32
        %parallel_loop3A_163 = arith.muli %parallel_loop3A_145, %parallel_loop3A_162 : i32
        %parallel_loop3A_164 = arith.constant 16 : i32
        %parallel_loop3A_165 = arith.addi %parallel_loop3A_163, %parallel_loop3A_164 : i32
        %parallel_loop3A_166 = arith.constant 7 : i32
        %parallel_loop3A_167 = arith.index_cast %parallel_loop3A_166 : i32 to index
        %parallel_loop3A_168 = arith.index_cast %parallel_loop3A_165 : i32 to index
        %parallel_loop3A_169 = tpu.vector_load %arg7[%parallel_loop3A_167, %parallel_loop3A_168] {strides = array<i32>} : memref<16x512xf32, #tpu.memory_space<vmem>>, vector<16xf32>,
        %parallel_loop3A_170 = arith.subf %parallel_loop3A_169, %get3A_12 : vector<16xf32>
        %parallel_loop3A_171 = arith.mulf %parallel_loop3A_170, %get3A_14 : vector<16xf32>
        %parallel_loop3A_172 = arith.constant 0.000000e+00 : f32
        %parallel_loop3A_173 = vector.broadcast %parallel_loop3A_172 : f32 to vector<16xf32>
        %parallel_loop3A_174 = arith.maximumf %parallel_loop3A_173, %parallel_loop3A_171 : vector<16xf32>
        %parallel_loop3A_175 = vector.broadcast %scan3A : f32 to vector<16xf32>
        %parallel_loop3A_176 = arith.minimumf %parallel_loop3A_175, %parallel_loop3A_174 : vector<16xf32>
        %parallel_loop3A_177 = arith.fptosi %parallel_loop3A_176 : vector<16xf32> to vector<16xi32>
        tpu.vector_store_idx %arg5[%parallel_loop3A_177], %broadcast_in_dim3A_15 {add = true} : memref<65536xf32, #tpu.memory_space<vmem>>[vector<16xi32>], vector<16xf32>,
        %parallel_loop3A_178 = arith.constant 64 : i32
        %parallel_loop3A_179 = arith.muli %parallel_loop3A_145, %parallel_loop3A_178 : i32
        %parallel_loop3A_180 = arith.constant 32 : i32
        %parallel_loop3A_181 = arith.addi %parallel_loop3A_179, %parallel_loop3A_180 : i32
        %parallel_loop3A_182 = arith.constant 7 : i32
        %parallel_loop3A_183 = arith.index_cast %parallel_loop3A_182 : i32 to index
        %parallel_loop3A_184 = arith.index_cast %parallel_loop3A_181 : i32 to index
        %parallel_loop3A_185 = tpu.vector_load %arg7[%parallel_loop3A_183, %parallel_loop3A_184] {strides = array<i32>} : memref<16x512xf32, #tpu.memory_space<vmem>>, vector<16xf32>,
        %parallel_loop3A_186 = arith.subf %parallel_loop3A_185, %get3A_12 : vector<16xf32>
        %parallel_loop3A_187 = arith.mulf %parallel_loop3A_186, %get3A_14 : vector<16xf32>
        %parallel_loop3A_188 = arith.constant 0.000000e+00 : f32
        %parallel_loop3A_189 = vector.broadcast %parallel_loop3A_188 : f32 to vector<16xf32>
        %parallel_loop3A_190 = arith.maximumf %parallel_loop3A_189, %parallel_loop3A_187 : vector<16xf32>
        %parallel_loop3A_191 = vector.broadcast %scan3A : f32 to vector<16xf32>
        %parallel_loop3A_192 = arith.minimumf %parallel_loop3A_191, %parallel_loop3A_190 : vector<16xf32>
        %parallel_loop3A_193 = arith.fptosi %parallel_loop3A_192 : vector<16xf32> to vector<16xi32>
        tpu.vector_store_idx %arg5[%parallel_loop3A_193], %broadcast_in_dim3A_15 {add = true} : memref<65536xf32, #tpu.memory_space<vmem>>[vector<16xi32>], vector<16xf32>,
        %parallel_loop3A_194 = arith.constant 64 : i32
        %parallel_loop3A_195 = arith.muli %parallel_loop3A_145, %parallel_loop3A_194 : i32
        %parallel_loop3A_196 = arith.constant 48 : i32
        %parallel_loop3A_197 = arith.addi %parallel_loop3A_195, %parallel_loop3A_196 : i32
        %parallel_loop3A_198 = arith.constant 7 : i32
        %parallel_loop3A_199 = arith.index_cast %parallel_loop3A_198 : i32 to index
        %parallel_loop3A_200 = arith.index_cast %parallel_loop3A_197 : i32 to index
        %parallel_loop3A_201 = tpu.vector_load %arg7[%parallel_loop3A_199, %parallel_loop3A_200] {strides = array<i32>} : memref<16x512xf32, #tpu.memory_space<vmem>>, vector<16xf32>,
        %parallel_loop3A_202 = arith.subf %parallel_loop3A_201, %get3A_12 : vector<16xf32>
        %parallel_loop3A_203 = arith.mulf %parallel_loop3A_202, %get3A_14 : vector<16xf32>
        %parallel_loop3A_204 = arith.constant 0.000000e+00 : f32
        %parallel_loop3A_205 = vector.broadcast %parallel_loop3A_204 : f32 to vector<16xf32>
        %parallel_loop3A_206 = arith.maximumf %parallel_loop3A_205, %parallel_loop3A_203 : vector<16xf32>
        %parallel_loop3A_207 = vector.broadcast %scan3A : f32 to vector<16xf32>
        %parallel_loop3A_208 = arith.minimumf %parallel_loop3A_207, %parallel_loop3A_206 : vector<16xf32>
        %parallel_loop3A_209 = arith.fptosi %parallel_loop3A_208 : vector<16xf32> to vector<16xi32>
        tpu.vector_store_idx %arg5[%parallel_loop3A_209], %broadcast_in_dim3A_15 {add = true} : memref<65536xf32, #tpu.memory_space<vmem>>[vector<16xi32>], vector<16xf32>,
      } {sc.loop_unroll_factor = 4 : i64, sc.parallel_access}
      %parallel_loop3A_115 = arith.constant 0 : i32
      %parallel_loop3A_116 = arith.constant 8 : i32
      %parallel_loop3A_117 = arith.constant 1 : i32
      scf.for %parallel_loop3A_145 = %parallel_loop3A_115 to %parallel_loop3A_116 step %parallel_loop3A_117  : i32 {
        %parallel_loop3A_146 = arith.constant 64 : i32
        %parallel_loop3A_147 = arith.muli %parallel_loop3A_145, %parallel_loop3A_146 : i32
        %parallel_loop3A_148 = arith.constant 0 : i32
        %parallel_loop3A_149 = arith.addi %parallel_loop3A_147, %parallel_loop3A_148 : i32
        %parallel_loop3A_150 = arith.constant 8 : i32
        %parallel_loop3A_151 = arith.index_cast %parallel_loop3A_150 : i32 to index
        %parallel_loop3A_152 = arith.index_cast %parallel_loop3A_149 : i32 to index
        %parallel_loop3A_153 = tpu.vector_load %arg7[%parallel_loop3A_151, %parallel_loop3A_152] {strides = array<i32>} : memref<16x512xf32, #tpu.memory_space<vmem>>, vector<16xf32>,
        %parallel_loop3A_154 = arith.subf %parallel_loop3A_153, %get3A_12 : vector<16xf32>
        %parallel_loop3A_155 = arith.mulf %parallel_loop3A_154, %get3A_14 : vector<16xf32>
        %parallel_loop3A_156 = arith.constant 0.000000e+00 : f32
        %parallel_loop3A_157 = vector.broadcast %parallel_loop3A_156 : f32 to vector<16xf32>
        %parallel_loop3A_158 = arith.maximumf %parallel_loop3A_157, %parallel_loop3A_155 : vector<16xf32>
        %parallel_loop3A_159 = vector.broadcast %scan3A : f32 to vector<16xf32>
        %parallel_loop3A_160 = arith.minimumf %parallel_loop3A_159, %parallel_loop3A_158 : vector<16xf32>
        %parallel_loop3A_161 = arith.fptosi %parallel_loop3A_160 : vector<16xf32> to vector<16xi32>
        tpu.vector_store_idx %arg5[%parallel_loop3A_161], %broadcast_in_dim3A_15 {add = true} : memref<65536xf32, #tpu.memory_space<vmem>>[vector<16xi32>], vector<16xf32>,
        %parallel_loop3A_162 = arith.constant 64 : i32
        %parallel_loop3A_163 = arith.muli %parallel_loop3A_145, %parallel_loop3A_162 : i32
        %parallel_loop3A_164 = arith.constant 16 : i32
        %parallel_loop3A_165 = arith.addi %parallel_loop3A_163, %parallel_loop3A_164 : i32
        %parallel_loop3A_166 = arith.constant 8 : i32
        %parallel_loop3A_167 = arith.index_cast %parallel_loop3A_166 : i32 to index
        %parallel_loop3A_168 = arith.index_cast %parallel_loop3A_165 : i32 to index
        %parallel_loop3A_169 = tpu.vector_load %arg7[%parallel_loop3A_167, %parallel_loop3A_168] {strides = array<i32>} : memref<16x512xf32, #tpu.memory_space<vmem>>, vector<16xf32>,
        %parallel_loop3A_170 = arith.subf %parallel_loop3A_169, %get3A_12 : vector<16xf32>
        %parallel_loop3A_171 = arith.mulf %parallel_loop3A_170, %get3A_14 : vector<16xf32>
        %parallel_loop3A_172 = arith.constant 0.000000e+00 : f32
        %parallel_loop3A_173 = vector.broadcast %parallel_loop3A_172 : f32 to vector<16xf32>
        %parallel_loop3A_174 = arith.maximumf %parallel_loop3A_173, %parallel_loop3A_171 : vector<16xf32>
        %parallel_loop3A_175 = vector.broadcast %scan3A : f32 to vector<16xf32>
        %parallel_loop3A_176 = arith.minimumf %parallel_loop3A_175, %parallel_loop3A_174 : vector<16xf32>
        %parallel_loop3A_177 = arith.fptosi %parallel_loop3A_176 : vector<16xf32> to vector<16xi32>
        tpu.vector_store_idx %arg5[%parallel_loop3A_177], %broadcast_in_dim3A_15 {add = true} : memref<65536xf32, #tpu.memory_space<vmem>>[vector<16xi32>], vector<16xf32>,
        %parallel_loop3A_178 = arith.constant 64 : i32
        %parallel_loop3A_179 = arith.muli %parallel_loop3A_145, %parallel_loop3A_178 : i32
        %parallel_loop3A_180 = arith.constant 32 : i32
        %parallel_loop3A_181 = arith.addi %parallel_loop3A_179, %parallel_loop3A_180 : i32
        %parallel_loop3A_182 = arith.constant 8 : i32
        %parallel_loop3A_183 = arith.index_cast %parallel_loop3A_182 : i32 to index
        %parallel_loop3A_184 = arith.index_cast %parallel_loop3A_181 : i32 to index
        %parallel_loop3A_185 = tpu.vector_load %arg7[%parallel_loop3A_183, %parallel_loop3A_184] {strides = array<i32>} : memref<16x512xf32, #tpu.memory_space<vmem>>, vector<16xf32>,
        %parallel_loop3A_186 = arith.subf %parallel_loop3A_185, %get3A_12 : vector<16xf32>
        %parallel_loop3A_187 = arith.mulf %parallel_loop3A_186, %get3A_14 : vector<16xf32>
        %parallel_loop3A_188 = arith.constant 0.000000e+00 : f32
        %parallel_loop3A_189 = vector.broadcast %parallel_loop3A_188 : f32 to vector<16xf32>
        %parallel_loop3A_190 = arith.maximumf %parallel_loop3A_189, %parallel_loop3A_187 : vector<16xf32>
        %parallel_loop3A_191 = vector.broadcast %scan3A : f32 to vector<16xf32>
        %parallel_loop3A_192 = arith.minimumf %parallel_loop3A_191, %parallel_loop3A_190 : vector<16xf32>
        %parallel_loop3A_193 = arith.fptosi %parallel_loop3A_192 : vector<16xf32> to vector<16xi32>
        tpu.vector_store_idx %arg5[%parallel_loop3A_193], %broadcast_in_dim3A_15 {add = true} : memref<65536xf32, #tpu.memory_space<vmem>>[vector<16xi32>], vector<16xf32>,
        %parallel_loop3A_194 = arith.constant 64 : i32
        %parallel_loop3A_195 = arith.muli %parallel_loop3A_145, %parallel_loop3A_194 : i32
        %parallel_loop3A_196 = arith.constant 48 : i32
        %parallel_loop3A_197 = arith.addi %parallel_loop3A_195, %parallel_loop3A_196 : i32
        %parallel_loop3A_198 = arith.constant 8 : i32
        %parallel_loop3A_199 = arith.index_cast %parallel_loop3A_198 : i32 to index
        %parallel_loop3A_200 = arith.index_cast %parallel_loop3A_197 : i32 to index
        %parallel_loop3A_201 = tpu.vector_load %arg7[%parallel_loop3A_199, %parallel_loop3A_200] {strides = array<i32>} : memref<16x512xf32, #tpu.memory_space<vmem>>, vector<16xf32>,
        %parallel_loop3A_202 = arith.subf %parallel_loop3A_201, %get3A_12 : vector<16xf32>
        %parallel_loop3A_203 = arith.mulf %parallel_loop3A_202, %get3A_14 : vector<16xf32>
        %parallel_loop3A_204 = arith.constant 0.000000e+00 : f32
        %parallel_loop3A_205 = vector.broadcast %parallel_loop3A_204 : f32 to vector<16xf32>
        %parallel_loop3A_206 = arith.maximumf %parallel_loop3A_205, %parallel_loop3A_203 : vector<16xf32>
        %parallel_loop3A_207 = vector.broadcast %scan3A : f32 to vector<16xf32>
        %parallel_loop3A_208 = arith.minimumf %parallel_loop3A_207, %parallel_loop3A_206 : vector<16xf32>
        %parallel_loop3A_209 = arith.fptosi %parallel_loop3A_208 : vector<16xf32> to vector<16xi32>
        tpu.vector_store_idx %arg5[%parallel_loop3A_209], %broadcast_in_dim3A_15 {add = true} : memref<65536xf32, #tpu.memory_space<vmem>>[vector<16xi32>], vector<16xf32>,
      } {sc.loop_unroll_factor = 4 : i64, sc.parallel_access}
      %parallel_loop3A_118 = arith.constant 0 : i32
      %parallel_loop3A_119 = arith.constant 8 : i32
      %parallel_loop3A_120 = arith.constant 1 : i32
      scf.for %parallel_loop3A_145 = %parallel_loop3A_118 to %parallel_loop3A_119 step %parallel_loop3A_120  : i32 {
        %parallel_loop3A_146 = arith.constant 64 : i32
        %parallel_loop3A_147 = arith.muli %parallel_loop3A_145, %parallel_loop3A_146 : i32
        %parallel_loop3A_148 = arith.constant 0 : i32
        %parallel_loop3A_149 = arith.addi %parallel_loop3A_147, %parallel_loop3A_148 : i32
        %parallel_loop3A_150 = arith.constant 9 : i32
        %parallel_loop3A_151 = arith.index_cast %parallel_loop3A_150 : i32 to index
        %parallel_loop3A_152 = arith.index_cast %parallel_loop3A_149 : i32 to index
        %parallel_loop3A_153 = tpu.vector_load %arg7[%parallel_loop3A_151, %parallel_loop3A_152] {strides = array<i32>} : memref<16x512xf32, #tpu.memory_space<vmem>>, vector<16xf32>,
        %parallel_loop3A_154 = arith.subf %parallel_loop3A_153, %get3A_12 : vector<16xf32>
        %parallel_loop3A_155 = arith.mulf %parallel_loop3A_154, %get3A_14 : vector<16xf32>
        %parallel_loop3A_156 = arith.constant 0.000000e+00 : f32
        %parallel_loop3A_157 = vector.broadcast %parallel_loop3A_156 : f32 to vector<16xf32>
        %parallel_loop3A_158 = arith.maximumf %parallel_loop3A_157, %parallel_loop3A_155 : vector<16xf32>
        %parallel_loop3A_159 = vector.broadcast %scan3A : f32 to vector<16xf32>
        %parallel_loop3A_160 = arith.minimumf %parallel_loop3A_159, %parallel_loop3A_158 : vector<16xf32>
        %parallel_loop3A_161 = arith.fptosi %parallel_loop3A_160 : vector<16xf32> to vector<16xi32>
        tpu.vector_store_idx %arg5[%parallel_loop3A_161], %broadcast_in_dim3A_15 {add = true} : memref<65536xf32, #tpu.memory_space<vmem>>[vector<16xi32>], vector<16xf32>,
        %parallel_loop3A_162 = arith.constant 64 : i32
        %parallel_loop3A_163 = arith.muli %parallel_loop3A_145, %parallel_loop3A_162 : i32
        %parallel_loop3A_164 = arith.constant 16 : i32
        %parallel_loop3A_165 = arith.addi %parallel_loop3A_163, %parallel_loop3A_164 : i32
        %parallel_loop3A_166 = arith.constant 9 : i32
        %parallel_loop3A_167 = arith.index_cast %parallel_loop3A_166 : i32 to index
        %parallel_loop3A_168 = arith.index_cast %parallel_loop3A_165 : i32 to index
        %parallel_loop3A_169 = tpu.vector_load %arg7[%parallel_loop3A_167, %parallel_loop3A_168] {strides = array<i32>} : memref<16x512xf32, #tpu.memory_space<vmem>>, vector<16xf32>,
        %parallel_loop3A_170 = arith.subf %parallel_loop3A_169, %get3A_12 : vector<16xf32>
        %parallel_loop3A_171 = arith.mulf %parallel_loop3A_170, %get3A_14 : vector<16xf32>
        %parallel_loop3A_172 = arith.constant 0.000000e+00 : f32
        %parallel_loop3A_173 = vector.broadcast %parallel_loop3A_172 : f32 to vector<16xf32>
        %parallel_loop3A_174 = arith.maximumf %parallel_loop3A_173, %parallel_loop3A_171 : vector<16xf32>
        %parallel_loop3A_175 = vector.broadcast %scan3A : f32 to vector<16xf32>
        %parallel_loop3A_176 = arith.minimumf %parallel_loop3A_175, %parallel_loop3A_174 : vector<16xf32>
        %parallel_loop3A_177 = arith.fptosi %parallel_loop3A_176 : vector<16xf32> to vector<16xi32>
        tpu.vector_store_idx %arg5[%parallel_loop3A_177], %broadcast_in_dim3A_15 {add = true} : memref<65536xf32, #tpu.memory_space<vmem>>[vector<16xi32>], vector<16xf32>,
        %parallel_loop3A_178 = arith.constant 64 : i32
        %parallel_loop3A_179 = arith.muli %parallel_loop3A_145, %parallel_loop3A_178 : i32
        %parallel_loop3A_180 = arith.constant 32 : i32
        %parallel_loop3A_181 = arith.addi %parallel_loop3A_179, %parallel_loop3A_180 : i32
        %parallel_loop3A_182 = arith.constant 9 : i32
        %parallel_loop3A_183 = arith.index_cast %parallel_loop3A_182 : i32 to index
        %parallel_loop3A_184 = arith.index_cast %parallel_loop3A_181 : i32 to index
        %parallel_loop3A_185 = tpu.vector_load %arg7[%parallel_loop3A_183, %parallel_loop3A_184] {strides = array<i32>} : memref<16x512xf32, #tpu.memory_space<vmem>>, vector<16xf32>,
        %parallel_loop3A_186 = arith.subf %parallel_loop3A_185, %get3A_12 : vector<16xf32>
        %parallel_loop3A_187 = arith.mulf %parallel_loop3A_186, %get3A_14 : vector<16xf32>
        %parallel_loop3A_188 = arith.constant 0.000000e+00 : f32
        %parallel_loop3A_189 = vector.broadcast %parallel_loop3A_188 : f32 to vector<16xf32>
        %parallel_loop3A_190 = arith.maximumf %parallel_loop3A_189, %parallel_loop3A_187 : vector<16xf32>
        %parallel_loop3A_191 = vector.broadcast %scan3A : f32 to vector<16xf32>
        %parallel_loop3A_192 = arith.minimumf %parallel_loop3A_191, %parallel_loop3A_190 : vector<16xf32>
        %parallel_loop3A_193 = arith.fptosi %parallel_loop3A_192 : vector<16xf32> to vector<16xi32>
        tpu.vector_store_idx %arg5[%parallel_loop3A_193], %broadcast_in_dim3A_15 {add = true} : memref<65536xf32, #tpu.memory_space<vmem>>[vector<16xi32>], vector<16xf32>,
        %parallel_loop3A_194 = arith.constant 64 : i32
        %parallel_loop3A_195 = arith.muli %parallel_loop3A_145, %parallel_loop3A_194 : i32
        %parallel_loop3A_196 = arith.constant 48 : i32
        %parallel_loop3A_197 = arith.addi %parallel_loop3A_195, %parallel_loop3A_196 : i32
        %parallel_loop3A_198 = arith.constant 9 : i32
        %parallel_loop3A_199 = arith.index_cast %parallel_loop3A_198 : i32 to index
        %parallel_loop3A_200 = arith.index_cast %parallel_loop3A_197 : i32 to index
        %parallel_loop3A_201 = tpu.vector_load %arg7[%parallel_loop3A_199, %parallel_loop3A_200] {strides = array<i32>} : memref<16x512xf32, #tpu.memory_space<vmem>>, vector<16xf32>,
        %parallel_loop3A_202 = arith.subf %parallel_loop3A_201, %get3A_12 : vector<16xf32>
        %parallel_loop3A_203 = arith.mulf %parallel_loop3A_202, %get3A_14 : vector<16xf32>
        %parallel_loop3A_204 = arith.constant 0.000000e+00 : f32
        %parallel_loop3A_205 = vector.broadcast %parallel_loop3A_204 : f32 to vector<16xf32>
        %parallel_loop3A_206 = arith.maximumf %parallel_loop3A_205, %parallel_loop3A_203 : vector<16xf32>
        %parallel_loop3A_207 = vector.broadcast %scan3A : f32 to vector<16xf32>
        %parallel_loop3A_208 = arith.minimumf %parallel_loop3A_207, %parallel_loop3A_206 : vector<16xf32>
        %parallel_loop3A_209 = arith.fptosi %parallel_loop3A_208 : vector<16xf32> to vector<16xi32>
        tpu.vector_store_idx %arg5[%parallel_loop3A_209], %broadcast_in_dim3A_15 {add = true} : memref<65536xf32, #tpu.memory_space<vmem>>[vector<16xi32>], vector<16xf32>,
      } {sc.loop_unroll_factor = 4 : i64, sc.parallel_access}
      %parallel_loop3A_121 = arith.constant 0 : i32
      %parallel_loop3A_122 = arith.constant 8 : i32
      %parallel_loop3A_123 = arith.constant 1 : i32
      scf.for %parallel_loop3A_145 = %parallel_loop3A_121 to %parallel_loop3A_122 step %parallel_loop3A_123  : i32 {
        %parallel_loop3A_146 = arith.constant 64 : i32
        %parallel_loop3A_147 = arith.muli %parallel_loop3A_145, %parallel_loop3A_146 : i32
        %parallel_loop3A_148 = arith.constant 0 : i32
        %parallel_loop3A_149 = arith.addi %parallel_loop3A_147, %parallel_loop3A_148 : i32
        %parallel_loop3A_150 = arith.constant 10 : i32
        %parallel_loop3A_151 = arith.index_cast %parallel_loop3A_150 : i32 to index
        %parallel_loop3A_152 = arith.index_cast %parallel_loop3A_149 : i32 to index
        %parallel_loop3A_153 = tpu.vector_load %arg7[%parallel_loop3A_151, %parallel_loop3A_152] {strides = array<i32>} : memref<16x512xf32, #tpu.memory_space<vmem>>, vector<16xf32>,
        %parallel_loop3A_154 = arith.subf %parallel_loop3A_153, %get3A_12 : vector<16xf32>
        %parallel_loop3A_155 = arith.mulf %parallel_loop3A_154, %get3A_14 : vector<16xf32>
        %parallel_loop3A_156 = arith.constant 0.000000e+00 : f32
        %parallel_loop3A_157 = vector.broadcast %parallel_loop3A_156 : f32 to vector<16xf32>
        %parallel_loop3A_158 = arith.maximumf %parallel_loop3A_157, %parallel_loop3A_155 : vector<16xf32>
        %parallel_loop3A_159 = vector.broadcast %scan3A : f32 to vector<16xf32>
        %parallel_loop3A_160 = arith.minimumf %parallel_loop3A_159, %parallel_loop3A_158 : vector<16xf32>
        %parallel_loop3A_161 = arith.fptosi %parallel_loop3A_160 : vector<16xf32> to vector<16xi32>
        tpu.vector_store_idx %arg5[%parallel_loop3A_161], %broadcast_in_dim3A_15 {add = true} : memref<65536xf32, #tpu.memory_space<vmem>>[vector<16xi32>], vector<16xf32>,
        %parallel_loop3A_162 = arith.constant 64 : i32
        %parallel_loop3A_163 = arith.muli %parallel_loop3A_145, %parallel_loop3A_162 : i32
        %parallel_loop3A_164 = arith.constant 16 : i32
        %parallel_loop3A_165 = arith.addi %parallel_loop3A_163, %parallel_loop3A_164 : i32
        %parallel_loop3A_166 = arith.constant 10 : i32
        %parallel_loop3A_167 = arith.index_cast %parallel_loop3A_166 : i32 to index
        %parallel_loop3A_168 = arith.index_cast %parallel_loop3A_165 : i32 to index
        %parallel_loop3A_169 = tpu.vector_load %arg7[%parallel_loop3A_167, %parallel_loop3A_168] {strides = array<i32>} : memref<16x512xf32, #tpu.memory_space<vmem>>, vector<16xf32>,
        %parallel_loop3A_170 = arith.subf %parallel_loop3A_169, %get3A_12 : vector<16xf32>
        %parallel_loop3A_171 = arith.mulf %parallel_loop3A_170, %get3A_14 : vector<16xf32>
        %parallel_loop3A_172 = arith.constant 0.000000e+00 : f32
        %parallel_loop3A_173 = vector.broadcast %parallel_loop3A_172 : f32 to vector<16xf32>
        %parallel_loop3A_174 = arith.maximumf %parallel_loop3A_173, %parallel_loop3A_171 : vector<16xf32>
        %parallel_loop3A_175 = vector.broadcast %scan3A : f32 to vector<16xf32>
        %parallel_loop3A_176 = arith.minimumf %parallel_loop3A_175, %parallel_loop3A_174 : vector<16xf32>
        %parallel_loop3A_177 = arith.fptosi %parallel_loop3A_176 : vector<16xf32> to vector<16xi32>
        tpu.vector_store_idx %arg5[%parallel_loop3A_177], %broadcast_in_dim3A_15 {add = true} : memref<65536xf32, #tpu.memory_space<vmem>>[vector<16xi32>], vector<16xf32>,
        %parallel_loop3A_178 = arith.constant 64 : i32
        %parallel_loop3A_179 = arith.muli %parallel_loop3A_145, %parallel_loop3A_178 : i32
        %parallel_loop3A_180 = arith.constant 32 : i32
        %parallel_loop3A_181 = arith.addi %parallel_loop3A_179, %parallel_loop3A_180 : i32
        %parallel_loop3A_182 = arith.constant 10 : i32
        %parallel_loop3A_183 = arith.index_cast %parallel_loop3A_182 : i32 to index
        %parallel_loop3A_184 = arith.index_cast %parallel_loop3A_181 : i32 to index
        %parallel_loop3A_185 = tpu.vector_load %arg7[%parallel_loop3A_183, %parallel_loop3A_184] {strides = array<i32>} : memref<16x512xf32, #tpu.memory_space<vmem>>, vector<16xf32>,
        %parallel_loop3A_186 = arith.subf %parallel_loop3A_185, %get3A_12 : vector<16xf32>
        %parallel_loop3A_187 = arith.mulf %parallel_loop3A_186, %get3A_14 : vector<16xf32>
        %parallel_loop3A_188 = arith.constant 0.000000e+00 : f32
        %parallel_loop3A_189 = vector.broadcast %parallel_loop3A_188 : f32 to vector<16xf32>
        %parallel_loop3A_190 = arith.maximumf %parallel_loop3A_189, %parallel_loop3A_187 : vector<16xf32>
        %parallel_loop3A_191 = vector.broadcast %scan3A : f32 to vector<16xf32>
        %parallel_loop3A_192 = arith.minimumf %parallel_loop3A_191, %parallel_loop3A_190 : vector<16xf32>
        %parallel_loop3A_193 = arith.fptosi %parallel_loop3A_192 : vector<16xf32> to vector<16xi32>
        tpu.vector_store_idx %arg5[%parallel_loop3A_193], %broadcast_in_dim3A_15 {add = true} : memref<65536xf32, #tpu.memory_space<vmem>>[vector<16xi32>], vector<16xf32>,
        %parallel_loop3A_194 = arith.constant 64 : i32
        %parallel_loop3A_195 = arith.muli %parallel_loop3A_145, %parallel_loop3A_194 : i32
        %parallel_loop3A_196 = arith.constant 48 : i32
        %parallel_loop3A_197 = arith.addi %parallel_loop3A_195, %parallel_loop3A_196 : i32
        %parallel_loop3A_198 = arith.constant 10 : i32
        %parallel_loop3A_199 = arith.index_cast %parallel_loop3A_198 : i32 to index
        %parallel_loop3A_200 = arith.index_cast %parallel_loop3A_197 : i32 to index
        %parallel_loop3A_201 = tpu.vector_load %arg7[%parallel_loop3A_199, %parallel_loop3A_200] {strides = array<i32>} : memref<16x512xf32, #tpu.memory_space<vmem>>, vector<16xf32>,
        %parallel_loop3A_202 = arith.subf %parallel_loop3A_201, %get3A_12 : vector<16xf32>
        %parallel_loop3A_203 = arith.mulf %parallel_loop3A_202, %get3A_14 : vector<16xf32>
        %parallel_loop3A_204 = arith.constant 0.000000e+00 : f32
        %parallel_loop3A_205 = vector.broadcast %parallel_loop3A_204 : f32 to vector<16xf32>
        %parallel_loop3A_206 = arith.maximumf %parallel_loop3A_205, %parallel_loop3A_203 : vector<16xf32>
        %parallel_loop3A_207 = vector.broadcast %scan3A : f32 to vector<16xf32>
        %parallel_loop3A_208 = arith.minimumf %parallel_loop3A_207, %parallel_loop3A_206 : vector<16xf32>
        %parallel_loop3A_209 = arith.fptosi %parallel_loop3A_208 : vector<16xf32> to vector<16xi32>
        tpu.vector_store_idx %arg5[%parallel_loop3A_209], %broadcast_in_dim3A_15 {add = true} : memref<65536xf32, #tpu.memory_space<vmem>>[vector<16xi32>], vector<16xf32>,
      } {sc.loop_unroll_factor = 4 : i64, sc.parallel_access}
      %parallel_loop3A_124 = arith.constant 0 : i32
      %parallel_loop3A_125 = arith.constant 8 : i32
      %parallel_loop3A_126 = arith.constant 1 : i32
      scf.for %parallel_loop3A_145 = %parallel_loop3A_124 to %parallel_loop3A_125 step %parallel_loop3A_126  : i32 {
        %parallel_loop3A_146 = arith.constant 64 : i32
        %parallel_loop3A_147 = arith.muli %parallel_loop3A_145, %parallel_loop3A_146 : i32
        %parallel_loop3A_148 = arith.constant 0 : i32
        %parallel_loop3A_149 = arith.addi %parallel_loop3A_147, %parallel_loop3A_148 : i32
        %parallel_loop3A_150 = arith.constant 11 : i32
        %parallel_loop3A_151 = arith.index_cast %parallel_loop3A_150 : i32 to index
        %parallel_loop3A_152 = arith.index_cast %parallel_loop3A_149 : i32 to index
        %parallel_loop3A_153 = tpu.vector_load %arg7[%parallel_loop3A_151, %parallel_loop3A_152] {strides = array<i32>} : memref<16x512xf32, #tpu.memory_space<vmem>>, vector<16xf32>,
        %parallel_loop3A_154 = arith.subf %parallel_loop3A_153, %get3A_12 : vector<16xf32>
        %parallel_loop3A_155 = arith.mulf %parallel_loop3A_154, %get3A_14 : vector<16xf32>
        %parallel_loop3A_156 = arith.constant 0.000000e+00 : f32
        %parallel_loop3A_157 = vector.broadcast %parallel_loop3A_156 : f32 to vector<16xf32>
        %parallel_loop3A_158 = arith.maximumf %parallel_loop3A_157, %parallel_loop3A_155 : vector<16xf32>
        %parallel_loop3A_159 = vector.broadcast %scan3A : f32 to vector<16xf32>
        %parallel_loop3A_160 = arith.minimumf %parallel_loop3A_159, %parallel_loop3A_158 : vector<16xf32>
        %parallel_loop3A_161 = arith.fptosi %parallel_loop3A_160 : vector<16xf32> to vector<16xi32>
        tpu.vector_store_idx %arg5[%parallel_loop3A_161], %broadcast_in_dim3A_15 {add = true} : memref<65536xf32, #tpu.memory_space<vmem>>[vector<16xi32>], vector<16xf32>,
        %parallel_loop3A_162 = arith.constant 64 : i32
        %parallel_loop3A_163 = arith.muli %parallel_loop3A_145, %parallel_loop3A_162 : i32
        %parallel_loop3A_164 = arith.constant 16 : i32
        %parallel_loop3A_165 = arith.addi %parallel_loop3A_163, %parallel_loop3A_164 : i32
        %parallel_loop3A_166 = arith.constant 11 : i32
        %parallel_loop3A_167 = arith.index_cast %parallel_loop3A_166 : i32 to index
        %parallel_loop3A_168 = arith.index_cast %parallel_loop3A_165 : i32 to index
        %parallel_loop3A_169 = tpu.vector_load %arg7[%parallel_loop3A_167, %parallel_loop3A_168] {strides = array<i32>} : memref<16x512xf32, #tpu.memory_space<vmem>>, vector<16xf32>,
        %parallel_loop3A_170 = arith.subf %parallel_loop3A_169, %get3A_12 : vector<16xf32>
        %parallel_loop3A_171 = arith.mulf %parallel_loop3A_170, %get3A_14 : vector<16xf32>
        %parallel_loop3A_172 = arith.constant 0.000000e+00 : f32
        %parallel_loop3A_173 = vector.broadcast %parallel_loop3A_172 : f32 to vector<16xf32>
        %parallel_loop3A_174 = arith.maximumf %parallel_loop3A_173, %parallel_loop3A_171 : vector<16xf32>
        %parallel_loop3A_175 = vector.broadcast %scan3A : f32 to vector<16xf32>
        %parallel_loop3A_176 = arith.minimumf %parallel_loop3A_175, %parallel_loop3A_174 : vector<16xf32>
        %parallel_loop3A_177 = arith.fptosi %parallel_loop3A_176 : vector<16xf32> to vector<16xi32>
        tpu.vector_store_idx %arg5[%parallel_loop3A_177], %broadcast_in_dim3A_15 {add = true} : memref<65536xf32, #tpu.memory_space<vmem>>[vector<16xi32>], vector<16xf32>,
        %parallel_loop3A_178 = arith.constant 64 : i32
        %parallel_loop3A_179 = arith.muli %parallel_loop3A_145, %parallel_loop3A_178 : i32
        %parallel_loop3A_180 = arith.constant 32 : i32
        %parallel_loop3A_181 = arith.addi %parallel_loop3A_179, %parallel_loop3A_180 : i32
        %parallel_loop3A_182 = arith.constant 11 : i32
        %parallel_loop3A_183 = arith.index_cast %parallel_loop3A_182 : i32 to index
        %parallel_loop3A_184 = arith.index_cast %parallel_loop3A_181 : i32 to index
        %parallel_loop3A_185 = tpu.vector_load %arg7[%parallel_loop3A_183, %parallel_loop3A_184] {strides = array<i32>} : memref<16x512xf32, #tpu.memory_space<vmem>>, vector<16xf32>,
        %parallel_loop3A_186 = arith.subf %parallel_loop3A_185, %get3A_12 : vector<16xf32>
        %parallel_loop3A_187 = arith.mulf %parallel_loop3A_186, %get3A_14 : vector<16xf32>
        %parallel_loop3A_188 = arith.constant 0.000000e+00 : f32
        %parallel_loop3A_189 = vector.broadcast %parallel_loop3A_188 : f32 to vector<16xf32>
        %parallel_loop3A_190 = arith.maximumf %parallel_loop3A_189, %parallel_loop3A_187 : vector<16xf32>
        %parallel_loop3A_191 = vector.broadcast %scan3A : f32 to vector<16xf32>
        %parallel_loop3A_192 = arith.minimumf %parallel_loop3A_191, %parallel_loop3A_190 : vector<16xf32>
        %parallel_loop3A_193 = arith.fptosi %parallel_loop3A_192 : vector<16xf32> to vector<16xi32>
        tpu.vector_store_idx %arg5[%parallel_loop3A_193], %broadcast_in_dim3A_15 {add = true} : memref<65536xf32, #tpu.memory_space<vmem>>[vector<16xi32>], vector<16xf32>,
        %parallel_loop3A_194 = arith.constant 64 : i32
        %parallel_loop3A_195 = arith.muli %parallel_loop3A_145, %parallel_loop3A_194 : i32
        %parallel_loop3A_196 = arith.constant 48 : i32
        %parallel_loop3A_197 = arith.addi %parallel_loop3A_195, %parallel_loop3A_196 : i32
        %parallel_loop3A_198 = arith.constant 11 : i32
        %parallel_loop3A_199 = arith.index_cast %parallel_loop3A_198 : i32 to index
        %parallel_loop3A_200 = arith.index_cast %parallel_loop3A_197 : i32 to index
        %parallel_loop3A_201 = tpu.vector_load %arg7[%parallel_loop3A_199, %parallel_loop3A_200] {strides = array<i32>} : memref<16x512xf32, #tpu.memory_space<vmem>>, vector<16xf32>,
        %parallel_loop3A_202 = arith.subf %parallel_loop3A_201, %get3A_12 : vector<16xf32>
        %parallel_loop3A_203 = arith.mulf %parallel_loop3A_202, %get3A_14 : vector<16xf32>
        %parallel_loop3A_204 = arith.constant 0.000000e+00 : f32
        %parallel_loop3A_205 = vector.broadcast %parallel_loop3A_204 : f32 to vector<16xf32>
        %parallel_loop3A_206 = arith.maximumf %parallel_loop3A_205, %parallel_loop3A_203 : vector<16xf32>
        %parallel_loop3A_207 = vector.broadcast %scan3A : f32 to vector<16xf32>
        %parallel_loop3A_208 = arith.minimumf %parallel_loop3A_207, %parallel_loop3A_206 : vector<16xf32>
        %parallel_loop3A_209 = arith.fptosi %parallel_loop3A_208 : vector<16xf32> to vector<16xi32>
        tpu.vector_store_idx %arg5[%parallel_loop3A_209], %broadcast_in_dim3A_15 {add = true} : memref<65536xf32, #tpu.memory_space<vmem>>[vector<16xi32>], vector<16xf32>,
      } {sc.loop_unroll_factor = 4 : i64, sc.parallel_access}
      %parallel_loop3A_127 = arith.constant 0 : i32
      %parallel_loop3A_128 = arith.constant 8 : i32
      %parallel_loop3A_129 = arith.constant 1 : i32
      scf.for %parallel_loop3A_145 = %parallel_loop3A_127 to %parallel_loop3A_128 step %parallel_loop3A_129  : i32 {
        %parallel_loop3A_146 = arith.constant 64 : i32
        %parallel_loop3A_147 = arith.muli %parallel_loop3A_145, %parallel_loop3A_146 : i32
        %parallel_loop3A_148 = arith.constant 0 : i32
        %parallel_loop3A_149 = arith.addi %parallel_loop3A_147, %parallel_loop3A_148 : i32
        %parallel_loop3A_150 = arith.constant 12 : i32
        %parallel_loop3A_151 = arith.index_cast %parallel_loop3A_150 : i32 to index
        %parallel_loop3A_152 = arith.index_cast %parallel_loop3A_149 : i32 to index
        %parallel_loop3A_153 = tpu.vector_load %arg7[%parallel_loop3A_151, %parallel_loop3A_152] {strides = array<i32>} : memref<16x512xf32, #tpu.memory_space<vmem>>, vector<16xf32>,
        %parallel_loop3A_154 = arith.subf %parallel_loop3A_153, %get3A_12 : vector<16xf32>
        %parallel_loop3A_155 = arith.mulf %parallel_loop3A_154, %get3A_14 : vector<16xf32>
        %parallel_loop3A_156 = arith.constant 0.000000e+00 : f32
        %parallel_loop3A_157 = vector.broadcast %parallel_loop3A_156 : f32 to vector<16xf32>
        %parallel_loop3A_158 = arith.maximumf %parallel_loop3A_157, %parallel_loop3A_155 : vector<16xf32>
        %parallel_loop3A_159 = vector.broadcast %scan3A : f32 to vector<16xf32>
        %parallel_loop3A_160 = arith.minimumf %parallel_loop3A_159, %parallel_loop3A_158 : vector<16xf32>
        %parallel_loop3A_161 = arith.fptosi %parallel_loop3A_160 : vector<16xf32> to vector<16xi32>
        tpu.vector_store_idx %arg5[%parallel_loop3A_161], %broadcast_in_dim3A_15 {add = true} : memref<65536xf32, #tpu.memory_space<vmem>>[vector<16xi32>], vector<16xf32>,
        %parallel_loop3A_162 = arith.constant 64 : i32
        %parallel_loop3A_163 = arith.muli %parallel_loop3A_145, %parallel_loop3A_162 : i32
        %parallel_loop3A_164 = arith.constant 16 : i32
        %parallel_loop3A_165 = arith.addi %parallel_loop3A_163, %parallel_loop3A_164 : i32
        %parallel_loop3A_166 = arith.constant 12 : i32
        %parallel_loop3A_167 = arith.index_cast %parallel_loop3A_166 : i32 to index
        %parallel_loop3A_168 = arith.index_cast %parallel_loop3A_165 : i32 to index
        %parallel_loop3A_169 = tpu.vector_load %arg7[%parallel_loop3A_167, %parallel_loop3A_168] {strides = array<i32>} : memref<16x512xf32, #tpu.memory_space<vmem>>, vector<16xf32>,
        %parallel_loop3A_170 = arith.subf %parallel_loop3A_169, %get3A_12 : vector<16xf32>
        %parallel_loop3A_171 = arith.mulf %parallel_loop3A_170, %get3A_14 : vector<16xf32>
        %parallel_loop3A_172 = arith.constant 0.000000e+00 : f32
        %parallel_loop3A_173 = vector.broadcast %parallel_loop3A_172 : f32 to vector<16xf32>
        %parallel_loop3A_174 = arith.maximumf %parallel_loop3A_173, %parallel_loop3A_171 : vector<16xf32>
        %parallel_loop3A_175 = vector.broadcast %scan3A : f32 to vector<16xf32>
        %parallel_loop3A_176 = arith.minimumf %parallel_loop3A_175, %parallel_loop3A_174 : vector<16xf32>
        %parallel_loop3A_177 = arith.fptosi %parallel_loop3A_176 : vector<16xf32> to vector<16xi32>
        tpu.vector_store_idx %arg5[%parallel_loop3A_177], %broadcast_in_dim3A_15 {add = true} : memref<65536xf32, #tpu.memory_space<vmem>>[vector<16xi32>], vector<16xf32>,
        %parallel_loop3A_178 = arith.constant 64 : i32
        %parallel_loop3A_179 = arith.muli %parallel_loop3A_145, %parallel_loop3A_178 : i32
        %parallel_loop3A_180 = arith.constant 32 : i32
        %parallel_loop3A_181 = arith.addi %parallel_loop3A_179, %parallel_loop3A_180 : i32
        %parallel_loop3A_182 = arith.constant 12 : i32
        %parallel_loop3A_183 = arith.index_cast %parallel_loop3A_182 : i32 to index
        %parallel_loop3A_184 = arith.index_cast %parallel_loop3A_181 : i32 to index
        %parallel_loop3A_185 = tpu.vector_load %arg7[%parallel_loop3A_183, %parallel_loop3A_184] {strides = array<i32>} : memref<16x512xf32, #tpu.memory_space<vmem>>, vector<16xf32>,
        %parallel_loop3A_186 = arith.subf %parallel_loop3A_185, %get3A_12 : vector<16xf32>
        %parallel_loop3A_187 = arith.mulf %parallel_loop3A_186, %get3A_14 : vector<16xf32>
        %parallel_loop3A_188 = arith.constant 0.000000e+00 : f32
        %parallel_loop3A_189 = vector.broadcast %parallel_loop3A_188 : f32 to vector<16xf32>
        %parallel_loop3A_190 = arith.maximumf %parallel_loop3A_189, %parallel_loop3A_187 : vector<16xf32>
        %parallel_loop3A_191 = vector.broadcast %scan3A : f32 to vector<16xf32>
        %parallel_loop3A_192 = arith.minimumf %parallel_loop3A_191, %parallel_loop3A_190 : vector<16xf32>
        %parallel_loop3A_193 = arith.fptosi %parallel_loop3A_192 : vector<16xf32> to vector<16xi32>
        tpu.vector_store_idx %arg5[%parallel_loop3A_193], %broadcast_in_dim3A_15 {add = true} : memref<65536xf32, #tpu.memory_space<vmem>>[vector<16xi32>], vector<16xf32>,
        %parallel_loop3A_194 = arith.constant 64 : i32
        %parallel_loop3A_195 = arith.muli %parallel_loop3A_145, %parallel_loop3A_194 : i32
        %parallel_loop3A_196 = arith.constant 48 : i32
        %parallel_loop3A_197 = arith.addi %parallel_loop3A_195, %parallel_loop3A_196 : i32
        %parallel_loop3A_198 = arith.constant 12 : i32
        %parallel_loop3A_199 = arith.index_cast %parallel_loop3A_198 : i32 to index
        %parallel_loop3A_200 = arith.index_cast %parallel_loop3A_197 : i32 to index
        %parallel_loop3A_201 = tpu.vector_load %arg7[%parallel_loop3A_199, %parallel_loop3A_200] {strides = array<i32>} : memref<16x512xf32, #tpu.memory_space<vmem>>, vector<16xf32>,
        %parallel_loop3A_202 = arith.subf %parallel_loop3A_201, %get3A_12 : vector<16xf32>
        %parallel_loop3A_203 = arith.mulf %parallel_loop3A_202, %get3A_14 : vector<16xf32>
        %parallel_loop3A_204 = arith.constant 0.000000e+00 : f32
        %parallel_loop3A_205 = vector.broadcast %parallel_loop3A_204 : f32 to vector<16xf32>
        %parallel_loop3A_206 = arith.maximumf %parallel_loop3A_205, %parallel_loop3A_203 : vector<16xf32>
        %parallel_loop3A_207 = vector.broadcast %scan3A : f32 to vector<16xf32>
        %parallel_loop3A_208 = arith.minimumf %parallel_loop3A_207, %parallel_loop3A_206 : vector<16xf32>
        %parallel_loop3A_209 = arith.fptosi %parallel_loop3A_208 : vector<16xf32> to vector<16xi32>
        tpu.vector_store_idx %arg5[%parallel_loop3A_209], %broadcast_in_dim3A_15 {add = true} : memref<65536xf32, #tpu.memory_space<vmem>>[vector<16xi32>], vector<16xf32>,
      } {sc.loop_unroll_factor = 4 : i64, sc.parallel_access}
      %parallel_loop3A_130 = arith.constant 0 : i32
      %parallel_loop3A_131 = arith.constant 8 : i32
      %parallel_loop3A_132 = arith.constant 1 : i32
      scf.for %parallel_loop3A_145 = %parallel_loop3A_130 to %parallel_loop3A_131 step %parallel_loop3A_132  : i32 {
        %parallel_loop3A_146 = arith.constant 64 : i32
        %parallel_loop3A_147 = arith.muli %parallel_loop3A_145, %parallel_loop3A_146 : i32
        %parallel_loop3A_148 = arith.constant 0 : i32
        %parallel_loop3A_149 = arith.addi %parallel_loop3A_147, %parallel_loop3A_148 : i32
        %parallel_loop3A_150 = arith.constant 13 : i32
        %parallel_loop3A_151 = arith.index_cast %parallel_loop3A_150 : i32 to index
        %parallel_loop3A_152 = arith.index_cast %parallel_loop3A_149 : i32 to index
        %parallel_loop3A_153 = tpu.vector_load %arg7[%parallel_loop3A_151, %parallel_loop3A_152] {strides = array<i32>} : memref<16x512xf32, #tpu.memory_space<vmem>>, vector<16xf32>,
        %parallel_loop3A_154 = arith.subf %parallel_loop3A_153, %get3A_12 : vector<16xf32>
        %parallel_loop3A_155 = arith.mulf %parallel_loop3A_154, %get3A_14 : vector<16xf32>
        %parallel_loop3A_156 = arith.constant 0.000000e+00 : f32
        %parallel_loop3A_157 = vector.broadcast %parallel_loop3A_156 : f32 to vector<16xf32>
        %parallel_loop3A_158 = arith.maximumf %parallel_loop3A_157, %parallel_loop3A_155 : vector<16xf32>
        %parallel_loop3A_159 = vector.broadcast %scan3A : f32 to vector<16xf32>
        %parallel_loop3A_160 = arith.minimumf %parallel_loop3A_159, %parallel_loop3A_158 : vector<16xf32>
        %parallel_loop3A_161 = arith.fptosi %parallel_loop3A_160 : vector<16xf32> to vector<16xi32>
        tpu.vector_store_idx %arg5[%parallel_loop3A_161], %broadcast_in_dim3A_15 {add = true} : memref<65536xf32, #tpu.memory_space<vmem>>[vector<16xi32>], vector<16xf32>,
        %parallel_loop3A_162 = arith.constant 64 : i32
        %parallel_loop3A_163 = arith.muli %parallel_loop3A_145, %parallel_loop3A_162 : i32
        %parallel_loop3A_164 = arith.constant 16 : i32
        %parallel_loop3A_165 = arith.addi %parallel_loop3A_163, %parallel_loop3A_164 : i32
        %parallel_loop3A_166 = arith.constant 13 : i32
        %parallel_loop3A_167 = arith.index_cast %parallel_loop3A_166 : i32 to index
        %parallel_loop3A_168 = arith.index_cast %parallel_loop3A_165 : i32 to index
        %parallel_loop3A_169 = tpu.vector_load %arg7[%parallel_loop3A_167, %parallel_loop3A_168] {strides = array<i32>} : memref<16x512xf32, #tpu.memory_space<vmem>>, vector<16xf32>,
        %parallel_loop3A_170 = arith.subf %parallel_loop3A_169, %get3A_12 : vector<16xf32>
        %parallel_loop3A_171 = arith.mulf %parallel_loop3A_170, %get3A_14 : vector<16xf32>
        %parallel_loop3A_172 = arith.constant 0.000000e+00 : f32
        %parallel_loop3A_173 = vector.broadcast %parallel_loop3A_172 : f32 to vector<16xf32>
        %parallel_loop3A_174 = arith.maximumf %parallel_loop3A_173, %parallel_loop3A_171 : vector<16xf32>
        %parallel_loop3A_175 = vector.broadcast %scan3A : f32 to vector<16xf32>
        %parallel_loop3A_176 = arith.minimumf %parallel_loop3A_175, %parallel_loop3A_174 : vector<16xf32>
        %parallel_loop3A_177 = arith.fptosi %parallel_loop3A_176 : vector<16xf32> to vector<16xi32>
        tpu.vector_store_idx %arg5[%parallel_loop3A_177], %broadcast_in_dim3A_15 {add = true} : memref<65536xf32, #tpu.memory_space<vmem>>[vector<16xi32>], vector<16xf32>,
        %parallel_loop3A_178 = arith.constant 64 : i32
        %parallel_loop3A_179 = arith.muli %parallel_loop3A_145, %parallel_loop3A_178 : i32
        %parallel_loop3A_180 = arith.constant 32 : i32
        %parallel_loop3A_181 = arith.addi %parallel_loop3A_179, %parallel_loop3A_180 : i32
        %parallel_loop3A_182 = arith.constant 13 : i32
        %parallel_loop3A_183 = arith.index_cast %parallel_loop3A_182 : i32 to index
        %parallel_loop3A_184 = arith.index_cast %parallel_loop3A_181 : i32 to index
        %parallel_loop3A_185 = tpu.vector_load %arg7[%parallel_loop3A_183, %parallel_loop3A_184] {strides = array<i32>} : memref<16x512xf32, #tpu.memory_space<vmem>>, vector<16xf32>,
        %parallel_loop3A_186 = arith.subf %parallel_loop3A_185, %get3A_12 : vector<16xf32>
        %parallel_loop3A_187 = arith.mulf %parallel_loop3A_186, %get3A_14 : vector<16xf32>
        %parallel_loop3A_188 = arith.constant 0.000000e+00 : f32
        %parallel_loop3A_189 = vector.broadcast %parallel_loop3A_188 : f32 to vector<16xf32>
        %parallel_loop3A_190 = arith.maximumf %parallel_loop3A_189, %parallel_loop3A_187 : vector<16xf32>
        %parallel_loop3A_191 = vector.broadcast %scan3A : f32 to vector<16xf32>
        %parallel_loop3A_192 = arith.minimumf %parallel_loop3A_191, %parallel_loop3A_190 : vector<16xf32>
        %parallel_loop3A_193 = arith.fptosi %parallel_loop3A_192 : vector<16xf32> to vector<16xi32>
        tpu.vector_store_idx %arg5[%parallel_loop3A_193], %broadcast_in_dim3A_15 {add = true} : memref<65536xf32, #tpu.memory_space<vmem>>[vector<16xi32>], vector<16xf32>,
        %parallel_loop3A_194 = arith.constant 64 : i32
        %parallel_loop3A_195 = arith.muli %parallel_loop3A_145, %parallel_loop3A_194 : i32
        %parallel_loop3A_196 = arith.constant 48 : i32
        %parallel_loop3A_197 = arith.addi %parallel_loop3A_195, %parallel_loop3A_196 : i32
        %parallel_loop3A_198 = arith.constant 13 : i32
        %parallel_loop3A_199 = arith.index_cast %parallel_loop3A_198 : i32 to index
        %parallel_loop3A_200 = arith.index_cast %parallel_loop3A_197 : i32 to index
        %parallel_loop3A_201 = tpu.vector_load %arg7[%parallel_loop3A_199, %parallel_loop3A_200] {strides = array<i32>} : memref<16x512xf32, #tpu.memory_space<vmem>>, vector<16xf32>,
        %parallel_loop3A_202 = arith.subf %parallel_loop3A_201, %get3A_12 : vector<16xf32>
        %parallel_loop3A_203 = arith.mulf %parallel_loop3A_202, %get3A_14 : vector<16xf32>
        %parallel_loop3A_204 = arith.constant 0.000000e+00 : f32
        %parallel_loop3A_205 = vector.broadcast %parallel_loop3A_204 : f32 to vector<16xf32>
        %parallel_loop3A_206 = arith.maximumf %parallel_loop3A_205, %parallel_loop3A_203 : vector<16xf32>
        %parallel_loop3A_207 = vector.broadcast %scan3A : f32 to vector<16xf32>
        %parallel_loop3A_208 = arith.minimumf %parallel_loop3A_207, %parallel_loop3A_206 : vector<16xf32>
        %parallel_loop3A_209 = arith.fptosi %parallel_loop3A_208 : vector<16xf32> to vector<16xi32>
        tpu.vector_store_idx %arg5[%parallel_loop3A_209], %broadcast_in_dim3A_15 {add = true} : memref<65536xf32, #tpu.memory_space<vmem>>[vector<16xi32>], vector<16xf32>,
      } {sc.loop_unroll_factor = 4 : i64, sc.parallel_access}
      %parallel_loop3A_133 = arith.constant 0 : i32
      %parallel_loop3A_134 = arith.constant 8 : i32
      %parallel_loop3A_135 = arith.constant 1 : i32
      scf.for %parallel_loop3A_145 = %parallel_loop3A_133 to %parallel_loop3A_134 step %parallel_loop3A_135  : i32 {
        %parallel_loop3A_146 = arith.constant 64 : i32
        %parallel_loop3A_147 = arith.muli %parallel_loop3A_145, %parallel_loop3A_146 : i32
        %parallel_loop3A_148 = arith.constant 0 : i32
        %parallel_loop3A_149 = arith.addi %parallel_loop3A_147, %parallel_loop3A_148 : i32
        %parallel_loop3A_150 = arith.constant 14 : i32
        %parallel_loop3A_151 = arith.index_cast %parallel_loop3A_150 : i32 to index
        %parallel_loop3A_152 = arith.index_cast %parallel_loop3A_149 : i32 to index
        %parallel_loop3A_153 = tpu.vector_load %arg7[%parallel_loop3A_151, %parallel_loop3A_152] {strides = array<i32>} : memref<16x512xf32, #tpu.memory_space<vmem>>, vector<16xf32>,
        %parallel_loop3A_154 = arith.subf %parallel_loop3A_153, %get3A_12 : vector<16xf32>
        %parallel_loop3A_155 = arith.mulf %parallel_loop3A_154, %get3A_14 : vector<16xf32>
        %parallel_loop3A_156 = arith.constant 0.000000e+00 : f32
        %parallel_loop3A_157 = vector.broadcast %parallel_loop3A_156 : f32 to vector<16xf32>
        %parallel_loop3A_158 = arith.maximumf %parallel_loop3A_157, %parallel_loop3A_155 : vector<16xf32>
        %parallel_loop3A_159 = vector.broadcast %scan3A : f32 to vector<16xf32>
        %parallel_loop3A_160 = arith.minimumf %parallel_loop3A_159, %parallel_loop3A_158 : vector<16xf32>
        %parallel_loop3A_161 = arith.fptosi %parallel_loop3A_160 : vector<16xf32> to vector<16xi32>
        tpu.vector_store_idx %arg5[%parallel_loop3A_161], %broadcast_in_dim3A_15 {add = true} : memref<65536xf32, #tpu.memory_space<vmem>>[vector<16xi32>], vector<16xf32>,
        %parallel_loop3A_162 = arith.constant 64 : i32
        %parallel_loop3A_163 = arith.muli %parallel_loop3A_145, %parallel_loop3A_162 : i32
        %parallel_loop3A_164 = arith.constant 16 : i32
        %parallel_loop3A_165 = arith.addi %parallel_loop3A_163, %parallel_loop3A_164 : i32
        %parallel_loop3A_166 = arith.constant 14 : i32
        %parallel_loop3A_167 = arith.index_cast %parallel_loop3A_166 : i32 to index
        %parallel_loop3A_168 = arith.index_cast %parallel_loop3A_165 : i32 to index
        %parallel_loop3A_169 = tpu.vector_load %arg7[%parallel_loop3A_167, %parallel_loop3A_168] {strides = array<i32>} : memref<16x512xf32, #tpu.memory_space<vmem>>, vector<16xf32>,
        %parallel_loop3A_170 = arith.subf %parallel_loop3A_169, %get3A_12 : vector<16xf32>
        %parallel_loop3A_171 = arith.mulf %parallel_loop3A_170, %get3A_14 : vector<16xf32>
        %parallel_loop3A_172 = arith.constant 0.000000e+00 : f32
        %parallel_loop3A_173 = vector.broadcast %parallel_loop3A_172 : f32 to vector<16xf32>
        %parallel_loop3A_174 = arith.maximumf %parallel_loop3A_173, %parallel_loop3A_171 : vector<16xf32>
        %parallel_loop3A_175 = vector.broadcast %scan3A : f32 to vector<16xf32>
        %parallel_loop3A_176 = arith.minimumf %parallel_loop3A_175, %parallel_loop3A_174 : vector<16xf32>
        %parallel_loop3A_177 = arith.fptosi %parallel_loop3A_176 : vector<16xf32> to vector<16xi32>
        tpu.vector_store_idx %arg5[%parallel_loop3A_177], %broadcast_in_dim3A_15 {add = true} : memref<65536xf32, #tpu.memory_space<vmem>>[vector<16xi32>], vector<16xf32>,
        %parallel_loop3A_178 = arith.constant 64 : i32
        %parallel_loop3A_179 = arith.muli %parallel_loop3A_145, %parallel_loop3A_178 : i32
        %parallel_loop3A_180 = arith.constant 32 : i32
        %parallel_loop3A_181 = arith.addi %parallel_loop3A_179, %parallel_loop3A_180 : i32
        %parallel_loop3A_182 = arith.constant 14 : i32
        %parallel_loop3A_183 = arith.index_cast %parallel_loop3A_182 : i32 to index
        %parallel_loop3A_184 = arith.index_cast %parallel_loop3A_181 : i32 to index
        %parallel_loop3A_185 = tpu.vector_load %arg7[%parallel_loop3A_183, %parallel_loop3A_184] {strides = array<i32>} : memref<16x512xf32, #tpu.memory_space<vmem>>, vector<16xf32>,
        %parallel_loop3A_186 = arith.subf %parallel_loop3A_185, %get3A_12 : vector<16xf32>
        %parallel_loop3A_187 = arith.mulf %parallel_loop3A_186, %get3A_14 : vector<16xf32>
        %parallel_loop3A_188 = arith.constant 0.000000e+00 : f32
        %parallel_loop3A_189 = vector.broadcast %parallel_loop3A_188 : f32 to vector<16xf32>
        %parallel_loop3A_190 = arith.maximumf %parallel_loop3A_189, %parallel_loop3A_187 : vector<16xf32>
        %parallel_loop3A_191 = vector.broadcast %scan3A : f32 to vector<16xf32>
        %parallel_loop3A_192 = arith.minimumf %parallel_loop3A_191, %parallel_loop3A_190 : vector<16xf32>
        %parallel_loop3A_193 = arith.fptosi %parallel_loop3A_192 : vector<16xf32> to vector<16xi32>
        tpu.vector_store_idx %arg5[%parallel_loop3A_193], %broadcast_in_dim3A_15 {add = true} : memref<65536xf32, #tpu.memory_space<vmem>>[vector<16xi32>], vector<16xf32>,
        %parallel_loop3A_194 = arith.constant 64 : i32
        %parallel_loop3A_195 = arith.muli %parallel_loop3A_145, %parallel_loop3A_194 : i32
        %parallel_loop3A_196 = arith.constant 48 : i32
        %parallel_loop3A_197 = arith.addi %parallel_loop3A_195, %parallel_loop3A_196 : i32
        %parallel_loop3A_198 = arith.constant 14 : i32
        %parallel_loop3A_199 = arith.index_cast %parallel_loop3A_198 : i32 to index
        %parallel_loop3A_200 = arith.index_cast %parallel_loop3A_197 : i32 to index
        %parallel_loop3A_201 = tpu.vector_load %arg7[%parallel_loop3A_199, %parallel_loop3A_200] {strides = array<i32>} : memref<16x512xf32, #tpu.memory_space<vmem>>, vector<16xf32>,
        %parallel_loop3A_202 = arith.subf %parallel_loop3A_201, %get3A_12 : vector<16xf32>
        %parallel_loop3A_203 = arith.mulf %parallel_loop3A_202, %get3A_14 : vector<16xf32>
        %parallel_loop3A_204 = arith.constant 0.000000e+00 : f32
        %parallel_loop3A_205 = vector.broadcast %parallel_loop3A_204 : f32 to vector<16xf32>
        %parallel_loop3A_206 = arith.maximumf %parallel_loop3A_205, %parallel_loop3A_203 : vector<16xf32>
        %parallel_loop3A_207 = vector.broadcast %scan3A : f32 to vector<16xf32>
        %parallel_loop3A_208 = arith.minimumf %parallel_loop3A_207, %parallel_loop3A_206 : vector<16xf32>
        %parallel_loop3A_209 = arith.fptosi %parallel_loop3A_208 : vector<16xf32> to vector<16xi32>
        tpu.vector_store_idx %arg5[%parallel_loop3A_209], %broadcast_in_dim3A_15 {add = true} : memref<65536xf32, #tpu.memory_space<vmem>>[vector<16xi32>], vector<16xf32>,
      } {sc.loop_unroll_factor = 4 : i64, sc.parallel_access}
      %parallel_loop3A_136 = arith.constant 0 : i32
      %parallel_loop3A_137 = arith.constant 8 : i32
      %parallel_loop3A_138 = arith.constant 1 : i32
      scf.for %parallel_loop3A_145 = %parallel_loop3A_136 to %parallel_loop3A_137 step %parallel_loop3A_138  : i32 {
        %parallel_loop3A_146 = arith.constant 64 : i32
        %parallel_loop3A_147 = arith.muli %parallel_loop3A_145, %parallel_loop3A_146 : i32
        %parallel_loop3A_148 = arith.constant 0 : i32
        %parallel_loop3A_149 = arith.addi %parallel_loop3A_147, %parallel_loop3A_148 : i32
        %parallel_loop3A_150 = arith.constant 15 : i32
        %parallel_loop3A_151 = arith.index_cast %parallel_loop3A_150 : i32 to index
        %parallel_loop3A_152 = arith.index_cast %parallel_loop3A_149 : i32 to index
        %parallel_loop3A_153 = tpu.vector_load %arg7[%parallel_loop3A_151, %parallel_loop3A_152] {strides = array<i32>} : memref<16x512xf32, #tpu.memory_space<vmem>>, vector<16xf32>,
        %parallel_loop3A_154 = arith.subf %parallel_loop3A_153, %get3A_12 : vector<16xf32>
        %parallel_loop3A_155 = arith.mulf %parallel_loop3A_154, %get3A_14 : vector<16xf32>
        %parallel_loop3A_156 = arith.constant 0.000000e+00 : f32
        %parallel_loop3A_157 = vector.broadcast %parallel_loop3A_156 : f32 to vector<16xf32>
        %parallel_loop3A_158 = arith.maximumf %parallel_loop3A_157, %parallel_loop3A_155 : vector<16xf32>
        %parallel_loop3A_159 = vector.broadcast %scan3A : f32 to vector<16xf32>
        %parallel_loop3A_160 = arith.minimumf %parallel_loop3A_159, %parallel_loop3A_158 : vector<16xf32>
        %parallel_loop3A_161 = arith.fptosi %parallel_loop3A_160 : vector<16xf32> to vector<16xi32>
        tpu.vector_store_idx %arg5[%parallel_loop3A_161], %broadcast_in_dim3A_15 {add = true} : memref<65536xf32, #tpu.memory_space<vmem>>[vector<16xi32>], vector<16xf32>,
        %parallel_loop3A_162 = arith.constant 64 : i32
        %parallel_loop3A_163 = arith.muli %parallel_loop3A_145, %parallel_loop3A_162 : i32
        %parallel_loop3A_164 = arith.constant 16 : i32
        %parallel_loop3A_165 = arith.addi %parallel_loop3A_163, %parallel_loop3A_164 : i32
        %parallel_loop3A_166 = arith.constant 15 : i32
        %parallel_loop3A_167 = arith.index_cast %parallel_loop3A_166 : i32 to index
        %parallel_loop3A_168 = arith.index_cast %parallel_loop3A_165 : i32 to index
        %parallel_loop3A_169 = tpu.vector_load %arg7[%parallel_loop3A_167, %parallel_loop3A_168] {strides = array<i32>} : memref<16x512xf32, #tpu.memory_space<vmem>>, vector<16xf32>,
        %parallel_loop3A_170 = arith.subf %parallel_loop3A_169, %get3A_12 : vector<16xf32>
        %parallel_loop3A_171 = arith.mulf %parallel_loop3A_170, %get3A_14 : vector<16xf32>
        %parallel_loop3A_172 = arith.constant 0.000000e+00 : f32
        %parallel_loop3A_173 = vector.broadcast %parallel_loop3A_172 : f32 to vector<16xf32>
        %parallel_loop3A_174 = arith.maximumf %parallel_loop3A_173, %parallel_loop3A_171 : vector<16xf32>
        %parallel_loop3A_175 = vector.broadcast %scan3A : f32 to vector<16xf32>
        %parallel_loop3A_176 = arith.minimumf %parallel_loop3A_175, %parallel_loop3A_174 : vector<16xf32>
        %parallel_loop3A_177 = arith.fptosi %parallel_loop3A_176 : vector<16xf32> to vector<16xi32>
        tpu.vector_store_idx %arg5[%parallel_loop3A_177], %broadcast_in_dim3A_15 {add = true} : memref<65536xf32, #tpu.memory_space<vmem>>[vector<16xi32>], vector<16xf32>,
        %parallel_loop3A_178 = arith.constant 64 : i32
        %parallel_loop3A_179 = arith.muli %parallel_loop3A_145, %parallel_loop3A_178 : i32
        %parallel_loop3A_180 = arith.constant 32 : i32
        %parallel_loop3A_181 = arith.addi %parallel_loop3A_179, %parallel_loop3A_180 : i32
        %parallel_loop3A_182 = arith.constant 15 : i32
        %parallel_loop3A_183 = arith.index_cast %parallel_loop3A_182 : i32 to index
        %parallel_loop3A_184 = arith.index_cast %parallel_loop3A_181 : i32 to index
        %parallel_loop3A_185 = tpu.vector_load %arg7[%parallel_loop3A_183, %parallel_loop3A_184] {strides = array<i32>} : memref<16x512xf32, #tpu.memory_space<vmem>>, vector<16xf32>,
        %parallel_loop3A_186 = arith.subf %parallel_loop3A_185, %get3A_12 : vector<16xf32>
        %parallel_loop3A_187 = arith.mulf %parallel_loop3A_186, %get3A_14 : vector<16xf32>
        %parallel_loop3A_188 = arith.constant 0.000000e+00 : f32
        %parallel_loop3A_189 = vector.broadcast %parallel_loop3A_188 : f32 to vector<16xf32>
        %parallel_loop3A_190 = arith.maximumf %parallel_loop3A_189, %parallel_loop3A_187 : vector<16xf32>
        %parallel_loop3A_191 = vector.broadcast %scan3A : f32 to vector<16xf32>
        %parallel_loop3A_192 = arith.minimumf %parallel_loop3A_191, %parallel_loop3A_190 : vector<16xf32>
        %parallel_loop3A_193 = arith.fptosi %parallel_loop3A_192 : vector<16xf32> to vector<16xi32>
        tpu.vector_store_idx %arg5[%parallel_loop3A_193], %broadcast_in_dim3A_15 {add = true} : memref<65536xf32, #tpu.memory_space<vmem>>[vector<16xi32>], vector<16xf32>,
        %parallel_loop3A_194 = arith.constant 64 : i32
        %parallel_loop3A_195 = arith.muli %parallel_loop3A_145, %parallel_loop3A_194 : i32
        %parallel_loop3A_196 = arith.constant 48 : i32
        %parallel_loop3A_197 = arith.addi %parallel_loop3A_195, %parallel_loop3A_196 : i32
        %parallel_loop3A_198 = arith.constant 15 : i32
        %parallel_loop3A_199 = arith.index_cast %parallel_loop3A_198 : i32 to index
        %parallel_loop3A_200 = arith.index_cast %parallel_loop3A_197 : i32 to index
        %parallel_loop3A_201 = tpu.vector_load %arg7[%parallel_loop3A_199, %parallel_loop3A_200] {strides = array<i32>} : memref<16x512xf32, #tpu.memory_space<vmem>>, vector<16xf32>,
        %parallel_loop3A_202 = arith.subf %parallel_loop3A_201, %get3A_12 : vector<16xf32>
        %parallel_loop3A_203 = arith.mulf %parallel_loop3A_202, %get3A_14 : vector<16xf32>
        %parallel_loop3A_204 = arith.constant 0.000000e+00 : f32
        %parallel_loop3A_205 = vector.broadcast %parallel_loop3A_204 : f32 to vector<16xf32>
        %parallel_loop3A_206 = arith.maximumf %parallel_loop3A_205, %parallel_loop3A_203 : vector<16xf32>
        %parallel_loop3A_207 = vector.broadcast %scan3A : f32 to vector<16xf32>
        %parallel_loop3A_208 = arith.minimumf %parallel_loop3A_207, %parallel_loop3A_206 : vector<16xf32>
        %parallel_loop3A_209 = arith.fptosi %parallel_loop3A_208 : vector<16xf32> to vector<16xi32>
        tpu.vector_store_idx %arg5[%parallel_loop3A_209], %broadcast_in_dim3A_15 {add = true} : memref<65536xf32, #tpu.memory_space<vmem>>[vector<16xi32>], vector<16xf32>,
      } {sc.loop_unroll_factor = 4 : i64, sc.parallel_access}
      %lt3A_139 = arith.constant 15 : i32
      %lt3A_140 = arith.cmpi slt, %scan3A_25, %lt3A_139 : i32
      %convert_element_type3A_141 = arith.extui %lt3A_140 : i1 to i32
      %cond3A_142 = arith.constant 0 : i32
      %cond3A_143 = arith.cmpi ne, %convert_element_type3A_141, %cond3A_142 : i32
      scf.if %cond3A_143 {
        %add3A_145 = arith.constant 48 : i32
        %add3A_146 = arith.addi %add3A_31, %add3A_145 : i32
        %dma_start3A_147 = arith.constant 0 : i32
        %dma_start3A_148 = tpu.memref_slice %arg2[%add3A_146, %dma_start3A_147] : memref<16384x512xf32, #tpu.memory_space<hbm>> -> memref<16x512xf32, #tpu.memory_space<hbm>>
        %dma_start3A_149 = arith.constant 0 : i32
        %dma_start3A_150 = tpu.memref_slice %arg2[%add3A_146, %dma_start3A_149] : memref<16384x512xf32, #tpu.memory_space<hbm>> -> memref<16x512xf32, #tpu.memory_space<hbm>>
        tpu.enqueue_dma source(%dma_start3A_150 : memref<16x512xf32, #tpu.memory_space<hbm>>) target(%arg7 : memref<16x512xf32, #tpu.memory_space<vmem>>) target_semaphore(%arg11 : memref<!tpu.dma_semaphore, #tpu.memory_space<semaphore_mem>>)
      } else {
      }
      %scan3A_144 = arith.constant 0 : i32
      scf.yield %scan3A_144 : i32
    }
    %scan3A_24 = arith.constant 16 : i32
    "tpu.region"() ({
      %run_scoped3A = tpu.sem_alloc : memref<!tpu.dma_semaphore, #tpu.memory_space<semaphore_mem>>
      %dma_start3A_25 = arith.constant 0 : i32
      %dma_start3A_26 = tpu.memref_slice %arg4[%add3A, %dma_start3A_25] : memref<32x65536xf32, #tpu.memory_space<hbm>> -> memref<1x65536xf32, #tpu.memory_space<hbm>>
      %dma_start3A_27 = tpu.memref_squeeze %dma_start3A_26 : memref<1x65536xf32, #tpu.memory_space<hbm>> -> memref<65536xf32, #tpu.memory_space<hbm>>
      %dma_start3A_28 = arith.constant 0 : i32
      %dma_start3A_29 = tpu.memref_slice %arg4[%add3A, %dma_start3A_28] : memref<32x65536xf32, #tpu.memory_space<hbm>> -> memref<1x65536xf32, #tpu.memory_space<hbm>>
      %dma_start3A_30 = tpu.memref_squeeze %dma_start3A_29 : memref<1x65536xf32, #tpu.memory_space<hbm>> -> memref<65536xf32, #tpu.memory_space<hbm>>
      tpu.enqueue_dma source(%arg5 : memref<65536xf32, #tpu.memory_space<vmem>>) target(%dma_start3A_30 : memref<65536xf32, #tpu.memory_space<hbm>>) target_semaphore(%run_scoped3A : memref<!tpu.dma_semaphore, #tpu.memory_space<semaphore_mem>>)
      %dma_wait3A = arith.constant 0 : i32
      %dma_wait3A_31 = tpu.memref_slice %arg4[%add3A, %dma_wait3A] : memref<32x65536xf32, #tpu.memory_space<hbm>> -> memref<1x65536xf32, #tpu.memory_space<hbm>>
      %dma_wait3A_32 = tpu.memref_squeeze %dma_wait3A_31 : memref<1x65536xf32, #tpu.memory_space<hbm>> -> memref<65536xf32, #tpu.memory_space<hbm>>
      %dma_wait3A_33 = arith.constant 0 : i32
      %dma_wait3A_34 = tpu.memref_slice %arg4[%add3A, %dma_wait3A_33] : memref<32x65536xf32, #tpu.memory_space<hbm>> -> memref<1x65536xf32, #tpu.memory_space<hbm>>
      %dma_wait3A_35 = tpu.memref_squeeze %dma_wait3A_34 : memref<1x65536xf32, #tpu.memory_space<hbm>> -> memref<65536xf32, #tpu.memory_space<hbm>>
      tpu.wait_dma2 semaphore(%run_scoped3A : memref<!tpu.dma_semaphore, #tpu.memory_space<semaphore_mem>>) src(%arg5 : memref<65536xf32, #tpu.memory_space<vmem>>) dst(%dma_wait3A_35 : memref<65536xf32, #tpu.memory_space<hbm>>)
      tpu.yield
    }) : () -> ()
    return
  }
}

module attributes {stable_mosaic.version = 14 : i64} {
  func.func @_k3_body(%arg0: memref<8x128xf32, #tpu.memory_space<vmem>>, %arg1: memref<32x65536xf32, #tpu.memory_space<vmem>>, %arg2: memref<8xf32, #tpu.memory_space<vmem>>, %arg3: memref<32x8xf32, #tpu.memory_space<vmem>>, %arg4: memref<32xf32, #tpu.memory_space<vmem>>, %arg5: memref<64x32xf32, #tpu.memory_space<vmem>>, %arg6: memref<64xf32, #tpu.memory_space<vmem>>, %arg7: memref<16384x64xf32, #tpu.memory_space<vmem>>) attributes {dimension_semantics = [], scalar_prefetch = 0 : i64, scratch_operands = 0 : i64, tpu.core_type = #tpu.core_type<tc>} {
    %get3A = arith.constant 0 : index
    %get3A_0 = arith.constant 0 : index
    %get3A_1 = vector.load %arg0[%get3A, %get3A_0] : memref<8x128xf32, #tpu.memory_space<vmem>>, vector<8x128xf32>
    %slice3A = vector.extract_strided_slice %get3A_1 {offsets = [0, 0], sizes = [1, 128], strides = [1, 1]} : vector<8x128xf32> to vector<1x128xf32>
    %squeeze3A = vector.shape_cast %slice3A : vector<1x128xf32> to vector<128xf32>
    %reduce_sum3A = vector.shape_cast %squeeze3A : vector<128xf32> to vector<1x128xf32>
    %reduce_sum3A_2 = arith.constant dense<0.000000e+00> : vector<1xf32>
    %reduce_sum3A_3 = vector.multi_reduction <add>, %reduce_sum3A, %reduce_sum3A_2 [1] : vector<1x128xf32> to vector<1xf32>
    %reduce_sum3A_4 = vector.shape_cast %reduce_sum3A_3 : vector<1xf32> to vector<1x1xf32>
    %reduce_sum3A_5 = vector.extract %reduce_sum3A_4[0, 0] : f32 from vector<1x1xf32>
    %slice3A_6 = vector.extract_strided_slice %get3A_1 {offsets = [1, 0], sizes = [1, 128], strides = [1, 1]} : vector<8x128xf32> to vector<1x128xf32>
    %squeeze3A_7 = vector.shape_cast %slice3A_6 : vector<1x128xf32> to vector<128xf32>
    %reduce_sum3A_8 = vector.shape_cast %squeeze3A_7 : vector<128xf32> to vector<1x128xf32>
    %reduce_sum3A_9 = arith.constant dense<0.000000e+00> : vector<1xf32>
    %reduce_sum3A_10 = vector.multi_reduction <add>, %reduce_sum3A_8, %reduce_sum3A_9 [1] : vector<1x128xf32> to vector<1xf32>
    %reduce_sum3A_11 = vector.shape_cast %reduce_sum3A_10 : vector<1xf32> to vector<1x1xf32>
    %reduce_sum3A_12 = vector.extract %reduce_sum3A_11[0, 0] : f32 from vector<1x1xf32>
    %slice3A_13 = vector.extract_strided_slice %get3A_1 {offsets = [2, 0], sizes = [1, 128], strides = [1, 1]} : vector<8x128xf32> to vector<1x128xf32>
    %squeeze3A_14 = vector.shape_cast %slice3A_13 : vector<1x128xf32> to vector<128xf32>
    %reduce_sum3A_15 = vector.shape_cast %squeeze3A_14 : vector<128xf32> to vector<1x128xf32>
    %reduce_sum3A_16 = arith.constant dense<0.000000e+00> : vector<1xf32>
    %reduce_sum3A_17 = vector.multi_reduction <add>, %reduce_sum3A_15, %reduce_sum3A_16 [1] : vector<1x128xf32> to vector<1xf32>
    %reduce_sum3A_18 = vector.shape_cast %reduce_sum3A_17 : vector<1xf32> to vector<1x1xf32>
    %reduce_sum3A_19 = vector.extract %reduce_sum3A_18[0, 0] : f32 from vector<1x1xf32>
    %slice3A_20 = vector.extract_strided_slice %get3A_1 {offsets = [3, 0], sizes = [1, 128], strides = [1, 1]} : vector<8x128xf32> to vector<1x128xf32>
    %squeeze3A_21 = vector.shape_cast %slice3A_20 : vector<1x128xf32> to vector<128xf32>
    %reduce_sum3A_22 = vector.shape_cast %squeeze3A_21 : vector<128xf32> to vector<1x128xf32>
    %reduce_sum3A_23 = arith.constant dense<0.000000e+00> : vector<1xf32>
    %reduce_sum3A_24 = vector.multi_reduction <add>, %reduce_sum3A_22, %reduce_sum3A_23 [1] : vector<1x128xf32> to vector<1xf32>
    %reduce_sum3A_25 = vector.shape_cast %reduce_sum3A_24 : vector<1xf32> to vector<1x1xf32>
    %reduce_sum3A_26 = vector.extract %reduce_sum3A_25[0, 0] : f32 from vector<1x1xf32>
    %slice3A_27 = vector.extract_strided_slice %get3A_1 {offsets = [4, 0], sizes = [1, 128], strides = [1, 1]} : vector<8x128xf32> to vector<1x128xf32>
    %squeeze3A_28 = vector.shape_cast %slice3A_27 : vector<1x128xf32> to vector<128xf32>
    %reduce_min3A = vector.shape_cast %squeeze3A_28 : vector<128xf32> to vector<1x128xf32>
    %reduce_min3A_29 = arith.constant dense<0x7F800000> : vector<1xf32>
    %reduce_min3A_30 = vector.multi_reduction <minimumf>, %reduce_min3A, %reduce_min3A_29 [1] : vector<1x128xf32> to vector<1xf32>
    %reduce_min3A_31 = vector.shape_cast %reduce_min3A_30 : vector<1xf32> to vector<1x1xf32>
    %reduce_min3A_32 = vector.extract %reduce_min3A_31[0, 0] : f32 from vector<1x1xf32>
    %slice3A_33 = vector.extract_strided_slice %get3A_1 {offsets = [5, 0], sizes = [1, 128], strides = [1, 1]} : vector<8x128xf32> to vector<1x128xf32>
    %squeeze3A_34 = vector.shape_cast %slice3A_33 : vector<1x128xf32> to vector<128xf32>
    %reduce_max3A = vector.shape_cast %squeeze3A_34 : vector<128xf32> to vector<1x128xf32>
    %reduce_max3A_35 = arith.constant dense<0xFF800000> : vector<1xf32>
    %reduce_max3A_36 = vector.multi_reduction <maximumf>, %reduce_max3A, %reduce_max3A_35 [1] : vector<1x128xf32> to vector<1xf32>
    %reduce_max3A_37 = vector.shape_cast %reduce_max3A_36 : vector<1xf32> to vector<1x1xf32>
    %reduce_max3A_38 = vector.extract %reduce_max3A_37[0, 0] : f32 from vector<1x1xf32>
    %sub3A = arith.subf %reduce_max3A_38, %reduce_min3A_32 : f32
    %max3A = arith.constant 1.000000e-30 : f32
    %max3A_39 = arith.maximumf %sub3A, %max3A : f32
    %div3A = arith.constant 6.553600e+04 : f32
    %div3A_40 = arith.divf %max3A_39, %div3A : f32
    %get3A_41 = arith.constant 0 : index
    %get3A_42 = arith.constant 0 : index
    %get3A_43 = vector.load %arg1[%get3A_41, %get3A_42] : memref<32x65536xf32, #tpu.memory_space<vmem>>, vector<32x65536xf32>
    %reduce_sum3A_44 = arith.constant dense<0.000000e+00> : vector<65536xf32>
    %reduce_sum3A_45 = vector.multi_reduction <add>, %get3A_43, %reduce_sum3A_44 [0] : vector<32x65536xf32> to vector<65536xf32>
    %reshape3A = vector.shape_cast %reduce_sum3A_45 : vector<65536xf32> to vector<512x128xf32>
    %broadcast_in_dim3A = arith.constant 0.000000e+00 : f32
    %broadcast_in_dim3A_46 = vector.broadcast %broadcast_in_dim3A : f32 to vector<512x1xf32>
    %slice3A_47 = vector.extract_strided_slice %reshape3A {offsets = [0, 0], sizes = [512, 127], strides = [1, 1]} : vector<512x128xf32> to vector<512x127xf32>
    %concatenate3A = tpu.concatenate %broadcast_in_dim3A_46, %slice3A_47 in 1 : vector<512x1xf32>, vector<512x127xf32> -> vector<512x128xf32>
    %add3A = arith.addf %reshape3A, %concatenate3A : vector<512x128xf32>
    %broadcast_in_dim3A_48 = arith.constant 0.000000e+00 : f32
    %broadcast_in_dim3A_49 = vector.broadcast %broadcast_in_dim3A_48 : f32 to vector<512x2xf32>
    %slice3A_50 = vector.extract_strided_slice %add3A {offsets = [0, 0], sizes = [512, 126], strides = [1, 1]} : vector<512x128xf32> to vector<512x126xf32>
    %concatenate3A_51 = tpu.concatenate %broadcast_in_dim3A_49, %slice3A_50 in 1 : vector<512x2xf32>, vector<512x126xf32> -> vector<512x128xf32>
    %add3A_52 = arith.addf %add3A, %concatenate3A_51 : vector<512x128xf32>
    %broadcast_in_dim3A_53 = arith.constant 0.000000e+00 : f32
    %broadcast_in_dim3A_54 = vector.broadcast %broadcast_in_dim3A_53 : f32 to vector<512x4xf32>
    %slice3A_55 = vector.extract_strided_slice %add3A_52 {offsets = [0, 0], sizes = [512, 124], strides = [1, 1]} : vector<512x128xf32> to vector<512x124xf32>
    %concatenate3A_56 = tpu.concatenate %broadcast_in_dim3A_54, %slice3A_55 in 1 : vector<512x4xf32>, vector<512x124xf32> -> vector<512x128xf32>
    %add3A_57 = arith.addf %add3A_52, %concatenate3A_56 : vector<512x128xf32>
    %broadcast_in_dim3A_58 = arith.constant 0.000000e+00 : f32
    %broadcast_in_dim3A_59 = vector.broadcast %broadcast_in_dim3A_58 : f32 to vector<512x8xf32>
    %slice3A_60 = vector.extract_strided_slice %add3A_57 {offsets = [0, 0], sizes = [512, 120], strides = [1, 1]} : vector<512x128xf32> to vector<512x120xf32>
    %concatenate3A_61 = tpu.concatenate %broadcast_in_dim3A_59, %slice3A_60 in 1 : vector<512x8xf32>, vector<512x120xf32> -> vector<512x128xf32>
    %add3A_62 = arith.addf %add3A_57, %concatenate3A_61 : vector<512x128xf32>
    %broadcast_in_dim3A_63 = arith.constant 0.000000e+00 : f32
    %broadcast_in_dim3A_64 = vector.broadcast %broadcast_in_dim3A_63 : f32 to vector<512x16xf32>
    %slice3A_65 = vector.extract_strided_slice %add3A_62 {offsets = [0, 0], sizes = [512, 112], strides = [1, 1]} : vector<512x128xf32> to vector<512x112xf32>
    %concatenate3A_66 = tpu.concatenate %broadcast_in_dim3A_64, %slice3A_65 in 1 : vector<512x16xf32>, vector<512x112xf32> -> vector<512x128xf32>
    %add3A_67 = arith.addf %add3A_62, %concatenate3A_66 : vector<512x128xf32>
    %broadcast_in_dim3A_68 = arith.constant 0.000000e+00 : f32
    %broadcast_in_dim3A_69 = vector.broadcast %broadcast_in_dim3A_68 : f32 to vector<512x32xf32>
    %slice3A_70 = vector.extract_strided_slice %add3A_67 {offsets = [0, 0], sizes = [512, 96], strides = [1, 1]} : vector<512x128xf32> to vector<512x96xf32>
    %concatenate3A_71 = tpu.concatenate %broadcast_in_dim3A_69, %slice3A_70 in 1 : vector<512x32xf32>, vector<512x96xf32> -> vector<512x128xf32>
    %add3A_72 = arith.addf %add3A_67, %concatenate3A_71 : vector<512x128xf32>
    %broadcast_in_dim3A_73 = arith.constant 0.000000e+00 : f32
    %broadcast_in_dim3A_74 = vector.broadcast %broadcast_in_dim3A_73 : f32 to vector<512x64xf32>
    %slice3A_75 = vector.extract_strided_slice %add3A_72 {offsets = [0, 0], sizes = [512, 64], strides = [1, 1]} : vector<512x128xf32> to vector<512x64xf32>
    %concatenate3A_76 = tpu.concatenate %broadcast_in_dim3A_74, %slice3A_75 in 1 : vector<512x64xf32>, vector<512x64xf32> -> vector<512x128xf32>
    %add3A_77 = arith.addf %add3A_72, %concatenate3A_76 : vector<512x128xf32>
    %slice3A_78 = vector.extract_strided_slice %add3A_77 {offsets = [0, 127], sizes = [512, 1], strides = [1, 1]} : vector<512x128xf32> to vector<512x1xf32>
    %broadcast_in_dim3A_79 = arith.constant 0.000000e+00 : f32
    %broadcast_in_dim3A_80 = vector.broadcast %broadcast_in_dim3A_79 : f32 to vector<1x1xf32>
    %slice3A_81 = vector.extract_strided_slice %slice3A_78 {offsets = [0, 0], sizes = [511, 1], strides = [1, 1]} : vector<512x1xf32> to vector<511x1xf32>
    %concatenate3A_82 = tpu.concatenate %broadcast_in_dim3A_80, %slice3A_81 in 0 : vector<1x1xf32>, vector<511x1xf32> -> vector<512x1xf32>
    %add3A_83 = arith.addf %slice3A_78, %concatenate3A_82 : vector<512x1xf32>
    %broadcast_in_dim3A_84 = arith.constant 0.000000e+00 : f32
    %broadcast_in_dim3A_85 = vector.broadcast %broadcast_in_dim3A_84 : f32 to vector<2x1xf32>
    %slice3A_86 = vector.extract_strided_slice %add3A_83 {offsets = [0, 0], sizes = [510, 1], strides = [1, 1]} : vector<512x1xf32> to vector<510x1xf32>
    %concatenate3A_87 = tpu.concatenate %broadcast_in_dim3A_85, %slice3A_86 in 0 : vector<2x1xf32>, vector<510x1xf32> -> vector<512x1xf32>
    %add3A_88 = arith.addf %add3A_83, %concatenate3A_87 : vector<512x1xf32>
    %broadcast_in_dim3A_89 = arith.constant 0.000000e+00 : f32
    %broadcast_in_dim3A_90 = vector.broadcast %broadcast_in_dim3A_89 : f32 to vector<4x1xf32>
    %slice3A_91 = vector.extract_strided_slice %add3A_88 {offsets = [0, 0], sizes = [508, 1], strides = [1, 1]} : vector<512x1xf32> to vector<508x1xf32>
    %concatenate3A_92 = tpu.concatenate %broadcast_in_dim3A_90, %slice3A_91 in 0 : vector<4x1xf32>, vector<508x1xf32> -> vector<512x1xf32>
    %add3A_93 = arith.addf %add3A_88, %concatenate3A_92 : vector<512x1xf32>
    %broadcast_in_dim3A_94 = arith.constant 0.000000e+00 : f32
    %broadcast_in_dim3A_95 = vector.broadcast %broadcast_in_dim3A_94 : f32 to vector<8x1xf32>
    %slice3A_96 = vector.extract_strided_slice %add3A_93 {offsets = [0, 0], sizes = [504, 1], strides = [1, 1]} : vector<512x1xf32> to vector<504x1xf32>
    %concatenate3A_97 = tpu.concatenate %broadcast_in_dim3A_95, %slice3A_96 in 0 : vector<8x1xf32>, vector<504x1xf32> -> vector<512x1xf32>
    %add3A_98 = arith.addf %add3A_93, %concatenate3A_97 : vector<512x1xf32>
    %broadcast_in_dim3A_99 = arith.constant 0.000000e+00 : f32
    %broadcast_in_dim3A_100 = vector.broadcast %broadcast_in_dim3A_99 : f32 to vector<16x1xf32>
    %slice3A_101 = vector.extract_strided_slice %add3A_98 {offsets = [0, 0], sizes = [496, 1], strides = [1, 1]} : vector<512x1xf32> to vector<496x1xf32>
    %concatenate3A_102 = tpu.concatenate %broadcast_in_dim3A_100, %slice3A_101 in 0 : vector<16x1xf32>, vector<496x1xf32> -> vector<512x1xf32>
    %add3A_103 = arith.addf %add3A_98, %concatenate3A_102 : vector<512x1xf32>
    %broadcast_in_dim3A_104 = arith.constant 0.000000e+00 : f32
    %broadcast_in_dim3A_105 = vector.broadcast %broadcast_in_dim3A_104 : f32 to vector<32x1xf32>
    %slice3A_106 = vector.extract_strided_slice %add3A_103 {offsets = [0, 0], sizes = [480, 1], strides = [1, 1]} : vector<512x1xf32> to vector<480x1xf32>
    %concatenate3A_107 = tpu.concatenate %broadcast_in_dim3A_105, %slice3A_106 in 0 : vector<32x1xf32>, vector<480x1xf32> -> vector<512x1xf32>
    %add3A_108 = arith.addf %add3A_103, %concatenate3A_107 : vector<512x1xf32>
    %broadcast_in_dim3A_109 = arith.constant 0.000000e+00 : f32
    %broadcast_in_dim3A_110 = vector.broadcast %broadcast_in_dim3A_109 : f32 to vector<64x1xf32>
    %slice3A_111 = vector.extract_strided_slice %add3A_108 {offsets = [0, 0], sizes = [448, 1], strides = [1, 1]} : vector<512x1xf32> to vector<448x1xf32>
    %concatenate3A_112 = tpu.concatenate %broadcast_in_dim3A_110, %slice3A_111 in 0 : vector<64x1xf32>, vector<448x1xf32> -> vector<512x1xf32>
    %add3A_113 = arith.addf %add3A_108, %concatenate3A_112 : vector<512x1xf32>
    %broadcast_in_dim3A_114 = arith.constant 0.000000e+00 : f32
    %broadcast_in_dim3A_115 = vector.broadcast %broadcast_in_dim3A_114 : f32 to vector<128x1xf32>
    %slice3A_116 = vector.extract_strided_slice %add3A_113 {offsets = [0, 0], sizes = [384, 1], strides = [1, 1]} : vector<512x1xf32> to vector<384x1xf32>
    %concatenate3A_117 = tpu.concatenate %broadcast_in_dim3A_115, %slice3A_116 in 0 : vector<128x1xf32>, vector<384x1xf32> -> vector<512x1xf32>
    %add3A_118 = arith.addf %add3A_113, %concatenate3A_117 : vector<512x1xf32>
    %broadcast_in_dim3A_119 = arith.constant 0.000000e+00 : f32
    %broadcast_in_dim3A_120 = vector.broadcast %broadcast_in_dim3A_119 : f32 to vector<256x1xf32>
    %slice3A_121 = vector.extract_strided_slice %add3A_118 {offsets = [0, 0], sizes = [256, 1], strides = [1, 1]} : vector<512x1xf32> to vector<256x1xf32>
    %concatenate3A_122 = tpu.concatenate %broadcast_in_dim3A_120, %slice3A_121 in 0 : vector<256x1xf32>, vector<256x1xf32> -> vector<512x1xf32>
    %add3A_123 = arith.addf %add3A_118, %concatenate3A_122 : vector<512x1xf32>
    %sub3A_124 = arith.subf %add3A_123, %slice3A_78 : vector<512x1xf32>
    %add3A_125 = vector.broadcast %sub3A_124 : vector<512x1xf32> to vector<512x128xf32>
    %add3A_126 = arith.addf %add3A_77, %add3A_125 : vector<512x128xf32>
    %iota3A = tpu.iota {dimensions = array<i32: 0>} : vector<512x128xi32>
    %iota3A_127 = tpu.iota {dimensions = array<i32: 1>} : vector<512x128xi32>
    %mul3A = arith.constant 128 : i32
    %mul3A_128 = vector.broadcast %mul3A : i32 to vector<512x128xi32>
    %mul3A_129 = arith.muli %iota3A, %mul3A_128 : vector<512x128xi32>
    %add3A_130 = arith.addi %mul3A_129, %iota3A_127 : vector<512x128xi32>
    %convert_element_type3A = arith.sitofp %add3A_130 : vector<512x128xi32> to vector<512x128xf32>
    %ge3A = arith.constant 0x4A000004 : f32
    %ge3A_131 = vector.broadcast %ge3A : f32 to vector<512x128xf32>
    %ge3A_132 = arith.cmpf oge, %add3A_126, %ge3A_131 : vector<512x128xf32>
    %jit3A = arith.constant 6.553600e+04 : f32
    %broadcast_in_dim3A_133 = vector.broadcast %jit3A : f32 to vector<512x128xf32>
    %select_n3A = arith.select %ge3A_132, %convert_element_type3A, %broadcast_in_dim3A_133 : vector<512x128xi1>, vector<512x128xf32>
    %reduce_min3A_134 = vector.shape_cast %select_n3A : vector<512x128xf32> to vector<1x512x128xf32>
    %reduce_min3A_135 = arith.constant dense<0x7F800000> : vector<1xf32>
    %reduce_min3A_136 = vector.multi_reduction <minimumf>, %reduce_min3A_134, %reduce_min3A_135 [1, 2] : vector<1x512x128xf32> to vector<1xf32>
    %reduce_min3A_137 = vector.shape_cast %reduce_min3A_136 : vector<1xf32> to vector<1x1x1xf32>
    %reduce_min3A_138 = vector.extract %reduce_min3A_137[0, 0, 0] : f32 from vector<1x1x1xf32>
    %jit3A_139 = arith.constant 0.000000e+00 : f32
    %broadcast_in_dim3A_140 = vector.broadcast %jit3A_139 : f32 to vector<512x128xf32>
    %select_n3A_141 = arith.select %ge3A_132, %broadcast_in_dim3A_140, %add3A_126 : vector<512x128xi1>, vector<512x128xf32>
    %reduce_max3A_142 = vector.shape_cast %select_n3A_141 : vector<512x128xf32> to vector<1x512x128xf32>
    %reduce_max3A_143 = arith.constant dense<0xFF800000> : vector<1xf32>
    %reduce_max3A_144 = vector.multi_reduction <maximumf>, %reduce_max3A_142, %reduce_max3A_143 [1, 2] : vector<1x512x128xf32> to vector<1xf32>
    %reduce_max3A_145 = vector.shape_cast %reduce_max3A_144 : vector<1xf32> to vector<1x1x1xf32>
    %reduce_max3A_146 = vector.extract %reduce_max3A_145[0, 0, 0] : f32 from vector<1x1x1xf32>
    %jit3A_147 = arith.constant 0x4B800000 : f32
    %broadcast_in_dim3A_148 = vector.broadcast %jit3A_147 : f32 to vector<512x128xf32>
    %select_n3A_149 = arith.select %ge3A_132, %add3A_126, %broadcast_in_dim3A_148 : vector<512x128xi1>, vector<512x128xf32>
    %reduce_min3A_150 = vector.shape_cast %select_n3A_149 : vector<512x128xf32> to vector<1x512x128xf32>
    %reduce_min3A_151 = arith.constant dense<0x7F800000> : vector<1xf32>
    %reduce_min3A_152 = vector.multi_reduction <minimumf>, %reduce_min3A_150, %reduce_min3A_151 [1, 2] : vector<1x512x128xf32> to vector<1xf32>
    %reduce_min3A_153 = vector.shape_cast %reduce_min3A_152 : vector<1xf32> to vector<1x1x1xf32>
    %reduce_min3A_154 = vector.extract %reduce_min3A_153[0, 0, 0] : f32 from vector<1x1x1xf32>
    %sub3A_155 = arith.subf %reduce_min3A_154, %reduce_max3A_146 : f32
    %max3A_156 = arith.constant 1.000000e+00 : f32
    %max3A_157 = arith.maximumf %sub3A_155, %max3A_156 : f32
    %sub3A_158 = arith.constant 0x4A000004 : f32
    %sub3A_159 = arith.subf %sub3A_158, %reduce_max3A_146 : f32
    %sub3A_160 = arith.constant 5.000000e-01 : f32
    %sub3A_161 = arith.subf %sub3A_159, %sub3A_160 : f32
    %div3A_162 = arith.divf %sub3A_161, %max3A_157 : f32
    %add3A_163 = arith.addf %reduce_min3A_138, %div3A_162 : f32
    %mul3A_164 = arith.mulf %add3A_163, %div3A_40 : f32
    %add3A_165 = arith.addf %reduce_min3A_32, %mul3A_164 : f32
    %ge3A_166 = arith.constant 0x4A800000 : f32
    %ge3A_167 = vector.broadcast %ge3A_166 : f32 to vector<512x128xf32>
    %ge3A_168 = arith.cmpf oge, %add3A_126, %ge3A_167 : vector<512x128xf32>
    %jit3A_169 = arith.constant 6.553600e+04 : f32
    %broadcast_in_dim3A_170 = vector.broadcast %jit3A_169 : f32 to vector<512x128xf32>
    %select_n3A_171 = arith.select %ge3A_168, %convert_element_type3A, %broadcast_in_dim3A_170 : vector<512x128xi1>, vector<512x128xf32>
    %reduce_min3A_172 = vector.shape_cast %select_n3A_171 : vector<512x128xf32> to vector<1x512x128xf32>
    %reduce_min3A_173 = arith.constant dense<0x7F800000> : vector<1xf32>
    %reduce_min3A_174 = vector.multi_reduction <minimumf>, %reduce_min3A_172, %reduce_min3A_173 [1, 2] : vector<1x512x128xf32> to vector<1xf32>
    %reduce_min3A_175 = vector.shape_cast %reduce_min3A_174 : vector<1xf32> to vector<1x1x1xf32>
    %reduce_min3A_176 = vector.extract %reduce_min3A_175[0, 0, 0] : f32 from vector<1x1x1xf32>
    %jit3A_177 = arith.constant 0.000000e+00 : f32
    %broadcast_in_dim3A_178 = vector.broadcast %jit3A_177 : f32 to vector<512x128xf32>
    %select_n3A_179 = arith.select %ge3A_168, %broadcast_in_dim3A_178, %add3A_126 : vector<512x128xi1>, vector<512x128xf32>
    %reduce_max3A_180 = vector.shape_cast %select_n3A_179 : vector<512x128xf32> to vector<1x512x128xf32>
    %reduce_max3A_181 = arith.constant dense<0xFF800000> : vector<1xf32>
    %reduce_max3A_182 = vector.multi_reduction <maximumf>, %reduce_max3A_180, %reduce_max3A_181 [1, 2] : vector<1x512x128xf32> to vector<1xf32>
    %reduce_max3A_183 = vector.shape_cast %reduce_max3A_182 : vector<1xf32> to vector<1x1x1xf32>
    %reduce_max3A_184 = vector.extract %reduce_max3A_183[0, 0, 0] : f32 from vector<1x1x1xf32>
    %jit3A_185 = arith.constant 0x4B800000 : f32
    %broadcast_in_dim3A_186 = vector.broadcast %jit3A_185 : f32 to vector<512x128xf32>
    %select_n3A_187 = arith.select %ge3A_168, %add3A_126, %broadcast_in_dim3A_186 : vector<512x128xi1>, vector<512x128xf32>
    %reduce_min3A_188 = vector.shape_cast %select_n3A_187 : vector<512x128xf32> to vector<1x512x128xf32>
    %reduce_min3A_189 = arith.constant dense<0x7F800000> : vector<1xf32>
    %reduce_min3A_190 = vector.multi_reduction <minimumf>, %reduce_min3A_188, %reduce_min3A_189 [1, 2] : vector<1x512x128xf32> to vector<1xf32>
    %reduce_min3A_191 = vector.shape_cast %reduce_min3A_190 : vector<1xf32> to vector<1x1x1xf32>
    %reduce_min3A_192 = vector.extract %reduce_min3A_191[0, 0, 0] : f32 from vector<1x1x1xf32>
    %sub3A_193 = arith.subf %reduce_min3A_192, %reduce_max3A_184 : f32
    %max3A_194 = arith.constant 1.000000e+00 : f32
    %max3A_195 = arith.maximumf %sub3A_193, %max3A_194 : f32
    %sub3A_196 = arith.constant 0x4A800000 : f32
    %sub3A_197 = arith.subf %sub3A_196, %reduce_max3A_184 : f32
    %sub3A_198 = arith.constant 5.000000e-01 : f32
    %sub3A_199 = arith.subf %sub3A_197, %sub3A_198 : f32
    %div3A_200 = arith.divf %sub3A_199, %max3A_195 : f32
    %add3A_201 = arith.addf %reduce_min3A_176, %div3A_200 : f32
    %mul3A_202 = arith.mulf %add3A_201, %div3A_40 : f32
    %add3A_203 = arith.addf %reduce_min3A_32, %mul3A_202 : f32
    %ge3A_204 = arith.constant 0x4A800002 : f32
    %ge3A_205 = vector.broadcast %ge3A_204 : f32 to vector<512x128xf32>
    %ge3A_206 = arith.cmpf oge, %add3A_126, %ge3A_205 : vector<512x128xf32>
    %jit3A_207 = arith.constant 6.553600e+04 : f32
    %broadcast_in_dim3A_208 = vector.broadcast %jit3A_207 : f32 to vector<512x128xf32>
    %select_n3A_209 = arith.select %ge3A_206, %convert_element_type3A, %broadcast_in_dim3A_208 : vector<512x128xi1>, vector<512x128xf32>
    %reduce_min3A_210 = vector.shape_cast %select_n3A_209 : vector<512x128xf32> to vector<1x512x128xf32>
    %reduce_min3A_211 = arith.constant dense<0x7F800000> : vector<1xf32>
    %reduce_min3A_212 = vector.multi_reduction <minimumf>, %reduce_min3A_210, %reduce_min3A_211 [1, 2] : vector<1x512x128xf32> to vector<1xf32>
    %reduce_min3A_213 = vector.shape_cast %reduce_min3A_212 : vector<1xf32> to vector<1x1x1xf32>
    %reduce_min3A_214 = vector.extract %reduce_min3A_213[0, 0, 0] : f32 from vector<1x1x1xf32>
    %jit3A_215 = arith.constant 0.000000e+00 : f32
    %broadcast_in_dim3A_216 = vector.broadcast %jit3A_215 : f32 to vector<512x128xf32>
    %select_n3A_217 = arith.select %ge3A_206, %broadcast_in_dim3A_216, %add3A_126 : vector<512x128xi1>, vector<512x128xf32>
    %reduce_max3A_218 = vector.shape_cast %select_n3A_217 : vector<512x128xf32> to vector<1x512x128xf32>
    %reduce_max3A_219 = arith.constant dense<0xFF800000> : vector<1xf32>
    %reduce_max3A_220 = vector.multi_reduction <maximumf>, %reduce_max3A_218, %reduce_max3A_219 [1, 2] : vector<1x512x128xf32> to vector<1xf32>
    %reduce_max3A_221 = vector.shape_cast %reduce_max3A_220 : vector<1xf32> to vector<1x1x1xf32>
    %reduce_max3A_222 = vector.extract %reduce_max3A_221[0, 0, 0] : f32 from vector<1x1x1xf32>
    %jit3A_223 = arith.constant 0x4B800000 : f32
    %broadcast_in_dim3A_224 = vector.broadcast %jit3A_223 : f32 to vector<512x128xf32>
    %select_n3A_225 = arith.select %ge3A_206, %add3A_126, %broadcast_in_dim3A_224 : vector<512x128xi1>, vector<512x128xf32>
    %reduce_min3A_226 = vector.shape_cast %select_n3A_225 : vector<512x128xf32> to vector<1x512x128xf32>
    %reduce_min3A_227 = arith.constant dense<0x7F800000> : vector<1xf32>
    %reduce_min3A_228 = vector.multi_reduction <minimumf>, %reduce_min3A_226, %reduce_min3A_227 [1, 2] : vector<1x512x128xf32> to vector<1xf32>
    %reduce_min3A_229 = vector.shape_cast %reduce_min3A_228 : vector<1xf32> to vector<1x1x1xf32>
    %reduce_min3A_230 = vector.extract %reduce_min3A_229[0, 0, 0] : f32 from vector<1x1x1xf32>
    %sub3A_231 = arith.subf %reduce_min3A_230, %reduce_max3A_222 : f32
    %max3A_232 = arith.constant 1.000000e+00 : f32
    %max3A_233 = arith.maximumf %sub3A_231, %max3A_232 : f32
    %sub3A_234 = arith.constant 0x4A800002 : f32
    %sub3A_235 = arith.subf %sub3A_234, %reduce_max3A_222 : f32
    %sub3A_236 = arith.constant 5.000000e-01 : f32
    %sub3A_237 = arith.subf %sub3A_235, %sub3A_236 : f32
    %div3A_238 = arith.divf %sub3A_237, %max3A_233 : f32
    %add3A_239 = arith.addf %reduce_min3A_214, %div3A_238 : f32
    %mul3A_240 = arith.mulf %add3A_239, %div3A_40 : f32
    %add3A_241 = arith.addf %reduce_min3A_32, %mul3A_240 : f32
    %ge3A_242 = arith.constant 0x4AC00002 : f32
    %ge3A_243 = vector.broadcast %ge3A_242 : f32 to vector<512x128xf32>
    %ge3A_244 = arith.cmpf oge, %add3A_126, %ge3A_243 : vector<512x128xf32>
    %jit3A_245 = arith.constant 6.553600e+04 : f32
    %broadcast_in_dim3A_246 = vector.broadcast %jit3A_245 : f32 to vector<512x128xf32>
    %select_n3A_247 = arith.select %ge3A_244, %convert_element_type3A, %broadcast_in_dim3A_246 : vector<512x128xi1>, vector<512x128xf32>
    %reduce_min3A_248 = vector.shape_cast %select_n3A_247 : vector<512x128xf32> to vector<1x512x128xf32>
    %reduce_min3A_249 = arith.constant dense<0x7F800000> : vector<1xf32>
    %reduce_min3A_250 = vector.multi_reduction <minimumf>, %reduce_min3A_248, %reduce_min3A_249 [1, 2] : vector<1x512x128xf32> to vector<1xf32>
    %reduce_min3A_251 = vector.shape_cast %reduce_min3A_250 : vector<1xf32> to vector<1x1x1xf32>
    %reduce_min3A_252 = vector.extract %reduce_min3A_251[0, 0, 0] : f32 from vector<1x1x1xf32>
    %jit3A_253 = arith.constant 0.000000e+00 : f32
    %broadcast_in_dim3A_254 = vector.broadcast %jit3A_253 : f32 to vector<512x128xf32>
    %select_n3A_255 = arith.select %ge3A_244, %broadcast_in_dim3A_254, %add3A_126 : vector<512x128xi1>, vector<512x128xf32>
    %reduce_max3A_256 = vector.shape_cast %select_n3A_255 : vector<512x128xf32> to vector<1x512x128xf32>
    %reduce_max3A_257 = arith.constant dense<0xFF800000> : vector<1xf32>
    %reduce_max3A_258 = vector.multi_reduction <maximumf>, %reduce_max3A_256, %reduce_max3A_257 [1, 2] : vector<1x512x128xf32> to vector<1xf32>
    %reduce_max3A_259 = vector.shape_cast %reduce_max3A_258 : vector<1xf32> to vector<1x1x1xf32>
    %reduce_max3A_260 = vector.extract %reduce_max3A_259[0, 0, 0] : f32 from vector<1x1x1xf32>
    %jit3A_261 = arith.constant 0x4B800000 : f32
    %broadcast_in_dim3A_262 = vector.broadcast %jit3A_261 : f32 to vector<512x128xf32>
    %select_n3A_263 = arith.select %ge3A_244, %add3A_126, %broadcast_in_dim3A_262 : vector<512x128xi1>, vector<512x128xf32>
    %reduce_min3A_264 = vector.shape_cast %select_n3A_263 : vector<512x128xf32> to vector<1x512x128xf32>
    %reduce_min3A_265 = arith.constant dense<0x7F800000> : vector<1xf32>
    %reduce_min3A_266 = vector.multi_reduction <minimumf>, %reduce_min3A_264, %reduce_min3A_265 [1, 2] : vector<1x512x128xf32> to vector<1xf32>
    %reduce_min3A_267 = vector.shape_cast %reduce_min3A_266 : vector<1xf32> to vector<1x1x1xf32>
    %reduce_min3A_268 = vector.extract %reduce_min3A_267[0, 0, 0] : f32 from vector<1x1x1xf32>
    %sub3A_269 = arith.subf %reduce_min3A_268, %reduce_max3A_260 : f32
    %max3A_270 = arith.constant 1.000000e+00 : f32
    %max3A_271 = arith.maximumf %sub3A_269, %max3A_270 : f32
    %sub3A_272 = arith.constant 0x4AC00002 : f32
    %sub3A_273 = arith.subf %sub3A_272, %reduce_max3A_260 : f32
    %sub3A_274 = arith.constant 5.000000e-01 : f32
    %sub3A_275 = arith.subf %sub3A_273, %sub3A_274 : f32
    %div3A_276 = arith.divf %sub3A_275, %max3A_271 : f32
    %add3A_277 = arith.addf %reduce_min3A_252, %div3A_276 : f32
    %mul3A_278 = arith.mulf %add3A_277, %div3A_40 : f32
    %add3A_279 = arith.addf %reduce_min3A_32, %mul3A_278 : f32
    %div3A_280 = arith.constant 0x4B000000 : f32
    %div3A_281 = arith.divf %reduce_sum3A_5, %div3A_280 : f32
    %div3A_282 = arith.constant 0x4B000000 : f32
    %div3A_283 = arith.divf %reduce_sum3A_12, %div3A_282 : f32
    %div3A_284 = arith.constant 0x4B000000 : f32
    %div3A_285 = arith.divf %reduce_sum3A_19, %div3A_284 : f32
    %div3A_286 = arith.constant 0x4B000000 : f32
    %div3A_287 = arith.divf %reduce_sum3A_26, %div3A_286 : f32
    %mul3A_288 = arith.mulf %div3A_281, %div3A_281 : f32
    %sub3A_289 = arith.subf %div3A_283, %mul3A_288 : f32
    %mul3A_290 = arith.constant 1.00000012 : f32
    %mul3A_291 = arith.mulf %sub3A_289, %mul3A_290 : f32
    %max3A_292 = arith.constant 0.000000e+00 : f32
    %max3A_293 = arith.maximumf %mul3A_291, %max3A_292 : f32
    %sqrt3A = math.sqrt %max3A_293 : f32
    %add3A_294 = arith.constant 9.99999993E-9 : f32
    %add3A_295 = arith.addf %sqrt3A, %add3A_294 : f32
    %add3A_296 = arith.constant 9.99999993E-9 : f32
    %add3A_297 = arith.addf %mul3A_291, %add3A_296 : f32
    %mul3A_298 = arith.constant 3.000000e+00 : f32
    %mul3A_299 = arith.mulf %mul3A_298, %div3A_281 : f32
    %mul3A_300 = arith.mulf %mul3A_299, %div3A_283 : f32
    %sub3A_301 = arith.subf %div3A_285, %mul3A_300 : f32
    %mul3A_302 = arith.constant 2.000000e+00 : f32
    %mul3A_303 = arith.mulf %mul3A_302, %div3A_281 : f32
    %mul3A_304 = arith.mulf %mul3A_303, %div3A_281 : f32
    %mul3A_305 = arith.mulf %mul3A_304, %div3A_281 : f32
    %add3A_306 = arith.addf %sub3A_301, %mul3A_305 : f32
    %mul3A_307 = arith.constant 4.000000e+00 : f32
    %mul3A_308 = arith.mulf %mul3A_307, %div3A_281 : f32
    %mul3A_309 = arith.mulf %mul3A_308, %div3A_285 : f32
    %sub3A_310 = arith.subf %div3A_287, %mul3A_309 : f32
    %mul3A_311 = arith.constant 6.000000e+00 : f32
    %mul3A_312 = arith.mulf %mul3A_311, %div3A_281 : f32
    %mul3A_313 = arith.mulf %mul3A_312, %div3A_281 : f32
    %mul3A_314 = arith.mulf %mul3A_313, %div3A_283 : f32
    %add3A_315 = arith.addf %sub3A_310, %mul3A_314 : f32
    %integer_pow3A = arith.mulf %div3A_281, %div3A_281 : f32
    %integer_pow3A_316 = arith.mulf %integer_pow3A, %integer_pow3A : f32
    %mul3A_317 = arith.constant 3.000000e+00 : f32
    %mul3A_318 = arith.mulf %mul3A_317, %integer_pow3A_316 : f32
    %sub3A_319 = arith.subf %add3A_315, %mul3A_318 : f32
    %mul3A_320 = arith.mulf %add3A_295, %add3A_295 : f32
    %mul3A_321 = arith.mulf %mul3A_320, %add3A_295 : f32
    %add3A_322 = arith.constant 9.99999993E-9 : f32
    %add3A_323 = arith.addf %mul3A_321, %add3A_322 : f32
    %div3A_324 = arith.divf %add3A_306, %add3A_323 : f32
    %mul3A_325 = arith.mulf %add3A_295, %add3A_295 : f32
    %mul3A_326 = arith.mulf %mul3A_325, %add3A_295 : f32
    %mul3A_327 = arith.mulf %mul3A_326, %add3A_295 : f32
    %add3A_328 = arith.constant 9.99999993E-9 : f32
    %add3A_329 = arith.addf %mul3A_327, %add3A_328 : f32
    %div3A_330 = arith.divf %sub3A_319, %add3A_329 : f32
    %sub3A_331 = arith.constant 3.000000e+00 : f32
    %sub3A_332 = arith.subf %div3A_330, %sub3A_331 : f32
    %sub3A_333 = arith.subf %reduce_max3A_38, %reduce_min3A_32 : f32
    %add3A_334 = arith.addf %add3A_203, %add3A_241 : f32
    %mul3A_335 = arith.constant 5.000000e-01 : f32
    %mul3A_336 = arith.mulf %mul3A_335, %add3A_334 : f32
    %sub3A_337 = arith.subf %add3A_279, %add3A_165 : f32
    %stack3A = vector.broadcast %div3A_281 : f32 to vector<1xf32>
    %stack3A_338 = vector.broadcast %mul3A_336 : f32 to vector<1xf32>
    %stack3A_339 = vector.broadcast %add3A_295 : f32 to vector<1xf32>
    %stack3A_340 = vector.broadcast %add3A_297 : f32 to vector<1xf32>
    %stack3A_341 = vector.broadcast %div3A_324 : f32 to vector<1xf32>
    %stack3A_342 = vector.broadcast %sub3A_332 : f32 to vector<1xf32>
    %stack3A_343 = vector.broadcast %sub3A_333 : f32 to vector<1xf32>
    %stack3A_344 = vector.broadcast %sub3A_337 : f32 to vector<1xf32>
    %stack3A_345 = tpu.concatenate %stack3A, %stack3A_338, %stack3A_339, %stack3A_340, %stack3A_341, %stack3A_342, %stack3A_343, %stack3A_344 in 0 : vector<1xf32>, vector<1xf32>, vector<1xf32>, vector<1xf32>, vector<1xf32>, vector<1xf32>, vector<1xf32>, vector<1xf32> -> vector<8xf32>
    %get3A_346 = arith.constant 0 : index
    %get3A_347 = vector.load %arg2[%get3A_346] : memref<8xf32, #tpu.memory_space<vmem>>, vector<8xf32>
    %mul3A_348 = arith.mulf %stack3A_345, %get3A_347 : vector<8xf32>
    %get3A_349 = arith.constant 0 : index
    %get3A_350 = arith.constant 0 : index
    %get3A_351 = vector.load %arg3[%get3A_349, %get3A_350] : memref<32x8xf32, #tpu.memory_space<vmem>>, vector<32x8xf32>
    %broadcast_in_dim3A_352 = vector.shape_cast %mul3A_348 : vector<8xf32> to vector<1x8xf32>
    %mul3A_353 = vector.broadcast %broadcast_in_dim3A_352 : vector<1x8xf32> to vector<32x8xf32>
    %mul3A_354 = arith.mulf %get3A_351, %mul3A_353 : vector<32x8xf32>
    %reduce_sum3A_355 = arith.constant dense<0.000000e+00> : vector<32xf32>
    %reduce_sum3A_356 = vector.multi_reduction <add>, %mul3A_354, %reduce_sum3A_355 [1] : vector<32x8xf32> to vector<32xf32>
    %get3A_357 = arith.constant 0 : index
    %get3A_358 = vector.load %arg4[%get3A_357] : memref<32xf32, #tpu.memory_space<vmem>>, vector<32xf32>
    %add3A_359 = arith.addf %reduce_sum3A_356, %get3A_358 : vector<32xf32>
    %max3A_360 = arith.constant 0.000000e+00 : f32
    %max3A_361 = vector.broadcast %max3A_360 : f32 to vector<32xf32>
    %max3A_362 = arith.maximumf %add3A_359, %max3A_361 : vector<32xf32>
    %get3A_363 = arith.constant 0 : index
    %get3A_364 = arith.constant 0 : index
    %get3A_365 = vector.load %arg5[%get3A_363, %get3A_364] : memref<64x32xf32, #tpu.memory_space<vmem>>, vector<64x32xf32>
    %broadcast_in_dim3A_366 = vector.shape_cast %max3A_362 : vector<32xf32> to vector<1x32xf32>
    %mul3A_367 = vector.broadcast %broadcast_in_dim3A_366 : vector<1x32xf32> to vector<64x32xf32>
    %mul3A_368 = arith.mulf %get3A_365, %mul3A_367 : vector<64x32xf32>
    %reduce_sum3A_369 = arith.constant dense<0.000000e+00> : vector<64xf32>
    %reduce_sum3A_370 = vector.multi_reduction <add>, %mul3A_368, %reduce_sum3A_369 [1] : vector<64x32xf32> to vector<64xf32>
    %get3A_371 = arith.constant 0 : index
    %get3A_372 = vector.load %arg6[%get3A_371] : memref<64xf32, #tpu.memory_space<vmem>>, vector<64xf32>
    %add3A_373 = arith.addf %reduce_sum3A_370, %get3A_372 : vector<64xf32>
    %broadcast_in_dim3A_374 = vector.shape_cast %add3A_373 : vector<64xf32> to vector<1x64xf32>
    %broadcast_in_dim3A_375 = vector.shape_cast %broadcast_in_dim3A_374 : vector<1x64xf32> to vector<1x64xf32>
    %broadcast_in_dim3A_376 = vector.broadcast %broadcast_in_dim3A_375 : vector<1x64xf32> to vector<16384x64xf32>
    %swap3A = arith.constant 0 : index
    %swap3A_377 = arith.constant 0 : index
    %swap3A_378 = vector.load %arg7[%swap3A, %swap3A_377] : memref<16384x64xf32, #tpu.memory_space<vmem>>, vector<16384x64xf32>
    tpu.vector_store %arg7[%swap3A, %swap3A_377], %broadcast_in_dim3A_376 {strides = array<i32>} : memref<16384x64xf32, #tpu.memory_space<vmem>>, vector<16384x64xf32>,
    return
  }
}

module attributes {stable_mosaic.version = 14 : i64} {
  func.func @_k1b_body(%arg0: memref<8x128xf32, #tpu.memory_space<vmem>>, %arg1: memref<2x128xf32, #tpu.memory_space<vmem>>) attributes {dimension_semantics = [], scalar_prefetch = 0 : i64, scratch_operands = 0 : i64, tpu.core_type = #tpu.core_type<tc>} {
    %get3A = arith.constant 0 : index
    %get3A_0 = arith.constant 0 : index
    %get3A_1 = vector.load %arg0[%get3A, %get3A_0] : memref<8x128xf32, #tpu.memory_space<vmem>>, vector<8x128xf32>
    %slice3A = vector.extract_strided_slice %get3A_1 {offsets = [4, 0], sizes = [1, 128], strides = [1, 1]} : vector<8x128xf32> to vector<1x128xf32>
    %squeeze3A = vector.shape_cast %slice3A : vector<1x128xf32> to vector<128xf32>
    %reduce_min3A = vector.shape_cast %squeeze3A : vector<128xf32> to vector<1x128xf32>
    %reduce_min3A_2 = arith.constant dense<0x7F800000> : vector<1xf32>
    %reduce_min3A_3 = vector.multi_reduction <minimumf>, %reduce_min3A, %reduce_min3A_2 [1] : vector<1x128xf32> to vector<1xf32>
    %reduce_min3A_4 = vector.shape_cast %reduce_min3A_3 : vector<1xf32> to vector<1x1xf32>
    %reduce_min3A_5 = vector.extract %reduce_min3A_4[0, 0] : f32 from vector<1x1xf32>
    %slice3A_6 = vector.extract_strided_slice %get3A_1 {offsets = [5, 0], sizes = [1, 128], strides = [1, 1]} : vector<8x128xf32> to vector<1x128xf32>
    %squeeze3A_7 = vector.shape_cast %slice3A_6 : vector<1x128xf32> to vector<128xf32>
    %reduce_max3A = vector.shape_cast %squeeze3A_7 : vector<128xf32> to vector<1x128xf32>
    %reduce_max3A_8 = arith.constant dense<0xFF800000> : vector<1xf32>
    %reduce_max3A_9 = vector.multi_reduction <maximumf>, %reduce_max3A, %reduce_max3A_8 [1] : vector<1x128xf32> to vector<1xf32>
    %reduce_max3A_10 = vector.shape_cast %reduce_max3A_9 : vector<1xf32> to vector<1x1xf32>
    %reduce_max3A_11 = vector.extract %reduce_max3A_10[0, 0] : f32 from vector<1x1xf32>
    %sub3A = arith.subf %reduce_max3A_11, %reduce_min3A_5 : f32
    %max3A = arith.constant 1.000000e-30 : f32
    %max3A_12 = arith.maximumf %sub3A, %max3A : f32
    %div3A = arith.constant 6.553600e+04 : f32
    %div3A_13 = arith.divf %div3A, %max3A_12 : f32
    %broadcast_in_dim3A = vector.broadcast %reduce_min3A_5 : f32 to vector<1x128xf32>
    %broadcast_in_dim3A_14 = vector.broadcast %div3A_13 : f32 to vector<1x128xf32>
    %concatenate3A = tpu.concatenate %broadcast_in_dim3A, %broadcast_in_dim3A_14 in 0 : vector<1x128xf32>, vector<1x128xf32> -> vector<2x128xf32>
    %swap3A = arith.constant 0 : index
    %swap3A_15 = arith.constant 0 : index
    %swap3A_16 = vector.load %arg1[%swap3A, %swap3A_15] : memref<2x128xf32, #tpu.memory_space<vmem>>, vector<2x128xf32>
    tpu.vector_store %arg1[%swap3A, %swap3A_15], %concatenate3A {strides = array<i32>} : memref<2x128xf32, #tpu.memory_space<vmem>>, vector<2x128xf32>,
    return
  }
}

module attributes {stable_mosaic.version = 14 : i64} {
  func.func @_k1_body(%arg0: i32, %arg1: memref<1024x512xf32, #tpu.memory_space<vmem>>, %arg2: memref<8x128xf32, #tpu.memory_space<vmem>>) attributes {dimension_semantics = [#tpu.dimension_semantics<arbitrary>], iteration_bounds = array<i64: 16>, scalar_prefetch = 0 : i64, scratch_operands = 0 : i64, tpu.core_type = #tpu.core_type<tc>, window_params = [{transform_indices = @transform_0, window_bounds = array<i64: 1024, 512>}, {pipeline_mode = #tpu.pipeline_mode<synchronous>, transform_indices = @transform_1, window_bounds = array<i64: 8, 128>}]} {
    %get3A = arith.constant 0 : index
    %get3A_0 = arith.constant 0 : index
    %get3A_1 = vector.load %arg1[%get3A, %get3A_0] : memref<1024x512xf32, #tpu.memory_space<vmem>>, vector<1024x512xf32>
    %mul3A = arith.mulf %get3A_1, %get3A_1 : vector<1024x512xf32>
    %reduce_sum3A = arith.constant dense<0.000000e+00> : vector<512xf32>
    %reduce_sum3A_2 = vector.multi_reduction <add>, %get3A_1, %reduce_sum3A [0] : vector<1024x512xf32> to vector<512xf32>
    %reshape3A = vector.shape_cast %reduce_sum3A_2 : vector<512xf32> to vector<4x128xf32>
    %reduce_sum3A_3 = arith.constant dense<0.000000e+00> : vector<128xf32>
    %reduce_sum3A_4 = vector.multi_reduction <add>, %reshape3A, %reduce_sum3A_3 [0] : vector<4x128xf32> to vector<128xf32>
    %reduce_sum3A_5 = arith.constant dense<0.000000e+00> : vector<512xf32>
    %reduce_sum3A_6 = vector.multi_reduction <add>, %mul3A, %reduce_sum3A_5 [0] : vector<1024x512xf32> to vector<512xf32>
    %reshape3A_7 = vector.shape_cast %reduce_sum3A_6 : vector<512xf32> to vector<4x128xf32>
    %reduce_sum3A_8 = arith.constant dense<0.000000e+00> : vector<128xf32>
    %reduce_sum3A_9 = vector.multi_reduction <add>, %reshape3A_7, %reduce_sum3A_8 [0] : vector<4x128xf32> to vector<128xf32>
    %mul3A_10 = arith.mulf %mul3A, %get3A_1 : vector<1024x512xf32>
    %reduce_sum3A_11 = arith.constant dense<0.000000e+00> : vector<512xf32>
    %reduce_sum3A_12 = vector.multi_reduction <add>, %mul3A_10, %reduce_sum3A_11 [0] : vector<1024x512xf32> to vector<512xf32>
    %reshape3A_13 = vector.shape_cast %reduce_sum3A_12 : vector<512xf32> to vector<4x128xf32>
    %reduce_sum3A_14 = arith.constant dense<0.000000e+00> : vector<128xf32>
    %reduce_sum3A_15 = vector.multi_reduction <add>, %reshape3A_13, %reduce_sum3A_14 [0] : vector<4x128xf32> to vector<128xf32>
    %mul3A_16 = arith.mulf %mul3A, %mul3A : vector<1024x512xf32>
    %reduce_sum3A_17 = arith.constant dense<0.000000e+00> : vector<512xf32>
    %reduce_sum3A_18 = vector.multi_reduction <add>, %mul3A_16, %reduce_sum3A_17 [0] : vector<1024x512xf32> to vector<512xf32>
    %reshape3A_19 = vector.shape_cast %reduce_sum3A_18 : vector<512xf32> to vector<4x128xf32>
    %reduce_sum3A_20 = arith.constant dense<0.000000e+00> : vector<128xf32>
    %reduce_sum3A_21 = vector.multi_reduction <add>, %reshape3A_19, %reduce_sum3A_20 [0] : vector<4x128xf32> to vector<128xf32>
    %reduce_min3A = arith.constant dense<0x7F800000> : vector<512xf32>
    %reduce_min3A_22 = vector.multi_reduction <minimumf>, %get3A_1, %reduce_min3A [0] : vector<1024x512xf32> to vector<512xf32>
    %reshape3A_23 = vector.shape_cast %reduce_min3A_22 : vector<512xf32> to vector<4x128xf32>
    %reduce_min3A_24 = arith.constant dense<0x7F800000> : vector<128xf32>
    %reduce_min3A_25 = vector.multi_reduction <minimumf>, %reshape3A_23, %reduce_min3A_24 [0] : vector<4x128xf32> to vector<128xf32>
    %reduce_max3A = arith.constant dense<0xFF800000> : vector<512xf32>
    %reduce_max3A_26 = vector.multi_reduction <maximumf>, %get3A_1, %reduce_max3A [0] : vector<1024x512xf32> to vector<512xf32>
    %reshape3A_27 = vector.shape_cast %reduce_max3A_26 : vector<512xf32> to vector<4x128xf32>
    %reduce_max3A_28 = arith.constant dense<0xFF800000> : vector<128xf32>
    %reduce_max3A_29 = vector.multi_reduction <maximumf>, %reshape3A_27, %reduce_max3A_28 [0] : vector<4x128xf32> to vector<128xf32>
    %stack3A = vector.shape_cast %reduce_sum3A_4 : vector<128xf32> to vector<1x128xf32>
    %stack3A_30 = vector.shape_cast %reduce_sum3A_9 : vector<128xf32> to vector<1x128xf32>
    %stack3A_31 = vector.shape_cast %reduce_sum3A_15 : vector<128xf32> to vector<1x128xf32>
    %stack3A_32 = vector.shape_cast %reduce_sum3A_21 : vector<128xf32> to vector<1x128xf32>
    %stack3A_33 = vector.shape_cast %reduce_min3A_25 : vector<128xf32> to vector<1x128xf32>
    %stack3A_34 = vector.shape_cast %reduce_max3A_29 : vector<128xf32> to vector<1x128xf32>
    %stack3A_35 = vector.shape_cast %reduce_min3A_25 : vector<128xf32> to vector<1x128xf32>
    %stack3A_36 = vector.shape_cast %reduce_max3A_29 : vector<128xf32> to vector<1x128xf32>
    %stack3A_37 = tpu.concatenate %stack3A, %stack3A_30, %stack3A_31, %stack3A_32, %stack3A_33, %stack3A_34, %stack3A_35, %stack3A_36 in 0 : vector<1x128xf32>, vector<1x128xf32>, vector<1x128xf32>, vector<1x128xf32>, vector<1x128xf32>, vector<1x128xf32>, vector<1x128xf32>, vector<1x128xf32> -> vector<8x128xf32>
    %eq3A = arith.constant 0 : i32
    %eq3A_38 = arith.cmpi eq, %arg0, %eq3A : i32
    %convert_element_type3A = arith.extui %eq3A_38 : i1 to i32
    %cond3A = arith.constant 0 : i32
    %cond3A_39 = arith.cmpi ne, %convert_element_type3A, %cond3A : i32
    scf.if %cond3A_39 {
      %swap3A = arith.constant 0 : index
      %swap3A_44 = arith.constant 0 : index
      %swap3A_45 = vector.load %arg2[%swap3A, %swap3A_44] : memref<8x128xf32, #tpu.memory_space<vmem>>, vector<8x128xf32>
      tpu.vector_store %arg2[%swap3A, %swap3A_44], %stack3A_37 {strides = array<i32>} : memref<8x128xf32, #tpu.memory_space<vmem>>, vector<8x128xf32>,
    } else {
    }
    %ne3A = arith.constant 0 : i32
    %ne3A_40 = arith.cmpi ne, %arg0, %ne3A : i32
    %convert_element_type3A_41 = arith.extui %ne3A_40 : i1 to i32
    %cond3A_42 = arith.constant 0 : i32
    %cond3A_43 = arith.cmpi ne, %convert_element_type3A_41, %cond3A_42 : i32
    scf.if %cond3A_43 {
      %get3A_44 = arith.constant 0 : index
      %get3A_45 = arith.constant 0 : index
      %get3A_46 = vector.load %arg2[%get3A_44, %get3A_45] : memref<8x128xf32, #tpu.memory_space<vmem>>, vector<8x128xf32>
      %slice3A = vector.extract_strided_slice %get3A_46 {offsets = [0, 0], sizes = [4, 128], strides = [1, 1]} : vector<8x128xf32> to vector<4x128xf32>
      %slice3A_47 = vector.extract_strided_slice %stack3A_37 {offsets = [0, 0], sizes = [4, 128], strides = [1, 1]} : vector<8x128xf32> to vector<4x128xf32>
      %add3A = arith.addf %slice3A, %slice3A_47 : vector<4x128xf32>
      %slice3A_48 = vector.extract_strided_slice %get3A_46 {offsets = [4, 0], sizes = [1, 128], strides = [1, 1]} : vector<8x128xf32> to vector<1x128xf32>
      %slice3A_49 = vector.extract_strided_slice %stack3A_37 {offsets = [4, 0], sizes = [1, 128], strides = [1, 1]} : vector<8x128xf32> to vector<1x128xf32>
      %min3A = arith.minimumf %slice3A_48, %slice3A_49 : vector<1x128xf32>
      %slice3A_50 = vector.extract_strided_slice %get3A_46 {offsets = [5, 0], sizes = [1, 128], strides = [1, 1]} : vector<8x128xf32> to vector<1x128xf32>
      %slice3A_51 = vector.extract_strided_slice %stack3A_37 {offsets = [5, 0], sizes = [1, 128], strides = [1, 1]} : vector<8x128xf32> to vector<1x128xf32>
      %max3A = arith.maximumf %slice3A_50, %slice3A_51 : vector<1x128xf32>
      %slice3A_52 = vector.extract_strided_slice %get3A_46 {offsets = [6, 0], sizes = [2, 128], strides = [1, 1]} : vector<8x128xf32> to vector<2x128xf32>
      %concatenate3A = tpu.concatenate %add3A, %min3A, %max3A, %slice3A_52 in 0 : vector<4x128xf32>, vector<1x128xf32>, vector<1x128xf32>, vector<2x128xf32> -> vector<8x128xf32>
      %swap3A = arith.constant 0 : index
      %swap3A_53 = arith.constant 0 : index
      %swap3A_54 = vector.load %arg2[%swap3A, %swap3A_53] : memref<8x128xf32, #tpu.memory_space<vmem>>, vector<8x128xf32>
      tpu.vector_store %arg2[%swap3A, %swap3A_53], %concatenate3A {strides = array<i32>} : memref<8x128xf32, #tpu.memory_space<vmem>>, vector<8x128xf32>,
    } else {
    }
    return
  }
  func.func @transform_0(%arg0: i32) -> (i32, i32) {
    %c0_i32 = arith.constant 0 : i32
    %c0_i32_0 = arith.constant 0 : i32
    return %arg0, %c0_i32 : i32, i32
  }
  func.func @transform_1(%arg0: i32) -> (i32, i32) {
    %c0_i32 = arith.constant 0 : i32
    %c0_i32_0 = arith.constant 0 : i32
    %c0_i32_1 = arith.constant 0 : i32
    return %c0_i32, %c0_i32_0 : i32, i32
  }
}

</mosaic_0001>

<sc_bundles>
// kernel: kernel.6.cloned.1.call-start
scs
__scs_entry_jumppad:
0x0: {  	(pc) =	sbr.rel $0x88, $3  }
0x1: {  	(tag) =	ssettag $0x0;
	lr =	simm.s32 $0x1  }
0x2: {  	[smem:$0x3F9B] =	sst lr;
	_ =	strace $0xD0000000  }
0x3: {  	_ = 	snop  }
0x4: {  	_ = 	snop  }
0x5: {  	_ = 	snop  }
0x6: {  	_ = 	snop  }
0x7: {  	_ = 	snop  }
__scs_overlays_trampoline_lowered:
0x8: {  	[smem:$0x3FAA] =	sst s0  }
0x9: {  	[smem:$0x3FAB] =	sst s1  }
0xa: {  	[smem:$0x3FAC] =	sst s2  }
0xb: {  	[smem:$0x3FAD] =	sst s3  }
0xc: {  	[smem:$0x3FAE] =	sst s4  }
0xd: {  	[smem:$0x3FAF] =	sst s5  }
0xe: {  	[smem:$0x3FB0] =	sst s6  }
0xf: {  	[smem:$0x3FB1] =	sst s7  }
0x10: {  	[smem:$0x3FB2] =	sst s8  }
0x11: {  	[smem:$0x3FB3] =	sst s9;
	s0 =	simm.s32 @!p0 $0x0  }
0x12: {  	s1 =	sld [smem:$0x3F99];
	s0 =	simm.s32 @p0 $0x1  }
0x13: {  	[smem:$0x3FB4] =	sst s0;
	s0 =	simm.s32 @!p1 $0x0  }
0x14: {  	s2 =	sld [smem:$0x3F98];
	s0 =	simm.s32 @p1 $0x1  }
0x15: {  	[smem:$0x3FB5] =	sst s0;
	s0 =	simm.s32 @!p2 $0x0  }
0x16: {  	s3 =	sld [smem:$0x3FDB];
	s0 =	simm.s32 @p2 $0x1  }
0x17: {  	s4 =	simm.s32 $0x1BF5;
	[smem:$0x3FB7] =	sst s0  }
0x18: {  	s0 =	sld [smem:$0x3F9A];
	_ =	swait.ge [sflag:s4], $0x0  }
0x19: {  	s7 =	sld [smem:$0x3F9B]  }
0x1a: {  	s8 =	sadd.s32 $0xFFFFE003, lr  }
0x1b: {  	s9 =	sadd.s32 $0xFFFFFEF7, lr;
	s5 =	simm.s32 $0xFFFFFFFF;
	p2 =	slt.u32 s8, $0xFFFFF086  }
0x1c: {  	p1 =	slt.u32 s9, $0xF7A;
	s5 =	simm.s32 @!p2 $0x0  }
0x1d: {  	s5 =	simm.s32 @p1 $0x1;
	p0 =	seq.s32 s7, s2  }
0x1e: {  	s7 =	smul.u32 @!p0 $0xF7A, s2;
	p2 =	seq.s32 @!p0 s5, $0x0  }
0x1f: {  	s9 =	smul.u32 $0xF7A, s1;
	s8 =	simm.s32 @!p0 $0x1BF5;
	p2 =	por !p2, p0  }
0x20: {  	[sflag:s8] =	ssyncset.s32 @!p0 $0xFFFFF086;
	s6 =	sadd.s32 @!p0 s3, s7;
	s7 =	simm.s32 @!p0 $0x108  }
0x21: {  	s3 =	sadd.s32 s3, s9;
	s6 =	sadd.s32 @!p0 $0x88, s6;
	s7 =	simm.s32 @p2 $0x1082  }
0x22: {  	[simem:s7], [sflag:s8] =	dma.local @!p0 [hbm:s6], $0xF7A  }
0x23: {  	s9 =	sor.u32 $0xD0000000, s2;
	s6 =	simm.s32 $0x108;
	_ =	swait.ge @!p0 [sflag:s8], $0x0  }
0x24: {  	s3 =	sadd.s32 $0x88, s3;
	s6 =	simm.s32 @!p1 $0x1082;
	[sflag:s4] =	ssyncset.s32 $0xFFFFF086  }
0x25: {  	[simem:s6], [sflag:s4] =	dma.local [hbm:s3], $0xF7A  }
0x26: {  	[smem:$0x3F9B] =	sst s1;
	(tag) =	ssettag s2;
	_ =	strace s9  }
0x27: {  	s1 =	sld [smem:$0x3FAB]  }
0x28: {  	s2 =	sld [smem:$0x3FAC]  }
0x29: {  	s4 =	sld [smem:$0x3FAE]  }
0x2a: {  	p0 =	seq.s32 s5, $0x0;
	s5 =	sld [smem:$0x3FAF]  }
0x2b: {  	s6 =	sld [smem:$0x3FB0]  }
0x2c: {  	s7 =	sld [smem:$0x3FB1]  }
0x2d: {  	s3 =	simm.s32 $0x108;
	s8 =	sld [smem:$0x3FB2]  }
0x2e: {  	s3 =	simm.s32 @!p0 $0x1082;
	s9 =	sld [smem:$0x3FB3]  }
0x2f: {  	lr =	sadd.s32 s0, s3;
	s0 =	sld [smem:$0x3FAA]  }
0x30: {  	s3 =	sld [smem:$0x3FAD]  }
0x31: {  	[smem:$0x3FB6] =	sst s10  }
0x32: {  	s10 =	sld [smem:$0x3FB4];
	_ =	sdelay $0x3  }
0x33: {  	p0 =	seq.s32 s10, $0x1;
	s10 =	sld [smem:$0x3FB6];
	_ =	sdelay $0x3  }
0x34: {  	[smem:$0x3FB6] =	sst s10  }
0x35: {  	s10 =	sld [smem:$0x3FB5];
	_ =	sdelay $0x3  }
0x36: {  	p1 =	seq.s32 s10, $0x1;
	s10 =	sld [smem:$0x3FB6];
	_ =	sdelay $0x3  }
0x37: {  	[smem:$0x3FB6] =	sst s10  }
0x38: {  	s10 =	sld [smem:$0x3FB7]  }
0x39: {  	_ = 	snop;
	(pc) =	sbr.ind lr, $3  }
0x3a: {  	_ = 	snop  }
0x3b: {  	_ = 	snop  }
0x3c: {  	p2 =	seq.s32 s10, $0x1;
	s10 =	sld [smem:$0x3FB6]  }
0x3d: {  	_ =	shalt  }
0x3e: {  	_ =	shalt  }
0x3f: {  	_ =	shalt  }
0x40: {  	_ =	shalt  }
0x41: {  	_ =	shalt  }
0x42: {  	_ =	shalt  }
0x43: {  	_ =	shalt  }
0x44: {  	_ =	shalt  }
0x45: {  	_ =	shalt  }
0x46: {  	_ =	shalt  }
0x47: {  	_ =	shalt  }
0x48: {  	_ =	shalt  }
0x49: {  	_ =	shalt  }
0x4a: {  	_ =	shalt  }
0x4b: {  	_ =	shalt  }
0x4c: {  	_ =	shalt  }
0x4d: {  	_ =	shalt  }
0x4e: {  	_ =	shalt  }
0x4f: {  	_ =	shalt  }
0x50: {  	_ =	shalt  }
0x51: {  	_ =	shalt  }
0x52: {  	_ =	shalt  }
0x53: {  	_ =	shalt  }
0x54: {  	_ =	shalt  }
0x55: {  	_ =	shalt  }
0x56: {  	_ =	shalt  }
0x57: {  	_ =	shalt  }
0x58: {  	_ =	shalt  }
0x59: {  	_ =	shalt  }
0x5a: {  	_ =	shalt  }
0x5b: {  	_ =	shalt  }
0x5c: {  	_ =	shalt  }
0x5d: {  	_ =	shalt  }
0x5e: {  	_ =	shalt  }
0x5f: {  	_ =	shalt  }
0x60: {  	_ =	shalt  }
0x61: {  	_ =	shalt  }
0x62: {  	_ =	shalt  }
0x63: {  	_ =	shalt  }
0x64: {  	_ =	shalt  }
0x65: {  	_ =	shalt  }
0x66: {  	_ =	shalt  }
0x67: {  	_ =	shalt  }
0x68: {  	_ =	shalt  }
0x69: {  	_ =	shalt  }
0x6a: {  	_ =	shalt  }
0x6b: {  	_ =	shalt  }
0x6c: {  	_ =	shalt  }
0x6d: {  	_ =	shalt  }
0x6e: {  	_ =	shalt  }
0x6f: {  	_ =	shalt  }
0x70: {  	_ =	shalt  }
0x71: {  	_ =	shalt  }
0x72: {  	_ =	shalt  }
0x73: {  	_ =	shalt  }
0x74: {  	_ =	shalt  }
0x75: {  	_ =	shalt  }
0x76: {  	_ =	shalt  }
0x77: {  	_ =	shalt  }
0x78: {  	_ =	shalt  }
0x79: {  	_ =	shalt  }
0x7a: {  	_ =	shalt  }
0x7b: {  	_ =	shalt  }
0x7c: {  	_ =	shalt  }
0x7d: {  	_ =	shalt  }
0x7e: {  	_ =	shalt  }
0x7f: {  	_ =	shalt  }
0x80: {  	_ =	shalt  }
0x81: {  	_ =	shalt  }
0x82: {  	_ =	shalt  }
0x83: {  	_ =	shalt  }
0x84: {  	_ =	shalt  }
0x85: {  	_ =	shalt  }
0x86: {  	_ =	shalt  }
0x87: {  	_ =	shalt  }
.Lfunc_end0:
.L_simem_size_0:
called_computation_lowered:
.L_overlay_start_0:
0x88: {  	s2 =	sld [smem:$0x3FD9]  }
0x89: {  	s3 =	sld [smem:$0x3FFE];
	_ =	sdelay $0x1  }
0x8a: {  	s1 =	srdreg.scid  }
0x8b: {  	s0 =	sand.u32 $0x1, s1  }
0x8c: {  	s17 =	sshll.u32 s0, $0xA;
	s2 =	sadd.s32 s3, s2  }
0x8d: {  	s2 =	sadd.s32 s2, s17  }
0x8e: {  	[smem:$0x3FC2] =	sst s2  }
0x8f: {  	_ = 	snop  }
0x90: {  	s2 =	sld [smem:$0x3FC9]  }
0x91: {  	s18 =	sld [smem:$0x3FD0];
	(tm) =	ssettm $0x1  }
0x92: {  	s4 =	sld [smem:$0x3FFB];
	_ =	sdelay $0x3  }
0x93: {  	_ =	strace s4  }
0x94: {  	s4 =	sld [smem:$0x3FFC];
	_ =	sdelay $0x3  }
0x95: {  	_ =	strace s4  }
0x96: {  	s4 =	sld [smem:$0x3FFD];
	_ =	sdelay $0x3  }
0x97: {  	_ =	strace s4  }
0x98: {  	_ =	strace $0x8FFFFFFF  }
0x99: {  	s19 =	sld [smem:$0x3FDB];
	_ =	sdelay $0x1  }
0x9a: {  	s5 =	simm.s32 $_scs_section_size  }
0x9b: {  	s6 =	simm.s32 $_size__tile_overlayer_lowered;
	s7 =	simm.s32 $_tile_overlayer_lowered  }
0x9c: {  	s22 =	simm.s32 $0x1BFF;
	s21 =	sshll.u32 s7, $0x1;
	s4 =	sadd.s32 s5, s19  }
0x9d: {  	s8 =	simm.s32 $0x0;
	s20 =	sshll.u32 s6, $0x1;
	s6 =	sadd.s32 s21, s4  }
0x9e: {  	[timem:s8], [sflag:s22] =	dma.local [hbm:s6], s20  }
0x9f: {  	_ =	swait.ge [sflag:s22], s20  }
0xa0: {  	s5 =	ssub.s32 $0x0, s20;
	[sflag:s22] =	ssyncset.done $0x0  }
0xa1: {  	[sflag:s22] =	ssyncadd.s32 s5;
	_ =	sdelay $0x1  }
0xa2: {  	s23 =	simm.s32 $0x1B8B  }
0xa3: {  	_ =	swait.ge [sflag:s23], $0x1  }
0xa4: {  	[sflag:s23] =	ssyncset.done $0x0  }
0xa5: {  	s25 =	simm.s32 $0x1B8E;
	s24 =	sld [smem:$0x3FFE];
	[sflag:s23] =	ssyncadd.s32 $0xFFFFFFFF  }
0xa6: {  	s26 =	simm.s32 $execute0_lowered;
	[smem:$0x3FD2] =	sst s25  }
0xa7: {  	s6 =	sshll.u32 s26, $0x1;
	_ =	strace $0x80000046;
	[dreg:$0x1] =	wrdreg $0xFFFFFFFF  }
0xa8: {  	s28 =	simm.s32 $_size_execute0_lowered;
	s4 =	sadd.s32 s4, s6;
	[dreg:$0x0] =	wrdreg $0x0  }
0xa9: {  	s6 =	sshll.u32 s28, $0x1;
	[dreg:$0x2] =	wrdreg s4  }
0xaa: {  	[dreg:$0x3] =	wrdreg s6  }
0xab: {  	[dreg:$0x4] =	wrdreg $0xC0  }
0xac: {  	_ =	task [dreg:s8], $0x5FFFF  }
0xad: {  	[dreg:$0x1] =	wrdreg $0xFFFFFFFF  }
0xae: {  	[dreg:$0x0] =	wrdreg $0x60  }
0xaf: {  	[dreg:$0x2] =	wrdreg s2  }
0xb0: {  	[dreg:$0x3] =	wrdreg s18  }
0xb1: {  	[dreg:$0x4] =	wrdreg s24  }
0xb2: {  	[dreg:$0x5] =	wrdreg $0x9  }
0xb3: {  	_ =	task.clear_ibuf [dreg:s8], $0x6FFFF;
	_ =	strace $0x90000046  }
0xb4: {  	s29 =	simm.s32 $0x9;
	_ =	strace $0x80000048  }
0xb5: {  	_ =	swait.ge [sflag:s29], $0x1  }
0xb6: {  	[sflag:s29] =	ssyncadd.s32 $0xFFFFFFFF  }
0xb7: {  	_ =	strace $0x90000048  }
0xb8: {  	_ =	sfence  }
0xb9: {  	s30 =	sld [smem:$0x0];
	_ =	sdelay $0x2  }
0xba: {  	s31 =	sshll.u32 s1, $0xD;
	s1 =	sshrl.u32 s1, $0x2  }
0xbb: {  	s3 =	sand.u32 $0x4000, s31;
	s1 =	sadd.s32 s1, s30  }
0xbc: {  	s0 =	sor.u32 s3, s0;
	s1 =	sshll.u32 s1, $0x11  }
0xbd: {  	s0 =	sor.u32 s1, s0  }
0xbe: {  	s0 =	sadd.s32 $0x8F2B, s0  }
0xbf: {  	[sflag:s0] =	ssyncadd.remote.s32 $0x1  }
0xc0: {  	_ =	sfence.sel $0xFFFF  }
0xc1: {  	[dreg:$0x0] =	wrdreg $0xFFFFFFFF;
	(pc) =	sbr.abs _section_cstart, $3  }
0xc2: {  	[dreg:$0x1] =	wrdreg $0xFFFFFFFF  }
0xc3: {  	_ =	task.clear_ibuf [dreg:s8], $0x2FFFF;
	_ =	strace $0x9FFFFFFF  }
0xc4: {  	(tm) =	ssettm $0x7FFFFFFF  }
0xc5: {  	_ =	shalt  }
tec
execute0_lowered:
.L_overlay_start_1:
0x0: {  	(tag) =	ssettag $0x1  }
0x1: {  	s9 =	rddreg [dreg:$0x0]  }
0x2: {  	s1 =	rddreg [dreg:$0x1]  }
0x3: {  	s4 =	rddreg [dreg:$0x2]  }
0x4: {  	s0 =	rddreg [dreg:$0x3];
	s3 =	simm.s32 $0x0  }
0x5: {  	s5 =	srdreg.scid;
	s2 =	stileid.u32;
	s13 =	simm.s32 $0x12000  }
0x6: {  	s14 =	simm.s32 $0x14000;
	s15 =	simm.s32 $0x3;
	s16 =	simm.s32 $0x14080  }
0x7: {  	s17 =	simm.s32 $0x1;
	s18 =	simm.s32 $0x2;
	s19 =	simm.s32 $0x80  }
0x8: {  	s20 =	simm.s32 $0x400;
	s21 =	simm.s32 $0x0;
	[smem:$0x7FF] =	sst s3  }
0x9: {  	s5 =	sand.u32 $0x1, s5;
	s6 =	sshll.u32 s2, $0xE;
	s8 =	sshll.u32 s2, $0x1  }
0xa: {  	_ =	strace $0x80000047;
	s7 =	ssub.s32 $0x2, s5;
	s6 =	sand.u32 $0x30000, s6  }
0xb: {  	s8 =	sor.u32 s5, s8;
	s10 =	sshrl.u32 s7, $0x1;
	s11 =	sadd.s32 s6, s4  }
.Ltmp0:
0xc: {  	s5 =	sshll.u32 s8, $0xF;
	s4 =	sshll.u32 s8, $0x9;
	(pc) =	sbr.rel .LBB2_1-.Ltmp0, $4  }
0xd: {  	s8 =	sshll.u32 s8, $0x4;
	s12 =	ssub.s32 s7, s10;
	s5 =	sadd.s32 s9, s5  }
0xe: {  	s7 =	sadd.s32 $0x10, s1;
	s31 =	sand.u32 $0x70, s8;
	s8 =	sadd.s32 $0x800, s9  }
0xf: {  	s9 =	sadd.s32 $0xC00, s9;
	s6 =	sadd.s32 $0x400, s5;
	s10 =	sadd.s32 s31, s11  }
0x10: {  	v0 =	vimm.f32 $0.0e+00;
	v1 =	vimm.f32 $1.000000000e+00;
	s11 =	smax.u32 s12, $0x1;
	s12 =	simm.s32 $0x10000;
	s10 =	sadd.s32 $0x1200, s10  }
.LBB2_61:
0x11: {  	s21 =	sadd.s32 $0x1, s21  }
0x12: {  	p0 =	sne.s32 s21, s11  }
.Ltmp1:
0x13: {  	_ = 	snop;
	(pc) =	sbr.rel @!p0 .LBB2_62-.Ltmp1, $4  }
0x14: {  	[hbm4b:s10+s19] =	stream.strided.scatter [tilespmem:s3], [sflag:$0x3], $0x10000, s20, s19, $0x38;
	[tilespmem:$0x14100] =	vst v63  }
0x15: {  	_ =	swait.ge [sflag:s15], $0x10000  }
0x16: {  	[sflag:s15] =	ssyncset.done $0x0  }
0x17: {  	[sflag:s15] =	ssyncadd.s32 $0xFFFF0000  }
.LBB2_1:
0x18: {  	[tilespmem:s12], [sflag:$0x1] =	stream.linear.gather [hbm4b:s5+s3], $0x2000, $0x38;
	[tilespmem:$0x14100] =	vst v63  }
0x19: {  	_ = 	snop  }
0x1a: {  	[tilespmem:s13], [sflag:$0x2] =	stream.linear.gather [hbm4b:s6+s3], $0x2000, $0x38;
	[tilespmem:$0x14100] =	vst v63  }
0x1b: {  	_ = 	snop  }
0x1c: {  	[tilespmem:s14], [sflag:$0x3] =	stream.linear.gather [hbm4b:s1+s3], $0x10, $0x38;
	[tilespmem:$0x14100] =	vst v63  }
0x1d: {  	_ =	swait.ge [sflag:s15], $0x10  }
0x1e: {  	[sflag:s15] =	ssyncset.done $0x0  }
0x1f: {  	[sflag:s15] =	ssyncadd.s32 $0xFFFFFFF0  }
0x20: {  	[tilespmem:s16], [sflag:$0x3] =	stream.linear.gather [hbm4b:s7+s3], $0x10, $0x38;
	[tilespmem:$0x14100] =	vst v63  }
0x21: {  	_ =	swait.ge [sflag:s15], $0x10  }
0x22: {  	[sflag:s15] =	ssyncset.done $0x0  }
0x23: {  	[sflag:s15] =	ssyncadd.s32 $0xFFFFFFF0  }
0x24: {  	v2 =	vld [tilespmem:$0x14000]  }
0x25: {  	v3 =	vld [tilespmem:$0x14080];
	[tilespmem:s19+$0xFFFFFF80] =	vst v0  }
0x26: {  	[tilespmem:s19+$0x70] =	vst v0  }
0x27: {  	[tilespmem:s19+$0x60] =	vst v0  }
0x28: {  	[tilespmem:s19+$0x50] =	vst v0  }
0x29: {  	[tilespmem:s19+$0x40] =	vst v0  }
0x2a: {  	[tilespmem:s19+$0x30] =	vst v0  }
0x2b: {  	[tilespmem:s19+$0x20] =	vst v0  }
0x2c: {  	[tilespmem:s19+$0x10] =	vst v0  }
0x2d: {  	[tilespmem:s19+$0x0] =	vst v0  }
0x2e: {  	[tilespmem:s19+$0xFFFFFFF0] =	vst v0  }
0x2f: {  	[tilespmem:s19+$0xFFFFFFE0] =	vst v0  }
0x30: {  	[tilespmem:s19+$0xFFFFFFD0] =	vst v0  }
0x31: {  	[tilespmem:s19+$0xFFFFFFC0] =	vst v0  }
0x32: {  	[tilespmem:s19+$0xFFFFFFB0] =	vst v0  }
0x33: {  	s22 =	simm.s32 $0x0;
	s23 =	simm.s32 $0x80;
	[tilespmem:s19+$0xFFFFFFA0] =	vst v0  }
.LBB2_2:
0x34: {  	s22 =	sadd.s32 $0x2, s22;
	[tilespmem:s23+$0xFFFFFF90] =	vst v0;
	s23 =	sadd.s32 $0x100, s23  }
0x35: {  	[tilespmem:s23+$0xFFFFFF80] =	vst v0;
	p0 =	slt.u32 s22, $0x1FE  }
0x36: {  	[tilespmem:s23+$0x70] =	vst v0  }
0x37: {  	[tilespmem:s23+$0x60] =	vst v0  }
0x38: {  	[tilespmem:s23+$0x50] =	vst v0  }
0x39: {  	[tilespmem:s23+$0x40] =	vst v0  }
0x3a: {  	[tilespmem:s23+$0x30] =	vst v0  }
0x3b: {  	[tilespmem:s23+$0x20] =	vst v0  }
0x3c: {  	[tilespmem:s23+$0x10] =	vst v0  }
0x3d: {  	[tilespmem:s23+$0x0] =	vst v0  }
0x3e: {  	[tilespmem:s23+$0xFFFFFFF0] =	vst v0  }
.Ltmp2:
0x3f: {  	[tilespmem:s23+$0xFFFFFFE0] =	vst v0;
	(pc) =	sbr.rel @p0 .LBB2_2-.Ltmp2, $4  }
0x40: {  	[tilespmem:s23+$0xFFFFFFD0] =	vst v0  }
0x41: {  	[tilespmem:s23+$0xFFFFFFC0] =	vst v0  }
0x42: {  	[tilespmem:s23+$0xFFFFFFB0] =	vst v0  }
0x43: {  	[tilespmem:s23+$0xFFFFFFA0] =	vst v0  }
0x44: {  	[tilespmem:s23+$0xFFFFFF90] =	vst v0;
	s22 =	simm.s32 $0x0  }
.LBB2_4:
0x45: {  	_ =	swait.ge [sflag:s17], $0x2000  }
0x46: {  	p1 =	por $0x1, $0x1;
	[sflag:s17] =	ssyncset.done $0x0  }
0x47: {  	p0 =	por $0x1, $0x1;
	s24 =	simm.s32 $0x0;
	[sflag:s17] =	ssyncadd.s32 $0xFFFFE000  }
.LBB2_5:
0x48: {  	s24 =	sshra.s32 s24, $0x2  }
0x49: {  	v4 =	vld [tilespmem:s24+$0x10000]  }
0x4a: {  	v5 =	vld [tilespmem:s24+$0x10040];
	_ =	sdelay $0x3  }
0x4b: {  	v4 =	vsub.f32 v4, v2  }
0x4c: {  	v5 =	vsub.f32 v5, v2  }
0x4d: {  	v6 =	vld [tilespmem:s24+$0x10400];
	v4 =	vmul.f32 v4, v3  }
0x4e: {  	v5 =	vmul.f32 v5, v3  }
0x4f: {  	v7 =	vld [tilespmem:s24+$0x10440];
	v4 =	vmax.f32 v4, $0.0e+00  }
0x50: {  	v5 =	vmax.f32 v5, $0.0e+00;
	v4 =	vmin.f32 v4, $6.553500000e+04  }
0x51: {  	v5 =	vmin.f32 v5, $6.553500000e+04;
	v4 =	vtrunc.f32 v4  }
0x52: {  	v6 =	vsub.f32 v6, v2;
	v5 =	vtrunc.f32 v5;
	v4 =	vcvt.f32.s32 v4  }
0x53: {  	v5 =	vcvt.f32.s32 v5  }
0x54: {  	v7 =	vsub.f32 v7, v2;
	v6 =	vmul.f32 v6, v3;
	_ =	sdelay $0x1  }
0x55: {  	v7 =	vmul.f32 v7, v3;
	v6 =	vmax.f32 v6, $0.0e+00  }
0x56: {  	s23 =	simm.s32 $0x0;
	v6 =	vmin.f32 v6, $6.553500000e+04  }
0x57: {  	v7 =	vmax.f32 v7, $0.0e+00;
	v6 =	vtrunc.f32 v6;
	[tilespmem:v4+s23+$0x0] =	vst.idx.add.f32.msk $0xffff, v1  }
0x58: {  	v60 =	vmin.f32 v7, $6.553500000e+04;
	v4 =	vcvt.f32.s32 v6;
	[tilespmem:v5+s23+$0x0] =	vst.idx.add.f32.msk $0xffff, v1  }
0x59: {  	v6 =	vtrunc.f32 v60;
	v61 =	vld [tilespmem:s24+$0x10010]  }
0x5a: {  	v6 =	vcvt.f32.s32 v6;
	v5 =	vld [tilespmem:s24+$0x10050];
	_ =	sdelay $0x3  }
0x5b: {  	v7 =	vsub.f32 v61, v2;
	[tilespmem:v4+s23+$0x0] =	vst.idx.add.f32.msk $0xffff, v1  }
0x5c: {  	v5 =	vsub.f32 v5, v2;
	v4 =	vld [tilespmem:s24+$0x10410]  }
0x5d: {  	[tilespmem:v6+s23+$0x0] =	vst.idx.add.f32.msk $0xffff, v1;
	v7 =	vmul.f32 v7, v3  }
0x5e: {  	v6 =	vld [tilespmem:s24+$0x10450];
	v5 =	vmul.f32 v5, v3  }
0x5f: {  	v7 =	vmax.f32 v7, $0.0e+00  }
0x60: {  	v5 =	vmax.f32 v5, $0.0e+00;
	v7 =	vmin.f32 v7, $6.553500000e+04  }
0x61: {  	v5 =	vmin.f32 v5, $6.553500000e+04;
	v7 =	vtrunc.f32 v7;
	v4 =	vsub.f32 v4, v2  }
0x62: {  	v5 =	vtrunc.f32 v5;
	v7 =	vcvt.f32.s32 v7  }
0x63: {  	v6 =	vsub.f32 v6, v2;
	v5 =	vcvt.f32.s32 v5;
	v4 =	vmul.f32 v4, v3;
	_ =	sdelay $0x1  }
0x64: {  	v6 =	vmul.f32 v6, v3;
	v4 =	vmax.f32 v4, $0.0e+00  }
0x65: {  	v4 =	vmin.f32 v4, $6.553500000e+04  }
0x66: {  	v6 =	vmax.f32 v6, $0.0e+00;
	v4 =	vtrunc.f32 v4  }
0x67: {  	v6 =	vmin.f32 v6, $6.553500000e+04;
	v4 =	vcvt.f32.s32 v4;
	[tilespmem:v7+s23+$0x0] =	vst.idx.add.f32.msk $0xffff, v1  }
0x68: {  	v6 =	vtrunc.f32 v6;
	[tilespmem:v5+s23+$0x0] =	vst.idx.add.f32.msk $0xffff, v1  }
0x69: {  	v7 =	vld [tilespmem:s24+$0x10020];
	v6 =	vcvt.f32.s32 v6  }
0x6a: {  	v5 =	vld [tilespmem:s24+$0x10060];
	_ =	sdelay $0x2  }
0x6b: {  	[tilespmem:v4+s23+$0x0] =	vst.idx.add.f32.msk $0xffff, v1  }
0x6c: {  	v62 =	vld [tilespmem:s24+$0x10420]  }
0x6d: {  	v4 =	vsub.f32 v7, v2;
	v5 =	vsub.f32 v5, v2;
	[tilespmem:v6+s23+$0x0] =	vst.idx.add.f32.msk $0xffff, v1  }
0x6e: {  	v6 =	vld [tilespmem:s24+$0x10460]  }
0x6f: {  	v4 =	vmul.f32 v4, v3;
	v5 =	vmul.f32 v5, v3;
	_ =	sdelay $0x1  }
0x70: {  	v4 =	vmax.f32 v4, $0.0e+00;
	v5 =	vmax.f32 v5, $0.0e+00;
	v7 =	vsub.f32 v62, v2  }
0x71: {  	v4 =	vmin.f32 v4, $6.553500000e+04;
	v5 =	vmin.f32 v5, $6.553500000e+04  }
0x72: {  	v4 =	vtrunc.f32 v4;
	v6 =	vsub.f32 v6, v2;
	v7 =	vmul.f32 v7, v3  }
0x73: {  	v5 =	vtrunc.f32 v5;
	v4 =	vcvt.f32.s32 v4  }
0x74: {  	v5 =	vcvt.f32.s32 v5;
	v6 =	vmul.f32 v6, v3;
	v7 =	vmax.f32 v7, $0.0e+00  }
0x75: {  	v7 =	vmin.f32 v7, $6.553500000e+04  }
0x76: {  	v6 =	vmax.f32 v6, $0.0e+00;
	v7 =	vtrunc.f32 v7  }
0x77: {  	v6 =	vmin.f32 v6, $6.553500000e+04;
	v7 =	vcvt.f32.s32 v7  }
0x78: {  	v6 =	vtrunc.f32 v6  }
0x79: {  	[tilespmem:v4+s23+$0x0] =	vst.idx.add.f32.msk $0xffff, v1;
	v4 =	vcvt.f32.s32 v6  }
0x7a: {  	[tilespmem:v5+s23+$0x0] =	vst.idx.add.f32.msk $0xffff, v1  }
0x7b: {  	v63 =	vld [tilespmem:s24+$0x10030]  }
0x7c: {  	v5 =	vld [tilespmem:s24+$0x10070]  }
0x7d: {  	[tilespmem:v7+s23+$0x0] =	vst.idx.add.f32.msk $0xffff, v1  }
0x7e: {  	v7 =	vld [tilespmem:s24+$0x10430]  }
0x7f: {  	[tilespmem:v4+s23+$0x0] =	vst.idx.add.f32.msk $0xffff, v1  }
0x80: {  	v4 =	vld [tilespmem:s24+$0x10470];
	_ =	sdelay $0x1  }
0x81: {  	v6 =	vsub.f32 v63, v2;
	v5 =	vsub.f32 v5, v2;
	_ =	sdelay $0x1  }
0x82: {  	v6 =	vmul.f32 v6, v3;
	v5 =	vmul.f32 v5, v3;
	v7 =	vsub.f32 v7, v2  }
0x83: {  	v4 =	vsub.f32 v4, v2  }
0x84: {  	v6 =	vmax.f32 v6, $0.0e+00;
	v5 =	vmax.f32 v5, $0.0e+00;
	v7 =	vmul.f32 v7, v3  }
0x85: {  	v6 =	vmin.f32 v6, $6.553500000e+04;
	v5 =	vmin.f32 v5, $6.553500000e+04;
	v4 =	vmul.f32 v4, v3  }
0x86: {  	v6 =	vtrunc.f32 v6;
	v5 =	vtrunc.f32 v5;
	v7 =	vmax.f32 v7, $0.0e+00  }
0x87: {  	v6 =	vcvt.f32.s32 v6;
	v7 =	vmin.f32 v7, $6.553500000e+04;
	v4 =	vmax.f32 v4, $0.0e+00  }
0x88: {  	v5 =	vcvt.f32.s32 v5;
	v7 =	vtrunc.f32 v7;
	v4 =	vmin.f32 v4, $6.553500000e+04  }
0x89: {  	v7 =	vcvt.f32.s32 v7;
	v4 =	vtrunc.f32 v4  }
0x8a: {  	v4 =	vcvt.f32.s32 v4  }
0x8b: {  	p2 =	por p0, p0  }
.Ltmp3:
0x8c: {  	_ = 	snop;
	(pc) =	sbr.rel @p2 .LBB2_5-.Ltmp3, $4  }
0x8d: {  	[tilespmem:v6+s23+$0x0] =	vst.idx.add.f32.msk $0xffff, v1  }
0x8e: {  	[tilespmem:v5+s23+$0x0] =	vst.idx.add.f32.msk $0xffff, v1  }
0x8f: {  	[tilespmem:v7+s23+$0x0] =	vst.idx.add.f32.msk $0xffff, v1  }
0x90: {  	p0 =	por $0x0, $0x0;
	s24 =	simm.s32 $0x2000;
	[tilespmem:v4+s23+$0x0] =	vst.idx.add.f32.msk $0xffff, v1  }
0x91: {  	s24 =	simm.s32 $0x0  }
.LBB2_7:
0x92: {  	s24 =	sshra.s32 s24, $0x2  }
0x93: {  	v4 =	vld [tilespmem:s24+$0x10080]  }
0x94: {  	v5 =	vld [tilespmem:s24+$0x100C0];
	_ =	sdelay $0x3  }
0x95: {  	v4 =	vsub.f32 v4, v2  }
0x96: {  	v5 =	vsub.f32 v5, v2  }
0x97: {  	v6 =	vld [tilespmem:s24+$0x10480];
	v4 =	vmul.f32 v4, v3  }
0x98: {  	v5 =	vmul.f32 v5, v3  }
0x99: {  	v7 =	vld [tilespmem:s24+$0x104C0];
	v4 =	vmax.f32 v4, $0.0e+00  }
0x9a: {  	v5 =	vmax.f32 v5, $0.0e+00;
	v4 =	vmin.f32 v4, $6.553500000e+04  }
0x9b: {  	v5 =	vmin.f32 v5, $6.553500000e+04;
	v4 =	vtrunc.f32 v4  }
0x9c: {  	v6 =	vsub.f32 v6, v2;
	v5 =	vtrunc.f32 v5;
	v4 =	vcvt.f32.s32 v4  }
0x9d: {  	v5 =	vcvt.f32.s32 v5  }
0x9e: {  	v7 =	vsub.f32 v7, v2;
	v6 =	vmul.f32 v6, v3;
	_ =	sdelay $0x1  }
0x9f: {  	v7 =	vmul.f32 v7, v3;
	v6 =	vmax.f32 v6, $0.0e+00  }
0xa0: {  	v6 =	vmin.f32 v6, $6.553500000e+04  }
0xa1: {  	v7 =	vmax.f32 v7, $0.0e+00;
	v6 =	vtrunc.f32 v6;
	[tilespmem:v4+s23+$0x0] =	vst.idx.add.f32.msk $0xffff, v1  }
0xa2: {  	v60 =	vmin.f32 v7, $6.553500000e+04;
	v4 =	vcvt.f32.s32 v6;
	[tilespmem:v5+s23+$0x0] =	vst.idx.add.f32.msk $0xffff, v1  }
0xa3: {  	v6 =	vtrunc.f32 v60;
	v61 =	vld [tilespmem:s24+$0x10090]  }
0xa4: {  	v6 =	vcvt.f32.s32 v6;
	v5 =	vld [tilespmem:s24+$0x100D0];
	_ =	sdelay $0x3  }
0xa5: {  	v7 =	vsub.f32 v61, v2;
	[tilespmem:v4+s23+$0x0] =	vst.idx.add.f32.msk $0xffff, v1  }
0xa6: {  	v5 =	vsub.f32 v5, v2;
	v4 =	vld [tilespmem:s24+$0x10490]  }
0xa7: {  	[tilespmem:v6+s23+$0x0] =	vst.idx.add.f32.msk $0xffff, v1;
	v7 =	vmul.f32 v7, v3  }
0xa8: {  	v6 =	vld [tilespmem:s24+$0x104D0];
	v5 =	vmul.f32 v5, v3  }
0xa9: {  	v7 =	vmax.f32 v7, $0.0e+00  }
0xaa: {  	v5 =	vmax.f32 v5, $0.0e+00;
	v7 =	vmin.f32 v7, $6.553500000e+04  }
0xab: {  	v5 =	vmin.f32 v5, $6.553500000e+04;
	v7 =	vtrunc.f32 v7;
	v4 =	vsub.f32 v4, v2  }
0xac: {  	v5 =	vtrunc.f32 v5;
	v7 =	vcvt.f32.s32 v7  }
0xad: {  	v6 =	vsub.f32 v6, v2;
	v5 =	vcvt.f32.s32 v5;
	v4 =	vmul.f32 v4, v3;
	_ =	sdelay $0x1  }
0xae: {  	v6 =	vmul.f32 v6, v3;
	v4 =	vmax.f32 v4, $0.0e+00  }
0xaf: {  	v4 =	vmin.f32 v4, $6.553500000e+04  }
0xb0: {  	v6 =	vmax.f32 v6, $0.0e+00;
	v4 =	vtrunc.f32 v4  }
0xb1: {  	v6 =	vmin.f32 v6, $6.553500000e+04;
	v4 =	vcvt.f32.s32 v4;
	[tilespmem:v7+s23+$0x0] =	vst.idx.add.f32.msk $0xffff, v1  }
0xb2: {  	v6 =	vtrunc.f32 v6;
	[tilespmem:v5+s23+$0x0] =	vst.idx.add.f32.msk $0xffff, v1  }
0xb3: {  	v7 =	vld [tilespmem:s24+$0x100A0];
	v6 =	vcvt.f32.s32 v6  }
0xb4: {  	v5 =	vld [tilespmem:s24+$0x100E0];
	_ =	sdelay $0x2  }
0xb5: {  	[tilespmem:v4+s23+$0x0] =	vst.idx.add.f32.msk $0xffff, v1  }
0xb6: {  	v62 =	vld [tilespmem:s24+$0x104A0]  }
0xb7: {  	v4 =	vsub.f32 v7, v2;
	v5 =	vsub.f32 v5, v2;
	[tilespmem:v6+s23+$0x0] =	vst.idx.add.f32.msk $0xffff, v1  }
0xb8: {  	v6 =	vld [tilespmem:s24+$0x104E0]  }
0xb9: {  	v4 =	vmul.f32 v4, v3;
	v5 =	vmul.f32 v5, v3;
	_ =	sdelay $0x1  }
0xba: {  	v4 =	vmax.f32 v4, $0.0e+00;
	v5 =	vmax.f32 v5, $0.0e+00;
	v7 =	vsub.f32 v62, v2  }
0xbb: {  	v4 =	vmin.f32 v4, $6.553500000e+04;
	v5 =	vmin.f32 v5, $6.553500000e+04  }
0xbc: {  	v4 =	vtrunc.f32 v4;
	v6 =	vsub.f32 v6, v2;
	v7 =	vmul.f32 v7, v3  }
0xbd: {  	v5 =	vtrunc.f32 v5;
	v4 =	vcvt.f32.s32 v4  }
0xbe: {  	v5 =	vcvt.f32.s32 v5;
	v6 =	vmul.f32 v6, v3;
	v7 =	vmax.f32 v7, $0.0e+00  }
0xbf: {  	v7 =	vmin.f32 v7, $6.553500000e+04  }
0xc0: {  	v6 =	vmax.f32 v6, $0.0e+00;
	v7 =	vtrunc.f32 v7  }
0xc1: {  	v6 =	vmin.f32 v6, $6.553500000e+04;
	v7 =	vcvt.f32.s32 v7  }
0xc2: {  	v6 =	vtrunc.f32 v6  }
0xc3: {  	[tilespmem:v4+s23+$0x0] =	vst.idx.add.f32.msk $0xffff, v1;
	v4 =	vcvt.f32.s32 v6  }
0xc4: {  	[tilespmem:v5+s23+$0x0] =	vst.idx.add.f32.msk $0xffff, v1  }
0xc5: {  	v63 =	vld [tilespmem:s24+$0x100B0]  }
0xc6: {  	v5 =	vld [tilespmem:s24+$0x100F0]  }
0xc7: {  	[tilespmem:v7+s23+$0x0] =	vst.idx.add.f32.msk $0xffff, v1  }
0xc8: {  	v7 =	vld [tilespmem:s24+$0x104B0]  }
0xc9: {  	[tilespmem:v4+s23+$0x0] =	vst.idx.add.f32.msk $0xffff, v1  }
0xca: {  	v4 =	vld [tilespmem:s24+$0x104F0];
	_ =	sdelay $0x1  }
0xcb: {  	v6 =	vsub.f32 v63, v2;
	v5 =	vsub.f32 v5, v2;
	_ =	sdelay $0x1  }
0xcc: {  	v6 =	vmul.f32 v6, v3;
	v5 =	vmul.f32 v5, v3;
	v7 =	vsub.f32 v7, v2  }
0xcd: {  	v4 =	vsub.f32 v4, v2  }
0xce: {  	v6 =	vmax.f32 v6, $0.0e+00;
	v5 =	vmax.f32 v5, $0.0e+00;
	v7 =	vmul.f32 v7, v3  }
0xcf: {  	v6 =	vmin.f32 v6, $6.553500000e+04;
	v5 =	vmin.f32 v5, $6.553500000e+04;
	v4 =	vmul.f32 v4, v3  }
0xd0: {  	v6 =	vtrunc.f32 v6;
	v5 =	vtrunc.f32 v5;
	v7 =	vmax.f32 v7, $0.0e+00  }
0xd1: {  	v6 =	vcvt.f32.s32 v6;
	v7 =	vmin.f32 v7, $6.553500000e+04;
	v4 =	vmax.f32 v4, $0.0e+00  }
0xd2: {  	v5 =	vcvt.f32.s32 v5;
	v7 =	vtrunc.f32 v7;
	v4 =	vmin.f32 v4, $6.553500000e+04  }
0xd3: {  	v7 =	vcvt.f32.s32 v7;
	v4 =	vtrunc.f32 v4  }
0xd4: {  	v4 =	vcvt.f32.s32 v4  }
0xd5: {  	p2 =	por p1, p1  }
.Ltmp4:
0xd6: {  	_ = 	snop;
	(pc) =	sbr.rel @p2 .LBB2_7-.Ltmp4, $4  }
0xd7: {  	[tilespmem:v6+s23+$0x0] =	vst.idx.add.f32.msk $0xffff, v1  }
0xd8: {  	[tilespmem:v5+s23+$0x0] =	vst.idx.add.f32.msk $0xffff, v1  }
0xd9: {  	[tilespmem:v7+s23+$0x0] =	vst.idx.add.f32.msk $0xffff, v1  }
0xda: {  	p0 =	por $0x1, $0x1;
	p1 =	por $0x0, $0x0;
	s24 =	simm.s32 $0x2000;
	[tilespmem:v4+s23+$0x0] =	vst.idx.add.f32.msk $0xffff, v1  }
0xdb: {  	p1 =	por $0x1, $0x1  }
.LBB2_9:
0xdc: {  	s23 =	sshra.s32 s23, $0x2  }
0xdd: {  	v4 =	vld [tilespmem:s23+$0x10100]  }
0xde: {  	v5 =	vld [tilespmem:s23+$0x10140];
	_ =	sdelay $0x3  }
0xdf: {  	v4 =	vsub.f32 v4, v2  }
0xe0: {  	v5 =	vsub.f32 v5, v2  }
0xe1: {  	v6 =	vld [tilespmem:s23+$0x10500];
	v4 =	vmul.f32 v4, v3  }
0xe2: {  	v5 =	vmul.f32 v5, v3  }
0xe3: {  	v7 =	vld [tilespmem:s23+$0x10540];
	v4 =	vmax.f32 v4, $0.0e+00  }
0xe4: {  	v5 =	vmax.f32 v5, $0.0e+00;
	v4 =	vmin.f32 v4, $6.553500000e+04  }
0xe5: {  	v5 =	vmin.f32 v5, $6.553500000e+04;
	v4 =	vtrunc.f32 v4  }
0xe6: {  	v6 =	vsub.f32 v6, v2;
	v5 =	vtrunc.f32 v5;
	v4 =	vcvt.f32.s32 v4  }
0xe7: {  	v5 =	vcvt.f32.s32 v5  }
0xe8: {  	v7 =	vsub.f32 v7, v2;
	v6 =	vmul.f32 v6, v3;
	_ =	sdelay $0x1  }
0xe9: {  	v7 =	vmul.f32 v7, v3;
	v6 =	vmax.f32 v6, $0.0e+00  }
0xea: {  	s24 =	simm.s32 $0x0;
	v6 =	vmin.f32 v6, $6.553500000e+04  }
0xeb: {  	v7 =	vmax.f32 v7, $0.0e+00;
	v6 =	vtrunc.f32 v6;
	[tilespmem:v4+s24+$0x0] =	vst.idx.add.f32.msk $0xffff, v1  }
0xec: {  	v60 =	vmin.f32 v7, $6.553500000e+04;
	v4 =	vcvt.f32.s32 v6;
	[tilespmem:v5+s24+$0x0] =	vst.idx.add.f32.msk $0xffff, v1  }
0xed: {  	v6 =	vtrunc.f32 v60;
	v61 =	vld [tilespmem:s23+$0x10110]  }
0xee: {  	v6 =	vcvt.f32.s32 v6;
	v5 =	vld [tilespmem:s23+$0x10150];
	_ =	sdelay $0x3  }
0xef: {  	v7 =	vsub.f32 v61, v2;
	[tilespmem:v4+s24+$0x0] =	vst.idx.add.f32.msk $0xffff, v1  }
0xf0: {  	v5 =	vsub.f32 v5, v2;
	v4 =	vld [tilespmem:s23+$0x10510]  }
0xf1: {  	[tilespmem:v6+s24+$0x0] =	vst.idx.add.f32.msk $0xffff, v1;
	v7 =	vmul.f32 v7, v3  }
0xf2: {  	v6 =	vld [tilespmem:s23+$0x10550];
	v5 =	vmul.f32 v5, v3  }
0xf3: {  	v7 =	vmax.f32 v7, $0.0e+00  }
0xf4: {  	v5 =	vmax.f32 v5, $0.0e+00;
	v7 =	vmin.f32 v7, $6.553500000e+04  }
0xf5: {  	v5 =	vmin.f32 v5, $6.553500000e+04;
	v7 =	vtrunc.f32 v7;
	v4 =	vsub.f32 v4, v2  }
0xf6: {  	v5 =	vtrunc.f32 v5;
	v7 =	vcvt.f32.s32 v7  }
0xf7: {  	v6 =	vsub.f32 v6, v2;
	v5 =	vcvt.f32.s32 v5;
	v4 =	vmul.f32 v4, v3;
	_ =	sdelay $0x1  }
0xf8: {  	v6 =	vmul.f32 v6, v3;
	v4 =	vmax.f32 v4, $0.0e+00  }
0xf9: {  	v4 =	vmin.f32 v4, $6.553500000e+04  }
0xfa: {  	v6 =	vmax.f32 v6, $0.0e+00;
	v4 =	vtrunc.f32 v4  }
0xfb: {  	v6 =	vmin.f32 v6, $6.553500000e+04;
	v4 =	vcvt.f32.s32 v4;
	[tilespmem:v7+s24+$0x0] =	vst.idx.add.f32.msk $0xffff, v1  }
0xfc: {  	v6 =	vtrunc.f32 v6;
	[tilespmem:v5+s24+$0x0] =	vst.idx.add.f32.msk $0xffff, v1  }
0xfd: {  	v7 =	vld [tilespmem:s23+$0x10120];
	v6 =	vcvt.f32.s32 v6  }
0xfe: {  	v5 =	vld [tilespmem:s23+$0x10160];
	_ =	sdelay $0x2  }
0xff: {  	[tilespmem:v4+s24+$0x0] =	vst.idx.add.f32.msk $0xffff, v1  }
0x100: {  	v62 =	vld [tilespmem:s23+$0x10520]  }
0x101: {  	v4 =	vsub.f32 v7, v2;
	v5 =	vsub.f32 v5, v2;
	[tilespmem:v6+s24+$0x0] =	vst.idx.add.f32.msk $0xffff, v1  }
0x102: {  	v6 =	vld [tilespmem:s23+$0x10560]  }
0x103: {  	v4 =	vmul.f32 v4, v3;
	v5 =	vmul.f32 v5, v3;
	_ =	sdelay $0x1  }
0x104: {  	v4 =	vmax.f32 v4, $0.0e+00;
	v5 =	vmax.f32 v5, $0.0e+00;
	v7 =	vsub.f32 v62, v2  }
0x105: {  	v4 =	vmin.f32 v4, $6.553500000e+04;
	v5 =	vmin.f32 v5, $6.553500000e+04  }
0x106: {  	v4 =	vtrunc.f32 v4;
	v6 =	vsub.f32 v6, v2;
	v7 =	vmul.f32 v7, v3  }
0x107: {  	v5 =	vtrunc.f32 v5;
	v4 =	vcvt.f32.s32 v4  }
0x108: {  	v5 =	vcvt.f32.s32 v5;
	v6 =	vmul.f32 v6, v3;
	v7 =	vmax.f32 v7, $0.0e+00  }
0x109: {  	v7 =	vmin.f32 v7, $6.553500000e+04  }
0x10a: {  	v6 =	vmax.f32 v6, $0.0e+00;
	v7 =	vtrunc.f32 v7  }
0x10b: {  	v6 =	vmin.f32 v6, $6.553500000e+04;
	v7 =	vcvt.f32.s32 v7  }
0x10c: {  	v6 =	vtrunc.f32 v6  }
0x10d: {  	[tilespmem:v4+s24+$0x0] =	vst.idx.add.f32.msk $0xffff, v1;
	v4 =	vcvt.f32.s32 v6  }
0x10e: {  	[tilespmem:v5+s24+$0x0] =	vst.idx.add.f32.msk $0xffff, v1  }
0x10f: {  	v63 =	vld [tilespmem:s23+$0x10130]  }
0x110: {  	v5 =	vld [tilespmem:s23+$0x10170]  }
0x111: {  	[tilespmem:v7+s24+$0x0] =	vst.idx.add.f32.msk $0xffff, v1  }
0x112: {  	v7 =	vld [tilespmem:s23+$0x10530]  }
0x113: {  	[tilespmem:v4+s24+$0x0] =	vst.idx.add.f32.msk $0xffff, v1  }
0x114: {  	v4 =	vld [tilespmem:s23+$0x10570];
	_ =	sdelay $0x1  }
0x115: {  	v6 =	vsub.f32 v63, v2;
	v5 =	vsub.f32 v5, v2;
	_ =	sdelay $0x1  }
0x116: {  	v6 =	vmul.f32 v6, v3;
	v5 =	vmul.f32 v5, v3;
	v7 =	vsub.f32 v7, v2  }
0x117: {  	v4 =	vsub.f32 v4, v2  }
0x118: {  	v6 =	vmax.f32 v6, $0.0e+00;
	v5 =	vmax.f32 v5, $0.0e+00;
	v7 =	vmul.f32 v7, v3  }
0x119: {  	v6 =	vmin.f32 v6, $6.553500000e+04;
	v5 =	vmin.f32 v5, $6.553500000e+04;
	v4 =	vmul.f32 v4, v3  }
0x11a: {  	v6 =	vtrunc.f32 v6;
	v5 =	vtrunc.f32 v5;
	v7 =	vmax.f32 v7, $0.0e+00  }
0x11b: {  	v6 =	vcvt.f32.s32 v6;
	v7 =	vmin.f32 v7, $6.553500000e+04;
	v4 =	vmax.f32 v4, $0.0e+00  }
0x11c: {  	v5 =	vcvt.f32.s32 v5;
	v7 =	vtrunc.f32 v7;
	v4 =	vmin.f32 v4, $6.553500000e+04  }
0x11d: {  	v7 =	vcvt.f32.s32 v7;
	v4 =	vtrunc.f32 v4  }
0x11e: {  	v4 =	vcvt.f32.s32 v4  }
0x11f: {  	p2 =	por p1, p1  }
.Ltmp5:
0x120: {  	_ = 	snop;
	(pc) =	sbr.rel @p2 .LBB2_9-.Ltmp5, $4  }
0x121: {  	[tilespmem:v6+s24+$0x0] =	vst.idx.add.f32.msk $0xffff, v1  }
0x122: {  	[tilespmem:v5+s24+$0x0] =	vst.idx.add.f32.msk $0xffff, v1  }
0x123: {  	[tilespmem:v7+s24+$0x0] =	vst.idx.add.f32.msk $0xffff, v1  }
0x124: {  	p1 =	por $0x0, $0x0;
	s23 =	simm.s32 $0x2000;
	[tilespmem:v4+s24+$0x0] =	vst.idx.add.f32.msk $0xffff, v1  }
0x125: {  	s23 =	simm.s32 $0x0  }
.LBB2_11:
0x126: {  	s23 =	sshra.s32 s23, $0x2  }
0x127: {  	v4 =	vld [tilespmem:s23+$0x10180]  }
0x128: {  	v5 =	vld [tilespmem:s23+$0x101C0];
	_ =	sdelay $0x3  }
0x129: {  	v4 =	vsub.f32 v4, v2  }
0x12a: {  	v5 =	vsub.f32 v5, v2  }
0x12b: {  	v6 =	vld [tilespmem:s23+$0x10580];
	v4 =	vmul.f32 v4, v3  }
0x12c: {  	v5 =	vmul.f32 v5, v3  }
0x12d: {  	v7 =	vld [tilespmem:s23+$0x105C0];
	v4 =	vmax.f32 v4, $0.0e+00  }
0x12e: {  	v5 =	vmax.f32 v5, $0.0e+00;
	v4 =	vmin.f32 v4, $6.553500000e+04  }
0x12f: {  	v5 =	vmin.f32 v5, $6.553500000e+04;
	v4 =	vtrunc.f32 v4  }
0x130: {  	v6 =	vsub.f32 v6, v2;
	v5 =	vtrunc.f32 v5;
	v4 =	vcvt.f32.s32 v4  }
0x131: {  	v5 =	vcvt.f32.s32 v5  }
0x132: {  	v7 =	vsub.f32 v7, v2;
	v6 =	vmul.f32 v6, v3;
	_ =	sdelay $0x1  }
0x133: {  	v7 =	vmul.f32 v7, v3;
	v6 =	vmax.f32 v6, $0.0e+00  }
0x134: {  	v6 =	vmin.f32 v6, $6.553500000e+04  }
0x135: {  	v7 =	vmax.f32 v7, $0.0e+00;
	v6 =	vtrunc.f32 v6;
	[tilespmem:v4+s24+$0x0] =	vst.idx.add.f32.msk $0xffff, v1  }
0x136: {  	v60 =	vmin.f32 v7, $6.553500000e+04;
	v4 =	vcvt.f32.s32 v6;
	[tilespmem:v5+s24+$0x0] =	vst.idx.add.f32.msk $0xffff, v1  }
0x137: {  	v6 =	vtrunc.f32 v60;
	v61 =	vld [tilespmem:s23+$0x10190]  }
0x138: {  	v6 =	vcvt.f32.s32 v6;
	v5 =	vld [tilespmem:s23+$0x101D0];
	_ =	sdelay $0x3  }
0x139: {  	v7 =	vsub.f32 v61, v2;
	[tilespmem:v4+s24+$0x0] =	vst.idx.add.f32.msk $0xffff, v1  }
0x13a: {  	v5 =	vsub.f32 v5, v2;
	v4 =	vld [tilespmem:s23+$0x10590]  }
0x13b: {  	[tilespmem:v6+s24+$0x0] =	vst.idx.add.f32.msk $0xffff, v1;
	v7 =	vmul.f32 v7, v3  }
0x13c: {  	v6 =	vld [tilespmem:s23+$0x105D0];
	v5 =	vmul.f32 v5, v3  }
0x13d: {  	v7 =	vmax.f32 v7, $0.0e+00  }
0x13e: {  	v5 =	vmax.f32 v5, $0.0e+00;
	v7 =	vmin.f32 v7, $6.553500000e+04  }
0x13f: {  	v5 =	vmin.f32 v5, $6.553500000e+04;
	v7 =	vtrunc.f32 v7;
	v4 =	vsub.f32 v4, v2  }
0x140: {  	v5 =	vtrunc.f32 v5;
	v7 =	vcvt.f32.s32 v7  }
0x141: {  	v6 =	vsub.f32 v6, v2;
	v5 =	vcvt.f32.s32 v5;
	v4 =	vmul.f32 v4, v3;
	_ =	sdelay $0x1  }
0x142: {  	v6 =	vmul.f32 v6, v3;
	v4 =	vmax.f32 v4, $0.0e+00  }
0x143: {  	v4 =	vmin.f32 v4, $6.553500000e+04  }
0x144: {  	v6 =	vmax.f32 v6, $0.0e+00;
	v4 =	vtrunc.f32 v4  }
0x145: {  	v6 =	vmin.f32 v6, $6.553500000e+04;
	v4 =	vcvt.f32.s32 v4;
	[tilespmem:v7+s24+$0x0] =	vst.idx.add.f32.msk $0xffff, v1  }
0x146: {  	v6 =	vtrunc.f32 v6;
	[tilespmem:v5+s24+$0x0] =	vst.idx.add.f32.msk $0xffff, v1  }
0x147: {  	v7 =	vld [tilespmem:s23+$0x101A0];
	v6 =	vcvt.f32.s32 v6  }
0x148: {  	v5 =	vld [tilespmem:s23+$0x101E0];
	_ =	sdelay $0x2  }
0x149: {  	[tilespmem:v4+s24+$0x0] =	vst.idx.add.f32.msk $0xffff, v1  }
0x14a: {  	v62 =	vld [tilespmem:s23+$0x105A0]  }
0x14b: {  	v4 =	vsub.f32 v7, v2;
	v5 =	vsub.f32 v5, v2;
	[tilespmem:v6+s24+$0x0] =	vst.idx.add.f32.msk $0xffff, v1  }
0x14c: {  	v6 =	vld [tilespmem:s23+$0x105E0]  }
0x14d: {  	v4 =	vmul.f32 v4, v3;
	v5 =	vmul.f32 v5, v3;
	_ =	sdelay $0x1  }
0x14e: {  	v4 =	vmax.f32 v4, $0.0e+00;
	v5 =	vmax.f32 v5, $0.0e+00;
	v7 =	vsub.f32 v62, v2  }
0x14f: {  	v4 =	vmin.f32 v4, $6.553500000e+04;
	v5 =	vmin.f32 v5, $6.553500000e+04  }
0x150: {  	v4 =	vtrunc.f32 v4;
	v6 =	vsub.f32 v6, v2;
	v7 =	vmul.f32 v7, v3  }
0x151: {  	v5 =	vtrunc.f32 v5;
	v4 =	vcvt.f32.s32 v4  }
0x152: {  	v5 =	vcvt.f32.s32 v5;
	v6 =	vmul.f32 v6, v3;
	v7 =	vmax.f32 v7, $0.0e+00  }
0x153: {  	v7 =	vmin.f32 v7, $6.553500000e+04  }
0x154: {  	v6 =	vmax.f32 v6, $0.0e+00;
	v7 =	vtrunc.f32 v7  }
0x155: {  	v6 =	vmin.f32 v6, $6.553500000e+04;
	v7 =	vcvt.f32.s32 v7  }
0x156: {  	v6 =	vtrunc.f32 v6  }
0x157: {  	[tilespmem:v4+s24+$0x0] =	vst.idx.add.f32.msk $0xffff, v1;
	v4 =	vcvt.f32.s32 v6  }
0x158: {  	[tilespmem:v5+s24+$0x0] =	vst.idx.add.f32.msk $0xffff, v1  }
0x159: {  	v63 =	vld [tilespmem:s23+$0x101B0]  }
0x15a: {  	v5 =	vld [tilespmem:s23+$0x101F0]  }
0x15b: {  	[tilespmem:v7+s24+$0x0] =	vst.idx.add.f32.msk $0xffff, v1  }
0x15c: {  	v7 =	vld [tilespmem:s23+$0x105B0]  }
0x15d: {  	[tilespmem:v4+s24+$0x0] =	vst.idx.add.f32.msk $0xffff, v1  }
0x15e: {  	v4 =	vld [tilespmem:s23+$0x105F0];
	_ =	sdelay $0x1  }
0x15f: {  	v6 =	vsub.f32 v63, v2;
	v5 =	vsub.f32 v5, v2;
	_ =	sdelay $0x1  }
0x160: {  	v6 =	vmul.f32 v6, v3;
	v5 =	vmul.f32 v5, v3;
	v7 =	vsub.f32 v7, v2  }
0x161: {  	v4 =	vsub.f32 v4, v2  }
0x162: {  	v6 =	vmax.f32 v6, $0.0e+00;
	v5 =	vmax.f32 v5, $0.0e+00;
	v7 =	vmul.f32 v7, v3  }
0x163: {  	v6 =	vmin.f32 v6, $6.553500000e+04;
	v5 =	vmin.f32 v5, $6.553500000e+04;
	v4 =	vmul.f32 v4, v3  }
0x164: {  	v6 =	vtrunc.f32 v6;
	v5 =	vtrunc.f32 v5;
	v7 =	vmax.f32 v7, $0.0e+00  }
0x165: {  	v6 =	vcvt.f32.s32 v6;
	v7 =	vmin.f32 v7, $6.553500000e+04;
	v4 =	vmax.f32 v4, $0.0e+00  }
0x166: {  	v5 =	vcvt.f32.s32 v5;
	v7 =	vtrunc.f32 v7;
	v4 =	vmin.f32 v4, $6.553500000e+04  }
0x167: {  	v7 =	vcvt.f32.s32 v7;
	v4 =	vtrunc.f32 v4  }
0x168: {  	v4 =	vcvt.f32.s32 v4  }
0x169: {  	p2 =	por p0, p0  }
.Ltmp6:
0x16a: {  	_ = 	snop;
	(pc) =	sbr.rel @p2 .LBB2_11-.Ltmp6, $4  }
0x16b: {  	[tilespmem:v6+s24+$0x0] =	vst.idx.add.f32.msk $0xffff, v1  }
0x16c: {  	[tilespmem:v5+s24+$0x0] =	vst.idx.add.f32.msk $0xffff, v1  }
0x16d: {  	[tilespmem:v7+s24+$0x0] =	vst.idx.add.f32.msk $0xffff, v1  }
0x16e: {  	p1 =	por $0x1, $0x1;
	p0 =	por $0x0, $0x0;
	s23 =	simm.s32 $0x2000;
	[tilespmem:v4+s24+$0x0] =	vst.idx.add.f32.msk $0xffff, v1  }
0x16f: {  	p0 =	por $0x1, $0x1  }
.LBB2_13:
0x170: {  	s24 =	sshra.s32 s24, $0x2  }
0x171: {  	v4 =	vld [tilespmem:s24+$0x10200]  }
0x172: {  	v5 =	vld [tilespmem:s24+$0x10240];
	_ =	sdelay $0x3  }
0x173: {  	v4 =	vsub.f32 v4, v2  }
0x174: {  	v5 =	vsub.f32 v5, v2  }
0x175: {  	v6 =	vld [tilespmem:s24+$0x10600];
	v4 =	vmul.f32 v4, v3  }
0x176: {  	v5 =	vmul.f32 v5, v3  }
0x177: {  	v7 =	vld [tilespmem:s24+$0x10640];
	v4 =	vmax.f32 v4, $0.0e+00  }
0x178: {  	v5 =	vmax.f32 v5, $0.0e+00;
	v4 =	vmin.f32 v4, $6.553500000e+04  }
0x179: {  	v5 =	vmin.f32 v5, $6.553500000e+04;
	v4 =	vtrunc.f32 v4  }
0x17a: {  	v6 =	vsub.f32 v6, v2;
	v5 =	vtrunc.f32 v5;
	v4 =	vcvt.f32.s32 v4  }
0x17b: {  	v5 =	vcvt.f32.s32 v5  }
0x17c: {  	v7 =	vsub.f32 v7, v2;
	v6 =	vmul.f32 v6, v3;
	_ =	sdelay $0x1  }
0x17d: {  	v7 =	vmul.f32 v7, v3;
	v6 =	vmax.f32 v6, $0.0e+00  }
0x17e: {  	s23 =	simm.s32 $0x0;
	v6 =	vmin.f32 v6, $6.553500000e+04  }
0x17f: {  	v7 =	vmax.f32 v7, $0.0e+00;
	v6 =	vtrunc.f32 v6;
	[tilespmem:v4+s23+$0x0] =	vst.idx.add.f32.msk $0xffff, v1  }
0x180: {  	v60 =	vmin.f32 v7, $6.553500000e+04;
	v4 =	vcvt.f32.s32 v6;
	[tilespmem:v5+s23+$0x0] =	vst.idx.add.f32.msk $0xffff, v1  }
0x181: {  	v6 =	vtrunc.f32 v60;
	v61 =	vld [tilespmem:s24+$0x10210]  }
0x182: {  	v6 =	vcvt.f32.s32 v6;
	v5 =	vld [tilespmem:s24+$0x10250];
	_ =	sdelay $0x3  }
0x183: {  	v7 =	vsub.f32 v61, v2;
	[tilespmem:v4+s23+$0x0] =	vst.idx.add.f32.msk $0xffff, v1  }
0x184: {  	v5 =	vsub.f32 v5, v2;
	v4 =	vld [tilespmem:s24+$0x10610]  }
0x185: {  	[tilespmem:v6+s23+$0x0] =	vst.idx.add.f32.msk $0xffff, v1;
	v7 =	vmul.f32 v7, v3  }
0x186: {  	v6 =	vld [tilespmem:s24+$0x10650];
	v5 =	vmul.f32 v5, v3  }
0x187: {  	v7 =	vmax.f32 v7, $0.0e+00  }
0x188: {  	v5 =	vmax.f32 v5, $0.0e+00;
	v7 =	vmin.f32 v7, $6.553500000e+04  }
0x189: {  	v5 =	vmin.f32 v5, $6.553500000e+04;
	v7 =	vtrunc.f32 v7;
	v4 =	vsub.f32 v4, v2  }
0x18a: {  	v5 =	vtrunc.f32 v5;
	v7 =	vcvt.f32.s32 v7  }
0x18b: {  	v6 =	vsub.f32 v6, v2;
	v5 =	vcvt.f32.s32 v5;
	v4 =	vmul.f32 v4, v3;
	_ =	sdelay $0x1  }
0x18c: {  	v6 =	vmul.f32 v6, v3;
	v4 =	vmax.f32 v4, $0.0e+00  }
0x18d: {  	v4 =	vmin.f32 v4, $6.553500000e+04  }
0x18e: {  	v6 =	vmax.f32 v6, $0.0e+00;
	v4 =	vtrunc.f32 v4  }
0x18f: {  	v6 =	vmin.f32 v6, $6.553500000e+04;
	v4 =	vcvt.f32.s32 v4;
	[tilespmem:v7+s23+$0x0] =	vst.idx.add.f32.msk $0xffff, v1  }
0x190: {  	v6 =	vtrunc.f32 v6;
	[tilespmem:v5+s23+$0x0] =	vst.idx.add.f32.msk $0xffff, v1  }
0x191: {  	v7 =	vld [tilespmem:s24+$0x10220];
	v6 =	vcvt.f32.s32 v6  }
0x192: {  	v5 =	vld [tilespmem:s24+$0x10260];
	_ =	sdelay $0x2  }
0x193: {  	[tilespmem:v4+s23+$0x0] =	vst.idx.add.f32.msk $0xffff, v1  }
0x194: {  	v62 =	vld [tilespmem:s24+$0x10620]  }
0x195: {  	v4 =	vsub.f32 v7, v2;
	v5 =	vsub.f32 v5, v2;
	[tilespmem:v6+s23+$0x0] =	vst.idx.add.f32.msk $0xffff, v1  }
0x196: {  	v6 =	vld [tilespmem:s24+$0x10660]  }
0x197: {  	v4 =	vmul.f32 v4, v3;
	v5 =	vmul.f32 v5, v3;
	_ =	sdelay $0x1  }
0x198: {  	v4 =	vmax.f32 v4, $0.0e+00;
	v5 =	vmax.f32 v5, $0.0e+00;
	v7 =	vsub.f32 v62, v2  }
0x199: {  	v4 =	vmin.f32 v4, $6.553500000e+04;
	v5 =	vmin.f32 v5, $6.553500000e+04  }
0x19a: {  	v4 =	vtrunc.f32 v4;
	v6 =	vsub.f32 v6, v2;
	v7 =	vmul.f32 v7, v3  }
0x19b: {  	v5 =	vtrunc.f32 v5;
	v4 =	vcvt.f32.s32 v4  }
0x19c: {  	v5 =	vcvt.f32.s32 v5;
	v6 =	vmul.f32 v6, v3;
	v7 =	vmax.f32 v7, $0.0e+00  }
0x19d: {  	v7 =	vmin.f32 v7, $6.553500000e+04  }
0x19e: {  	v6 =	vmax.f32 v6, $0.0e+00;
	v7 =	vtrunc.f32 v7  }
0x19f: {  	v6 =	vmin.f32 v6, $6.553500000e+04;
	v7 =	vcvt.f32.s32 v7  }
0x1a0: {  	v6 =	vtrunc.f32 v6  }
0x1a1: {  	[tilespmem:v4+s23+$0x0] =	vst.idx.add.f32.msk $0xffff, v1;
	v4 =	vcvt.f32.s32 v6  }
0x1a2: {  	[tilespmem:v5+s23+$0x0] =	vst.idx.add.f32.msk $0xffff, v1  }
0x1a3: {  	v63 =	vld [tilespmem:s24+$0x10230]  }
0x1a4: {  	v5 =	vld [tilespmem:s24+$0x10270]  }
0x1a5: {  	[tilespmem:v7+s23+$0x0] =	vst.idx.add.f32.msk $0xffff, v1  }
0x1a6: {  	v7 =	vld [tilespmem:s24+$0x10630]  }
0x1a7: {  	[tilespmem:v4+s23+$0x0] =	vst.idx.add.f32.msk $0xffff, v1  }
0x1a8: {  	v4 =	vld [tilespmem:s24+$0x10670];
	_ =	sdelay $0x1  }
0x1a9: {  	v6 =	vsub.f32 v63, v2;
	v5 =	vsub.f32 v5, v2;
	_ =	sdelay $0x1  }
0x1aa: {  	v6 =	vmul.f32 v6, v3;
	v5 =	vmul.f32 v5, v3;
	v7 =	vsub.f32 v7, v2  }
0x1ab: {  	v4 =	vsub.f32 v4, v2  }
0x1ac: {  	v6 =	vmax.f32 v6, $0.0e+00;
	v5 =	vmax.f32 v5, $0.0e+00;
	v7 =	vmul.f32 v7, v3  }
0x1ad: {  	v6 =	vmin.f32 v6, $6.553500000e+04;
	v5 =	vmin.f32 v5, $6.553500000e+04;
	v4 =	vmul.f32 v4, v3  }
0x1ae: {  	v6 =	vtrunc.f32 v6;
	v5 =	vtrunc.f32 v5;
	v7 =	vmax.f32 v7, $0.0e+00  }
0x1af: {  	v6 =	vcvt.f32.s32 v6;
	v7 =	vmin.f32 v7, $6.553500000e+04;
	v4 =	vmax.f32 v4, $0.0e+00  }
0x1b0: {  	v5 =	vcvt.f32.s32 v5;
	v7 =	vtrunc.f32 v7;
	v4 =	vmin.f32 v4, $6.553500000e+04  }
0x1b1: {  	v7 =	vcvt.f32.s32 v7;
	v4 =	vtrunc.f32 v4  }
0x1b2: {  	v4 =	vcvt.f32.s32 v4  }
0x1b3: {  	p2 =	por p0, p0  }
.Ltmp7:
0x1b4: {  	_ = 	snop;
	(pc) =	sbr.rel @p2 .LBB2_13-.Ltmp7, $4  }
0x1b5: {  	[tilespmem:v6+s23+$0x0] =	vst.idx.add.f32.msk $0xffff, v1  }
0x1b6: {  	[tilespmem:v5+s23+$0x0] =	vst.idx.add.f32.msk $0xffff, v1  }
0x1b7: {  	[tilespmem:v7+s23+$0x0] =	vst.idx.add.f32.msk $0xffff, v1  }
0x1b8: {  	p0 =	por $0x0, $0x0;
	s24 =	simm.s32 $0x2000;
	[tilespmem:v4+s23+$0x0] =	vst.idx.add.f32.msk $0xffff, v1  }
0x1b9: {  	s24 =	simm.s32 $0x0  }
.LBB2_15:
0x1ba: {  	s24 =	sshra.s32 s24, $0x2  }
0x1bb: {  	v4 =	vld [tilespmem:s24+$0x10280]  }
0x1bc: {  	v5 =	vld [tilespmem:s24+$0x102C0];
	_ =	sdelay $0x3  }
0x1bd: {  	v4 =	vsub.f32 v4, v2  }
0x1be: {  	v5 =	vsub.f32 v5, v2  }
0x1bf: {  	v6 =	vld [tilespmem:s24+$0x10680];
	v4 =	vmul.f32 v4, v3  }
0x1c0: {  	v5 =	vmul.f32 v5, v3  }
0x1c1: {  	v7 =	vld [tilespmem:s24+$0x106C0];
	v4 =	vmax.f32 v4, $0.0e+00  }
0x1c2: {  	v5 =	vmax.f32 v5, $0.0e+00;
	v4 =	vmin.f32 v4, $6.553500000e+04  }
0x1c3: {  	v5 =	vmin.f32 v5, $6.553500000e+04;
	v4 =	vtrunc.f32 v4  }
0x1c4: {  	v6 =	vsub.f32 v6, v2;
	v5 =	vtrunc.f32 v5;
	v4 =	vcvt.f32.s32 v4  }
0x1c5: {  	v5 =	vcvt.f32.s32 v5  }
0x1c6: {  	v7 =	vsub.f32 v7, v2;
	v6 =	vmul.f32 v6, v3;
	_ =	sdelay $0x1  }
0x1c7: {  	v7 =	vmul.f32 v7, v3;
	v6 =	vmax.f32 v6, $0.0e+00  }
0x1c8: {  	v6 =	vmin.f32 v6, $6.553500000e+04  }
0x1c9: {  	v7 =	vmax.f32 v7, $0.0e+00;
	v6 =	vtrunc.f32 v6;
	[tilespmem:v4+s23+$0x0] =	vst.idx.add.f32.msk $0xffff, v1  }
0x1ca: {  	v60 =	vmin.f32 v7, $6.553500000e+04;
	v4 =	vcvt.f32.s32 v6;
	[tilespmem:v5+s23+$0x0] =	vst.idx.add.f32.msk $0xffff, v1  }
0x1cb: {  	v6 =	vtrunc.f32 v60;
	v61 =	vld [tilespmem:s24+$0x10290]  }
0x1cc: {  	v6 =	vcvt.f32.s32 v6;
	v5 =	vld [tilespmem:s24+$0x102D0];
	_ =	sdelay $0x3  }
0x1cd: {  	v7 =	vsub.f32 v61, v2;
	[tilespmem:v4+s23+$0x0] =	vst.idx.add.f32.msk $0xffff, v1  }
0x1ce: {  	v5 =	vsub.f32 v5, v2;
	v4 =	vld [tilespmem:s24+$0x10690]  }
0x1cf: {  	[tilespmem:v6+s23+$0x0] =	vst.idx.add.f32.msk $0xffff, v1;
	v7 =	vmul.f32 v7, v3  }
0x1d0: {  	v6 =	vld [tilespmem:s24+$0x106D0];
	v5 =	vmul.f32 v5, v3  }
0x1d1: {  	v7 =	vmax.f32 v7, $0.0e+00  }
0x1d2: {  	v5 =	vmax.f32 v5, $0.0e+00;
	v7 =	vmin.f32 v7, $6.553500000e+04  }
0x1d3: {  	v5 =	vmin.f32 v5, $6.553500000e+04;
	v7 =	vtrunc.f32 v7;
	v4 =	vsub.f32 v4, v2  }
0x1d4: {  	v5 =	vtrunc.f32 v5;
	v7 =	vcvt.f32.s32 v7  }
0x1d5: {  	v6 =	vsub.f32 v6, v2;
	v5 =	vcvt.f32.s32 v5;
	v4 =	vmul.f32 v4, v3;
	_ =	sdelay $0x1  }
0x1d6: {  	v6 =	vmul.f32 v6, v3;
	v4 =	vmax.f32 v4, $0.0e+00  }
0x1d7: {  	v4 =	vmin.f32 v4, $6.553500000e+04  }
0x1d8: {  	v6 =	vmax.f32 v6, $0.0e+00;
	v4 =	vtrunc.f32 v4  }
0x1d9: {  	v6 =	vmin.f32 v6, $6.553500000e+04;
	v4 =	vcvt.f32.s32 v4;
	[tilespmem:v7+s23+$0x0] =	vst.idx.add.f32.msk $0xffff, v1  }
0x1da: {  	v6 =	vtrunc.f32 v6;
	[tilespmem:v5+s23+$0x0] =	vst.idx.add.f32.msk $0xffff, v1  }
0x1db: {  	v7 =	vld [tilespmem:s24+$0x102A0];
	v6 =	vcvt.f32.s32 v6  }
0x1dc: {  	v5 =	vld [tilespmem:s24+$0x102E0];
	_ =	sdelay $0x2  }
0x1dd: {  	[tilespmem:v4+s23+$0x0] =	vst.idx.add.f32.msk $0xffff, v1  }
0x1de: {  	v62 =	vld [tilespmem:s24+$0x106A0]  }
0x1df: {  	v4 =	vsub.f32 v7, v2;
	v5 =	vsub.f32 v5, v2;
	[tilespmem:v6+s23+$0x0] =	vst.idx.add.f32.msk $0xffff, v1  }
0x1e0: {  	v6 =	vld [tilespmem:s24+$0x106E0]  }
0x1e1: {  	v4 =	vmul.f32 v4, v3;
	v5 =	vmul.f32 v5, v3;
	_ =	sdelay $0x1  }
0x1e2: {  	v4 =	vmax.f32 v4, $0.0e+00;
	v5 =	vmax.f32 v5, $0.0e+00;
	v7 =	vsub.f32 v62, v2  }
0x1e3: {  	v4 =	vmin.f32 v4, $6.553500000e+04;
	v5 =	vmin.f32 v5, $6.553500000e+04  }
0x1e4: {  	v4 =	vtrunc.f32 v4;
	v6 =	vsub.f32 v6, v2;
	v7 =	vmul.f32 v7, v3  }
0x1e5: {  	v5 =	vtrunc.f32 v5;
	v4 =	vcvt.f32.s32 v4  }
0x1e6: {  	v5 =	vcvt.f32.s32 v5;
	v6 =	vmul.f32 v6, v3;
	v7 =	vmax.f32 v7, $0.0e+00  }
0x1e7: {  	v7 =	vmin.f32 v7, $6.553500000e+04  }
0x1e8: {  	v6 =	vmax.f32 v6, $0.0e+00;
	v7 =	vtrunc.f32 v7  }
0x1e9: {  	v6 =	vmin.f32 v6, $6.553500000e+04;
	v7 =	vcvt.f32.s32 v7  }
0x1ea: {  	v6 =	vtrunc.f32 v6  }
0x1eb: {  	[tilespmem:v4+s23+$0x0] =	vst.idx.add.f32.msk $0xffff, v1;
	v4 =	vcvt.f32.s32 v6  }
0x1ec: {  	[tilespmem:v5+s23+$0x0] =	vst.idx.add.f32.msk $0xffff, v1  }
0x1ed: {  	v63 =	vld [tilespmem:s24+$0x102B0]  }
0x1ee: {  	v5 =	vld [tilespmem:s24+$0x102F0]  }
0x1ef: {  	[tilespmem:v7+s23+$0x0] =	vst.idx.add.f32.msk $0xffff, v1  }
0x1f0: {  	v7 =	vld [tilespmem:s24+$0x106B0]  }
0x1f1: {  	[tilespmem:v4+s23+$0x0] =	vst.idx.add.f32.msk $0xffff, v1  }
0x1f2: {  	v4 =	vld [tilespmem:s24+$0x106F0];
	_ =	sdelay $0x1  }
0x1f3: {  	v6 =	vsub.f32 v63, v2;
	v5 =	vsub.f32 v5, v2;
	_ =	sdelay $0x1  }
0x1f4: {  	v6 =	vmul.f32 v6, v3;
	v5 =	vmul.f32 v5, v3;
	v7 =	vsub.f32 v7, v2  }
0x1f5: {  	v4 =	vsub.f32 v4, v2  }
0x1f6: {  	v6 =	vmax.f32 v6, $0.0e+00;
	v5 =	vmax.f32 v5, $0.0e+00;
	v7 =	vmul.f32 v7, v3  }
0x1f7: {  	v6 =	vmin.f32 v6, $6.553500000e+04;
	v5 =	vmin.f32 v5, $6.553500000e+04;
	v4 =	vmul.f32 v4, v3  }
0x1f8: {  	v6 =	vtrunc.f32 v6;
	v5 =	vtrunc.f32 v5;
	v7 =	vmax.f32 v7, $0.0e+00  }
0x1f9: {  	v6 =	vcvt.f32.s32 v6;
	v7 =	vmin.f32 v7, $6.553500000e+04;
	v4 =	vmax.f32 v4, $0.0e+00  }
0x1fa: {  	v5 =	vcvt.f32.s32 v5;
	v7 =	vtrunc.f32 v7;
	v4 =	vmin.f32 v4, $6.553500000e+04  }
0x1fb: {  	v7 =	vcvt.f32.s32 v7;
	v4 =	vtrunc.f32 v4  }
0x1fc: {  	v4 =	vcvt.f32.s32 v4  }
0x1fd: {  	p2 =	por p1, p1  }
.Ltmp8:
0x1fe: {  	_ = 	snop;
	(pc) =	sbr.rel @p2 .LBB2_15-.Ltmp8, $4  }
0x1ff: {  	[tilespmem:v6+s23+$0x0] =	vst.idx.add.f32.msk $0xffff, v1  }
0x200: {  	[tilespmem:v5+s23+$0x0] =	vst.idx.add.f32.msk $0xffff, v1  }
0x201: {  	[tilespmem:v7+s23+$0x0] =	vst.idx.add.f32.msk $0xffff, v1  }
0x202: {  	p0 =	por $0x1, $0x1;
	p1 =	por $0x0, $0x0;
	s24 =	simm.s32 $0x2000;
	[tilespmem:v4+s23+$0x0] =	vst.idx.add.f32.msk $0xffff, v1  }
0x203: {  	p1 =	por $0x1, $0x1  }
.LBB2_17:
0x204: {  	s23 =	sshra.s32 s23, $0x2  }
0x205: {  	v4 =	vld [tilespmem:s23+$0x10300]  }
0x206: {  	v5 =	vld [tilespmem:s23+$0x10340];
	_ =	sdelay $0x3  }
0x207: {  	v4 =	vsub.f32 v4, v2  }
0x208: {  	v5 =	vsub.f32 v5, v2  }
0x209: {  	v6 =	vld [tilespmem:s23+$0x10700];
	v4 =	vmul.f32 v4, v3  }
0x20a: {  	v5 =	vmul.f32 v5, v3  }
0x20b: {  	v7 =	vld [tilespmem:s23+$0x10740];
	v4 =	vmax.f32 v4, $0.0e+00  }
0x20c: {  	v5 =	vmax.f32 v5, $0.0e+00;
	v4 =	vmin.f32 v4, $6.553500000e+04  }
0x20d: {  	v5 =	vmin.f32 v5, $6.553500000e+04;
	v4 =	vtrunc.f32 v4  }
0x20e: {  	v6 =	vsub.f32 v6, v2;
	v5 =	vtrunc.f32 v5;
	v4 =	vcvt.f32.s32 v4  }
0x20f: {  	v5 =	vcvt.f32.s32 v5  }
0x210: {  	v7 =	vsub.f32 v7, v2;
	v6 =	vmul.f32 v6, v3;
	_ =	sdelay $0x1  }
0x211: {  	v7 =	vmul.f32 v7, v3;
	v6 =	vmax.f32 v6, $0.0e+00  }
0x212: {  	s24 =	simm.s32 $0x0;
	v6 =	vmin.f32 v6, $6.553500000e+04  }
0x213: {  	v7 =	vmax.f32 v7, $0.0e+00;
	v6 =	vtrunc.f32 v6;
	[tilespmem:v4+s24+$0x0] =	vst.idx.add.f32.msk $0xffff, v1  }
0x214: {  	v60 =	vmin.f32 v7, $6.553500000e+04;
	v4 =	vcvt.f32.s32 v6;
	[tilespmem:v5+s24+$0x0] =	vst.idx.add.f32.msk $0xffff, v1  }
0x215: {  	v6 =	vtrunc.f32 v60;
	v61 =	vld [tilespmem:s23+$0x10310]  }
0x216: {  	v6 =	vcvt.f32.s32 v6;
	v5 =	vld [tilespmem:s23+$0x10350];
	_ =	sdelay $0x3  }
0x217: {  	v7 =	vsub.f32 v61, v2;
	[tilespmem:v4+s24+$0x0] =	vst.idx.add.f32.msk $0xffff, v1  }
0x218: {  	v5 =	vsub.f32 v5, v2;
	v4 =	vld [tilespmem:s23+$0x10710]  }
0x219: {  	[tilespmem:v6+s24+$0x0] =	vst.idx.add.f32.msk $0xffff, v1;
	v7 =	vmul.f32 v7, v3  }
0x21a: {  	v6 =	vld [tilespmem:s23+$0x10750];
	v5 =	vmul.f32 v5, v3  }
0x21b: {  	v7 =	vmax.f32 v7, $0.0e+00  }
0x21c: {  	v5 =	vmax.f32 v5, $0.0e+00;
	v7 =	vmin.f32 v7, $6.553500000e+04  }
0x21d: {  	v5 =	vmin.f32 v5, $6.553500000e+04;
	v7 =	vtrunc.f32 v7;
	v4 =	vsub.f32 v4, v2  }
0x21e: {  	v5 =	vtrunc.f32 v5;
	v7 =	vcvt.f32.s32 v7  }
0x21f: {  	v6 =	vsub.f32 v6, v2;
	v5 =	vcvt.f32.s32 v5;
	v4 =	vmul.f32 v4, v3;
	_ =	sdelay $0x1  }
0x220: {  	v6 =	vmul.f32 v6, v3;
	v4 =	vmax.f32 v4, $0.0e+00  }
0x221: {  	v4 =	vmin.f32 v4, $6.553500000e+04  }
0x222: {  	v6 =	vmax.f32 v6, $0.0e+00;
	v4 =	vtrunc.f32 v4  }
0x223: {  	v6 =	vmin.f32 v6, $6.553500000e+04;
	v4 =	vcvt.f32.s32 v4;
	[tilespmem:v7+s24+$0x0] =	vst.idx.add.f32.msk $0xffff, v1  }
0x224: {  	v6 =	vtrunc.f32 v6;
	[tilespmem:v5+s24+$0x0] =	vst.idx.add.f32.msk $0xffff, v1  }
0x225: {  	v7 =	vld [tilespmem:s23+$0x10320];
	v6 =	vcvt.f32.s32 v6  }
0x226: {  	v5 =	vld [tilespmem:s23+$0x10360];
	_ =	sdelay $0x2  }
0x227: {  	[tilespmem:v4+s24+$0x0] =	vst.idx.add.f32.msk $0xffff, v1  }
0x228: {  	v62 =	vld [tilespmem:s23+$0x10720]  }
0x229: {  	v4 =	vsub.f32 v7, v2;
	v5 =	vsub.f32 v5, v2;
	[tilespmem:v6+s24+$0x0] =	vst.idx.add.f32.msk $0xffff, v1  }
0x22a: {  	v6 =	vld [tilespmem:s23+$0x10760]  }
0x22b: {  	v4 =	vmul.f32 v4, v3;
	v5 =	vmul.f32 v5, v3;
	_ =	sdelay $0x1  }
0x22c: {  	v4 =	vmax.f32 v4, $0.0e+00;
	v5 =	vmax.f32 v5, $0.0e+00;
	v7 =	vsub.f32 v62, v2  }
0x22d: {  	v4 =	vmin.f32 v4, $6.553500000e+04;
	v5 =	vmin.f32 v5, $6.553500000e+04  }
0x22e: {  	v4 =	vtrunc.f32 v4;
	v6 =	vsub.f32 v6, v2;
	v7 =	vmul.f32 v7, v3  }
0x22f: {  	v5 =	vtrunc.f32 v5;
	v4 =	vcvt.f32.s32 v4  }
0x230: {  	v5 =	vcvt.f32.s32 v5;
	v6 =	vmul.f32 v6, v3;
	v7 =	vmax.f32 v7, $0.0e+00  }
0x231: {  	v7 =	vmin.f32 v7, $6.553500000e+04  }
0x232: {  	v6 =	vmax.f32 v6, $0.0e+00;
	v7 =	vtrunc.f32 v7  }
0x233: {  	v6 =	vmin.f32 v6, $6.553500000e+04;
	v7 =	vcvt.f32.s32 v7  }
0x234: {  	v6 =	vtrunc.f32 v6  }
0x235: {  	[tilespmem:v4+s24+$0x0] =	vst.idx.add.f32.msk $0xffff, v1;
	v4 =	vcvt.f32.s32 v6  }
0x236: {  	[tilespmem:v5+s24+$0x0] =	vst.idx.add.f32.msk $0xffff, v1  }
0x237: {  	v63 =	vld [tilespmem:s23+$0x10330]  }
0x238: {  	v5 =	vld [tilespmem:s23+$0x10370]  }
0x239: {  	[tilespmem:v7+s24+$0x0] =	vst.idx.add.f32.msk $0xffff, v1  }
0x23a: {  	v7 =	vld [tilespmem:s23+$0x10730]  }
0x23b: {  	[tilespmem:v4+s24+$0x0] =	vst.idx.add.f32.msk $0xffff, v1  }
0x23c: {  	v4 =	vld [tilespmem:s23+$0x10770];
	_ =	sdelay $0x1  }
0x23d: {  	v6 =	vsub.f32 v63, v2;
	v5 =	vsub.f32 v5, v2;
	_ =	sdelay $0x1  }
0x23e: {  	v6 =	vmul.f32 v6, v3;
	v5 =	vmul.f32 v5, v3;
	v7 =	vsub.f32 v7, v2  }
0x23f: {  	v4 =	vsub.f32 v4, v2  }
0x240: {  	v6 =	vmax.f32 v6, $0.0e+00;
	v5 =	vmax.f32 v5, $0.0e+00;
	v7 =	vmul.f32 v7, v3  }
0x241: {  	v6 =	vmin.f32 v6, $6.553500000e+04;
	v5 =	vmin.f32 v5, $6.553500000e+04;
	v4 =	vmul.f32 v4, v3  }
0x242: {  	v6 =	vtrunc.f32 v6;
	v5 =	vtrunc.f32 v5;
	v7 =	vmax.f32 v7, $0.0e+00  }
0x243: {  	v6 =	vcvt.f32.s32 v6;
	v7 =	vmin.f32 v7, $6.553500000e+04;
	v4 =	vmax.f32 v4, $0.0e+00  }
0x244: {  	v5 =	vcvt.f32.s32 v5;
	v7 =	vtrunc.f32 v7;
	v4 =	vmin.f32 v4, $6.553500000e+04  }
0x245: {  	v7 =	vcvt.f32.s32 v7;
	v4 =	vtrunc.f32 v4  }
0x246: {  	v4 =	vcvt.f32.s32 v4  }
0x247: {  	p2 =	por p1, p1  }
.Ltmp9:
0x248: {  	_ = 	snop;
	(pc) =	sbr.rel @p2 .LBB2_17-.Ltmp9, $4  }
0x249: {  	[tilespmem:v6+s24+$0x0] =	vst.idx.add.f32.msk $0xffff, v1  }
0x24a: {  	[tilespmem:v5+s24+$0x0] =	vst.idx.add.f32.msk $0xffff, v1  }
0x24b: {  	[tilespmem:v7+s24+$0x0] =	vst.idx.add.f32.msk $0xffff, v1  }
0x24c: {  	p1 =	por $0x0, $0x0;
	s23 =	simm.s32 $0x2000;
	[tilespmem:v4+s24+$0x0] =	vst.idx.add.f32.msk $0xffff, v1  }
0x24d: {  	s23 =	simm.s32 $0x0  }
.LBB2_19:
0x24e: {  	s23 =	sshra.s32 s23, $0x2  }
0x24f: {  	v4 =	vld [tilespmem:s23+$0x10380]  }
0x250: {  	v5 =	vld [tilespmem:s23+$0x103C0];
	_ =	sdelay $0x3  }
0x251: {  	v4 =	vsub.f32 v4, v2  }
0x252: {  	v5 =	vsub.f32 v5, v2  }
0x253: {  	v6 =	vld [tilespmem:s23+$0x10780];
	v4 =	vmul.f32 v4, v3  }
0x254: {  	v5 =	vmul.f32 v5, v3  }
0x255: {  	v7 =	vld [tilespmem:s23+$0x107C0];
	v4 =	vmax.f32 v4, $0.0e+00  }
0x256: {  	v5 =	vmax.f32 v5, $0.0e+00;
	v4 =	vmin.f32 v4, $6.553500000e+04  }
0x257: {  	v5 =	vmin.f32 v5, $6.553500000e+04;
	v4 =	vtrunc.f32 v4  }
0x258: {  	v6 =	vsub.f32 v6, v2;
	v5 =	vtrunc.f32 v5;
	v4 =	vcvt.f32.s32 v4  }
0x259: {  	v5 =	vcvt.f32.s32 v5  }
0x25a: {  	v7 =	vsub.f32 v7, v2;
	v6 =	vmul.f32 v6, v3;
	_ =	sdelay $0x1  }
0x25b: {  	v7 =	vmul.f32 v7, v3;
	v6 =	vmax.f32 v6, $0.0e+00  }
0x25c: {  	v6 =	vmin.f32 v6, $6.553500000e+04  }
0x25d: {  	v7 =	vmax.f32 v7, $0.0e+00;
	v6 =	vtrunc.f32 v6;
	[tilespmem:v4+s24+$0x0] =	vst.idx.add.f32.msk $0xffff, v1  }
0x25e: {  	v60 =	vmin.f32 v7, $6.553500000e+04;
	v4 =	vcvt.f32.s32 v6;
	[tilespmem:v5+s24+$0x0] =	vst.idx.add.f32.msk $0xffff, v1  }
0x25f: {  	v6 =	vtrunc.f32 v60;
	v61 =	vld [tilespmem:s23+$0x10390]  }
0x260: {  	v6 =	vcvt.f32.s32 v6;
	v5 =	vld [tilespmem:s23+$0x103D0];
	_ =	sdelay $0x3  }
0x261: {  	v7 =	vsub.f32 v61, v2;
	[tilespmem:v4+s24+$0x0] =	vst.idx.add.f32.msk $0xffff, v1  }
0x262: {  	v5 =	vsub.f32 v5, v2;
	v4 =	vld [tilespmem:s23+$0x10790]  }
0x263: {  	[tilespmem:v6+s24+$0x0] =	vst.idx.add.f32.msk $0xffff, v1;
	v7 =	vmul.f32 v7, v3  }
0x264: {  	v6 =	vld [tilespmem:s23+$0x107D0];
	v5 =	vmul.f32 v5, v3  }
0x265: {  	v7 =	vmax.f32 v7, $0.0e+00  }
0x266: {  	v5 =	vmax.f32 v5, $0.0e+00;
	v7 =	vmin.f32 v7, $6.553500000e+04  }
0x267: {  	v5 =	vmin.f32 v5, $6.553500000e+04;
	v7 =	vtrunc.f32 v7;
	v4 =	vsub.f32 v4, v2  }
0x268: {  	v5 =	vtrunc.f32 v5;
	v7 =	vcvt.f32.s32 v7  }
0x269: {  	v6 =	vsub.f32 v6, v2;
	v5 =	vcvt.f32.s32 v5;
	v4 =	vmul.f32 v4, v3;
	_ =	sdelay $0x1  }
0x26a: {  	v6 =	vmul.f32 v6, v3;
	v4 =	vmax.f32 v4, $0.0e+00  }
0x26b: {  	v4 =	vmin.f32 v4, $6.553500000e+04  }
0x26c: {  	v6 =	vmax.f32 v6, $0.0e+00;
	v4 =	vtrunc.f32 v4  }
0x26d: {  	v6 =	vmin.f32 v6, $6.553500000e+04;
	v4 =	vcvt.f32.s32 v4;
	[tilespmem:v7+s24+$0x0] =	vst.idx.add.f32.msk $0xffff, v1  }
0x26e: {  	v6 =	vtrunc.f32 v6;
	[tilespmem:v5+s24+$0x0] =	vst.idx.add.f32.msk $0xffff, v1  }
0x26f: {  	v7 =	vld [tilespmem:s23+$0x103A0];
	v6 =	vcvt.f32.s32 v6  }
0x270: {  	v5 =	vld [tilespmem:s23+$0x103E0];
	_ =	sdelay $0x2  }
0x271: {  	[tilespmem:v4+s24+$0x0] =	vst.idx.add.f32.msk $0xffff, v1  }
0x272: {  	v62 =	vld [tilespmem:s23+$0x107A0]  }
0x273: {  	v4 =	vsub.f32 v7, v2;
	v5 =	vsub.f32 v5, v2;
	[tilespmem:v6+s24+$0x0] =	vst.idx.add.f32.msk $0xffff, v1  }
0x274: {  	v6 =	vld [tilespmem:s23+$0x107E0]  }
0x275: {  	v4 =	vmul.f32 v4, v3;
	v5 =	vmul.f32 v5, v3;
	_ =	sdelay $0x1  }
0x276: {  	v4 =	vmax.f32 v4, $0.0e+00;
	v5 =	vmax.f32 v5, $0.0e+00;
	v7 =	vsub.f32 v62, v2  }
0x277: {  	v4 =	vmin.f32 v4, $6.553500000e+04;
	v5 =	vmin.f32 v5, $6.553500000e+04  }
0x278: {  	v4 =	vtrunc.f32 v4;
	v6 =	vsub.f32 v6, v2;
	v7 =	vmul.f32 v7, v3  }
0x279: {  	v5 =	vtrunc.f32 v5;
	v4 =	vcvt.f32.s32 v4  }
0x27a: {  	v5 =	vcvt.f32.s32 v5;
	v6 =	vmul.f32 v6, v3;
	v7 =	vmax.f32 v7, $0.0e+00  }
0x27b: {  	v7 =	vmin.f32 v7, $6.553500000e+04  }
0x27c: {  	v6 =	vmax.f32 v6, $0.0e+00;
	v7 =	vtrunc.f32 v7  }
0x27d: {  	v6 =	vmin.f32 v6, $6.553500000e+04;
	v7 =	vcvt.f32.s32 v7  }
0x27e: {  	v6 =	vtrunc.f32 v6  }
0x27f: {  	[tilespmem:v4+s24+$0x0] =	vst.idx.add.f32.msk $0xffff, v1;
	v4 =	vcvt.f32.s32 v6  }
0x280: {  	[tilespmem:v5+s24+$0x0] =	vst.idx.add.f32.msk $0xffff, v1  }
0x281: {  	v63 =	vld [tilespmem:s23+$0x103B0]  }
0x282: {  	v5 =	vld [tilespmem:s23+$0x103F0]  }
0x283: {  	[tilespmem:v7+s24+$0x0] =	vst.idx.add.f32.msk $0xffff, v1  }
0x284: {  	v7 =	vld [tilespmem:s23+$0x107B0]  }
0x285: {  	[tilespmem:v4+s24+$0x0] =	vst.idx.add.f32.msk $0xffff, v1  }
0x286: {  	v4 =	vld [tilespmem:s23+$0x107F0];
	_ =	sdelay $0x1  }
0x287: {  	v6 =	vsub.f32 v63, v2;
	v5 =	vsub.f32 v5, v2;
	_ =	sdelay $0x1  }
0x288: {  	v6 =	vmul.f32 v6, v3;
	v5 =	vmul.f32 v5, v3;
	v7 =	vsub.f32 v7, v2  }
0x289: {  	v4 =	vsub.f32 v4, v2  }
0x28a: {  	v6 =	vmax.f32 v6, $0.0e+00;
	v5 =	vmax.f32 v5, $0.0e+00;
	v7 =	vmul.f32 v7, v3  }
0x28b: {  	v6 =	vmin.f32 v6, $6.553500000e+04;
	v5 =	vmin.f32 v5, $6.553500000e+04;
	v4 =	vmul.f32 v4, v3  }
0x28c: {  	v6 =	vtrunc.f32 v6;
	v5 =	vtrunc.f32 v5;
	v7 =	vmax.f32 v7, $0.0e+00  }
0x28d: {  	v6 =	vcvt.f32.s32 v6;
	v7 =	vmin.f32 v7, $6.553500000e+04;
	v4 =	vmax.f32 v4, $0.0e+00  }
0x28e: {  	v5 =	vcvt.f32.s32 v5;
	v7 =	vtrunc.f32 v7;
	v4 =	vmin.f32 v4, $6.553500000e+04  }
0x28f: {  	v7 =	vcvt.f32.s32 v7;
	v4 =	vtrunc.f32 v4  }
0x290: {  	v4 =	vcvt.f32.s32 v4  }
0x291: {  	p2 =	por p0, p0  }
.Ltmp10:
0x292: {  	_ = 	snop;
	(pc) =	sbr.rel @p2 .LBB2_19-.Ltmp10, $4  }
0x293: {  	[tilespmem:v6+s24+$0x0] =	vst.idx.add.f32.msk $0xffff, v1  }
0x294: {  	[tilespmem:v5+s24+$0x0] =	vst.idx.add.f32.msk $0xffff, v1  }
0x295: {  	[tilespmem:v7+s24+$0x0] =	vst.idx.add.f32.msk $0xffff, v1  }
0x296: {  	p1 =	por $0x1, $0x1;
	p0 =	por $0x0, $0x0;
	s23 =	simm.s32 $0x2000;
	[tilespmem:v4+s24+$0x0] =	vst.idx.add.f32.msk $0xffff, v1  }
0x297: {  	p0 =	por $0x1, $0x1  }
.LBB2_21:
0x298: {  	s24 =	sshra.s32 s24, $0x2  }
0x299: {  	v4 =	vld [tilespmem:s24+$0x11000]  }
0x29a: {  	v5 =	vld [tilespmem:s24+$0x11040];
	_ =	sdelay $0x3  }
0x29b: {  	v4 =	vsub.f32 v4, v2  }
0x29c: {  	v5 =	vsub.f32 v5, v2  }
0x29d: {  	v6 =	vld [tilespmem:s24+$0x11400];
	v4 =	vmul.f32 v4, v3  }
0x29e: {  	v5 =	vmul.f32 v5, v3  }
0x29f: {  	v7 =	vld [tilespmem:s24+$0x11440];
	v4 =	vmax.f32 v4, $0.0e+00  }
0x2a0: {  	v5 =	vmax.f32 v5, $0.0e+00;
	v4 =	vmin.f32 v4, $6.553500000e+04  }
0x2a1: {  	v5 =	vmin.f32 v5, $6.553500000e+04;
	v4 =	vtrunc.f32 v4  }
0x2a2: {  	v6 =	vsub.f32 v6, v2;
	v5 =	vtrunc.f32 v5;
	v4 =	vcvt.f32.s32 v4  }
0x2a3: {  	v5 =	vcvt.f32.s32 v5  }
0x2a4: {  	v7 =	vsub.f32 v7, v2;
	v6 =	vmul.f32 v6, v3;
	_ =	sdelay $0x1  }
0x2a5: {  	v7 =	vmul.f32 v7, v3;
	v6 =	vmax.f32 v6, $0.0e+00  }
0x2a6: {  	s23 =	simm.s32 $0x0;
	v6 =	vmin.f32 v6, $6.553500000e+04  }
0x2a7: {  	v7 =	vmax.f32 v7, $0.0e+00;
	v6 =	vtrunc.f32 v6;
	[tilespmem:v4+s23+$0x0] =	vst.idx.add.f32.msk $0xffff, v1  }
0x2a8: {  	v60 =	vmin.f32 v7, $6.553500000e+04;
	v4 =	vcvt.f32.s32 v6;
	[tilespmem:v5+s23+$0x0] =	vst.idx.add.f32.msk $0xffff, v1  }
0x2a9: {  	v6 =	vtrunc.f32 v60;
	v61 =	vld [tilespmem:s24+$0x11010]  }
0x2aa: {  	v6 =	vcvt.f32.s32 v6;
	v5 =	vld [tilespmem:s24+$0x11050];
	_ =	sdelay $0x3  }
0x2ab: {  	v7 =	vsub.f32 v61, v2;
	[tilespmem:v4+s23+$0x0] =	vst.idx.add.f32.msk $0xffff, v1  }
0x2ac: {  	v5 =	vsub.f32 v5, v2;
	v4 =	vld [tilespmem:s24+$0x11410]  }
0x2ad: {  	[tilespmem:v6+s23+$0x0] =	vst.idx.add.f32.msk $0xffff, v1;
	v7 =	vmul.f32 v7, v3  }
0x2ae: {  	v6 =	vld [tilespmem:s24+$0x11450];
	v5 =	vmul.f32 v5, v3  }
0x2af: {  	v7 =	vmax.f32 v7, $0.0e+00  }
0x2b0: {  	v5 =	vmax.f32 v5, $0.0e+00;
	v7 =	vmin.f32 v7, $6.553500000e+04  }
0x2b1: {  	v5 =	vmin.f32 v5, $6.553500000e+04;
	v7 =	vtrunc.f32 v7;
	v4 =	vsub.f32 v4, v2  }
0x2b2: {  	v5 =	vtrunc.f32 v5;
	v7 =	vcvt.f32.s32 v7  }
0x2b3: {  	v6 =	vsub.f32 v6, v2;
	v5 =	vcvt.f32.s32 v5;
	v4 =	vmul.f32 v4, v3;
	_ =	sdelay $0x1  }
0x2b4: {  	v6 =	vmul.f32 v6, v3;
	v4 =	vmax.f32 v4, $0.0e+00  }
0x2b5: {  	v4 =	vmin.f32 v4, $6.553500000e+04  }
0x2b6: {  	v6 =	vmax.f32 v6, $0.0e+00;
	v4 =	vtrunc.f32 v4  }
0x2b7: {  	v6 =	vmin.f32 v6, $6.553500000e+04;
	v4 =	vcvt.f32.s32 v4;
	[tilespmem:v7+s23+$0x0] =	vst.idx.add.f32.msk $0xffff, v1  }
0x2b8: {  	v6 =	vtrunc.f32 v6;
	[tilespmem:v5+s23+$0x0] =	vst.idx.add.f32.msk $0xffff, v1  }
0x2b9: {  	v7 =	vld [tilespmem:s24+$0x11020];
	v6 =	vcvt.f32.s32 v6  }
0x2ba: {  	v5 =	vld [tilespmem:s24+$0x11060];
	_ =	sdelay $0x2  }
0x2bb: {  	[tilespmem:v4+s23+$0x0] =	vst.idx.add.f32.msk $0xffff, v1  }
0x2bc: {  	v62 =	vld [tilespmem:s24+$0x11420]  }
0x2bd: {  	v4 =	vsub.f32 v7, v2;
	v5 =	vsub.f32 v5, v2;
	[tilespmem:v6+s23+$0x0] =	vst.idx.add.f32.msk $0xffff, v1  }
0x2be: {  	v6 =	vld [tilespmem:s24+$0x11460]  }
0x2bf: {  	v4 =	vmul.f32 v4, v3;
	v5 =	vmul.f32 v5, v3;
	_ =	sdelay $0x1  }
0x2c0: {  	v4 =	vmax.f32 v4, $0.0e+00;
	v5 =	vmax.f32 v5, $0.0e+00;
	v7 =	vsub.f32 v62, v2  }
0x2c1: {  	v4 =	vmin.f32 v4, $6.553500000e+04;
	v5 =	vmin.f32 v5, $6.553500000e+04  }
0x2c2: {  	v4 =	vtrunc.f32 v4;
	v6 =	vsub.f32 v6, v2;
	v7 =	vmul.f32 v7, v3  }
0x2c3: {  	v5 =	vtrunc.f32 v5;
	v4 =	vcvt.f32.s32 v4  }
0x2c4: {  	v5 =	vcvt.f32.s32 v5;
	v6 =	vmul.f32 v6, v3;
	v7 =	vmax.f32 v7, $0.0e+00  }
0x2c5: {  	v7 =	vmin.f32 v7, $6.553500000e+04  }
0x2c6: {  	v6 =	vmax.f32 v6, $0.0e+00;
	v7 =	vtrunc.f32 v7  }
0x2c7: {  	v6 =	vmin.f32 v6, $6.553500000e+04;
	v7 =	vcvt.f32.s32 v7  }
0x2c8: {  	v6 =	vtrunc.f32 v6  }
0x2c9: {  	[tilespmem:v4+s23+$0x0] =	vst.idx.add.f32.msk $0xffff, v1;
	v4 =	vcvt.f32.s32 v6  }
0x2ca: {  	[tilespmem:v5+s23+$0x0] =	vst.idx.add.f32.msk $0xffff, v1  }
0x2cb: {  	v63 =	vld [tilespmem:s24+$0x11030]  }
0x2cc: {  	v5 =	vld [tilespmem:s24+$0x11070]  }
0x2cd: {  	[tilespmem:v7+s23+$0x0] =	vst.idx.add.f32.msk $0xffff, v1  }
0x2ce: {  	v7 =	vld [tilespmem:s24+$0x11430]  }
0x2cf: {  	[tilespmem:v4+s23+$0x0] =	vst.idx.add.f32.msk $0xffff, v1  }
0x2d0: {  	v4 =	vld [tilespmem:s24+$0x11470];
	_ =	sdelay $0x1  }
0x2d1: {  	v6 =	vsub.f32 v63, v2;
	v5 =	vsub.f32 v5, v2;
	_ =	sdelay $0x1  }
0x2d2: {  	v6 =	vmul.f32 v6, v3;
	v5 =	vmul.f32 v5, v3;
	v7 =	vsub.f32 v7, v2  }
0x2d3: {  	v4 =	vsub.f32 v4, v2  }
0x2d4: {  	v6 =	vmax.f32 v6, $0.0e+00;
	v5 =	vmax.f32 v5, $0.0e+00;
	v7 =	vmul.f32 v7, v3  }
0x2d5: {  	v6 =	vmin.f32 v6, $6.553500000e+04;
	v5 =	vmin.f32 v5, $6.553500000e+04;
	v4 =	vmul.f32 v4, v3  }
0x2d6: {  	v6 =	vtrunc.f32 v6;
	v5 =	vtrunc.f32 v5;
	v7 =	vmax.f32 v7, $0.0e+00  }
0x2d7: {  	v6 =	vcvt.f32.s32 v6;
	v7 =	vmin.f32 v7, $6.553500000e+04;
	v4 =	vmax.f32 v4, $0.0e+00  }
0x2d8: {  	v5 =	vcvt.f32.s32 v5;
	v7 =	vtrunc.f32 v7;
	v4 =	vmin.f32 v4, $6.553500000e+04  }
0x2d9: {  	v7 =	vcvt.f32.s32 v7;
	v4 =	vtrunc.f32 v4  }
0x2da: {  	v4 =	vcvt.f32.s32 v4  }
0x2db: {  	p2 =	por p0, p0  }
.Ltmp11:
0x2dc: {  	_ = 	snop;
	(pc) =	sbr.rel @p2 .LBB2_21-.Ltmp11, $4  }
0x2dd: {  	[tilespmem:v6+s23+$0x0] =	vst.idx.add.f32.msk $0xffff, v1  }
0x2de: {  	[tilespmem:v5+s23+$0x0] =	vst.idx.add.f32.msk $0xffff, v1  }
0x2df: {  	[tilespmem:v7+s23+$0x0] =	vst.idx.add.f32.msk $0xffff, v1  }
0x2e0: {  	p0 =	por $0x0, $0x0;
	s24 =	simm.s32 $0x2000;
	[tilespmem:v4+s23+$0x0] =	vst.idx.add.f32.msk $0xffff, v1  }
0x2e1: {  	s24 =	simm.s32 $0x0  }
.LBB2_23:
0x2e2: {  	s24 =	sshra.s32 s24, $0x2  }
0x2e3: {  	v4 =	vld [tilespmem:s24+$0x11080]  }
0x2e4: {  	v5 =	vld [tilespmem:s24+$0x110C0];
	_ =	sdelay $0x3  }
0x2e5: {  	v4 =	vsub.f32 v4, v2  }
0x2e6: {  	v5 =	vsub.f32 v5, v2  }
0x2e7: {  	v6 =	vld [tilespmem:s24+$0x11480];
	v4 =	vmul.f32 v4, v3  }
0x2e8: {  	v5 =	vmul.f32 v5, v3  }
0x2e9: {  	v7 =	vld [tilespmem:s24+$0x114C0];
	v4 =	vmax.f32 v4, $0.0e+00  }
0x2ea: {  	v5 =	vmax.f32 v5, $0.0e+00;
	v4 =	vmin.f32 v4, $6.553500000e+04  }
0x2eb: {  	v5 =	vmin.f32 v5, $6.553500000e+04;
	v4 =	vtrunc.f32 v4  }
0x2ec: {  	v6 =	vsub.f32 v6, v2;
	v5 =	vtrunc.f32 v5;
	v4 =	vcvt.f32.s32 v4  }
0x2ed: {  	v5 =	vcvt.f32.s32 v5  }
0x2ee: {  	v7 =	vsub.f32 v7, v2;
	v6 =	vmul.f32 v6, v3;
	_ =	sdelay $0x1  }
0x2ef: {  	v7 =	vmul.f32 v7, v3;
	v6 =	vmax.f32 v6, $0.0e+00  }
0x2f0: {  	v6 =	vmin.f32 v6, $6.553500000e+04  }
0x2f1: {  	v7 =	vmax.f32 v7, $0.0e+00;
	v6 =	vtrunc.f32 v6;
	[tilespmem:v4+s23+$0x0] =	vst.idx.add.f32.msk $0xffff, v1  }
0x2f2: {  	v60 =	vmin.f32 v7, $6.553500000e+04;
	v4 =	vcvt.f32.s32 v6;
	[tilespmem:v5+s23+$0x0] =	vst.idx.add.f32.msk $0xffff, v1  }
0x2f3: {  	v6 =	vtrunc.f32 v60;
	v61 =	vld [tilespmem:s24+$0x11090]  }
0x2f4: {  	v6 =	vcvt.f32.s32 v6;
	v5 =	vld [tilespmem:s24+$0x110D0];
	_ =	sdelay $0x3  }
0x2f5: {  	v7 =	vsub.f32 v61, v2;
	[tilespmem:v4+s23+$0x0] =	vst.idx.add.f32.msk $0xffff, v1  }
0x2f6: {  	v5 =	vsub.f32 v5, v2;
	v4 =	vld [tilespmem:s24+$0x11490]  }
0x2f7: {  	[tilespmem:v6+s23+$0x0] =	vst.idx.add.f32.msk $0xffff, v1;
	v7 =	vmul.f32 v7, v3  }
0x2f8: {  	v6 =	vld [tilespmem:s24+$0x114D0];
	v5 =	vmul.f32 v5, v3  }
0x2f9: {  	v7 =	vmax.f32 v7, $0.0e+00  }
0x2fa: {  	v5 =	vmax.f32 v5, $0.0e+00;
	v7 =	vmin.f32 v7, $6.553500000e+04  }
0x2fb: {  	v5 =	vmin.f32 v5, $6.553500000e+04;
	v7 =	vtrunc.f32 v7;
	v4 =	vsub.f32 v4, v2  }
0x2fc: {  	v5 =	vtrunc.f32 v5;
	v7 =	vcvt.f32.s32 v7  }
0x2fd: {  	v6 =	vsub.f32 v6, v2;
	v5 =	vcvt.f32.s32 v5;
	v4 =	vmul.f32 v4, v3;
	_ =	sdelay $0x1  }
0x2fe: {  	v6 =	vmul.f32 v6, v3;
	v4 =	vmax.f32 v4, $0.0e+00  }
0x2ff: {  	v4 =	vmin.f32 v4, $6.553500000e+04  }
0x300: {  	v6 =	vmax.f32 v6, $0.0e+00;
	v4 =	vtrunc.f32 v4  }
0x301: {  	v6 =	vmin.f32 v6, $6.553500000e+04;
	v4 =	vcvt.f32.s32 v4;
	[tilespmem:v7+s23+$0x0] =	vst.idx.add.f32.msk $0xffff, v1  }
0x302: {  	v6 =	vtrunc.f32 v6;
	[tilespmem:v5+s23+$0x0] =	vst.idx.add.f32.msk $0xffff, v1  }
0x303: {  	v7 =	vld [tilespmem:s24+$0x110A0];
	v6 =	vcvt.f32.s32 v6  }
0x304: {  	v5 =	vld [tilespmem:s24+$0x110E0];
	_ =	sdelay $0x2  }
0x305: {  	[tilespmem:v4+s23+$0x0] =	vst.idx.add.f32.msk $0xffff, v1  }
0x306: {  	v62 =	vld [tilespmem:s24+$0x114A0]  }
0x307: {  	v4 =	vsub.f32 v7, v2;
	v5 =	vsub.f32 v5, v2;
	[tilespmem:v6+s23+$0x0] =	vst.idx.add.f32.msk $0xffff, v1  }
0x308: {  	v6 =	vld [tilespmem:s24+$0x114E0]  }
0x309: {  	v4 =	vmul.f32 v4, v3;
	v5 =	vmul.f32 v5, v3;
	_ =	sdelay $0x1  }
0x30a: {  	v4 =	vmax.f32 v4, $0.0e+00;
	v5 =	vmax.f32 v5, $0.0e+00;
	v7 =	vsub.f32 v62, v2  }
0x30b: {  	v4 =	vmin.f32 v4, $6.553500000e+04;
	v5 =	vmin.f32 v5, $6.553500000e+04  }
0x30c: {  	v4 =	vtrunc.f32 v4;
	v6 =	vsub.f32 v6, v2;
	v7 =	vmul.f32 v7, v3  }
0x30d: {  	v5 =	vtrunc.f32 v5;
	v4 =	vcvt.f32.s32 v4  }
0x30e: {  	v5 =	vcvt.f32.s32 v5;
	v6 =	vmul.f32 v6, v3;
	v7 =	vmax.f32 v7, $0.0e+00  }
0x30f: {  	v7 =	vmin.f32 v7, $6.553500000e+04  }
0x310: {  	v6 =	vmax.f32 v6, $0.0e+00;
	v7 =	vtrunc.f32 v7  }
0x311: {  	v6 =	vmin.f32 v6, $6.553500000e+04;
	v7 =	vcvt.f32.s32 v7  }
0x312: {  	v6 =	vtrunc.f32 v6  }
0x313: {  	[tilespmem:v4+s23+$0x0] =	vst.idx.add.f32.msk $0xffff, v1;
	v4 =	vcvt.f32.s32 v6  }
0x314: {  	[tilespmem:v5+s23+$0x0] =	vst.idx.add.f32.msk $0xffff, v1  }
0x315: {  	v63 =	vld [tilespmem:s24+$0x110B0]  }
0x316: {  	v5 =	vld [tilespmem:s24+$0x110F0]  }
0x317: {  	[tilespmem:v7+s23+$0x0] =	vst.idx.add.f32.msk $0xffff, v1  }
0x318: {  	v7 =	vld [tilespmem:s24+$0x114B0]  }
0x319: {  	[tilespmem:v4+s23+$0x0] =	vst.idx.add.f32.msk $0xffff, v1  }
0x31a: {  	v4 =	vld [tilespmem:s24+$0x114F0];
	_ =	sdelay $0x1  }
0x31b: {  	v6 =	vsub.f32 v63, v2;
	v5 =	vsub.f32 v5, v2;
	_ =	sdelay $0x1  }
0x31c: {  	v6 =	vmul.f32 v6, v3;
	v5 =	vmul.f32 v5, v3;
	v7 =	vsub.f32 v7, v2  }
0x31d: {  	v4 =	vsub.f32 v4, v2  }
0x31e: {  	v6 =	vmax.f32 v6, $0.0e+00;
	v5 =	vmax.f32 v5, $0.0e+00;
	v7 =	vmul.f32 v7, v3  }
0x31f: {  	v6 =	vmin.f32 v6, $6.553500000e+04;
	v5 =	vmin.f32 v5, $6.553500000e+04;
	v4 =	vmul.f32 v4, v3  }
0x320: {  	v6 =	vtrunc.f32 v6;
	v5 =	vtrunc.f32 v5;
	v7 =	vmax.f32 v7, $0.0e+00  }
0x321: {  	v6 =	vcvt.f32.s32 v6;
	v7 =	vmin.f32 v7, $6.553500000e+04;
	v4 =	vmax.f32 v4, $0.0e+00  }
0x322: {  	v5 =	vcvt.f32.s32 v5;
	v7 =	vtrunc.f32 v7;
	v4 =	vmin.f32 v4, $6.553500000e+04  }
0x323: {  	v7 =	vcvt.f32.s32 v7;
	v4 =	vtrunc.f32 v4  }
0x324: {  	v4 =	vcvt.f32.s32 v4  }
0x325: {  	p2 =	por p1, p1  }
.Ltmp12:
0x326: {  	_ = 	snop;
	(pc) =	sbr.rel @p2 .LBB2_23-.Ltmp12, $4  }
0x327: {  	[tilespmem:v6+s23+$0x0] =	vst.idx.add.f32.msk $0xffff, v1  }
0x328: {  	[tilespmem:v5+s23+$0x0] =	vst.idx.add.f32.msk $0xffff, v1  }
0x329: {  	[tilespmem:v7+s23+$0x0] =	vst.idx.add.f32.msk $0xffff, v1  }
0x32a: {  	p0 =	por $0x1, $0x1;
	p1 =	por $0x0, $0x0;
	s24 =	simm.s32 $0x2000;
	[tilespmem:v4+s23+$0x0] =	vst.idx.add.f32.msk $0xffff, v1  }
0x32b: {  	p1 =	por $0x1, $0x1  }
.LBB2_25:
0x32c: {  	s23 =	sshra.s32 s23, $0x2  }
0x32d: {  	v4 =	vld [tilespmem:s23+$0x11100]  }
0x32e: {  	v5 =	vld [tilespmem:s23+$0x11140];
	_ =	sdelay $0x3  }
0x32f: {  	v4 =	vsub.f32 v4, v2  }
0x330: {  	v5 =	vsub.f32 v5, v2  }
0x331: {  	v6 =	vld [tilespmem:s23+$0x11500];
	v4 =	vmul.f32 v4, v3  }
0x332: {  	v5 =	vmul.f32 v5, v3  }
0x333: {  	v7 =	vld [tilespmem:s23+$0x11540];
	v4 =	vmax.f32 v4, $0.0e+00  }
0x334: {  	v5 =	vmax.f32 v5, $0.0e+00;
	v4 =	vmin.f32 v4, $6.553500000e+04  }
0x335: {  	v5 =	vmin.f32 v5, $6.553500000e+04;
	v4 =	vtrunc.f32 v4  }
0x336: {  	v6 =	vsub.f32 v6, v2;
	v5 =	vtrunc.f32 v5;
	v4 =	vcvt.f32.s32 v4  }
0x337: {  	v5 =	vcvt.f32.s32 v5  }
0x338: {  	v7 =	vsub.f32 v7, v2;
	v6 =	vmul.f32 v6, v3;
	_ =	sdelay $0x1  }
0x339: {  	v7 =	vmul.f32 v7, v3;
	v6 =	vmax.f32 v6, $0.0e+00  }
0x33a: {  	s24 =	simm.s32 $0x0;
	v6 =	vmin.f32 v6, $6.553500000e+04  }
0x33b: {  	v7 =	vmax.f32 v7, $0.0e+00;
	v6 =	vtrunc.f32 v6;
	[tilespmem:v4+s24+$0x0] =	vst.idx.add.f32.msk $0xffff, v1  }
0x33c: {  	v60 =	vmin.f32 v7, $6.553500000e+04;
	v4 =	vcvt.f32.s32 v6;
	[tilespmem:v5+s24+$0x0] =	vst.idx.add.f32.msk $0xffff, v1  }
0x33d: {  	v6 =	vtrunc.f32 v60;
	v61 =	vld [tilespmem:s23+$0x11110]  }
0x33e: {  	v6 =	vcvt.f32.s32 v6;
	v5 =	vld [tilespmem:s23+$0x11150];
	_ =	sdelay $0x3  }
0x33f: {  	v7 =	vsub.f32 v61, v2;
	[tilespmem:v4+s24+$0x0] =	vst.idx.add.f32.msk $0xffff, v1  }
0x340: {  	v5 =	vsub.f32 v5, v2;
	v4 =	vld [tilespmem:s23+$0x11510]  }
0x341: {  	[tilespmem:v6+s24+$0x0] =	vst.idx.add.f32.msk $0xffff, v1;
	v7 =	vmul.f32 v7, v3  }
0x342: {  	v6 =	vld [tilespmem:s23+$0x11550];
	v5 =	vmul.f32 v5, v3  }
0x343: {  	v7 =	vmax.f32 v7, $0.0e+00  }
0x344: {  	v5 =	vmax.f32 v5, $0.0e+00;
	v7 =	vmin.f32 v7, $6.553500000e+04  }
0x345: {  	v5 =	vmin.f32 v5, $6.553500000e+04;
	v7 =	vtrunc.f32 v7;
	v4 =	vsub.f32 v4, v2  }
0x346: {  	v5 =	vtrunc.f32 v5;
	v7 =	vcvt.f32.s32 v7  }
0x347: {  	v6 =	vsub.f32 v6, v2;
	v5 =	vcvt.f32.s32 v5;
	v4 =	vmul.f32 v4, v3;
	_ =	sdelay $0x1  }
0x348: {  	v6 =	vmul.f32 v6, v3;
	v4 =	vmax.f32 v4, $0.0e+00  }
0x349: {  	v4 =	vmin.f32 v4, $6.553500000e+04  }
0x34a: {  	v6 =	vmax.f32 v6, $0.0e+00;
	v4 =	vtrunc.f32 v4  }
0x34b: {  	v6 =	vmin.f32 v6, $6.553500000e+04;
	v4 =	vcvt.f32.s32 v4;
	[tilespmem:v7+s24+$0x0] =	vst.idx.add.f32.msk $0xffff, v1  }
0x34c: {  	v6 =	vtrunc.f32 v6;
	[tilespmem:v5+s24+$0x0] =	vst.idx.add.f32.msk $0xffff, v1  }
0x34d: {  	v7 =	vld [tilespmem:s23+$0x11120];
	v6 =	vcvt.f32.s32 v6  }
0x34e: {  	v5 =	vld [tilespmem:s23+$0x11160];
	_ =	sdelay $0x2  }
0x34f: {  	[tilespmem:v4+s24+$0x0] =	vst.idx.add.f32.msk $0xffff, v1  }
0x350: {  	v62 =	vld [tilespmem:s23+$0x11520]  }
0x351: {  	v4 =	vsub.f32 v7, v2;
	v5 =	vsub.f32 v5, v2;
	[tilespmem:v6+s24+$0x0] =	vst.idx.add.f32.msk $0xffff, v1  }
0x352: {  	v6 =	vld [tilespmem:s23+$0x11560]  }
0x353: {  	v4 =	vmul.f32 v4, v3;
	v5 =	vmul.f32 v5, v3;
	_ =	sdelay $0x1  }
0x354: {  	v4 =	vmax.f32 v4, $0.0e+00;
	v5 =	vmax.f32 v5, $0.0e+00;
	v7 =	vsub.f32 v62, v2  }
0x355: {  	v4 =	vmin.f32 v4, $6.553500000e+04;
	v5 =	vmin.f32 v5, $6.553500000e+04  }
0x356: {  	v4 =	vtrunc.f32 v4;
	v6 =	vsub.f32 v6, v2;
	v7 =	vmul.f32 v7, v3  }
0x357: {  	v5 =	vtrunc.f32 v5;
	v4 =	vcvt.f32.s32 v4  }
0x358: {  	v5 =	vcvt.f32.s32 v5;
	v6 =	vmul.f32 v6, v3;
	v7 =	vmax.f32 v7, $0.0e+00  }
0x359: {  	v7 =	vmin.f32 v7, $6.553500000e+04  }
0x35a: {  	v6 =	vmax.f32 v6, $0.0e+00;
	v7 =	vtrunc.f32 v7  }
0x35b: {  	v6 =	vmin.f32 v6, $6.553500000e+04;
	v7 =	vcvt.f32.s32 v7  }
0x35c: {  	v6 =	vtrunc.f32 v6  }
0x35d: {  	[tilespmem:v4+s24+$0x0] =	vst.idx.add.f32.msk $0xffff, v1;
	v4 =	vcvt.f32.s32 v6  }
0x35e: {  	[tilespmem:v5+s24+$0x0] =	vst.idx.add.f32.msk $0xffff, v1  }
0x35f: {  	v63 =	vld [tilespmem:s23+$0x11130]  }
0x360: {  	v5 =	vld [tilespmem:s23+$0x11170]  }
0x361: {  	[tilespmem:v7+s24+$0x0] =	vst.idx.add.f32.msk $0xffff, v1  }
0x362: {  	v7 =	vld [tilespmem:s23+$0x11530]  }
0x363: {  	[tilespmem:v4+s24+$0x0] =	vst.idx.add.f32.msk $0xffff, v1  }
0x364: {  	v4 =	vld [tilespmem:s23+$0x11570];
	_ =	sdelay $0x1  }
0x365: {  	v6 =	vsub.f32 v63, v2;
	v5 =	vsub.f32 v5, v2;
	_ =	sdelay $0x1  }
0x366: {  	v6 =	vmul.f32 v6, v3;
	v5 =	vmul.f32 v5, v3;
	v7 =	vsub.f32 v7, v2  }
0x367: {  	v4 =	vsub.f32 v4, v2  }
0x368: {  	v6 =	vmax.f32 v6, $0.0e+00;
	v5 =	vmax.f32 v5, $0.0e+00;
	v7 =	vmul.f32 v7, v3  }
0x369: {  	v6 =	vmin.f32 v6, $6.553500000e+04;
	v5 =	vmin.f32 v5, $6.553500000e+04;
	v4 =	vmul.f32 v4, v3  }
0x36a: {  	v6 =	vtrunc.f32 v6;
	v5 =	vtrunc.f32 v5;
	v7 =	vmax.f32 v7, $0.0e+00  }
0x36b: {  	v6 =	vcvt.f32.s32 v6;
	v7 =	vmin.f32 v7, $6.553500000e+04;
	v4 =	vmax.f32 v4, $0.0e+00  }
0x36c: {  	v5 =	vcvt.f32.s32 v5;
	v7 =	vtrunc.f32 v7;
	v4 =	vmin.f32 v4, $6.553500000e+04  }
0x36d: {  	v7 =	vcvt.f32.s32 v7;
	v4 =	vtrunc.f32 v4  }
0x36e: {  	v4 =	vcvt.f32.s32 v4  }
0x36f: {  	p2 =	por p1, p1  }
.Ltmp13:
0x370: {  	_ = 	snop;
	(pc) =	sbr.rel @p2 .LBB2_25-.Ltmp13, $4  }
0x371: {  	[tilespmem:v6+s24+$0x0] =	vst.idx.add.f32.msk $0xffff, v1  }
0x372: {  	[tilespmem:v5+s24+$0x0] =	vst.idx.add.f32.msk $0xffff, v1  }
0x373: {  	[tilespmem:v7+s24+$0x0] =	vst.idx.add.f32.msk $0xffff, v1  }
0x374: {  	p1 =	por $0x0, $0x0;
	s23 =	simm.s32 $0x2000;
	[tilespmem:v4+s24+$0x0] =	vst.idx.add.f32.msk $0xffff, v1  }
0x375: {  	s23 =	simm.s32 $0x0  }
.LBB2_27:
0x376: {  	s23 =	sshra.s32 s23, $0x2  }
0x377: {  	v4 =	vld [tilespmem:s23+$0x11180]  }
0x378: {  	v5 =	vld [tilespmem:s23+$0x111C0];
	_ =	sdelay $0x3  }
0x379: {  	v4 =	vsub.f32 v4, v2  }
0x37a: {  	v5 =	vsub.f32 v5, v2  }
0x37b: {  	v6 =	vld [tilespmem:s23+$0x11580];
	v4 =	vmul.f32 v4, v3  }
0x37c: {  	v5 =	vmul.f32 v5, v3  }
0x37d: {  	v7 =	vld [tilespmem:s23+$0x115C0];
	v4 =	vmax.f32 v4, $0.0e+00  }
0x37e: {  	v5 =	vmax.f32 v5, $0.0e+00;
	v4 =	vmin.f32 v4, $6.553500000e+04  }
0x37f: {  	v5 =	vmin.f32 v5, $6.553500000e+04;
	v4 =	vtrunc.f32 v4  }
0x380: {  	v6 =	vsub.f32 v6, v2;
	v5 =	vtrunc.f32 v5;
	v4 =	vcvt.f32.s32 v4  }
0x381: {  	v5 =	vcvt.f32.s32 v5  }
0x382: {  	v7 =	vsub.f32 v7, v2;
	v6 =	vmul.f32 v6, v3;
	_ =	sdelay $0x1  }
0x383: {  	v7 =	vmul.f32 v7, v3;
	v6 =	vmax.f32 v6, $0.0e+00  }
0x384: {  	v6 =	vmin.f32 v6, $6.553500000e+04  }
0x385: {  	v7 =	vmax.f32 v7, $0.0e+00;
	v6 =	vtrunc.f32 v6;
	[tilespmem:v4+s24+$0x0] =	vst.idx.add.f32.msk $0xffff, v1  }
0x386: {  	v60 =	vmin.f32 v7, $6.553500000e+04;
	v4 =	vcvt.f32.s32 v6;
	[tilespmem:v5+s24+$0x0] =	vst.idx.add.f32.msk $0xffff, v1  }
0x387: {  	v6 =	vtrunc.f32 v60;
	v61 =	vld [tilespmem:s23+$0x11190]  }
0x388: {  	v6 =	vcvt.f32.s32 v6;
	v5 =	vld [tilespmem:s23+$0x111D0];
	_ =	sdelay $0x3  }
0x389: {  	v7 =	vsub.f32 v61, v2;
	[tilespmem:v4+s24+$0x0] =	vst.idx.add.f32.msk $0xffff, v1  }
0x38a: {  	v5 =	vsub.f32 v5, v2;
	v4 =	vld [tilespmem:s23+$0x11590]  }
0x38b: {  	[tilespmem:v6+s24+$0x0] =	vst.idx.add.f32.msk $0xffff, v1;
	v7 =	vmul.f32 v7, v3  }
0x38c: {  	v6 =	vld [tilespmem:s23+$0x115D0];
	v5 =	vmul.f32 v5, v3  }
0x38d: {  	v7 =	vmax.f32 v7, $0.0e+00  }
0x38e: {  	v5 =	vmax.f32 v5, $0.0e+00;
	v7 =	vmin.f32 v7, $6.553500000e+04  }
0x38f: {  	v5 =	vmin.f32 v5, $6.553500000e+04;
	v7 =	vtrunc.f32 v7;
	v4 =	vsub.f32 v4, v2  }
0x390: {  	v5 =	vtrunc.f32 v5;
	v7 =	vcvt.f32.s32 v7  }
0x391: {  	v6 =	vsub.f32 v6, v2;
	v5 =	vcvt.f32.s32 v5;
	v4 =	vmul.f32 v4, v3;
	_ =	sdelay $0x1  }
0x392: {  	v6 =	vmul.f32 v6, v3;
	v4 =	vmax.f32 v4, $0.0e+00  }
0x393: {  	v4 =	vmin.f32 v4, $6.553500000e+04  }
0x394: {  	v6 =	vmax.f32 v6, $0.0e+00;
	v4 =	vtrunc.f32 v4  }
0x395: {  	v6 =	vmin.f32 v6, $6.553500000e+04;
	v4 =	vcvt.f32.s32 v4;
	[tilespmem:v7+s24+$0x0] =	vst.idx.add.f32.msk $0xffff, v1  }
0x396: {  	v6 =	vtrunc.f32 v6;
	[tilespmem:v5+s24+$0x0] =	vst.idx.add.f32.msk $0xffff, v1  }
0x397: {  	v7 =	vld [tilespmem:s23+$0x111A0];
	v6 =	vcvt.f32.s32 v6  }
0x398: {  	v5 =	vld [tilespmem:s23+$0x111E0];
	_ =	sdelay $0x2  }
0x399: {  	[tilespmem:v4+s24+$0x0] =	vst.idx.add.f32.msk $0xffff, v1  }
0x39a: {  	v62 =	vld [tilespmem:s23+$0x115A0]  }
0x39b: {  	v4 =	vsub.f32 v7, v2;
	v5 =	vsub.f32 v5, v2;
	[tilespmem:v6+s24+$0x0] =	vst.idx.add.f32.msk $0xffff, v1  }
0x39c: {  	v6 =	vld [tilespmem:s23+$0x115E0]  }
0x39d: {  	v4 =	vmul.f32 v4, v3;
	v5 =	vmul.f32 v5, v3;
	_ =	sdelay $0x1  }
0x39e: {  	v4 =	vmax.f32 v4, $0.0e+00;
	v5 =	vmax.f32 v5, $0.0e+00;
	v7 =	vsub.f32 v62, v2  }
0x39f: {  	v4 =	vmin.f32 v4, $6.553500000e+04;
	v5 =	vmin.f32 v5, $6.553500000e+04  }
0x3a0: {  	v4 =	vtrunc.f32 v4;
	v6 =	vsub.f32 v6, v2;
	v7 =	vmul.f32 v7, v3  }
0x3a1: {  	v5 =	vtrunc.f32 v5;
	v4 =	vcvt.f32.s32 v4  }
0x3a2: {  	v5 =	vcvt.f32.s32 v5;
	v6 =	vmul.f32 v6, v3;
	v7 =	vmax.f32 v7, $0.0e+00  }
0x3a3: {  	v7 =	vmin.f32 v7, $6.553500000e+04  }
0x3a4: {  	v6 =	vmax.f32 v6, $0.0e+00;
	v7 =	vtrunc.f32 v7  }
0x3a5: {  	v6 =	vmin.f32 v6, $6.553500000e+04;
	v7 =	vcvt.f32.s32 v7  }
0x3a6: {  	v6 =	vtrunc.f32 v6  }
0x3a7: {  	[tilespmem:v4+s24+$0x0] =	vst.idx.add.f32.msk $0xffff, v1;
	v4 =	vcvt.f32.s32 v6  }
0x3a8: {  	[tilespmem:v5+s24+$0x0] =	vst.idx.add.f32.msk $0xffff, v1  }
0x3a9: {  	v63 =	vld [tilespmem:s23+$0x111B0]  }
0x3aa: {  	v5 =	vld [tilespmem:s23+$0x111F0]  }
0x3ab: {  	[tilespmem:v7+s24+$0x0] =	vst.idx.add.f32.msk $0xffff, v1  }
0x3ac: {  	v7 =	vld [tilespmem:s23+$0x115B0]  }
0x3ad: {  	[tilespmem:v4+s24+$0x0] =	vst.idx.add.f32.msk $0xffff, v1  }
0x3ae: {  	v4 =	vld [tilespmem:s23+$0x115F0];
	_ =	sdelay $0x1  }
0x3af: {  	v6 =	vsub.f32 v63, v2;
	v5 =	vsub.f32 v5, v2;
	_ =	sdelay $0x1  }
0x3b0: {  	v6 =	vmul.f32 v6, v3;
	v5 =	vmul.f32 v5, v3;
	v7 =	vsub.f32 v7, v2  }
0x3b1: {  	v4 =	vsub.f32 v4, v2  }
0x3b2: {  	v6 =	vmax.f32 v6, $0.0e+00;
	v5 =	vmax.f32 v5, $0.0e+00;
	v7 =	vmul.f32 v7, v3  }
0x3b3: {  	v6 =	vmin.f32 v6, $6.553500000e+04;
	v5 =	vmin.f32 v5, $6.553500000e+04;
	v4 =	vmul.f32 v4, v3  }
0x3b4: {  	v6 =	vtrunc.f32 v6;
	v5 =	vtrunc.f32 v5;
	v7 =	vmax.f32 v7, $0.0e+00  }
0x3b5: {  	v6 =	vcvt.f32.s32 v6;
	v7 =	vmin.f32 v7, $6.553500000e+04;
	v4 =	vmax.f32 v4, $0.0e+00  }
0x3b6: {  	v5 =	vcvt.f32.s32 v5;
	v7 =	vtrunc.f32 v7;
	v4 =	vmin.f32 v4, $6.553500000e+04  }
0x3b7: {  	v7 =	vcvt.f32.s32 v7;
	v4 =	vtrunc.f32 v4  }
0x3b8: {  	v4 =	vcvt.f32.s32 v4  }
0x3b9: {  	p2 =	por p0, p0  }
.Ltmp14:
0x3ba: {  	_ = 	snop;
	(pc) =	sbr.rel @p2 .LBB2_27-.Ltmp14, $4  }
0x3bb: {  	[tilespmem:v6+s24+$0x0] =	vst.idx.add.f32.msk $0xffff, v1  }
0x3bc: {  	[tilespmem:v5+s24+$0x0] =	vst.idx.add.f32.msk $0xffff, v1  }
0x3bd: {  	[tilespmem:v7+s24+$0x0] =	vst.idx.add.f32.msk $0xffff, v1  }
0x3be: {  	p1 =	por $0x1, $0x1;
	p0 =	por $0x0, $0x0;
	s23 =	simm.s32 $0x2000;
	[tilespmem:v4+s24+$0x0] =	vst.idx.add.f32.msk $0xffff, v1  }
0x3bf: {  	p0 =	por $0x1, $0x1  }
.LBB2_29:
0x3c0: {  	s24 =	sshra.s32 s24, $0x2  }
0x3c1: {  	v4 =	vld [tilespmem:s24+$0x11200]  }
0x3c2: {  	v5 =	vld [tilespmem:s24+$0x11240];
	_ =	sdelay $0x3  }
0x3c3: {  	v4 =	vsub.f32 v4, v2  }
0x3c4: {  	v5 =	vsub.f32 v5, v2  }
0x3c5: {  	v6 =	vld [tilespmem:s24+$0x11600];
	v4 =	vmul.f32 v4, v3  }
0x3c6: {  	v5 =	vmul.f32 v5, v3  }
0x3c7: {  	v7 =	vld [tilespmem:s24+$0x11640];
	v4 =	vmax.f32 v4, $0.0e+00  }
0x3c8: {  	v5 =	vmax.f32 v5, $0.0e+00;
	v4 =	vmin.f32 v4, $6.553500000e+04  }
0x3c9: {  	v5 =	vmin.f32 v5, $6.553500000e+04;
	v4 =	vtrunc.f32 v4  }
0x3ca: {  	v6 =	vsub.f32 v6, v2;
	v5 =	vtrunc.f32 v5;
	v4 =	vcvt.f32.s32 v4  }
0x3cb: {  	v5 =	vcvt.f32.s32 v5  }
0x3cc: {  	v7 =	vsub.f32 v7, v2;
	v6 =	vmul.f32 v6, v3;
	_ =	sdelay $0x1  }
0x3cd: {  	v7 =	vmul.f32 v7, v3;
	v6 =	vmax.f32 v6, $0.0e+00  }
0x3ce: {  	s23 =	simm.s32 $0x0;
	v6 =	vmin.f32 v6, $6.553500000e+04  }
0x3cf: {  	v7 =	vmax.f32 v7, $0.0e+00;
	v6 =	vtrunc.f32 v6;
	[tilespmem:v4+s23+$0x0] =	vst.idx.add.f32.msk $0xffff, v1  }
0x3d0: {  	v60 =	vmin.f32 v7, $6.553500000e+04;
	v4 =	vcvt.f32.s32 v6;
	[tilespmem:v5+s23+$0x0] =	vst.idx.add.f32.msk $0xffff, v1  }
0x3d1: {  	v6 =	vtrunc.f32 v60;
	v61 =	vld [tilespmem:s24+$0x11210]  }
0x3d2: {  	v6 =	vcvt.f32.s32 v6;
	v5 =	vld [tilespmem:s24+$0x11250];
	_ =	sdelay $0x3  }
0x3d3: {  	v7 =	vsub.f32 v61, v2;
	[tilespmem:v4+s23+$0x0] =	vst.idx.add.f32.msk $0xffff, v1  }
0x3d4: {  	v5 =	vsub.f32 v5, v2;
	v4 =	vld [tilespmem:s24+$0x11610]  }
0x3d5: {  	[tilespmem:v6+s23+$0x0] =	vst.idx.add.f32.msk $0xffff, v1;
	v7 =	vmul.f32 v7, v3  }
0x3d6: {  	v6 =	vld [tilespmem:s24+$0x11650];
	v5 =	vmul.f32 v5, v3  }
0x3d7: {  	v7 =	vmax.f32 v7, $0.0e+00  }
0x3d8: {  	v5 =	vmax.f32 v5, $0.0e+00;
	v7 =	vmin.f32 v7, $6.553500000e+04  }
0x3d9: {  	v5 =	vmin.f32 v5, $6.553500000e+04;
	v7 =	vtrunc.f32 v7;
	v4 =	vsub.f32 v4, v2  }
0x3da: {  	v5 =	vtrunc.f32 v5;
	v7 =	vcvt.f32.s32 v7  }
0x3db: {  	v6 =	vsub.f32 v6, v2;
	v5 =	vcvt.f32.s32 v5;
	v4 =	vmul.f32 v4, v3;
	_ =	sdelay $0x1  }
0x3dc: {  	v6 =	vmul.f32 v6, v3;
	v4 =	vmax.f32 v4, $0.0e+00  }
0x3dd: {  	v4 =	vmin.f32 v4, $6.553500000e+04  }
0x3de: {  	v6 =	vmax.f32 v6, $0.0e+00;
	v4 =	vtrunc.f32 v4  }
0x3df: {  	v6 =	vmin.f32 v6, $6.553500000e+04;
	v4 =	vcvt.f32.s32 v4;
	[tilespmem:v7+s23+$0x0] =	vst.idx.add.f32.msk $0xffff, v1  }
0x3e0: {  	v6 =	vtrunc.f32 v6;
	[tilespmem:v5+s23+$0x0] =	vst.idx.add.f32.msk $0xffff, v1  }
0x3e1: {  	v7 =	vld [tilespmem:s24+$0x11220];
	v6 =	vcvt.f32.s32 v6  }
0x3e2: {  	v5 =	vld [tilespmem:s24+$0x11260];
	_ =	sdelay $0x2  }
0x3e3: {  	[tilespmem:v4+s23+$0x0] =	vst.idx.add.f32.msk $0xffff, v1  }
0x3e4: {  	v62 =	vld [tilespmem:s24+$0x11620]  }
0x3e5: {  	v4 =	vsub.f32 v7, v2;
	v5 =	vsub.f32 v5, v2;
	[tilespmem:v6+s23+$0x0] =	vst.idx.add.f32.msk $0xffff, v1  }
0x3e6: {  	v6 =	vld [tilespmem:s24+$0x11660]  }
0x3e7: {  	v4 =	vmul.f32 v4, v3;
	v5 =	vmul.f32 v5, v3;
	_ =	sdelay $0x1  }
0x3e8: {  	v4 =	vmax.f32 v4, $0.0e+00;
	v5 =	vmax.f32 v5, $0.0e+00;
	v7 =	vsub.f32 v62, v2  }
0x3e9: {  	v4 =	vmin.f32 v4, $6.553500000e+04;
	v5 =	vmin.f32 v5, $6.553500000e+04  }
0x3ea: {  	v4 =	vtrunc.f32 v4;
	v6 =	vsub.f32 v6, v2;
	v7 =	vmul.f32 v7, v3  }
0x3eb: {  	v5 =	vtrunc.f32 v5;
	v4 =	vcvt.f32.s32 v4  }
0x3ec: {  	v5 =	vcvt.f32.s32 v5;
	v6 =	vmul.f32 v6, v3;
	v7 =	vmax.f32 v7, $0.0e+00  }
0x3ed: {  	v7 =	vmin.f32 v7, $6.553500000e+04  }
0x3ee: {  	v6 =	vmax.f32 v6, $0.0e+00;
	v7 =	vtrunc.f32 v7  }
0x3ef: {  	v6 =	vmin.f32 v6, $6.553500000e+04;
	v7 =	vcvt.f32.s32 v7  }
0x3f0: {  	v6 =	vtrunc.f32 v6  }
0x3f1: {  	[tilespmem:v4+s23+$0x0] =	vst.idx.add.f32.msk $0xffff, v1;
	v4 =	vcvt.f32.s32 v6  }
0x3f2: {  	[tilespmem:v5+s23+$0x0] =	vst.idx.add.f32.msk $0xffff, v1  }
0x3f3: {  	v63 =	vld [tilespmem:s24+$0x11230]  }
0x3f4: {  	v5 =	vld [tilespmem:s24+$0x11270]  }
0x3f5: {  	[tilespmem:v7+s23+$0x0] =	vst.idx.add.f32.msk $0xffff, v1  }
0x3f6: {  	v7 =	vld [tilespmem:s24+$0x11630]  }
0x3f7: {  	[tilespmem:v4+s23+$0x0] =	vst.idx.add.f32.msk $0xffff, v1  }
0x3f8: {  	v4 =	vld [tilespmem:s24+$0x11670];
	_ =	sdelay $0x1  }
0x3f9: {  	v6 =	vsub.f32 v63, v2;
	v5 =	vsub.f32 v5, v2;
	_ =	sdelay $0x1  }
0x3fa: {  	v6 =	vmul.f32 v6, v3;
	v5 =	vmul.f32 v5, v3;
	v7 =	vsub.f32 v7, v2  }
0x3fb: {  	v4 =	vsub.f32 v4, v2  }
0x3fc: {  	v6 =	vmax.f32 v6, $0.0e+00;
	v5 =	vmax.f32 v5, $0.0e+00;
	v7 =	vmul.f32 v7, v3  }
0x3fd: {  	v6 =	vmin.f32 v6, $6.553500000e+04;
	v5 =	vmin.f32 v5, $6.553500000e+04;
	v4 =	vmul.f32 v4, v3  }
0x3fe: {  	v6 =	vtrunc.f32 v6;
	v5 =	vtrunc.f32 v5;
	v7 =	vmax.f32 v7, $0.0e+00  }
0x3ff: {  	v6 =	vcvt.f32.s32 v6;
	v7 =	vmin.f32 v7, $6.553500000e+04;
	v4 =	vmax.f32 v4, $0.0e+00  }
0x400: {  	v5 =	vcvt.f32.s32 v5;
	v7 =	vtrunc.f32 v7;
	v4 =	vmin.f32 v4, $6.553500000e+04  }
0x401: {  	v7 =	vcvt.f32.s32 v7;
	v4 =	vtrunc.f32 v4  }
0x402: {  	v4 =	vcvt.f32.s32 v4  }
0x403: {  	p2 =	por p0, p0  }
.Ltmp15:
0x404: {  	_ = 	snop;
	(pc) =	sbr.rel @p2 .LBB2_29-.Ltmp15, $4  }
0x405: {  	[tilespmem:v6+s23+$0x0] =	vst.idx.add.f32.msk $0xffff, v1  }
0x406: {  	[tilespmem:v5+s23+$0x0] =	vst.idx.add.f32.msk $0xffff, v1  }
0x407: {  	[tilespmem:v7+s23+$0x0] =	vst.idx.add.f32.msk $0xffff, v1  }
0x408: {  	p0 =	por $0x0, $0x0;
	s24 =	simm.s32 $0x2000;
	[tilespmem:v4+s23+$0x0] =	vst.idx.add.f32.msk $0xffff, v1  }
0x409: {  	s24 =	simm.s32 $0x0  }
.LBB2_31:
0x40a: {  	s24 =	sshra.s32 s24, $0x2  }
0x40b: {  	v4 =	vld [tilespmem:s24+$0x11280]  }
0x40c: {  	v5 =	vld [tilespmem:s24+$0x112C0];
	_ =	sdelay $0x3  }
0x40d: {  	v4 =	vsub.f32 v4, v2  }
0x40e: {  	v5 =	vsub.f32 v5, v2  }
0x40f: {  	v6 =	vld [tilespmem:s24+$0x11680];
	v4 =	vmul.f32 v4, v3  }
0x410: {  	v5 =	vmul.f32 v5, v3  }
0x411: {  	v7 =	vld [tilespmem:s24+$0x116C0];
	v4 =	vmax.f32 v4, $0.0e+00  }
0x412: {  	v5 =	vmax.f32 v5, $0.0e+00;
	v4 =	vmin.f32 v4, $6.553500000e+04  }
0x413: {  	v5 =	vmin.f32 v5, $6.553500000e+04;
	v4 =	vtrunc.f32 v4  }
0x414: {  	v6 =	vsub.f32 v6, v2;
	v5 =	vtrunc.f32 v5;
	v4 =	vcvt.f32.s32 v4  }
0x415: {  	v5 =	vcvt.f32.s32 v5  }
0x416: {  	v7 =	vsub.f32 v7, v2;
	v6 =	vmul.f32 v6, v3;
	_ =	sdelay $0x1  }
0x417: {  	v7 =	vmul.f32 v7, v3;
	v6 =	vmax.f32 v6, $0.0e+00  }
0x418: {  	v6 =	vmin.f32 v6, $6.553500000e+04  }
0x419: {  	v7 =	vmax.f32 v7, $0.0e+00;
	v6 =	vtrunc.f32 v6;
	[tilespmem:v4+s23+$0x0] =	vst.idx.add.f32.msk $0xffff, v1  }
0x41a: {  	v60 =	vmin.f32 v7, $6.553500000e+04;
	v4 =	vcvt.f32.s32 v6;
	[tilespmem:v5+s23+$0x0] =	vst.idx.add.f32.msk $0xffff, v1  }
0x41b: {  	v6 =	vtrunc.f32 v60;
	v61 =	vld [tilespmem:s24+$0x11290]  }
0x41c: {  	v6 =	vcvt.f32.s32 v6;
	v5 =	vld [tilespmem:s24+$0x112D0];
	_ =	sdelay $0x3  }
0x41d: {  	v7 =	vsub.f32 v61, v2;
	[tilespmem:v4+s23+$0x0] =	vst.idx.add.f32.msk $0xffff, v1  }
0x41e: {  	v5 =	vsub.f32 v5, v2;
	v4 =	vld [tilespmem:s24+$0x11690]  }
0x41f: {  	[tilespmem:v6+s23+$0x0] =	vst.idx.add.f32.msk $0xffff, v1;
	v7 =	vmul.f32 v7, v3  }
0x420: {  	v6 =	vld [tilespmem:s24+$0x116D0];
	v5 =	vmul.f32 v5, v3  }
0x421: {  	v7 =	vmax.f32 v7, $0.0e+00  }
0x422: {  	v5 =	vmax.f32 v5, $0.0e+00;
	v7 =	vmin.f32 v7, $6.553500000e+04  }
0x423: {  	v5 =	vmin.f32 v5, $6.553500000e+04;
	v7 =	vtrunc.f32 v7;
	v4 =	vsub.f32 v4, v2  }
0x424: {  	v5 =	vtrunc.f32 v5;
	v7 =	vcvt.f32.s32 v7  }
0x425: {  	v6 =	vsub.f32 v6, v2;
	v5 =	vcvt.f32.s32 v5;
	v4 =	vmul.f32 v4, v3;
	_ =	sdelay $0x1  }
0x426: {  	v6 =	vmul.f32 v6, v3;
	v4 =	vmax.f32 v4, $0.0e+00  }
0x427: {  	v4 =	vmin.f32 v4, $6.553500000e+04  }
0x428: {  	v6 =	vmax.f32 v6, $0.0e+00;
	v4 =	vtrunc.f32 v4  }
0x429: {  	v6 =	vmin.f32 v6, $6.553500000e+04;
	v4 =	vcvt.f32.s32 v4;
	[tilespmem:v7+s23+$0x0] =	vst.idx.add.f32.msk $0xffff, v1  }
0x42a: {  	v6 =	vtrunc.f32 v6;
	[tilespmem:v5+s23+$0x0] =	vst.idx.add.f32.msk $0xffff, v1  }
0x42b: {  	v7 =	vld [tilespmem:s24+$0x112A0];
	v6 =	vcvt.f32.s32 v6  }
0x42c: {  	v5 =	vld [tilespmem:s24+$0x112E0];
	_ =	sdelay $0x2  }
0x42d: {  	[tilespmem:v4+s23+$0x0] =	vst.idx.add.f32.msk $0xffff, v1  }
0x42e: {  	v62 =	vld [tilespmem:s24+$0x116A0]  }
0x42f: {  	v4 =	vsub.f32 v7, v2;
	v5 =	vsub.f32 v5, v2;
	[tilespmem:v6+s23+$0x0] =	vst.idx.add.f32.msk $0xffff, v1  }
0x430: {  	v6 =	vld [tilespmem:s24+$0x116E0]  }
0x431: {  	v4 =	vmul.f32 v4, v3;
	v5 =	vmul.f32 v5, v3;
	_ =	sdelay $0x1  }
0x432: {  	v4 =	vmax.f32 v4, $0.0e+00;
	v5 =	vmax.f32 v5, $0.0e+00;
	v7 =	vsub.f32 v62, v2  }
0x433: {  	v4 =	vmin.f32 v4, $6.553500000e+04;
	v5 =	vmin.f32 v5, $6.553500000e+04  }
0x434: {  	v4 =	vtrunc.f32 v4;
	v6 =	vsub.f32 v6, v2;
	v7 =	vmul.f32 v7, v3  }
0x435: {  	v5 =	vtrunc.f32 v5;
	v4 =	vcvt.f32.s32 v4  }
0x436: {  	v5 =	vcvt.f32.s32 v5;
	v6 =	vmul.f32 v6, v3;
	v7 =	vmax.f32 v7, $0.0e+00  }
0x437: {  	v7 =	vmin.f32 v7, $6.553500000e+04  }
0x438: {  	v6 =	vmax.f32 v6, $0.0e+00;
	v7 =	vtrunc.f32 v7  }
0x439: {  	v6 =	vmin.f32 v6, $6.553500000e+04;
	v7 =	vcvt.f32.s32 v7  }
0x43a: {  	v6 =	vtrunc.f32 v6  }
0x43b: {  	[tilespmem:v4+s23+$0x0] =	vst.idx.add.f32.msk $0xffff, v1;
	v4 =	vcvt.f32.s32 v6  }
0x43c: {  	[tilespmem:v5+s23+$0x0] =	vst.idx.add.f32.msk $0xffff, v1  }
0x43d: {  	v63 =	vld [tilespmem:s24+$0x112B0]  }
0x43e: {  	v5 =	vld [tilespmem:s24+$0x112F0]  }
0x43f: {  	[tilespmem:v7+s23+$0x0] =	vst.idx.add.f32.msk $0xffff, v1  }
0x440: {  	v7 =	vld [tilespmem:s24+$0x116B0]  }
0x441: {  	[tilespmem:v4+s23+$0x0] =	vst.idx.add.f32.msk $0xffff, v1  }
0x442: {  	v4 =	vld [tilespmem:s24+$0x116F0];
	_ =	sdelay $0x1  }
0x443: {  	v6 =	vsub.f32 v63, v2;
	v5 =	vsub.f32 v5, v2;
	_ =	sdelay $0x1  }
0x444: {  	v6 =	vmul.f32 v6, v3;
	v5 =	vmul.f32 v5, v3;
	v7 =	vsub.f32 v7, v2  }
0x445: {  	v4 =	vsub.f32 v4, v2  }
0x446: {  	v6 =	vmax.f32 v6, $0.0e+00;
	v5 =	vmax.f32 v5, $0.0e+00;
	v7 =	vmul.f32 v7, v3  }
0x447: {  	v6 =	vmin.f32 v6, $6.553500000e+04;
	v5 =	vmin.f32 v5, $6.553500000e+04;
	v4 =	vmul.f32 v4, v3  }
0x448: {  	v6 =	vtrunc.f32 v6;
	v5 =	vtrunc.f32 v5;
	v7 =	vmax.f32 v7, $0.0e+00  }
0x449: {  	v6 =	vcvt.f32.s32 v6;
	v7 =	vmin.f32 v7, $6.553500000e+04;
	v4 =	vmax.f32 v4, $0.0e+00  }
0x44a: {  	v5 =	vcvt.f32.s32 v5;
	v7 =	vtrunc.f32 v7;
	v4 =	vmin.f32 v4, $6.553500000e+04  }
0x44b: {  	v7 =	vcvt.f32.s32 v7;
	v4 =	vtrunc.f32 v4  }
0x44c: {  	v4 =	vcvt.f32.s32 v4  }
0x44d: {  	p2 =	por p1, p1  }
.Ltmp16:
0x44e: {  	_ = 	snop;
	(pc) =	sbr.rel @p2 .LBB2_31-.Ltmp16, $4  }
0x44f: {  	[tilespmem:v6+s23+$0x0] =	vst.idx.add.f32.msk $0xffff, v1  }
0x450: {  	[tilespmem:v5+s23+$0x0] =	vst.idx.add.f32.msk $0xffff, v1  }
0x451: {  	[tilespmem:v7+s23+$0x0] =	vst.idx.add.f32.msk $0xffff, v1  }
0x452: {  	p0 =	por $0x1, $0x1;
	p1 =	por $0x0, $0x0;
	s24 =	simm.s32 $0x2000;
	[tilespmem:v4+s23+$0x0] =	vst.idx.add.f32.msk $0xffff, v1  }
0x453: {  	p1 =	por $0x1, $0x1  }
.LBB2_33:
0x454: {  	s23 =	sshra.s32 s23, $0x2  }
0x455: {  	v4 =	vld [tilespmem:s23+$0x11300]  }
0x456: {  	v5 =	vld [tilespmem:s23+$0x11340];
	_ =	sdelay $0x3  }
0x457: {  	v4 =	vsub.f32 v4, v2  }
0x458: {  	v5 =	vsub.f32 v5, v2  }
0x459: {  	v6 =	vld [tilespmem:s23+$0x11700];
	v4 =	vmul.f32 v4, v3  }
0x45a: {  	v5 =	vmul.f32 v5, v3  }
0x45b: {  	v7 =	vld [tilespmem:s23+$0x11740];
	v4 =	vmax.f32 v4, $0.0e+00  }
0x45c: {  	v5 =	vmax.f32 v5, $0.0e+00;
	v4 =	vmin.f32 v4, $6.553500000e+04  }
0x45d: {  	v5 =	vmin.f32 v5, $6.553500000e+04;
	v4 =	vtrunc.f32 v4  }
0x45e: {  	v6 =	vsub.f32 v6, v2;
	v5 =	vtrunc.f32 v5;
	v4 =	vcvt.f32.s32 v4  }
0x45f: {  	v5 =	vcvt.f32.s32 v5  }
0x460: {  	v7 =	vsub.f32 v7, v2;
	v6 =	vmul.f32 v6, v3;
	_ =	sdelay $0x1  }
0x461: {  	v7 =	vmul.f32 v7, v3;
	v6 =	vmax.f32 v6, $0.0e+00  }
0x462: {  	s24 =	simm.s32 $0x0;
	v6 =	vmin.f32 v6, $6.553500000e+04  }
0x463: {  	v7 =	vmax.f32 v7, $0.0e+00;
	v6 =	vtrunc.f32 v6;
	[tilespmem:v4+s24+$0x0] =	vst.idx.add.f32.msk $0xffff, v1  }
0x464: {  	v60 =	vmin.f32 v7, $6.553500000e+04;
	v4 =	vcvt.f32.s32 v6;
	[tilespmem:v5+s24+$0x0] =	vst.idx.add.f32.msk $0xffff, v1  }
0x465: {  	v6 =	vtrunc.f32 v60;
	v61 =	vld [tilespmem:s23+$0x11310]  }
0x466: {  	v6 =	vcvt.f32.s32 v6;
	v5 =	vld [tilespmem:s23+$0x11350];
	_ =	sdelay $0x3  }
0x467: {  	v7 =	vsub.f32 v61, v2;
	[tilespmem:v4+s24+$0x0] =	vst.idx.add.f32.msk $0xffff, v1  }
0x468: {  	v5 =	vsub.f32 v5, v2;
	v4 =	vld [tilespmem:s23+$0x11710]  }
0x469: {  	[tilespmem:v6+s24+$0x0] =	vst.idx.add.f32.msk $0xffff, v1;
	v7 =	vmul.f32 v7, v3  }
0x46a: {  	v6 =	vld [tilespmem:s23+$0x11750];
	v5 =	vmul.f32 v5, v3  }
0x46b: {  	v7 =	vmax.f32 v7, $0.0e+00  }
0x46c: {  	v5 =	vmax.f32 v5, $0.0e+00;
	v7 =	vmin.f32 v7, $6.553500000e+04  }
0x46d: {  	v5 =	vmin.f32 v5, $6.553500000e+04;
	v7 =	vtrunc.f32 v7;
	v4 =	vsub.f32 v4, v2  }
0x46e: {  	v5 =	vtrunc.f32 v5;
	v7 =	vcvt.f32.s32 v7  }
0x46f: {  	v6 =	vsub.f32 v6, v2;
	v5 =	vcvt.f32.s32 v5;
	v4 =	vmul.f32 v4, v3;
	_ =	sdelay $0x1  }
0x470: {  	v6 =	vmul.f32 v6, v3;
	v4 =	vmax.f32 v4, $0.0e+00  }
0x471: {  	v4 =	vmin.f32 v4, $6.553500000e+04  }
0x472: {  	v6 =	vmax.f32 v6, $0.0e+00;
	v4 =	vtrunc.f32 v4  }
0x473: {  	v6 =	vmin.f32 v6, $6.553500000e+04;
	v4 =	vcvt.f32.s32 v4;
	[tilespmem:v7+s24+$0x0] =	vst.idx.add.f32.msk $0xffff, v1  }
0x474: {  	v6 =	vtrunc.f32 v6;
	[tilespmem:v5+s24+$0x0] =	vst.idx.add.f32.msk $0xffff, v1  }
0x475: {  	v7 =	vld [tilespmem:s23+$0x11320];
	v6 =	vcvt.f32.s32 v6  }
0x476: {  	v5 =	vld [tilespmem:s23+$0x11360];
	_ =	sdelay $0x2  }
0x477: {  	[tilespmem:v4+s24+$0x0] =	vst.idx.add.f32.msk $0xffff, v1  }
0x478: {  	v62 =	vld [tilespmem:s23+$0x11720]  }
0x479: {  	v4 =	vsub.f32 v7, v2;
	v5 =	vsub.f32 v5, v2;
	[tilespmem:v6+s24+$0x0] =	vst.idx.add.f32.msk $0xffff, v1  }
0x47a: {  	v6 =	vld [tilespmem:s23+$0x11760]  }
0x47b: {  	v4 =	vmul.f32 v4, v3;
	v5 =	vmul.f32 v5, v3;
	_ =	sdelay $0x1  }
0x47c: {  	v4 =	vmax.f32 v4, $0.0e+00;
	v5 =	vmax.f32 v5, $0.0e+00;
	v7 =	vsub.f32 v62, v2  }
0x47d: {  	v4 =	vmin.f32 v4, $6.553500000e+04;
	v5 =	vmin.f32 v5, $6.553500000e+04  }
0x47e: {  	v4 =	vtrunc.f32 v4;
	v6 =	vsub.f32 v6, v2;
	v7 =	vmul.f32 v7, v3  }
0x47f: {  	v5 =	vtrunc.f32 v5;
	v4 =	vcvt.f32.s32 v4  }
0x480: {  	v5 =	vcvt.f32.s32 v5;
	v6 =	vmul.f32 v6, v3;
	v7 =	vmax.f32 v7, $0.0e+00  }
0x481: {  	v7 =	vmin.f32 v7, $6.553500000e+04  }
0x482: {  	v6 =	vmax.f32 v6, $0.0e+00;
	v7 =	vtrunc.f32 v7  }
0x483: {  	v6 =	vmin.f32 v6, $6.553500000e+04;
	v7 =	vcvt.f32.s32 v7  }
0x484: {  	v6 =	vtrunc.f32 v6  }
0x485: {  	[tilespmem:v4+s24+$0x0] =	vst.idx.add.f32.msk $0xffff, v1;
	v4 =	vcvt.f32.s32 v6  }
0x486: {  	[tilespmem:v5+s24+$0x0] =	vst.idx.add.f32.msk $0xffff, v1  }
0x487: {  	v63 =	vld [tilespmem:s23+$0x11330]  }
0x488: {  	v5 =	vld [tilespmem:s23+$0x11370]  }
0x489: {  	[tilespmem:v7+s24+$0x0] =	vst.idx.add.f32.msk $0xffff, v1  }
0x48a: {  	v7 =	vld [tilespmem:s23+$0x11730]  }
0x48b: {  	[tilespmem:v4+s24+$0x0] =	vst.idx.add.f32.msk $0xffff, v1  }
0x48c: {  	v4 =	vld [tilespmem:s23+$0x11770];
	_ =	sdelay $0x1  }
0x48d: {  	v6 =	vsub.f32 v63, v2;
	v5 =	vsub.f32 v5, v2;
	_ =	sdelay $0x1  }
0x48e: {  	v6 =	vmul.f32 v6, v3;
	v5 =	vmul.f32 v5, v3;
	v7 =	vsub.f32 v7, v2  }
0x48f: {  	v4 =	vsub.f32 v4, v2  }
0x490: {  	v6 =	vmax.f32 v6, $0.0e+00;
	v5 =	vmax.f32 v5, $0.0e+00;
	v7 =	vmul.f32 v7, v3  }
0x491: {  	v6 =	vmin.f32 v6, $6.553500000e+04;
	v5 =	vmin.f32 v5, $6.553500000e+04;
	v4 =	vmul.f32 v4, v3  }
0x492: {  	v6 =	vtrunc.f32 v6;
	v5 =	vtrunc.f32 v5;
	v7 =	vmax.f32 v7, $0.0e+00  }
0x493: {  	v6 =	vcvt.f32.s32 v6;
	v7 =	vmin.f32 v7, $6.553500000e+04;
	v4 =	vmax.f32 v4, $0.0e+00  }
0x494: {  	v5 =	vcvt.f32.s32 v5;
	v7 =	vtrunc.f32 v7;
	v4 =	vmin.f32 v4, $6.553500000e+04  }
0x495: {  	v7 =	vcvt.f32.s32 v7;
	v4 =	vtrunc.f32 v4  }
0x496: {  	v4 =	vcvt.f32.s32 v4  }
0x497: {  	p2 =	por p1, p1  }
.Ltmp17:
0x498: {  	_ = 	snop;
	(pc) =	sbr.rel @p2 .LBB2_33-.Ltmp17, $4  }
0x499: {  	[tilespmem:v6+s24+$0x0] =	vst.idx.add.f32.msk $0xffff, v1  }
0x49a: {  	[tilespmem:v5+s24+$0x0] =	vst.idx.add.f32.msk $0xffff, v1  }
0x49b: {  	[tilespmem:v7+s24+$0x0] =	vst.idx.add.f32.msk $0xffff, v1  }
0x49c: {  	p1 =	por $0x0, $0x0;
	s23 =	simm.s32 $0x2000;
	[tilespmem:v4+s24+$0x0] =	vst.idx.add.f32.msk $0xffff, v1  }
.LBB2_34:
0x49d: {  	s23 =	sshra.s32 s24, $0x2  }
0x49e: {  	v4 =	vld [tilespmem:s23+$0x11380]  }
0x49f: {  	v5 =	vld [tilespmem:s23+$0x113C0];
	_ =	sdelay $0x3  }
0x4a0: {  	v4 =	vsub.f32 v4, v2  }
0x4a1: {  	v5 =	vsub.f32 v5, v2  }
0x4a2: {  	v6 =	vld [tilespmem:s23+$0x11780];
	v4 =	vmul.f32 v4, v3  }
0x4a3: {  	v5 =	vmul.f32 v5, v3  }
0x4a4: {  	v7 =	vld [tilespmem:s23+$0x117C0];
	v4 =	vmax.f32 v4, $0.0e+00  }
0x4a5: {  	v5 =	vmax.f32 v5, $0.0e+00;
	v4 =	vmin.f32 v4, $6.553500000e+04  }
0x4a6: {  	v5 =	vmin.f32 v5, $6.553500000e+04;
	v4 =	vtrunc.f32 v4  }
0x4a7: {  	v6 =	vsub.f32 v6, v2;
	v5 =	vtrunc.f32 v5;
	v4 =	vcvt.f32.s32 v4  }
0x4a8: {  	v5 =	vcvt.f32.s32 v5  }
0x4a9: {  	v7 =	vsub.f32 v7, v2;
	v6 =	vmul.f32 v6, v3;
	_ =	sdelay $0x1  }
0x4aa: {  	v7 =	vmul.f32 v7, v3;
	v6 =	vmax.f32 v6, $0.0e+00  }
0x4ab: {  	v6 =	vmin.f32 v6, $6.553500000e+04  }
0x4ac: {  	v7 =	vmax.f32 v7, $0.0e+00;
	v6 =	vtrunc.f32 v6;
	[tilespmem:v4+s3+$0x0] =	vst.idx.add.f32.msk $0xffff, v1  }
0x4ad: {  	v60 =	vmin.f32 v7, $6.553500000e+04;
	v4 =	vcvt.f32.s32 v6;
	[tilespmem:v5+s3+$0x0] =	vst.idx.add.f32.msk $0xffff, v1  }
0x4ae: {  	v6 =	vtrunc.f32 v60;
	v61 =	vld [tilespmem:s23+$0x11390]  }
0x4af: {  	v6 =	vcvt.f32.s32 v6;
	v5 =	vld [tilespmem:s23+$0x113D0];
	_ =	sdelay $0x3  }
0x4b0: {  	v7 =	vsub.f32 v61, v2;
	[tilespmem:v4+s3+$0x0] =	vst.idx.add.f32.msk $0xffff, v1  }
0x4b1: {  	v5 =	vsub.f32 v5, v2;
	v4 =	vld [tilespmem:s23+$0x11790]  }
0x4b2: {  	[tilespmem:v6+s3+$0x0] =	vst.idx.add.f32.msk $0xffff, v1;
	v7 =	vmul.f32 v7, v3  }
0x4b3: {  	v6 =	vld [tilespmem:s23+$0x117D0];
	v5 =	vmul.f32 v5, v3  }
0x4b4: {  	v7 =	vmax.f32 v7, $0.0e+00  }
0x4b5: {  	v5 =	vmax.f32 v5, $0.0e+00;
	v7 =	vmin.f32 v7, $6.553500000e+04  }
0x4b6: {  	v5 =	vmin.f32 v5, $6.553500000e+04;
	v7 =	vtrunc.f32 v7;
	v4 =	vsub.f32 v4, v2  }
0x4b7: {  	v5 =	vtrunc.f32 v5;
	v7 =	vcvt.f32.s32 v7  }
0x4b8: {  	v6 =	vsub.f32 v6, v2;
	v5 =	vcvt.f32.s32 v5;
	v4 =	vmul.f32 v4, v3;
	_ =	sdelay $0x1  }
0x4b9: {  	v6 =	vmul.f32 v6, v3;
	v4 =	vmax.f32 v4, $0.0e+00  }
0x4ba: {  	v4 =	vmin.f32 v4, $6.553500000e+04  }
0x4bb: {  	v6 =	vmax.f32 v6, $0.0e+00;
	v4 =	vtrunc.f32 v4  }
0x4bc: {  	v6 =	vmin.f32 v6, $6.553500000e+04;
	v4 =	vcvt.f32.s32 v4;
	[tilespmem:v7+s3+$0x0] =	vst.idx.add.f32.msk $0xffff, v1  }
0x4bd: {  	v6 =	vtrunc.f32 v6;
	[tilespmem:v5+s3+$0x0] =	vst.idx.add.f32.msk $0xffff, v1  }
0x4be: {  	v7 =	vld [tilespmem:s23+$0x113A0];
	v6 =	vcvt.f32.s32 v6  }
0x4bf: {  	v5 =	vld [tilespmem:s23+$0x113E0];
	_ =	sdelay $0x2  }
0x4c0: {  	[tilespmem:v4+s3+$0x0] =	vst.idx.add.f32.msk $0xffff, v1  }
0x4c1: {  	v62 =	vld [tilespmem:s23+$0x117A0]  }
0x4c2: {  	v4 =	vsub.f32 v7, v2;
	v5 =	vsub.f32 v5, v2;
	[tilespmem:v6+s3+$0x0] =	vst.idx.add.f32.msk $0xffff, v1  }
0x4c3: {  	v6 =	vld [tilespmem:s23+$0x117E0]  }
0x4c4: {  	v4 =	vmul.f32 v4, v3;
	v5 =	vmul.f32 v5, v3;
	_ =	sdelay $0x1  }
0x4c5: {  	v4 =	vmax.f32 v4, $0.0e+00;
	v5 =	vmax.f32 v5, $0.0e+00;
	v7 =	vsub.f32 v62, v2  }
0x4c6: {  	v4 =	vmin.f32 v4, $6.553500000e+04;
	v5 =	vmin.f32 v5, $6.553500000e+04  }
0x4c7: {  	v4 =	vtrunc.f32 v4;
	v6 =	vsub.f32 v6, v2;
	v7 =	vmul.f32 v7, v3  }
0x4c8: {  	v5 =	vtrunc.f32 v5;
	v4 =	vcvt.f32.s32 v4  }
0x4c9: {  	v5 =	vcvt.f32.s32 v5;
	v6 =	vmul.f32 v6, v3;
	v7 =	vmax.f32 v7, $0.0e+00  }
0x4ca: {  	v7 =	vmin.f32 v7, $6.553500000e+04  }
0x4cb: {  	v6 =	vmax.f32 v6, $0.0e+00;
	v7 =	vtrunc.f32 v7  }
0x4cc: {  	v6 =	vmin.f32 v6, $6.553500000e+04;
	v7 =	vcvt.f32.s32 v7  }
0x4cd: {  	v6 =	vtrunc.f32 v6  }
0x4ce: {  	[tilespmem:v4+s3+$0x0] =	vst.idx.add.f32.msk $0xffff, v1;
	v4 =	vcvt.f32.s32 v6  }
0x4cf: {  	[tilespmem:v5+s3+$0x0] =	vst.idx.add.f32.msk $0xffff, v1  }
0x4d0: {  	v63 =	vld [tilespmem:s23+$0x113B0]  }
0x4d1: {  	v5 =	vld [tilespmem:s23+$0x113F0]  }
0x4d2: {  	[tilespmem:v7+s3+$0x0] =	vst.idx.add.f32.msk $0xffff, v1  }
0x4d3: {  	v7 =	vld [tilespmem:s23+$0x117B0]  }
0x4d4: {  	[tilespmem:v4+s3+$0x0] =	vst.idx.add.f32.msk $0xffff, v1  }
0x4d5: {  	v4 =	vld [tilespmem:s23+$0x117F0];
	_ =	sdelay $0x1  }
0x4d6: {  	v6 =	vsub.f32 v63, v2;
	v5 =	vsub.f32 v5, v2;
	_ =	sdelay $0x1  }
0x4d7: {  	v6 =	vmul.f32 v6, v3;
	v5 =	vmul.f32 v5, v3;
	v7 =	vsub.f32 v7, v2  }
0x4d8: {  	v4 =	vsub.f32 v4, v2  }
0x4d9: {  	v6 =	vmax.f32 v6, $0.0e+00;
	v5 =	vmax.f32 v5, $0.0e+00;
	v7 =	vmul.f32 v7, v3  }
0x4da: {  	v6 =	vmin.f32 v6, $6.553500000e+04;
	v5 =	vmin.f32 v5, $6.553500000e+04;
	v4 =	vmul.f32 v4, v3  }
0x4db: {  	v6 =	vtrunc.f32 v6;
	v5 =	vtrunc.f32 v5;
	v7 =	vmax.f32 v7, $0.0e+00  }
0x4dc: {  	v6 =	vcvt.f32.s32 v6;
	v7 =	vmin.f32 v7, $6.553500000e+04;
	v4 =	vmax.f32 v4, $0.0e+00  }
0x4dd: {  	v5 =	vcvt.f32.s32 v5;
	v7 =	vtrunc.f32 v7;
	v4 =	vmin.f32 v4, $6.553500000e+04  }
0x4de: {  	v7 =	vcvt.f32.s32 v7;
	v4 =	vtrunc.f32 v4  }
0x4df: {  	v4 =	vcvt.f32.s32 v4  }
0x4e0: {  	p1 =	por p0, p0  }
.Ltmp18:
0x4e1: {  	_ = 	snop;
	(pc) =	sbr.rel @p1 .LBB2_34-.Ltmp18, $4  }
0x4e2: {  	[tilespmem:v6+s3+$0x0] =	vst.idx.add.f32.msk $0xffff, v1  }
0x4e3: {  	[tilespmem:v5+s3+$0x0] =	vst.idx.add.f32.msk $0xffff, v1  }
0x4e4: {  	[tilespmem:v7+s3+$0x0] =	vst.idx.add.f32.msk $0xffff, v1  }
0x4e5: {  	s24 =	simm.s32 $0x2000;
	p0 =	por $0x0, $0x0;
	[tilespmem:v4+s3+$0x0] =	vst.idx.add.f32.msk $0xffff, v1  }
0x4e6: {  	s23 =	sshll.u32 s22, $0x5  }
0x4e7: {  	p0 =	seq.s32 s22, $0xF;
	s23 =	sadd.s32 s4, s23  }
0x4e8: {  	s24 =	sshll.u32 @!p0 s23, $0x6  }
0x4e9: {  	s25 =	simm.s32 @!p0 $0x0;
	s26 =	simm.s32 @!p0 $0x10000;
	s24 =	sadd.s32 @!p0 s24, s8  }
0x4ea: {  	[tilespmem:s26], [sflag:$0x1] =	stream.linear.gather @!p0 [hbm4b:s24+s25], $0x2000, $0x38;
	[tilespmem:$0x14100] =	vst v63  }
0x4eb: {  	_ =	swait.ge [sflag:s18], $0x2000  }
0x4ec: {  	p2 =	por $0x1, $0x1;
	p1 =	por $0x1, $0x1;
	[sflag:s18] =	ssyncset.done $0x0  }
0x4ed: {  	s25 =	simm.s32 $0x0;
	s24 =	simm.s32 $0x0;
	[sflag:s18] =	ssyncadd.s32 $0xFFFFE000  }
.LBB2_36:
0x4ee: {  	s24 =	sshra.s32 s24, $0x2  }
0x4ef: {  	v4 =	vld [tilespmem:s24+$0x12000]  }
0x4f0: {  	v5 =	vld [tilespmem:s24+$0x12040];
	_ =	sdelay $0x3  }
0x4f1: {  	v4 =	vsub.f32 v4, v2  }
0x4f2: {  	v5 =	vsub.f32 v5, v2  }
0x4f3: {  	v6 =	vld [tilespmem:s24+$0x12400];
	v4 =	vmul.f32 v4, v3  }
0x4f4: {  	v5 =	vmul.f32 v5, v3  }
0x4f5: {  	v7 =	vld [tilespmem:s24+$0x12440];
	v4 =	vmax.f32 v4, $0.0e+00  }
0x4f6: {  	v5 =	vmax.f32 v5, $0.0e+00;
	v4 =	vmin.f32 v4, $6.553500000e+04  }
0x4f7: {  	v5 =	vmin.f32 v5, $6.553500000e+04;
	v4 =	vtrunc.f32 v4  }
0x4f8: {  	v6 =	vsub.f32 v6, v2;
	v5 =	vtrunc.f32 v5;
	v4 =	vcvt.f32.s32 v4  }
0x4f9: {  	v5 =	vcvt.f32.s32 v5  }
0x4fa: {  	v7 =	vsub.f32 v7, v2;
	v6 =	vmul.f32 v6, v3;
	_ =	sdelay $0x1  }
0x4fb: {  	v7 =	vmul.f32 v7, v3;
	v6 =	vmax.f32 v6, $0.0e+00  }
0x4fc: {  	v6 =	vmin.f32 v6, $6.553500000e+04  }
0x4fd: {  	v7 =	vmax.f32 v7, $0.0e+00;
	v6 =	vtrunc.f32 v6;
	[tilespmem:v4+s25+$0x0] =	vst.idx.add.f32.msk $0xffff, v1  }
0x4fe: {  	v60 =	vmin.f32 v7, $6.553500000e+04;
	v4 =	vcvt.f32.s32 v6;
	[tilespmem:v5+s25+$0x0] =	vst.idx.add.f32.msk $0xffff, v1  }
0x4ff: {  	v6 =	vtrunc.f32 v60;
	v61 =	vld [tilespmem:s24+$0x12010]  }
0x500: {  	v6 =	vcvt.f32.s32 v6;
	v5 =	vld [tilespmem:s24+$0x12050];
	_ =	sdelay $0x3  }
0x501: {  	v7 =	vsub.f32 v61, v2;
	[tilespmem:v4+s25+$0x0] =	vst.idx.add.f32.msk $0xffff, v1  }
0x502: {  	v5 =	vsub.f32 v5, v2;
	v4 =	vld [tilespmem:s24+$0x12410]  }
0x503: {  	[tilespmem:v6+s25+$0x0] =	vst.idx.add.f32.msk $0xffff, v1;
	v7 =	vmul.f32 v7, v3  }
0x504: {  	v6 =	vld [tilespmem:s24+$0x12450];
	v5 =	vmul.f32 v5, v3  }
0x505: {  	v7 =	vmax.f32 v7, $0.0e+00  }
0x506: {  	v5 =	vmax.f32 v5, $0.0e+00;
	v7 =	vmin.f32 v7, $6.553500000e+04  }
0x507: {  	v5 =	vmin.f32 v5, $6.553500000e+04;
	v7 =	vtrunc.f32 v7;
	v4 =	vsub.f32 v4, v2  }
0x508: {  	v5 =	vtrunc.f32 v5;
	v7 =	vcvt.f32.s32 v7  }
0x509: {  	v6 =	vsub.f32 v6, v2;
	v5 =	vcvt.f32.s32 v5;
	v4 =	vmul.f32 v4, v3;
	_ =	sdelay $0x1  }
0x50a: {  	v6 =	vmul.f32 v6, v3;
	v4 =	vmax.f32 v4, $0.0e+00  }
0x50b: {  	v4 =	vmin.f32 v4, $6.553500000e+04  }
0x50c: {  	v6 =	vmax.f32 v6, $0.0e+00;
	v4 =	vtrunc.f32 v4  }
0x50d: {  	v6 =	vmin.f32 v6, $6.553500000e+04;
	v4 =	vcvt.f32.s32 v4;
	[tilespmem:v7+s25+$0x0] =	vst.idx.add.f32.msk $0xffff, v1  }
0x50e: {  	v6 =	vtrunc.f32 v6;
	[tilespmem:v5+s25+$0x0] =	vst.idx.add.f32.msk $0xffff, v1  }
0x50f: {  	v7 =	vld [tilespmem:s24+$0x12020];
	v6 =	vcvt.f32.s32 v6  }
0x510: {  	v5 =	vld [tilespmem:s24+$0x12060];
	_ =	sdelay $0x2  }
0x511: {  	[tilespmem:v4+s25+$0x0] =	vst.idx.add.f32.msk $0xffff, v1  }
0x512: {  	v62 =	vld [tilespmem:s24+$0x12420]  }
0x513: {  	v4 =	vsub.f32 v7, v2;
	v5 =	vsub.f32 v5, v2;
	[tilespmem:v6+s25+$0x0] =	vst.idx.add.f32.msk $0xffff, v1  }
0x514: {  	v6 =	vld [tilespmem:s24+$0x12460]  }
0x515: {  	v4 =	vmul.f32 v4, v3;
	v5 =	vmul.f32 v5, v3;
	_ =	sdelay $0x1  }
0x516: {  	v4 =	vmax.f32 v4, $0.0e+00;
	v5 =	vmax.f32 v5, $0.0e+00;
	v7 =	vsub.f32 v62, v2  }
0x517: {  	v4 =	vmin.f32 v4, $6.553500000e+04;
	v5 =	vmin.f32 v5, $6.553500000e+04  }
0x518: {  	v4 =	vtrunc.f32 v4;
	v6 =	vsub.f32 v6, v2;
	v7 =	vmul.f32 v7, v3  }
0x519: {  	v5 =	vtrunc.f32 v5;
	v4 =	vcvt.f32.s32 v4  }
0x51a: {  	v5 =	vcvt.f32.s32 v5;
	v6 =	vmul.f32 v6, v3;
	v7 =	vmax.f32 v7, $0.0e+00  }
0x51b: {  	v7 =	vmin.f32 v7, $6.553500000e+04  }
0x51c: {  	v6 =	vmax.f32 v6, $0.0e+00;
	v7 =	vtrunc.f32 v7  }
0x51d: {  	v6 =	vmin.f32 v6, $6.553500000e+04;
	v7 =	vcvt.f32.s32 v7  }
0x51e: {  	v6 =	vtrunc.f32 v6  }
0x51f: {  	[tilespmem:v4+s25+$0x0] =	vst.idx.add.f32.msk $0xffff, v1;
	v4 =	vcvt.f32.s32 v6  }
0x520: {  	[tilespmem:v5+s25+$0x0] =	vst.idx.add.f32.msk $0xffff, v1  }
0x521: {  	v63 =	vld [tilespmem:s24+$0x12030]  }
0x522: {  	v5 =	vld [tilespmem:s24+$0x12070]  }
0x523: {  	[tilespmem:v7+s25+$0x0] =	vst.idx.add.f32.msk $0xffff, v1  }
0x524: {  	v7 =	vld [tilespmem:s24+$0x12430]  }
0x525: {  	[tilespmem:v4+s25+$0x0] =	vst.idx.add.f32.msk $0xffff, v1  }
0x526: {  	v4 =	vld [tilespmem:s24+$0x12470];
	_ =	sdelay $0x1  }
0x527: {  	v6 =	vsub.f32 v63, v2;
	v5 =	vsub.f32 v5, v2;
	_ =	sdelay $0x1  }
0x528: {  	v6 =	vmul.f32 v6, v3;
	v5 =	vmul.f32 v5, v3;
	v7 =	vsub.f32 v7, v2  }
0x529: {  	v4 =	vsub.f32 v4, v2  }
0x52a: {  	v6 =	vmax.f32 v6, $0.0e+00;
	v5 =	vmax.f32 v5, $0.0e+00;
	v7 =	vmul.f32 v7, v3  }
0x52b: {  	v6 =	vmin.f32 v6, $6.553500000e+04;
	v5 =	vmin.f32 v5, $6.553500000e+04;
	v4 =	vmul.f32 v4, v3  }
0x52c: {  	v6 =	vtrunc.f32 v6;
	v5 =	vtrunc.f32 v5;
	v7 =	vmax.f32 v7, $0.0e+00  }
0x52d: {  	v6 =	vcvt.f32.s32 v6;
	v7 =	vmin.f32 v7, $6.553500000e+04;
	v4 =	vmax.f32 v4, $0.0e+00  }
0x52e: {  	v5 =	vcvt.f32.s32 v5;
	v7 =	vtrunc.f32 v7;
	v4 =	vmin.f32 v4, $6.553500000e+04  }
0x52f: {  	v7 =	vcvt.f32.s32 v7;
	v4 =	vtrunc.f32 v4  }
0x530: {  	v4 =	vcvt.f32.s32 v4  }
0x531: {  	p3 =	por p1, p1  }
.Ltmp19:
0x532: {  	_ = 	snop;
	(pc) =	sbr.rel @p3 .LBB2_36-.Ltmp19, $4  }
0x533: {  	[tilespmem:v6+s25+$0x0] =	vst.idx.add.f32.msk $0xffff, v1  }
0x534: {  	[tilespmem:v5+s25+$0x0] =	vst.idx.add.f32.msk $0xffff, v1  }
0x535: {  	[tilespmem:v7+s25+$0x0] =	vst.idx.add.f32.msk $0xffff, v1  }
0x536: {  	p1 =	por $0x0, $0x0;
	s24 =	simm.s32 $0x2000;
	[tilespmem:v4+s25+$0x0] =	vst.idx.add.f32.msk $0xffff, v1  }
.LBB2_37:
0x537: {  	s25 =	sshra.s32 s25, $0x2  }
0x538: {  	v4 =	vld [tilespmem:s25+$0x12080]  }
0x539: {  	v5 =	vld [tilespmem:s25+$0x120C0];
	_ =	sdelay $0x3  }
0x53a: {  	v4 =	vsub.f32 v4, v2  }
0x53b: {  	v5 =	vsub.f32 v5, v2  }
0x53c: {  	v6 =	vld [tilespmem:s25+$0x12480];
	v4 =	vmul.f32 v4, v3  }
0x53d: {  	v5 =	vmul.f32 v5, v3  }
0x53e: {  	v7 =	vld [tilespmem:s25+$0x124C0];
	v4 =	vmax.f32 v4, $0.0e+00  }
0x53f: {  	v5 =	vmax.f32 v5, $0.0e+00;
	v4 =	vmin.f32 v4, $6.553500000e+04  }
0x540: {  	v5 =	vmin.f32 v5, $6.553500000e+04;
	v4 =	vtrunc.f32 v4  }
0x541: {  	v6 =	vsub.f32 v6, v2;
	v5 =	vtrunc.f32 v5;
	v4 =	vcvt.f32.s32 v4  }
0x542: {  	v5 =	vcvt.f32.s32 v5  }
0x543: {  	v7 =	vsub.f32 v7, v2;
	v6 =	vmul.f32 v6, v3;
	_ =	sdelay $0x1  }
0x544: {  	v7 =	vmul.f32 v7, v3;
	v6 =	vmax.f32 v6, $0.0e+00  }
0x545: {  	s24 =	simm.s32 $0x0;
	v6 =	vmin.f32 v6, $6.553500000e+04  }
0x546: {  	v7 =	vmax.f32 v7, $0.0e+00;
	v6 =	vtrunc.f32 v6;
	[tilespmem:v4+s24+$0x0] =	vst.idx.add.f32.msk $0xffff, v1  }
0x547: {  	v60 =	vmin.f32 v7, $6.553500000e+04;
	v4 =	vcvt.f32.s32 v6;
	[tilespmem:v5+s24+$0x0] =	vst.idx.add.f32.msk $0xffff, v1  }
0x548: {  	v6 =	vtrunc.f32 v60;
	v61 =	vld [tilespmem:s25+$0x12090]  }
0x549: {  	v6 =	vcvt.f32.s32 v6;
	v5 =	vld [tilespmem:s25+$0x120D0];
	_ =	sdelay $0x3  }
0x54a: {  	v7 =	vsub.f32 v61, v2;
	[tilespmem:v4+s24+$0x0] =	vst.idx.add.f32.msk $0xffff, v1  }
0x54b: {  	v5 =	vsub.f32 v5, v2;
	v4 =	vld [tilespmem:s25+$0x12490]  }
0x54c: {  	[tilespmem:v6+s24+$0x0] =	vst.idx.add.f32.msk $0xffff, v1;
	v7 =	vmul.f32 v7, v3  }
0x54d: {  	v6 =	vld [tilespmem:s25+$0x124D0];
	v5 =	vmul.f32 v5, v3  }
0x54e: {  	v7 =	vmax.f32 v7, $0.0e+00  }
0x54f: {  	v5 =	vmax.f32 v5, $0.0e+00;
	v7 =	vmin.f32 v7, $6.553500000e+04  }
0x550: {  	v5 =	vmin.f32 v5, $6.553500000e+04;
	v7 =	vtrunc.f32 v7;
	v4 =	vsub.f32 v4, v2  }
0x551: {  	v5 =	vtrunc.f32 v5;
	v7 =	vcvt.f32.s32 v7  }
0x552: {  	v6 =	vsub.f32 v6, v2;
	v5 =	vcvt.f32.s32 v5;
	v4 =	vmul.f32 v4, v3;
	_ =	sdelay $0x1  }
0x553: {  	v6 =	vmul.f32 v6, v3;
	v4 =	vmax.f32 v4, $0.0e+00  }
0x554: {  	v4 =	vmin.f32 v4, $6.553500000e+04  }
0x555: {  	v6 =	vmax.f32 v6, $0.0e+00;
	v4 =	vtrunc.f32 v4  }
0x556: {  	v6 =	vmin.f32 v6, $6.553500000e+04;
	v4 =	vcvt.f32.s32 v4;
	[tilespmem:v7+s24+$0x0] =	vst.idx.add.f32.msk $0xffff, v1  }
0x557: {  	v6 =	vtrunc.f32 v6;
	[tilespmem:v5+s24+$0x0] =	vst.idx.add.f32.msk $0xffff, v1  }
0x558: {  	v7 =	vld [tilespmem:s25+$0x120A0];
	v6 =	vcvt.f32.s32 v6  }
0x559: {  	v5 =	vld [tilespmem:s25+$0x120E0];
	_ =	sdelay $0x2  }
0x55a: {  	[tilespmem:v4+s24+$0x0] =	vst.idx.add.f32.msk $0xffff, v1  }
0x55b: {  	v62 =	vld [tilespmem:s25+$0x124A0]  }
0x55c: {  	v4 =	vsub.f32 v7, v2;
	v5 =	vsub.f32 v5, v2;
	[tilespmem:v6+s24+$0x0] =	vst.idx.add.f32.msk $0xffff, v1  }
0x55d: {  	v6 =	vld [tilespmem:s25+$0x124E0]  }
0x55e: {  	v4 =	vmul.f32 v4, v3;
	v5 =	vmul.f32 v5, v3;
	_ =	sdelay $0x1  }
0x55f: {  	v4 =	vmax.f32 v4, $0.0e+00;
	v5 =	vmax.f32 v5, $0.0e+00;
	v7 =	vsub.f32 v62, v2  }
0x560: {  	v4 =	vmin.f32 v4, $6.553500000e+04;
	v5 =	vmin.f32 v5, $6.553500000e+04  }
0x561: {  	v4 =	vtrunc.f32 v4;
	v6 =	vsub.f32 v6, v2;
	v7 =	vmul.f32 v7, v3  }
0x562: {  	v5 =	vtrunc.f32 v5;
	v4 =	vcvt.f32.s32 v4  }
0x563: {  	v5 =	vcvt.f32.s32 v5;
	v6 =	vmul.f32 v6, v3;
	v7 =	vmax.f32 v7, $0.0e+00  }
0x564: {  	v7 =	vmin.f32 v7, $6.553500000e+04  }
0x565: {  	v6 =	vmax.f32 v6, $0.0e+00;
	v7 =	vtrunc.f32 v7  }
0x566: {  	v6 =	vmin.f32 v6, $6.553500000e+04;
	v7 =	vcvt.f32.s32 v7  }
0x567: {  	v6 =	vtrunc.f32 v6  }
0x568: {  	[tilespmem:v4+s24+$0x0] =	vst.idx.add.f32.msk $0xffff, v1;
	v4 =	vcvt.f32.s32 v6  }
0x569: {  	[tilespmem:v5+s24+$0x0] =	vst.idx.add.f32.msk $0xffff, v1  }
0x56a: {  	v63 =	vld [tilespmem:s25+$0x120B0]  }
0x56b: {  	v5 =	vld [tilespmem:s25+$0x120F0]  }
0x56c: {  	[tilespmem:v7+s24+$0x0] =	vst.idx.add.f32.msk $0xffff, v1  }
0x56d: {  	v7 =	vld [tilespmem:s25+$0x124B0]  }
0x56e: {  	[tilespmem:v4+s24+$0x0] =	vst.idx.add.f32.msk $0xffff, v1  }
0x56f: {  	v4 =	vld [tilespmem:s25+$0x124F0];
	_ =	sdelay $0x1  }
0x570: {  	v6 =	vsub.f32 v63, v2;
	v5 =	vsub.f32 v5, v2;
	_ =	sdelay $0x1  }
0x571: {  	v6 =	vmul.f32 v6, v3;
	v5 =	vmul.f32 v5, v3;
	v7 =	vsub.f32 v7, v2  }
0x572: {  	v4 =	vsub.f32 v4, v2  }
0x573: {  	v6 =	vmax.f32 v6, $0.0e+00;
	v5 =	vmax.f32 v5, $0.0e+00;
	v7 =	vmul.f32 v7, v3  }
0x574: {  	v6 =	vmin.f32 v6, $6.553500000e+04;
	v5 =	vmin.f32 v5, $6.553500000e+04;
	v4 =	vmul.f32 v4, v3  }
0x575: {  	v6 =	vtrunc.f32 v6;
	v5 =	vtrunc.f32 v5;
	v7 =	vmax.f32 v7, $0.0e+00  }
0x576: {  	v6 =	vcvt.f32.s32 v6;
	v7 =	vmin.f32 v7, $6.553500000e+04;
	v4 =	vmax.f32 v4, $0.0e+00  }
0x577: {  	v5 =	vcvt.f32.s32 v5;
	v7 =	vtrunc.f32 v7;
	v4 =	vmin.f32 v4, $6.553500000e+04  }
0x578: {  	v7 =	vcvt.f32.s32 v7;
	v4 =	vtrunc.f32 v4  }
0x579: {  	v4 =	vcvt.f32.s32 v4  }
0x57a: {  	p3 =	por p2, p2  }
.Ltmp20:
0x57b: {  	_ = 	snop;
	(pc) =	sbr.rel @p3 .LBB2_37-.Ltmp20, $4  }
0x57c: {  	[tilespmem:v6+s24+$0x0] =	vst.idx.add.f32.msk $0xffff, v1  }
0x57d: {  	[tilespmem:v5+s24+$0x0] =	vst.idx.add.f32.msk $0xffff, v1  }
0x57e: {  	[tilespmem:v7+s24+$0x0] =	vst.idx.add.f32.msk $0xffff, v1  }
0x57f: {  	p1 =	por $0x1, $0x1;
	p2 =	por $0x0, $0x0;
	s25 =	simm.s32 $0x2000;
	[tilespmem:v4+s24+$0x0] =	vst.idx.add.f32.msk $0xffff, v1  }
0x580: {  	p2 =	por $0x1, $0x1;
	s25 =	simm.s32 $0x0  }
.LBB2_39:
0x581: {  	s25 =	sshra.s32 s25, $0x2  }
0x582: {  	v4 =	vld [tilespmem:s25+$0x12100]  }
0x583: {  	v5 =	vld [tilespmem:s25+$0x12140];
	_ =	sdelay $0x3  }
0x584: {  	v4 =	vsub.f32 v4, v2  }
0x585: {  	v5 =	vsub.f32 v5, v2  }
0x586: {  	v6 =	vld [tilespmem:s25+$0x12500];
	v4 =	vmul.f32 v4, v3  }
0x587: {  	v5 =	vmul.f32 v5, v3  }
0x588: {  	v7 =	vld [tilespmem:s25+$0x12540];
	v4 =	vmax.f32 v4, $0.0e+00  }
0x589: {  	v5 =	vmax.f32 v5, $0.0e+00;
	v4 =	vmin.f32 v4, $6.553500000e+04  }
0x58a: {  	v5 =	vmin.f32 v5, $6.553500000e+04;
	v4 =	vtrunc.f32 v4  }
0x58b: {  	v6 =	vsub.f32 v6, v2;
	v5 =	vtrunc.f32 v5;
	v4 =	vcvt.f32.s32 v4  }
0x58c: {  	v5 =	vcvt.f32.s32 v5  }
0x58d: {  	v7 =	vsub.f32 v7, v2;
	v6 =	vmul.f32 v6, v3;
	_ =	sdelay $0x1  }
0x58e: {  	v7 =	vmul.f32 v7, v3;
	v6 =	vmax.f32 v6, $0.0e+00  }
0x58f: {  	v6 =	vmin.f32 v6, $6.553500000e+04  }
0x590: {  	v7 =	vmax.f32 v7, $0.0e+00;
	v6 =	vtrunc.f32 v6;
	[tilespmem:v4+s24+$0x0] =	vst.idx.add.f32.msk $0xffff, v1  }
0x591: {  	v60 =	vmin.f32 v7, $6.553500000e+04;
	v4 =	vcvt.f32.s32 v6;
	[tilespmem:v5+s24+$0x0] =	vst.idx.add.f32.msk $0xffff, v1  }
0x592: {  	v6 =	vtrunc.f32 v60;
	v61 =	vld [tilespmem:s25+$0x12110]  }
0x593: {  	v6 =	vcvt.f32.s32 v6;
	v5 =	vld [tilespmem:s25+$0x12150];
	_ =	sdelay $0x3  }
0x594: {  	v7 =	vsub.f32 v61, v2;
	[tilespmem:v4+s24+$0x0] =	vst.idx.add.f32.msk $0xffff, v1  }
0x595: {  	v5 =	vsub.f32 v5, v2;
	v4 =	vld [tilespmem:s25+$0x12510]  }
0x596: {  	[tilespmem:v6+s24+$0x0] =	vst.idx.add.f32.msk $0xffff, v1;
	v7 =	vmul.f32 v7, v3  }
0x597: {  	v6 =	vld [tilespmem:s25+$0x12550];
	v5 =	vmul.f32 v5, v3  }
0x598: {  	v7 =	vmax.f32 v7, $0.0e+00  }
0x599: {  	v5 =	vmax.f32 v5, $0.0e+00;
	v7 =	vmin.f32 v7, $6.553500000e+04  }
0x59a: {  	v5 =	vmin.f32 v5, $6.553500000e+04;
	v7 =	vtrunc.f32 v7;
	v4 =	vsub.f32 v4, v2  }
0x59b: {  	v5 =	vtrunc.f32 v5;
	v7 =	vcvt.f32.s32 v7  }
0x59c: {  	v6 =	vsub.f32 v6, v2;
	v5 =	vcvt.f32.s32 v5;
	v4 =	vmul.f32 v4, v3;
	_ =	sdelay $0x1  }
0x59d: {  	v6 =	vmul.f32 v6, v3;
	v4 =	vmax.f32 v4, $0.0e+00  }
0x59e: {  	v4 =	vmin.f32 v4, $6.553500000e+04  }
0x59f: {  	v6 =	vmax.f32 v6, $0.0e+00;
	v4 =	vtrunc.f32 v4  }
0x5a0: {  	v6 =	vmin.f32 v6, $6.553500000e+04;
	v4 =	vcvt.f32.s32 v4;
	[tilespmem:v7+s24+$0x0] =	vst.idx.add.f32.msk $0xffff, v1  }
0x5a1: {  	v6 =	vtrunc.f32 v6;
	[tilespmem:v5+s24+$0x0] =	vst.idx.add.f32.msk $0xffff, v1  }
0x5a2: {  	v7 =	vld [tilespmem:s25+$0x12120];
	v6 =	vcvt.f32.s32 v6  }
0x5a3: {  	v5 =	vld [tilespmem:s25+$0x12160];
	_ =	sdelay $0x2  }
0x5a4: {  	[tilespmem:v4+s24+$0x0] =	vst.idx.add.f32.msk $0xffff, v1  }
0x5a5: {  	v62 =	vld [tilespmem:s25+$0x12520]  }
0x5a6: {  	v4 =	vsub.f32 v7, v2;
	v5 =	vsub.f32 v5, v2;
	[tilespmem:v6+s24+$0x0] =	vst.idx.add.f32.msk $0xffff, v1  }
0x5a7: {  	v6 =	vld [tilespmem:s25+$0x12560]  }
0x5a8: {  	v4 =	vmul.f32 v4, v3;
	v5 =	vmul.f32 v5, v3;
	_ =	sdelay $0x1  }
0x5a9: {  	v4 =	vmax.f32 v4, $0.0e+00;
	v5 =	vmax.f32 v5, $0.0e+00;
	v7 =	vsub.f32 v62, v2  }
0x5aa: {  	v4 =	vmin.f32 v4, $6.553500000e+04;
	v5 =	vmin.f32 v5, $6.553500000e+04  }
0x5ab: {  	v4 =	vtrunc.f32 v4;
	v6 =	vsub.f32 v6, v2;
	v7 =	vmul.f32 v7, v3  }
0x5ac: {  	v5 =	vtrunc.f32 v5;
	v4 =	vcvt.f32.s32 v4  }
0x5ad: {  	v5 =	vcvt.f32.s32 v5;
	v6 =	vmul.f32 v6, v3;
	v7 =	vmax.f32 v7, $0.0e+00  }
0x5ae: {  	v7 =	vmin.f32 v7, $6.553500000e+04  }
0x5af: {  	v6 =	vmax.f32 v6, $0.0e+00;
	v7 =	vtrunc.f32 v7  }
0x5b0: {  	v6 =	vmin.f32 v6, $6.553500000e+04;
	v7 =	vcvt.f32.s32 v7  }
0x5b1: {  	v6 =	vtrunc.f32 v6  }
0x5b2: {  	[tilespmem:v4+s24+$0x0] =	vst.idx.add.f32.msk $0xffff, v1;
	v4 =	vcvt.f32.s32 v6  }
0x5b3: {  	[tilespmem:v5+s24+$0x0] =	vst.idx.add.f32.msk $0xffff, v1  }
0x5b4: {  	v63 =	vld [tilespmem:s25+$0x12130]  }
0x5b5: {  	v5 =	vld [tilespmem:s25+$0x12170]  }
0x5b6: {  	[tilespmem:v7+s24+$0x0] =	vst.idx.add.f32.msk $0xffff, v1  }
0x5b7: {  	v7 =	vld [tilespmem:s25+$0x12530]  }
0x5b8: {  	[tilespmem:v4+s24+$0x0] =	vst.idx.add.f32.msk $0xffff, v1  }
0x5b9: {  	v4 =	vld [tilespmem:s25+$0x12570];
	_ =	sdelay $0x1  }
0x5ba: {  	v6 =	vsub.f32 v63, v2;
	v5 =	vsub.f32 v5, v2;
	_ =	sdelay $0x1  }
0x5bb: {  	v6 =	vmul.f32 v6, v3;
	v5 =	vmul.f32 v5, v3;
	v7 =	vsub.f32 v7, v2  }
0x5bc: {  	v4 =	vsub.f32 v4, v2  }
0x5bd: {  	v6 =	vmax.f32 v6, $0.0e+00;
	v5 =	vmax.f32 v5, $0.0e+00;
	v7 =	vmul.f32 v7, v3  }
0x5be: {  	v6 =	vmin.f32 v6, $6.553500000e+04;
	v5 =	vmin.f32 v5, $6.553500000e+04;
	v4 =	vmul.f32 v4, v3  }
0x5bf: {  	v6 =	vtrunc.f32 v6;
	v5 =	vtrunc.f32 v5;
	v7 =	vmax.f32 v7, $0.0e+00  }
0x5c0: {  	v6 =	vcvt.f32.s32 v6;
	v7 =	vmin.f32 v7, $6.553500000e+04;
	v4 =	vmax.f32 v4, $0.0e+00  }
0x5c1: {  	v5 =	vcvt.f32.s32 v5;
	v7 =	vtrunc.f32 v7;
	v4 =	vmin.f32 v4, $6.553500000e+04  }
0x5c2: {  	v7 =	vcvt.f32.s32 v7;
	v4 =	vtrunc.f32 v4  }
0x5c3: {  	v4 =	vcvt.f32.s32 v4  }
0x5c4: {  	p3 =	por p2, p2  }
.Ltmp21:
0x5c5: {  	_ = 	snop;
	(pc) =	sbr.rel @p3 .LBB2_39-.Ltmp21, $4  }
0x5c6: {  	[tilespmem:v6+s24+$0x0] =	vst.idx.add.f32.msk $0xffff, v1  }
0x5c7: {  	[tilespmem:v5+s24+$0x0] =	vst.idx.add.f32.msk $0xffff, v1  }
0x5c8: {  	[tilespmem:v7+s24+$0x0] =	vst.idx.add.f32.msk $0xffff, v1  }
0x5c9: {  	p2 =	por $0x0, $0x0;
	s25 =	simm.s32 $0x2000;
	[tilespmem:v4+s24+$0x0] =	vst.idx.add.f32.msk $0xffff, v1  }
.LBB2_40:
0x5ca: {  	s24 =	sshra.s32 s24, $0x2  }
0x5cb: {  	v4 =	vld [tilespmem:s24+$0x12180]  }
0x5cc: {  	v5 =	vld [tilespmem:s24+$0x121C0];
	_ =	sdelay $0x3  }
0x5cd: {  	v4 =	vsub.f32 v4, v2  }
0x5ce: {  	v5 =	vsub.f32 v5, v2  }
0x5cf: {  	v6 =	vld [tilespmem:s24+$0x12580];
	v4 =	vmul.f32 v4, v3  }
0x5d0: {  	v5 =	vmul.f32 v5, v3  }
0x5d1: {  	v7 =	vld [tilespmem:s24+$0x125C0];
	v4 =	vmax.f32 v4, $0.0e+00  }
0x5d2: {  	v5 =	vmax.f32 v5, $0.0e+00;
	v4 =	vmin.f32 v4, $6.553500000e+04  }
0x5d3: {  	v5 =	vmin.f32 v5, $6.553500000e+04;
	v4 =	vtrunc.f32 v4  }
0x5d4: {  	v6 =	vsub.f32 v6, v2;
	v5 =	vtrunc.f32 v5;
	v4 =	vcvt.f32.s32 v4  }
0x5d5: {  	v5 =	vcvt.f32.s32 v5  }
0x5d6: {  	v7 =	vsub.f32 v7, v2;
	v6 =	vmul.f32 v6, v3;
	_ =	sdelay $0x1  }
0x5d7: {  	v7 =	vmul.f32 v7, v3;
	v6 =	vmax.f32 v6, $0.0e+00  }
0x5d8: {  	s25 =	simm.s32 $0x0;
	v6 =	vmin.f32 v6, $6.553500000e+04  }
0x5d9: {  	v7 =	vmax.f32 v7, $0.0e+00;
	v6 =	vtrunc.f32 v6;
	[tilespmem:v4+s25+$0x0] =	vst.idx.add.f32.msk $0xffff, v1  }
0x5da: {  	v60 =	vmin.f32 v7, $6.553500000e+04;
	v4 =	vcvt.f32.s32 v6;
	[tilespmem:v5+s25+$0x0] =	vst.idx.add.f32.msk $0xffff, v1  }
0x5db: {  	v6 =	vtrunc.f32 v60;
	v61 =	vld [tilespmem:s24+$0x12190]  }
0x5dc: {  	v6 =	vcvt.f32.s32 v6;
	v5 =	vld [tilespmem:s24+$0x121D0];
	_ =	sdelay $0x3  }
0x5dd: {  	v7 =	vsub.f32 v61, v2;
	[tilespmem:v4+s25+$0x0] =	vst.idx.add.f32.msk $0xffff, v1  }
0x5de: {  	v5 =	vsub.f32 v5, v2;
	v4 =	vld [tilespmem:s24+$0x12590]  }
0x5df: {  	[tilespmem:v6+s25+$0x0] =	vst.idx.add.f32.msk $0xffff, v1;
	v7 =	vmul.f32 v7, v3  }
0x5e0: {  	v6 =	vld [tilespmem:s24+$0x125D0];
	v5 =	vmul.f32 v5, v3  }
0x5e1: {  	v7 =	vmax.f32 v7, $0.0e+00  }
0x5e2: {  	v5 =	vmax.f32 v5, $0.0e+00;
	v7 =	vmin.f32 v7, $6.553500000e+04  }
0x5e3: {  	v5 =	vmin.f32 v5, $6.553500000e+04;
	v7 =	vtrunc.f32 v7;
	v4 =	vsub.f32 v4, v2  }
0x5e4: {  	v5 =	vtrunc.f32 v5;
	v7 =	vcvt.f32.s32 v7  }
0x5e5: {  	v6 =	vsub.f32 v6, v2;
	v5 =	vcvt.f32.s32 v5;
	v4 =	vmul.f32 v4, v3;
	_ =	sdelay $0x1  }
0x5e6: {  	v6 =	vmul.f32 v6, v3;
	v4 =	vmax.f32 v4, $0.0e+00  }
0x5e7: {  	v4 =	vmin.f32 v4, $6.553500000e+04  }
0x5e8: {  	v6 =	vmax.f32 v6, $0.0e+00;
	v4 =	vtrunc.f32 v4  }
0x5e9: {  	v6 =	vmin.f32 v6, $6.553500000e+04;
	v4 =	vcvt.f32.s32 v4;
	[tilespmem:v7+s25+$0x0] =	vst.idx.add.f32.msk $0xffff, v1  }
0x5ea: {  	v6 =	vtrunc.f32 v6;
	[tilespmem:v5+s25+$0x0] =	vst.idx.add.f32.msk $0xffff, v1  }
0x5eb: {  	v7 =	vld [tilespmem:s24+$0x121A0];
	v6 =	vcvt.f32.s32 v6  }
0x5ec: {  	v5 =	vld [tilespmem:s24+$0x121E0];
	_ =	sdelay $0x2  }
0x5ed: {  	[tilespmem:v4+s25+$0x0] =	vst.idx.add.f32.msk $0xffff, v1  }
0x5ee: {  	v62 =	vld [tilespmem:s24+$0x125A0]  }
0x5ef: {  	v4 =	vsub.f32 v7, v2;
	v5 =	vsub.f32 v5, v2;
	[tilespmem:v6+s25+$0x0] =	vst.idx.add.f32.msk $0xffff, v1  }
0x5f0: {  	v6 =	vld [tilespmem:s24+$0x125E0]  }
0x5f1: {  	v4 =	vmul.f32 v4, v3;
	v5 =	vmul.f32 v5, v3;
	_ =	sdelay $0x1  }
0x5f2: {  	v4 =	vmax.f32 v4, $0.0e+00;
	v5 =	vmax.f32 v5, $0.0e+00;
	v7 =	vsub.f32 v62, v2  }
0x5f3: {  	v4 =	vmin.f32 v4, $6.553500000e+04;
	v5 =	vmin.f32 v5, $6.553500000e+04  }
0x5f4: {  	v4 =	vtrunc.f32 v4;
	v6 =	vsub.f32 v6, v2;
	v7 =	vmul.f32 v7, v3  }
0x5f5: {  	v5 =	vtrunc.f32 v5;
	v4 =	vcvt.f32.s32 v4  }
0x5f6: {  	v5 =	vcvt.f32.s32 v5;
	v6 =	vmul.f32 v6, v3;
	v7 =	vmax.f32 v7, $0.0e+00  }
0x5f7: {  	v7 =	vmin.f32 v7, $6.553500000e+04  }
0x5f8: {  	v6 =	vmax.f32 v6, $0.0e+00;
	v7 =	vtrunc.f32 v7  }
0x5f9: {  	v6 =	vmin.f32 v6, $6.553500000e+04;
	v7 =	vcvt.f32.s32 v7  }
0x5fa: {  	v6 =	vtrunc.f32 v6  }
0x5fb: {  	[tilespmem:v4+s25+$0x0] =	vst.idx.add.f32.msk $0xffff, v1;
	v4 =	vcvt.f32.s32 v6  }
0x5fc: {  	[tilespmem:v5+s25+$0x0] =	vst.idx.add.f32.msk $0xffff, v1  }
0x5fd: {  	v63 =	vld [tilespmem:s24+$0x121B0]  }
0x5fe: {  	v5 =	vld [tilespmem:s24+$0x121F0]  }
0x5ff: {  	[tilespmem:v7+s25+$0x0] =	vst.idx.add.f32.msk $0xffff, v1  }
0x600: {  	v7 =	vld [tilespmem:s24+$0x125B0]  }
0x601: {  	[tilespmem:v4+s25+$0x0] =	vst.idx.add.f32.msk $0xffff, v1  }
0x602: {  	v4 =	vld [tilespmem:s24+$0x125F0];
	_ =	sdelay $0x1  }
0x603: {  	v6 =	vsub.f32 v63, v2;
	v5 =	vsub.f32 v5, v2;
	_ =	sdelay $0x1  }
0x604: {  	v6 =	vmul.f32 v6, v3;
	v5 =	vmul.f32 v5, v3;
	v7 =	vsub.f32 v7, v2  }
0x605: {  	v4 =	vsub.f32 v4, v2  }
0x606: {  	v6 =	vmax.f32 v6, $0.0e+00;
	v5 =	vmax.f32 v5, $0.0e+00;
	v7 =	vmul.f32 v7, v3  }
0x607: {  	v6 =	vmin.f32 v6, $6.553500000e+04;
	v5 =	vmin.f32 v5, $6.553500000e+04;
	v4 =	vmul.f32 v4, v3  }
0x608: {  	v6 =	vtrunc.f32 v6;
	v5 =	vtrunc.f32 v5;
	v7 =	vmax.f32 v7, $0.0e+00  }
0x609: {  	v6 =	vcvt.f32.s32 v6;
	v7 =	vmin.f32 v7, $6.553500000e+04;
	v4 =	vmax.f32 v4, $0.0e+00  }
0x60a: {  	v5 =	vcvt.f32.s32 v5;
	v7 =	vtrunc.f32 v7;
	v4 =	vmin.f32 v4, $6.553500000e+04  }
0x60b: {  	v7 =	vcvt.f32.s32 v7;
	v4 =	vtrunc.f32 v4  }
0x60c: {  	v4 =	vcvt.f32.s32 v4  }
0x60d: {  	p3 =	por p1, p1  }
.Ltmp22:
0x60e: {  	_ = 	snop;
	(pc) =	sbr.rel @p3 .LBB2_40-.Ltmp22, $4  }
0x60f: {  	[tilespmem:v6+s25+$0x0] =	vst.idx.add.f32.msk $0xffff, v1  }
0x610: {  	[tilespmem:v5+s25+$0x0] =	vst.idx.add.f32.msk $0xffff, v1  }
0x611: {  	[tilespmem:v7+s25+$0x0] =	vst.idx.add.f32.msk $0xffff, v1  }
0x612: {  	p2 =	por $0x1, $0x1;
	p1 =	por $0x0, $0x0;
	s24 =	simm.s32 $0x2000;
	[tilespmem:v4+s25+$0x0] =	vst.idx.add.f32.msk $0xffff, v1  }
0x613: {  	p1 =	por $0x1, $0x1;
	s24 =	simm.s32 $0x0  }
.LBB2_42:
0x614: {  	s24 =	sshra.s32 s24, $0x2  }
0x615: {  	v4 =	vld [tilespmem:s24+$0x12200]  }
0x616: {  	v5 =	vld [tilespmem:s24+$0x12240];
	_ =	sdelay $0x3  }
0x617: {  	v4 =	vsub.f32 v4, v2  }
0x618: {  	v5 =	vsub.f32 v5, v2  }
0x619: {  	v6 =	vld [tilespmem:s24+$0x12600];
	v4 =	vmul.f32 v4, v3  }
0x61a: {  	v5 =	vmul.f32 v5, v3  }
0x61b: {  	v7 =	vld [tilespmem:s24+$0x12640];
	v4 =	vmax.f32 v4, $0.0e+00  }
0x61c: {  	v5 =	vmax.f32 v5, $0.0e+00;
	v4 =	vmin.f32 v4, $6.553500000e+04  }
0x61d: {  	v5 =	vmin.f32 v5, $6.553500000e+04;
	v4 =	vtrunc.f32 v4  }
0x61e: {  	v6 =	vsub.f32 v6, v2;
	v5 =	vtrunc.f32 v5;
	v4 =	vcvt.f32.s32 v4  }
0x61f: {  	v5 =	vcvt.f32.s32 v5  }
0x620: {  	v7 =	vsub.f32 v7, v2;
	v6 =	vmul.f32 v6, v3;
	_ =	sdelay $0x1  }
0x621: {  	v7 =	vmul.f32 v7, v3;
	v6 =	vmax.f32 v6, $0.0e+00  }
0x622: {  	v6 =	vmin.f32 v6, $6.553500000e+04  }
0x623: {  	v7 =	vmax.f32 v7, $0.0e+00;
	v6 =	vtrunc.f32 v6;
	[tilespmem:v4+s25+$0x0] =	vst.idx.add.f32.msk $0xffff, v1  }
0x624: {  	v60 =	vmin.f32 v7, $6.553500000e+04;
	v4 =	vcvt.f32.s32 v6;
	[tilespmem:v5+s25+$0x0] =	vst.idx.add.f32.msk $0xffff, v1  }
0x625: {  	v6 =	vtrunc.f32 v60;
	v61 =	vld [tilespmem:s24+$0x12210]  }
0x626: {  	v6 =	vcvt.f32.s32 v6;
	v5 =	vld [tilespmem:s24+$0x12250];
	_ =	sdelay $0x3  }
0x627: {  	v7 =	vsub.f32 v61, v2;
	[tilespmem:v4+s25+$0x0] =	vst.idx.add.f32.msk $0xffff, v1  }
0x628: {  	v5 =	vsub.f32 v5, v2;
	v4 =	vld [tilespmem:s24+$0x12610]  }
0x629: {  	[tilespmem:v6+s25+$0x0] =	vst.idx.add.f32.msk $0xffff, v1;
	v7 =	vmul.f32 v7, v3  }
0x62a: {  	v6 =	vld [tilespmem:s24+$0x12650];
	v5 =	vmul.f32 v5, v3  }
0x62b: {  	v7 =	vmax.f32 v7, $0.0e+00  }
0x62c: {  	v5 =	vmax.f32 v5, $0.0e+00;
	v7 =	vmin.f32 v7, $6.553500000e+04  }
0x62d: {  	v5 =	vmin.f32 v5, $6.553500000e+04;
	v7 =	vtrunc.f32 v7;
	v4 =	vsub.f32 v4, v2  }
0x62e: {  	v5 =	vtrunc.f32 v5;
	v7 =	vcvt.f32.s32 v7  }
0x62f: {  	v6 =	vsub.f32 v6, v2;
	v5 =	vcvt.f32.s32 v5;
	v4 =	vmul.f32 v4, v3;
	_ =	sdelay $0x1  }
0x630: {  	v6 =	vmul.f32 v6, v3;
	v4 =	vmax.f32 v4, $0.0e+00  }
0x631: {  	v4 =	vmin.f32 v4, $6.553500000e+04  }
0x632: {  	v6 =	vmax.f32 v6, $0.0e+00;
	v4 =	vtrunc.f32 v4  }
0x633: {  	v6 =	vmin.f32 v6, $6.553500000e+04;
	v4 =	vcvt.f32.s32 v4;
	[tilespmem:v7+s25+$0x0] =	vst.idx.add.f32.msk $0xffff, v1  }
0x634: {  	v6 =	vtrunc.f32 v6;
	[tilespmem:v5+s25+$0x0] =	vst.idx.add.f32.msk $0xffff, v1  }
0x635: {  	v7 =	vld [tilespmem:s24+$0x12220];
	v6 =	vcvt.f32.s32 v6  }
0x636: {  	v5 =	vld [tilespmem:s24+$0x12260];
	_ =	sdelay $0x2  }
0x637: {  	[tilespmem:v4+s25+$0x0] =	vst.idx.add.f32.msk $0xffff, v1  }
0x638: {  	v62 =	vld [tilespmem:s24+$0x12620]  }
0x639: {  	v4 =	vsub.f32 v7, v2;
	v5 =	vsub.f32 v5, v2;
	[tilespmem:v6+s25+$0x0] =	vst.idx.add.f32.msk $0xffff, v1  }
0x63a: {  	v6 =	vld [tilespmem:s24+$0x12660]  }
0x63b: {  	v4 =	vmul.f32 v4, v3;
	v5 =	vmul.f32 v5, v3;
	_ =	sdelay $0x1  }
0x63c: {  	v4 =	vmax.f32 v4, $0.0e+00;
	v5 =	vmax.f32 v5, $0.0e+00;
	v7 =	vsub.f32 v62, v2  }
0x63d: {  	v4 =	vmin.f32 v4, $6.553500000e+04;
	v5 =	vmin.f32 v5, $6.553500000e+04  }
0x63e: {  	v4 =	vtrunc.f32 v4;
	v6 =	vsub.f32 v6, v2;
	v7 =	vmul.f32 v7, v3  }
0x63f: {  	v5 =	vtrunc.f32 v5;
	v4 =	vcvt.f32.s32 v4  }
0x640: {  	v5 =	vcvt.f32.s32 v5;
	v6 =	vmul.f32 v6, v3;
	v7 =	vmax.f32 v7, $0.0e+00  }
0x641: {  	v7 =	vmin.f32 v7, $6.553500000e+04  }
0x642: {  	v6 =	vmax.f32 v6, $0.0e+00;
	v7 =	vtrunc.f32 v7  }
0x643: {  	v6 =	vmin.f32 v6, $6.553500000e+04;
	v7 =	vcvt.f32.s32 v7  }
0x644: {  	v6 =	vtrunc.f32 v6  }
0x645: {  	[tilespmem:v4+s25+$0x0] =	vst.idx.add.f32.msk $0xffff, v1;
	v4 =	vcvt.f32.s32 v6  }
0x646: {  	[tilespmem:v5+s25+$0x0] =	vst.idx.add.f32.msk $0xffff, v1  }
0x647: {  	v63 =	vld [tilespmem:s24+$0x12230]  }
0x648: {  	v5 =	vld [tilespmem:s24+$0x12270]  }
0x649: {  	[tilespmem:v7+s25+$0x0] =	vst.idx.add.f32.msk $0xffff, v1  }
0x64a: {  	v7 =	vld [tilespmem:s24+$0x12630]  }
0x64b: {  	[tilespmem:v4+s25+$0x0] =	vst.idx.add.f32.msk $0xffff, v1  }
0x64c: {  	v4 =	vld [tilespmem:s24+$0x12670];
	_ =	sdelay $0x1  }
0x64d: {  	v6 =	vsub.f32 v63, v2;
	v5 =	vsub.f32 v5, v2;
	_ =	sdelay $0x1  }
0x64e: {  	v6 =	vmul.f32 v6, v3;
	v5 =	vmul.f32 v5, v3;
	v7 =	vsub.f32 v7, v2  }
0x64f: {  	v4 =	vsub.f32 v4, v2  }
0x650: {  	v6 =	vmax.f32 v6, $0.0e+00;
	v5 =	vmax.f32 v5, $0.0e+00;
	v7 =	vmul.f32 v7, v3  }
0x651: {  	v6 =	vmin.f32 v6, $6.553500000e+04;
	v5 =	vmin.f32 v5, $6.553500000e+04;
	v4 =	vmul.f32 v4, v3  }
0x652: {  	v6 =	vtrunc.f32 v6;
	v5 =	vtrunc.f32 v5;
	v7 =	vmax.f32 v7, $0.0e+00  }
0x653: {  	v6 =	vcvt.f32.s32 v6;
	v7 =	vmin.f32 v7, $6.553500000e+04;
	v4 =	vmax.f32 v4, $0.0e+00  }
0x654: {  	v5 =	vcvt.f32.s32 v5;
	v7 =	vtrunc.f32 v7;
	v4 =	vmin.f32 v4, $6.553500000e+04  }
0x655: {  	v7 =	vcvt.f32.s32 v7;
	v4 =	vtrunc.f32 v4  }
0x656: {  	v4 =	vcvt.f32.s32 v4  }
0x657: {  	p3 =	por p1, p1  }
.Ltmp23:
0x658: {  	_ = 	snop;
	(pc) =	sbr.rel @p3 .LBB2_42-.Ltmp23, $4  }
0x659: {  	[tilespmem:v6+s25+$0x0] =	vst.idx.add.f32.msk $0xffff, v1  }
0x65a: {  	[tilespmem:v5+s25+$0x0] =	vst.idx.add.f32.msk $0xffff, v1  }
0x65b: {  	[tilespmem:v7+s25+$0x0] =	vst.idx.add.f32.msk $0xffff, v1  }
0x65c: {  	p1 =	por $0x0, $0x0;
	s24 =	simm.s32 $0x2000;
	[tilespmem:v4+s25+$0x0] =	vst.idx.add.f32.msk $0xffff, v1  }
.LBB2_43:
0x65d: {  	s25 =	sshra.s32 s25, $0x2  }
0x65e: {  	v4 =	vld [tilespmem:s25+$0x12280]  }
0x65f: {  	v5 =	vld [tilespmem:s25+$0x122C0];
	_ =	sdelay $0x3  }
0x660: {  	v4 =	vsub.f32 v4, v2  }
0x661: {  	v5 =	vsub.f32 v5, v2  }
0x662: {  	v6 =	vld [tilespmem:s25+$0x12680];
	v4 =	vmul.f32 v4, v3  }
0x663: {  	v5 =	vmul.f32 v5, v3  }
0x664: {  	v7 =	vld [tilespmem:s25+$0x126C0];
	v4 =	vmax.f32 v4, $0.0e+00  }
0x665: {  	v5 =	vmax.f32 v5, $0.0e+00;
	v4 =	vmin.f32 v4, $6.553500000e+04  }
0x666: {  	v5 =	vmin.f32 v5, $6.553500000e+04;
	v4 =	vtrunc.f32 v4  }
0x667: {  	v6 =	vsub.f32 v6, v2;
	v5 =	vtrunc.f32 v5;
	v4 =	vcvt.f32.s32 v4  }
0x668: {  	v5 =	vcvt.f32.s32 v5  }
0x669: {  	v7 =	vsub.f32 v7, v2;
	v6 =	vmul.f32 v6, v3;
	_ =	sdelay $0x1  }
0x66a: {  	v7 =	vmul.f32 v7, v3;
	v6 =	vmax.f32 v6, $0.0e+00  }
0x66b: {  	s24 =	simm.s32 $0x0;
	v6 =	vmin.f32 v6, $6.553500000e+04  }
0x66c: {  	v7 =	vmax.f32 v7, $0.0e+00;
	v6 =	vtrunc.f32 v6;
	[tilespmem:v4+s24+$0x0] =	vst.idx.add.f32.msk $0xffff, v1  }
0x66d: {  	v60 =	vmin.f32 v7, $6.553500000e+04;
	v4 =	vcvt.f32.s32 v6;
	[tilespmem:v5+s24+$0x0] =	vst.idx.add.f32.msk $0xffff, v1  }
0x66e: {  	v6 =	vtrunc.f32 v60;
	v61 =	vld [tilespmem:s25+$0x12290]  }
0x66f: {  	v6 =	vcvt.f32.s32 v6;
	v5 =	vld [tilespmem:s25+$0x122D0];
	_ =	sdelay $0x3  }
0x670: {  	v7 =	vsub.f32 v61, v2;
	[tilespmem:v4+s24+$0x0] =	vst.idx.add.f32.msk $0xffff, v1  }
0x671: {  	v5 =	vsub.f32 v5, v2;
	v4 =	vld [tilespmem:s25+$0x12690]  }
0x672: {  	[tilespmem:v6+s24+$0x0] =	vst.idx.add.f32.msk $0xffff, v1;
	v7 =	vmul.f32 v7, v3  }
0x673: {  	v6 =	vld [tilespmem:s25+$0x126D0];
	v5 =	vmul.f32 v5, v3  }
0x674: {  	v7 =	vmax.f32 v7, $0.0e+00  }
0x675: {  	v5 =	vmax.f32 v5, $0.0e+00;
	v7 =	vmin.f32 v7, $6.553500000e+04  }
0x676: {  	v5 =	vmin.f32 v5, $6.553500000e+04;
	v7 =	vtrunc.f32 v7;
	v4 =	vsub.f32 v4, v2  }
0x677: {  	v5 =	vtrunc.f32 v5;
	v7 =	vcvt.f32.s32 v7  }
0x678: {  	v6 =	vsub.f32 v6, v2;
	v5 =	vcvt.f32.s32 v5;
	v4 =	vmul.f32 v4, v3;
	_ =	sdelay $0x1  }
0x679: {  	v6 =	vmul.f32 v6, v3;
	v4 =	vmax.f32 v4, $0.0e+00  }
0x67a: {  	v4 =	vmin.f32 v4, $6.553500000e+04  }
0x67b: {  	v6 =	vmax.f32 v6, $0.0e+00;
	v4 =	vtrunc.f32 v4  }
0x67c: {  	v6 =	vmin.f32 v6, $6.553500000e+04;
	v4 =	vcvt.f32.s32 v4;
	[tilespmem:v7+s24+$0x0] =	vst.idx.add.f32.msk $0xffff, v1  }
0x67d: {  	v6 =	vtrunc.f32 v6;
	[tilespmem:v5+s24+$0x0] =	vst.idx.add.f32.msk $0xffff, v1  }
0x67e: {  	v7 =	vld [tilespmem:s25+$0x122A0];
	v6 =	vcvt.f32.s32 v6  }
0x67f: {  	v5 =	vld [tilespmem:s25+$0x122E0];
	_ =	sdelay $0x2  }
0x680: {  	[tilespmem:v4+s24+$0x0] =	vst.idx.add.f32.msk $0xffff, v1  }
0x681: {  	v62 =	vld [tilespmem:s25+$0x126A0]  }
0x682: {  	v4 =	vsub.f32 v7, v2;
	v5 =	vsub.f32 v5, v2;
	[tilespmem:v6+s24+$0x0] =	vst.idx.add.f32.msk $0xffff, v1  }
0x683: {  	v6 =	vld [tilespmem:s25+$0x126E0]  }
0x684: {  	v4 =	vmul.f32 v4, v3;
	v5 =	vmul.f32 v5, v3;
	_ =	sdelay $0x1  }
0x685: {  	v4 =	vmax.f32 v4, $0.0e+00;
	v5 =	vmax.f32 v5, $0.0e+00;
	v7 =	vsub.f32 v62, v2  }
0x686: {  	v4 =	vmin.f32 v4, $6.553500000e+04;
	v5 =	vmin.f32 v5, $6.553500000e+04  }
0x687: {  	v4 =	vtrunc.f32 v4;
	v6 =	vsub.f32 v6, v2;
	v7 =	vmul.f32 v7, v3  }
0x688: {  	v5 =	vtrunc.f32 v5;
	v4 =	vcvt.f32.s32 v4  }
0x689: {  	v5 =	vcvt.f32.s32 v5;
	v6 =	vmul.f32 v6, v3;
	v7 =	vmax.f32 v7, $0.0e+00  }
0x68a: {  	v7 =	vmin.f32 v7, $6.553500000e+04  }
0x68b: {  	v6 =	vmax.f32 v6, $0.0e+00;
	v7 =	vtrunc.f32 v7  }
0x68c: {  	v6 =	vmin.f32 v6, $6.553500000e+04;
	v7 =	vcvt.f32.s32 v7  }
0x68d: {  	v6 =	vtrunc.f32 v6  }
0x68e: {  	[tilespmem:v4+s24+$0x0] =	vst.idx.add.f32.msk $0xffff, v1;
	v4 =	vcvt.f32.s32 v6  }
0x68f: {  	[tilespmem:v5+s24+$0x0] =	vst.idx.add.f32.msk $0xffff, v1  }
0x690: {  	v63 =	vld [tilespmem:s25+$0x122B0]  }
0x691: {  	v5 =	vld [tilespmem:s25+$0x122F0]  }
0x692: {  	[tilespmem:v7+s24+$0x0] =	vst.idx.add.f32.msk $0xffff, v1  }
0x693: {  	v7 =	vld [tilespmem:s25+$0x126B0]  }
0x694: {  	[tilespmem:v4+s24+$0x0] =	vst.idx.add.f32.msk $0xffff, v1  }
0x695: {  	v4 =	vld [tilespmem:s25+$0x126F0];
	_ =	sdelay $0x1  }
0x696: {  	v6 =	vsub.f32 v63, v2;
	v5 =	vsub.f32 v5, v2;
	_ =	sdelay $0x1  }
0x697: {  	v6 =	vmul.f32 v6, v3;
	v5 =	vmul.f32 v5, v3;
	v7 =	vsub.f32 v7, v2  }
0x698: {  	v4 =	vsub.f32 v4, v2  }
0x699: {  	v6 =	vmax.f32 v6, $0.0e+00;
	v5 =	vmax.f32 v5, $0.0e+00;
	v7 =	vmul.f32 v7, v3  }
0x69a: {  	v6 =	vmin.f32 v6, $6.553500000e+04;
	v5 =	vmin.f32 v5, $6.553500000e+04;
	v4 =	vmul.f32 v4, v3  }
0x69b: {  	v6 =	vtrunc.f32 v6;
	v5 =	vtrunc.f32 v5;
	v7 =	vmax.f32 v7, $0.0e+00  }
0x69c: {  	v6 =	vcvt.f32.s32 v6;
	v7 =	vmin.f32 v7, $6.553500000e+04;
	v4 =	vmax.f32 v4, $0.0e+00  }
0x69d: {  	v5 =	vcvt.f32.s32 v5;
	v7 =	vtrunc.f32 v7;
	v4 =	vmin.f32 v4, $6.553500000e+04  }
0x69e: {  	v7 =	vcvt.f32.s32 v7;
	v4 =	vtrunc.f32 v4  }
0x69f: {  	v4 =	vcvt.f32.s32 v4  }
0x6a0: {  	p3 =	por p2, p2  }
.Ltmp24:
0x6a1: {  	_ = 	snop;
	(pc) =	sbr.rel @p3 .LBB2_43-.Ltmp24, $4  }
0x6a2: {  	[tilespmem:v6+s24+$0x0] =	vst.idx.add.f32.msk $0xffff, v1  }
0x6a3: {  	[tilespmem:v5+s24+$0x0] =	vst.idx.add.f32.msk $0xffff, v1  }
0x6a4: {  	[tilespmem:v7+s24+$0x0] =	vst.idx.add.f32.msk $0xffff, v1  }
0x6a5: {  	p1 =	por $0x1, $0x1;
	p2 =	por $0x0, $0x0;
	s25 =	simm.s32 $0x2000;
	[tilespmem:v4+s24+$0x0] =	vst.idx.add.f32.msk $0xffff, v1  }
0x6a6: {  	p2 =	por $0x1, $0x1;
	s25 =	simm.s32 $0x0  }
.LBB2_45:
0x6a7: {  	s25 =	sshra.s32 s25, $0x2  }
0x6a8: {  	v4 =	vld [tilespmem:s25+$0x12300]  }
0x6a9: {  	v5 =	vld [tilespmem:s25+$0x12340];
	_ =	sdelay $0x3  }
0x6aa: {  	v4 =	vsub.f32 v4, v2  }
0x6ab: {  	v5 =	vsub.f32 v5, v2  }
0x6ac: {  	v6 =	vld [tilespmem:s25+$0x12700];
	v4 =	vmul.f32 v4, v3  }
0x6ad: {  	v5 =	vmul.f32 v5, v3  }
0x6ae: {  	v7 =	vld [tilespmem:s25+$0x12740];
	v4 =	vmax.f32 v4, $0.0e+00  }
0x6af: {  	v5 =	vmax.f32 v5, $0.0e+00;
	v4 =	vmin.f32 v4, $6.553500000e+04  }
0x6b0: {  	v5 =	vmin.f32 v5, $6.553500000e+04;
	v4 =	vtrunc.f32 v4  }
0x6b1: {  	v6 =	vsub.f32 v6, v2;
	v5 =	vtrunc.f32 v5;
	v4 =	vcvt.f32.s32 v4  }
0x6b2: {  	v5 =	vcvt.f32.s32 v5  }
0x6b3: {  	v7 =	vsub.f32 v7, v2;
	v6 =	vmul.f32 v6, v3;
	_ =	sdelay $0x1  }
0x6b4: {  	v7 =	vmul.f32 v7, v3;
	v6 =	vmax.f32 v6, $0.0e+00  }
0x6b5: {  	v6 =	vmin.f32 v6, $6.553500000e+04  }
0x6b6: {  	v7 =	vmax.f32 v7, $0.0e+00;
	v6 =	vtrunc.f32 v6;
	[tilespmem:v4+s24+$0x0] =	vst.idx.add.f32.msk $0xffff, v1  }
0x6b7: {  	v60 =	vmin.f32 v7, $6.553500000e+04;
	v4 =	vcvt.f32.s32 v6;
	[tilespmem:v5+s24+$0x0] =	vst.idx.add.f32.msk $0xffff, v1  }
0x6b8: {  	v6 =	vtrunc.f32 v60;
	v61 =	vld [tilespmem:s25+$0x12310]  }
0x6b9: {  	v6 =	vcvt.f32.s32 v6;
	v5 =	vld [tilespmem:s25+$0x12350];
	_ =	sdelay $0x3  }
0x6ba: {  	v7 =	vsub.f32 v61, v2;
	[tilespmem:v4+s24+$0x0] =	vst.idx.add.f32.msk $0xffff, v1  }
0x6bb: {  	v5 =	vsub.f32 v5, v2;
	v4 =	vld [tilespmem:s25+$0x12710]  }
0x6bc: {  	[tilespmem:v6+s24+$0x0] =	vst.idx.add.f32.msk $0xffff, v1;
	v7 =	vmul.f32 v7, v3  }
0x6bd: {  	v6 =	vld [tilespmem:s25+$0x12750];
	v5 =	vmul.f32 v5, v3  }
0x6be: {  	v7 =	vmax.f32 v7, $0.0e+00  }
0x6bf: {  	v5 =	vmax.f32 v5, $0.0e+00;
	v7 =	vmin.f32 v7, $6.553500000e+04  }
0x6c0: {  	v5 =	vmin.f32 v5, $6.553500000e+04;
	v7 =	vtrunc.f32 v7;
	v4 =	vsub.f32 v4, v2  }
0x6c1: {  	v5 =	vtrunc.f32 v5;
	v7 =	vcvt.f32.s32 v7  }
0x6c2: {  	v6 =	vsub.f32 v6, v2;
	v5 =	vcvt.f32.s32 v5;
	v4 =	vmul.f32 v4, v3;
	_ =	sdelay $0x1  }
0x6c3: {  	v6 =	vmul.f32 v6, v3;
	v4 =	vmax.f32 v4, $0.0e+00  }
0x6c4: {  	v4 =	vmin.f32 v4, $6.553500000e+04  }
0x6c5: {  	v6 =	vmax.f32 v6, $0.0e+00;
	v4 =	vtrunc.f32 v4  }
0x6c6: {  	v6 =	vmin.f32 v6, $6.553500000e+04;
	v4 =	vcvt.f32.s32 v4;
	[tilespmem:v7+s24+$0x0] =	vst.idx.add.f32.msk $0xffff, v1  }
0x6c7: {  	v6 =	vtrunc.f32 v6;
	[tilespmem:v5+s24+$0x0] =	vst.idx.add.f32.msk $0xffff, v1  }
0x6c8: {  	v7 =	vld [tilespmem:s25+$0x12320];
	v6 =	vcvt.f32.s32 v6  }
0x6c9: {  	v5 =	vld [tilespmem:s25+$0x12360];
	_ =	sdelay $0x2  }
0x6ca: {  	[tilespmem:v4+s24+$0x0] =	vst.idx.add.f32.msk $0xffff, v1  }
0x6cb: {  	v62 =	vld [tilespmem:s25+$0x12720]  }
0x6cc: {  	v4 =	vsub.f32 v7, v2;
	v5 =	vsub.f32 v5, v2;
	[tilespmem:v6+s24+$0x0] =	vst.idx.add.f32.msk $0xffff, v1  }
0x6cd: {  	v6 =	vld [tilespmem:s25+$0x12760]  }
0x6ce: {  	v4 =	vmul.f32 v4, v3;
	v5 =	vmul.f32 v5, v3;
	_ =	sdelay $0x1  }
0x6cf: {  	v4 =	vmax.f32 v4, $0.0e+00;
	v5 =	vmax.f32 v5, $0.0e+00;
	v7 =	vsub.f32 v62, v2  }
0x6d0: {  	v4 =	vmin.f32 v4, $6.553500000e+04;
	v5 =	vmin.f32 v5, $6.553500000e+04  }
0x6d1: {  	v4 =	vtrunc.f32 v4;
	v6 =	vsub.f32 v6, v2;
	v7 =	vmul.f32 v7, v3  }
0x6d2: {  	v5 =	vtrunc.f32 v5;
	v4 =	vcvt.f32.s32 v4  }
0x6d3: {  	v5 =	vcvt.f32.s32 v5;
	v6 =	vmul.f32 v6, v3;
	v7 =	vmax.f32 v7, $0.0e+00  }
0x6d4: {  	v7 =	vmin.f32 v7, $6.553500000e+04  }
0x6d5: {  	v6 =	vmax.f32 v6, $0.0e+00;
	v7 =	vtrunc.f32 v7  }
0x6d6: {  	v6 =	vmin.f32 v6, $6.553500000e+04;
	v7 =	vcvt.f32.s32 v7  }
0x6d7: {  	v6 =	vtrunc.f32 v6  }
0x6d8: {  	[tilespmem:v4+s24+$0x0] =	vst.idx.add.f32.msk $0xffff, v1;
	v4 =	vcvt.f32.s32 v6  }
0x6d9: {  	[tilespmem:v5+s24+$0x0] =	vst.idx.add.f32.msk $0xffff, v1  }
0x6da: {  	v63 =	vld [tilespmem:s25+$0x12330]  }
0x6db: {  	v5 =	vld [tilespmem:s25+$0x12370]  }
0x6dc: {  	[tilespmem:v7+s24+$0x0] =	vst.idx.add.f32.msk $0xffff, v1  }
0x6dd: {  	v7 =	vld [tilespmem:s25+$0x12730]  }
0x6de: {  	[tilespmem:v4+s24+$0x0] =	vst.idx.add.f32.msk $0xffff, v1  }
0x6df: {  	v4 =	vld [tilespmem:s25+$0x12770];
	_ =	sdelay $0x1  }
0x6e0: {  	v6 =	vsub.f32 v63, v2;
	v5 =	vsub.f32 v5, v2;
	_ =	sdelay $0x1  }
0x6e1: {  	v6 =	vmul.f32 v6, v3;
	v5 =	vmul.f32 v5, v3;
	v7 =	vsub.f32 v7, v2  }
0x6e2: {  	v4 =	vsub.f32 v4, v2  }
0x6e3: {  	v6 =	vmax.f32 v6, $0.0e+00;
	v5 =	vmax.f32 v5, $0.0e+00;
	v7 =	vmul.f32 v7, v3  }
0x6e4: {  	v6 =	vmin.f32 v6, $6.553500000e+04;
	v5 =	vmin.f32 v5, $6.553500000e+04;
	v4 =	vmul.f32 v4, v3  }
0x6e5: {  	v6 =	vtrunc.f32 v6;
	v5 =	vtrunc.f32 v5;
	v7 =	vmax.f32 v7, $0.0e+00  }
0x6e6: {  	v6 =	vcvt.f32.s32 v6;
	v7 =	vmin.f32 v7, $6.553500000e+04;
	v4 =	vmax.f32 v4, $0.0e+00  }
0x6e7: {  	v5 =	vcvt.f32.s32 v5;
	v7 =	vtrunc.f32 v7;
	v4 =	vmin.f32 v4, $6.553500000e+04  }
0x6e8: {  	v7 =	vcvt.f32.s32 v7;
	v4 =	vtrunc.f32 v4  }
0x6e9: {  	v4 =	vcvt.f32.s32 v4  }
0x6ea: {  	p3 =	por p2, p2  }
.Ltmp25:
0x6eb: {  	_ = 	snop;
	(pc) =	sbr.rel @p3 .LBB2_45-.Ltmp25, $4  }
0x6ec: {  	[tilespmem:v6+s24+$0x0] =	vst.idx.add.f32.msk $0xffff, v1  }
0x6ed: {  	[tilespmem:v5+s24+$0x0] =	vst.idx.add.f32.msk $0xffff, v1  }
0x6ee: {  	[tilespmem:v7+s24+$0x0] =	vst.idx.add.f32.msk $0xffff, v1  }
0x6ef: {  	p2 =	por $0x0, $0x0;
	s25 =	simm.s32 $0x2000;
	[tilespmem:v4+s24+$0x0] =	vst.idx.add.f32.msk $0xffff, v1  }
.LBB2_46:
0x6f0: {  	s24 =	sshra.s32 s24, $0x2  }
0x6f1: {  	v4 =	vld [tilespmem:s24+$0x12380]  }
0x6f2: {  	v5 =	vld [tilespmem:s24+$0x123C0];
	_ =	sdelay $0x3  }
0x6f3: {  	v4 =	vsub.f32 v4, v2  }
0x6f4: {  	v5 =	vsub.f32 v5, v2  }
0x6f5: {  	v6 =	vld [tilespmem:s24+$0x12780];
	v4 =	vmul.f32 v4, v3  }
0x6f6: {  	v5 =	vmul.f32 v5, v3  }
0x6f7: {  	v7 =	vld [tilespmem:s24+$0x127C0];
	v4 =	vmax.f32 v4, $0.0e+00  }
0x6f8: {  	v5 =	vmax.f32 v5, $0.0e+00;
	v4 =	vmin.f32 v4, $6.553500000e+04  }
0x6f9: {  	v5 =	vmin.f32 v5, $6.553500000e+04;
	v4 =	vtrunc.f32 v4  }
0x6fa: {  	v6 =	vsub.f32 v6, v2;
	v5 =	vtrunc.f32 v5;
	v4 =	vcvt.f32.s32 v4  }
0x6fb: {  	v5 =	vcvt.f32.s32 v5  }
0x6fc: {  	v7 =	vsub.f32 v7, v2;
	v6 =	vmul.f32 v6, v3;
	_ =	sdelay $0x1  }
0x6fd: {  	v7 =	vmul.f32 v7, v3;
	v6 =	vmax.f32 v6, $0.0e+00  }
0x6fe: {  	s25 =	simm.s32 $0x0;
	v6 =	vmin.f32 v6, $6.553500000e+04  }
0x6ff: {  	v7 =	vmax.f32 v7, $0.0e+00;
	v6 =	vtrunc.f32 v6;
	[tilespmem:v4+s25+$0x0] =	vst.idx.add.f32.msk $0xffff, v1  }
0x700: {  	v60 =	vmin.f32 v7, $6.553500000e+04;
	v4 =	vcvt.f32.s32 v6;
	[tilespmem:v5+s25+$0x0] =	vst.idx.add.f32.msk $0xffff, v1  }
0x701: {  	v6 =	vtrunc.f32 v60;
	v61 =	vld [tilespmem:s24+$0x12390]  }
0x702: {  	v6 =	vcvt.f32.s32 v6;
	v5 =	vld [tilespmem:s24+$0x123D0];
	_ =	sdelay $0x3  }
0x703: {  	v7 =	vsub.f32 v61, v2;
	[tilespmem:v4+s25+$0x0] =	vst.idx.add.f32.msk $0xffff, v1  }
0x704: {  	v5 =	vsub.f32 v5, v2;
	v4 =	vld [tilespmem:s24+$0x12790]  }
0x705: {  	[tilespmem:v6+s25+$0x0] =	vst.idx.add.f32.msk $0xffff, v1;
	v7 =	vmul.f32 v7, v3  }
0x706: {  	v6 =	vld [tilespmem:s24+$0x127D0];
	v5 =	vmul.f32 v5, v3  }
0x707: {  	v7 =	vmax.f32 v7, $0.0e+00  }
0x708: {  	v5 =	vmax.f32 v5, $0.0e+00;
	v7 =	vmin.f32 v7, $6.553500000e+04  }
0x709: {  	v5 =	vmin.f32 v5, $6.553500000e+04;
	v7 =	vtrunc.f32 v7;
	v4 =	vsub.f32 v4, v2  }
0x70a: {  	v5 =	vtrunc.f32 v5;
	v7 =	vcvt.f32.s32 v7  }
0x70b: {  	v6 =	vsub.f32 v6, v2;
	v5 =	vcvt.f32.s32 v5;
	v4 =	vmul.f32 v4, v3;
	_ =	sdelay $0x1  }
0x70c: {  	v6 =	vmul.f32 v6, v3;
	v4 =	vmax.f32 v4, $0.0e+00  }
0x70d: {  	v4 =	vmin.f32 v4, $6.553500000e+04  }
0x70e: {  	v6 =	vmax.f32 v6, $0.0e+00;
	v4 =	vtrunc.f32 v4  }
0x70f: {  	v6 =	vmin.f32 v6, $6.553500000e+04;
	v4 =	vcvt.f32.s32 v4;
	[tilespmem:v7+s25+$0x0] =	vst.idx.add.f32.msk $0xffff, v1  }
0x710: {  	v6 =	vtrunc.f32 v6;
	[tilespmem:v5+s25+$0x0] =	vst.idx.add.f32.msk $0xffff, v1  }
0x711: {  	v7 =	vld [tilespmem:s24+$0x123A0];
	v6 =	vcvt.f32.s32 v6  }
0x712: {  	v5 =	vld [tilespmem:s24+$0x123E0];
	_ =	sdelay $0x2  }
0x713: {  	[tilespmem:v4+s25+$0x0] =	vst.idx.add.f32.msk $0xffff, v1  }
0x714: {  	v62 =	vld [tilespmem:s24+$0x127A0]  }
0x715: {  	v4 =	vsub.f32 v7, v2;
	v5 =	vsub.f32 v5, v2;
	[tilespmem:v6+s25+$0x0] =	vst.idx.add.f32.msk $0xffff, v1  }
0x716: {  	v6 =	vld [tilespmem:s24+$0x127E0]  }
0x717: {  	v4 =	vmul.f32 v4, v3;
	v5 =	vmul.f32 v5, v3;
	_ =	sdelay $0x1  }
0x718: {  	v4 =	vmax.f32 v4, $0.0e+00;
	v5 =	vmax.f32 v5, $0.0e+00;
	v7 =	vsub.f32 v62, v2  }
0x719: {  	v4 =	vmin.f32 v4, $6.553500000e+04;
	v5 =	vmin.f32 v5, $6.553500000e+04  }
0x71a: {  	v4 =	vtrunc.f32 v4;
	v6 =	vsub.f32 v6, v2;
	v7 =	vmul.f32 v7, v3  }
0x71b: {  	v5 =	vtrunc.f32 v5;
	v4 =	vcvt.f32.s32 v4  }
0x71c: {  	v5 =	vcvt.f32.s32 v5;
	v6 =	vmul.f32 v6, v3;
	v7 =	vmax.f32 v7, $0.0e+00  }
0x71d: {  	v7 =	vmin.f32 v7, $6.553500000e+04  }
0x71e: {  	v6 =	vmax.f32 v6, $0.0e+00;
	v7 =	vtrunc.f32 v7  }
0x71f: {  	v6 =	vmin.f32 v6, $6.553500000e+04;
	v7 =	vcvt.f32.s32 v7  }
0x720: {  	v6 =	vtrunc.f32 v6  }
0x721: {  	[tilespmem:v4+s25+$0x0] =	vst.idx.add.f32.msk $0xffff, v1;
	v4 =	vcvt.f32.s32 v6  }
0x722: {  	[tilespmem:v5+s25+$0x0] =	vst.idx.add.f32.msk $0xffff, v1  }
0x723: {  	v63 =	vld [tilespmem:s24+$0x123B0]  }
0x724: {  	v5 =	vld [tilespmem:s24+$0x123F0]  }
0x725: {  	[tilespmem:v7+s25+$0x0] =	vst.idx.add.f32.msk $0xffff, v1  }
0x726: {  	v7 =	vld [tilespmem:s24+$0x127B0]  }
0x727: {  	[tilespmem:v4+s25+$0x0] =	vst.idx.add.f32.msk $0xffff, v1  }
0x728: {  	v4 =	vld [tilespmem:s24+$0x127F0];
	_ =	sdelay $0x1  }
0x729: {  	v6 =	vsub.f32 v63, v2;
	v5 =	vsub.f32 v5, v2;
	_ =	sdelay $0x1  }
0x72a: {  	v6 =	vmul.f32 v6, v3;
	v5 =	vmul.f32 v5, v3;
	v7 =	vsub.f32 v7, v2  }
0x72b: {  	v4 =	vsub.f32 v4, v2  }
0x72c: {  	v6 =	vmax.f32 v6, $0.0e+00;
	v5 =	vmax.f32 v5, $0.0e+00;
	v7 =	vmul.f32 v7, v3  }
0x72d: {  	v6 =	vmin.f32 v6, $6.553500000e+04;
	v5 =	vmin.f32 v5, $6.553500000e+04;
	v4 =	vmul.f32 v4, v3  }
0x72e: {  	v6 =	vtrunc.f32 v6;
	v5 =	vtrunc.f32 v5;
	v7 =	vmax.f32 v7, $0.0e+00  }
0x72f: {  	v6 =	vcvt.f32.s32 v6;
	v7 =	vmin.f32 v7, $6.553500000e+04;
	v4 =	vmax.f32 v4, $0.0e+00  }
0x730: {  	v5 =	vcvt.f32.s32 v5;
	v7 =	vtrunc.f32 v7;
	v4 =	vmin.f32 v4, $6.553500000e+04  }
0x731: {  	v7 =	vcvt.f32.s32 v7;
	v4 =	vtrunc.f32 v4  }
0x732: {  	v4 =	vcvt.f32.s32 v4  }
0x733: {  	p3 =	por p1, p1  }
.Ltmp26:
0x734: {  	_ = 	snop;
	(pc) =	sbr.rel @p3 .LBB2_46-.Ltmp26, $4  }
0x735: {  	[tilespmem:v6+s25+$0x0] =	vst.idx.add.f32.msk $0xffff, v1  }
0x736: {  	[tilespmem:v5+s25+$0x0] =	vst.idx.add.f32.msk $0xffff, v1  }
0x737: {  	[tilespmem:v7+s25+$0x0] =	vst.idx.add.f32.msk $0xffff, v1  }
0x738: {  	p2 =	por $0x1, $0x1;
	p1 =	por $0x0, $0x0;
	s24 =	simm.s32 $0x2000;
	[tilespmem:v4+s25+$0x0] =	vst.idx.add.f32.msk $0xffff, v1  }
0x739: {  	p1 =	por $0x1, $0x1;
	s24 =	simm.s32 $0x0  }
.LBB2_48:
0x73a: {  	s24 =	sshra.s32 s24, $0x2  }
0x73b: {  	v4 =	vld [tilespmem:s24+$0x13000]  }
0x73c: {  	v5 =	vld [tilespmem:s24+$0x13040];
	_ =	sdelay $0x3  }
0x73d: {  	v4 =	vsub.f32 v4, v2  }
0x73e: {  	v5 =	vsub.f32 v5, v2  }
0x73f: {  	v6 =	vld [tilespmem:s24+$0x13400];
	v4 =	vmul.f32 v4, v3  }
0x740: {  	v5 =	vmul.f32 v5, v3  }
0x741: {  	v7 =	vld [tilespmem:s24+$0x13440];
	v4 =	vmax.f32 v4, $0.0e+00  }
0x742: {  	v5 =	vmax.f32 v5, $0.0e+00;
	v4 =	vmin.f32 v4, $6.553500000e+04  }
0x743: {  	v5 =	vmin.f32 v5, $6.553500000e+04;
	v4 =	vtrunc.f32 v4  }
0x744: {  	v6 =	vsub.f32 v6, v2;
	v5 =	vtrunc.f32 v5;
	v4 =	vcvt.f32.s32 v4  }
0x745: {  	v5 =	vcvt.f32.s32 v5  }
0x746: {  	v7 =	vsub.f32 v7, v2;
	v6 =	vmul.f32 v6, v3;
	_ =	sdelay $0x1  }
0x747: {  	v7 =	vmul.f32 v7, v3;
	v6 =	vmax.f32 v6, $0.0e+00  }
0x748: {  	v6 =	vmin.f32 v6, $6.553500000e+04  }
0x749: {  	v7 =	vmax.f32 v7, $0.0e+00;
	v6 =	vtrunc.f32 v6;
	[tilespmem:v4+s25+$0x0] =	vst.idx.add.f32.msk $0xffff, v1  }
0x74a: {  	v60 =	vmin.f32 v7, $6.553500000e+04;
	v4 =	vcvt.f32.s32 v6;
	[tilespmem:v5+s25+$0x0] =	vst.idx.add.f32.msk $0xffff, v1  }
0x74b: {  	v6 =	vtrunc.f32 v60;
	v61 =	vld [tilespmem:s24+$0x13010]  }
0x74c: {  	v6 =	vcvt.f32.s32 v6;
	v5 =	vld [tilespmem:s24+$0x13050];
	_ =	sdelay $0x3  }
0x74d: {  	v7 =	vsub.f32 v61, v2;
	[tilespmem:v4+s25+$0x0] =	vst.idx.add.f32.msk $0xffff, v1  }
0x74e: {  	v5 =	vsub.f32 v5, v2;
	v4 =	vld [tilespmem:s24+$0x13410]  }
0x74f: {  	[tilespmem:v6+s25+$0x0] =	vst.idx.add.f32.msk $0xffff, v1;
	v7 =	vmul.f32 v7, v3  }
0x750: {  	v6 =	vld [tilespmem:s24+$0x13450];
	v5 =	vmul.f32 v5, v3  }
0x751: {  	v7 =	vmax.f32 v7, $0.0e+00  }
0x752: {  	v5 =	vmax.f32 v5, $0.0e+00;
	v7 =	vmin.f32 v7, $6.553500000e+04  }
0x753: {  	v5 =	vmin.f32 v5, $6.553500000e+04;
	v7 =	vtrunc.f32 v7;
	v4 =	vsub.f32 v4, v2  }
0x754: {  	v5 =	vtrunc.f32 v5;
	v7 =	vcvt.f32.s32 v7  }
0x755: {  	v6 =	vsub.f32 v6, v2;
	v5 =	vcvt.f32.s32 v5;
	v4 =	vmul.f32 v4, v3;
	_ =	sdelay $0x1  }
0x756: {  	v6 =	vmul.f32 v6, v3;
	v4 =	vmax.f32 v4, $0.0e+00  }
0x757: {  	v4 =	vmin.f32 v4, $6.553500000e+04  }
0x758: {  	v6 =	vmax.f32 v6, $0.0e+00;
	v4 =	vtrunc.f32 v4  }
0x759: {  	v6 =	vmin.f32 v6, $6.553500000e+04;
	v4 =	vcvt.f32.s32 v4;
	[tilespmem:v7+s25+$0x0] =	vst.idx.add.f32.msk $0xffff, v1  }
0x75a: {  	v6 =	vtrunc.f32 v6;
	[tilespmem:v5+s25+$0x0] =	vst.idx.add.f32.msk $0xffff, v1  }
0x75b: {  	v7 =	vld [tilespmem:s24+$0x13020];
	v6 =	vcvt.f32.s32 v6  }
0x75c: {  	v5 =	vld [tilespmem:s24+$0x13060];
	_ =	sdelay $0x2  }
0x75d: {  	[tilespmem:v4+s25+$0x0] =	vst.idx.add.f32.msk $0xffff, v1  }
0x75e: {  	v62 =	vld [tilespmem:s24+$0x13420]  }
0x75f: {  	v4 =	vsub.f32 v7, v2;
	v5 =	vsub.f32 v5, v2;
	[tilespmem:v6+s25+$0x0] =	vst.idx.add.f32.msk $0xffff, v1  }
0x760: {  	v6 =	vld [tilespmem:s24+$0x13460]  }
0x761: {  	v4 =	vmul.f32 v4, v3;
	v5 =	vmul.f32 v5, v3;
	_ =	sdelay $0x1  }
0x762: {  	v4 =	vmax.f32 v4, $0.0e+00;
	v5 =	vmax.f32 v5, $0.0e+00;
	v7 =	vsub.f32 v62, v2  }
0x763: {  	v4 =	vmin.f32 v4, $6.553500000e+04;
	v5 =	vmin.f32 v5, $6.553500000e+04  }
0x764: {  	v4 =	vtrunc.f32 v4;
	v6 =	vsub.f32 v6, v2;
	v7 =	vmul.f32 v7, v3  }
0x765: {  	v5 =	vtrunc.f32 v5;
	v4 =	vcvt.f32.s32 v4  }
0x766: {  	v5 =	vcvt.f32.s32 v5;
	v6 =	vmul.f32 v6, v3;
	v7 =	vmax.f32 v7, $0.0e+00  }
0x767: {  	v7 =	vmin.f32 v7, $6.553500000e+04  }
0x768: {  	v6 =	vmax.f32 v6, $0.0e+00;
	v7 =	vtrunc.f32 v7  }
0x769: {  	v6 =	vmin.f32 v6, $6.553500000e+04;
	v7 =	vcvt.f32.s32 v7  }
0x76a: {  	v6 =	vtrunc.f32 v6  }
0x76b: {  	[tilespmem:v4+s25+$0x0] =	vst.idx.add.f32.msk $0xffff, v1;
	v4 =	vcvt.f32.s32 v6  }
0x76c: {  	[tilespmem:v5+s25+$0x0] =	vst.idx.add.f32.msk $0xffff, v1  }
0x76d: {  	v63 =	vld [tilespmem:s24+$0x13030]  }
0x76e: {  	v5 =	vld [tilespmem:s24+$0x13070]  }
0x76f: {  	[tilespmem:v7+s25+$0x0] =	vst.idx.add.f32.msk $0xffff, v1  }
0x770: {  	v7 =	vld [tilespmem:s24+$0x13430]  }
0x771: {  	[tilespmem:v4+s25+$0x0] =	vst.idx.add.f32.msk $0xffff, v1  }
0x772: {  	v4 =	vld [tilespmem:s24+$0x13470];
	_ =	sdelay $0x1  }
0x773: {  	v6 =	vsub.f32 v63, v2;
	v5 =	vsub.f32 v5, v2;
	_ =	sdelay $0x1  }
0x774: {  	v6 =	vmul.f32 v6, v3;
	v5 =	vmul.f32 v5, v3;
	v7 =	vsub.f32 v7, v2  }
0x775: {  	v4 =	vsub.f32 v4, v2  }
0x776: {  	v6 =	vmax.f32 v6, $0.0e+00;
	v5 =	vmax.f32 v5, $0.0e+00;
	v7 =	vmul.f32 v7, v3  }
0x777: {  	v6 =	vmin.f32 v6, $6.553500000e+04;
	v5 =	vmin.f32 v5, $6.553500000e+04;
	v4 =	vmul.f32 v4, v3  }
0x778: {  	v6 =	vtrunc.f32 v6;
	v5 =	vtrunc.f32 v5;
	v7 =	vmax.f32 v7, $0.0e+00  }
0x779: {  	v6 =	vcvt.f32.s32 v6;
	v7 =	vmin.f32 v7, $6.553500000e+04;
	v4 =	vmax.f32 v4, $0.0e+00  }
0x77a: {  	v5 =	vcvt.f32.s32 v5;
	v7 =	vtrunc.f32 v7;
	v4 =	vmin.f32 v4, $6.553500000e+04  }
0x77b: {  	v7 =	vcvt.f32.s32 v7;
	v4 =	vtrunc.f32 v4  }
0x77c: {  	v4 =	vcvt.f32.s32 v4  }
0x77d: {  	p3 =	por p1, p1  }
.Ltmp27:
0x77e: {  	_ = 	snop;
	(pc) =	sbr.rel @p3 .LBB2_48-.Ltmp27, $4  }
0x77f: {  	[tilespmem:v6+s25+$0x0] =	vst.idx.add.f32.msk $0xffff, v1  }
0x780: {  	[tilespmem:v5+s25+$0x0] =	vst.idx.add.f32.msk $0xffff, v1  }
0x781: {  	[tilespmem:v7+s25+$0x0] =	vst.idx.add.f32.msk $0xffff, v1  }
0x782: {  	p1 =	por $0x0, $0x0;
	s24 =	simm.s32 $0x2000;
	[tilespmem:v4+s25+$0x0] =	vst.idx.add.f32.msk $0xffff, v1  }
.LBB2_49:
0x783: {  	s25 =	sshra.s32 s25, $0x2  }
0x784: {  	v4 =	vld [tilespmem:s25+$0x13080]  }
0x785: {  	v5 =	vld [tilespmem:s25+$0x130C0];
	_ =	sdelay $0x3  }
0x786: {  	v4 =	vsub.f32 v4, v2  }
0x787: {  	v5 =	vsub.f32 v5, v2  }
0x788: {  	v6 =	vld [tilespmem:s25+$0x13480];
	v4 =	vmul.f32 v4, v3  }
0x789: {  	v5 =	vmul.f32 v5, v3  }
0x78a: {  	v7 =	vld [tilespmem:s25+$0x134C0];
	v4 =	vmax.f32 v4, $0.0e+00  }
0x78b: {  	v5 =	vmax.f32 v5, $0.0e+00;
	v4 =	vmin.f32 v4, $6.553500000e+04  }
0x78c: {  	v5 =	vmin.f32 v5, $6.553500000e+04;
	v4 =	vtrunc.f32 v4  }
0x78d: {  	v6 =	vsub.f32 v6, v2;
	v5 =	vtrunc.f32 v5;
	v4 =	vcvt.f32.s32 v4  }
0x78e: {  	v5 =	vcvt.f32.s32 v5  }
0x78f: {  	v7 =	vsub.f32 v7, v2;
	v6 =	vmul.f32 v6, v3;
	_ =	sdelay $0x1  }
0x790: {  	v7 =	vmul.f32 v7, v3;
	v6 =	vmax.f32 v6, $0.0e+00  }
0x791: {  	s24 =	simm.s32 $0x0;
	v6 =	vmin.f32 v6, $6.553500000e+04  }
0x792: {  	v7 =	vmax.f32 v7, $0.0e+00;
	v6 =	vtrunc.f32 v6;
	[tilespmem:v4+s24+$0x0] =	vst.idx.add.f32.msk $0xffff, v1  }
0x793: {  	v60 =	vmin.f32 v7, $6.553500000e+04;
	v4 =	vcvt.f32.s32 v6;
	[tilespmem:v5+s24+$0x0] =	vst.idx.add.f32.msk $0xffff, v1  }
0x794: {  	v6 =	vtrunc.f32 v60;
	v61 =	vld [tilespmem:s25+$0x13090]  }
0x795: {  	v6 =	vcvt.f32.s32 v6;
	v5 =	vld [tilespmem:s25+$0x130D0];
	_ =	sdelay $0x3  }
0x796: {  	v7 =	vsub.f32 v61, v2;
	[tilespmem:v4+s24+$0x0] =	vst.idx.add.f32.msk $0xffff, v1  }
0x797: {  	v5 =	vsub.f32 v5, v2;
	v4 =	vld [tilespmem:s25+$0x13490]  }
0x798: {  	[tilespmem:v6+s24+$0x0] =	vst.idx.add.f32.msk $0xffff, v1;
	v7 =	vmul.f32 v7, v3  }
0x799: {  	v6 =	vld [tilespmem:s25+$0x134D0];
	v5 =	vmul.f32 v5, v3  }
0x79a: {  	v7 =	vmax.f32 v7, $0.0e+00  }
0x79b: {  	v5 =	vmax.f32 v5, $0.0e+00;
	v7 =	vmin.f32 v7, $6.553500000e+04  }
0x79c: {  	v5 =	vmin.f32 v5, $6.553500000e+04;
	v7 =	vtrunc.f32 v7;
	v4 =	vsub.f32 v4, v2  }
0x79d: {  	v5 =	vtrunc.f32 v5;
	v7 =	vcvt.f32.s32 v7  }
0x79e: {  	v6 =	vsub.f32 v6, v2;
	v5 =	vcvt.f32.s32 v5;
	v4 =	vmul.f32 v4, v3;
	_ =	sdelay $0x1  }
0x79f: {  	v6 =	vmul.f32 v6, v3;
	v4 =	vmax.f32 v4, $0.0e+00  }
0x7a0: {  	v4 =	vmin.f32 v4, $6.553500000e+04  }
0x7a1: {  	v6 =	vmax.f32 v6, $0.0e+00;
	v4 =	vtrunc.f32 v4  }
0x7a2: {  	v6 =	vmin.f32 v6, $6.553500000e+04;
	v4 =	vcvt.f32.s32 v4;
	[tilespmem:v7+s24+$0x0] =	vst.idx.add.f32.msk $0xffff, v1  }
0x7a3: {  	v6 =	vtrunc.f32 v6;
	[tilespmem:v5+s24+$0x0] =	vst.idx.add.f32.msk $0xffff, v1  }
0x7a4: {  	v7 =	vld [tilespmem:s25+$0x130A0];
	v6 =	vcvt.f32.s32 v6  }
0x7a5: {  	v5 =	vld [tilespmem:s25+$0x130E0];
	_ =	sdelay $0x2  }
0x7a6: {  	[tilespmem:v4+s24+$0x0] =	vst.idx.add.f32.msk $0xffff, v1  }
0x7a7: {  	v62 =	vld [tilespmem:s25+$0x134A0]  }
0x7a8: {  	v4 =	vsub.f32 v7, v2;
	v5 =	vsub.f32 v5, v2;
	[tilespmem:v6+s24+$0x0] =	vst.idx.add.f32.msk $0xffff, v1  }
0x7a9: {  	v6 =	vld [tilespmem:s25+$0x134E0]  }
0x7aa: {  	v4 =	vmul.f32 v4, v3;
	v5 =	vmul.f32 v5, v3;
	_ =	sdelay $0x1  }
0x7ab: {  	v4 =	vmax.f32 v4, $0.0e+00;
	v5 =	vmax.f32 v5, $0.0e+00;
	v7 =	vsub.f32 v62, v2  }
0x7ac: {  	v4 =	vmin.f32 v4, $6.553500000e+04;
	v5 =	vmin.f32 v5, $6.553500000e+04  }
0x7ad: {  	v4 =	vtrunc.f32 v4;
	v6 =	vsub.f32 v6, v2;
	v7 =	vmul.f32 v7, v3  }
0x7ae: {  	v5 =	vtrunc.f32 v5;
	v4 =	vcvt.f32.s32 v4  }
0x7af: {  	v5 =	vcvt.f32.s32 v5;
	v6 =	vmul.f32 v6, v3;
	v7 =	vmax.f32 v7, $0.0e+00  }
0x7b0: {  	v7 =	vmin.f32 v7, $6.553500000e+04  }
0x7b1: {  	v6 =	vmax.f32 v6, $0.0e+00;
	v7 =	vtrunc.f32 v7  }
0x7b2: {  	v6 =	vmin.f32 v6, $6.553500000e+04;
	v7 =	vcvt.f32.s32 v7  }
0x7b3: {  	v6 =	vtrunc.f32 v6  }
0x7b4: {  	[tilespmem:v4+s24+$0x0] =	vst.idx.add.f32.msk $0xffff, v1;
	v4 =	vcvt.f32.s32 v6  }
0x7b5: {  	[tilespmem:v5+s24+$0x0] =	vst.idx.add.f32.msk $0xffff, v1  }
0x7b6: {  	v63 =	vld [tilespmem:s25+$0x130B0]  }
0x7b7: {  	v5 =	vld [tilespmem:s25+$0x130F0]  }
0x7b8: {  	[tilespmem:v7+s24+$0x0] =	vst.idx.add.f32.msk $0xffff, v1  }
0x7b9: {  	v7 =	vld [tilespmem:s25+$0x134B0]  }
0x7ba: {  	[tilespmem:v4+s24+$0x0] =	vst.idx.add.f32.msk $0xffff, v1  }
0x7bb: {  	v4 =	vld [tilespmem:s25+$0x134F0];
	_ =	sdelay $0x1  }
0x7bc: {  	v6 =	vsub.f32 v63, v2;
	v5 =	vsub.f32 v5, v2;
	_ =	sdelay $0x1  }
0x7bd: {  	v6 =	vmul.f32 v6, v3;
	v5 =	vmul.f32 v5, v3;
	v7 =	vsub.f32 v7, v2  }
0x7be: {  	v4 =	vsub.f32 v4, v2  }
0x7bf: {  	v6 =	vmax.f32 v6, $0.0e+00;
	v5 =	vmax.f32 v5, $0.0e+00;
	v7 =	vmul.f32 v7, v3  }
0x7c0: {  	v6 =	vmin.f32 v6, $6.553500000e+04;
	v5 =	vmin.f32 v5, $6.553500000e+04;
	v4 =	vmul.f32 v4, v3  }
0x7c1: {  	v6 =	vtrunc.f32 v6;
	v5 =	vtrunc.f32 v5;
	v7 =	vmax.f32 v7, $0.0e+00  }
0x7c2: {  	v6 =	vcvt.f32.s32 v6;
	v7 =	vmin.f32 v7, $6.553500000e+04;
	v4 =	vmax.f32 v4, $0.0e+00  }
0x7c3: {  	v5 =	vcvt.f32.s32 v5;
	v7 =	vtrunc.f32 v7;
	v4 =	vmin.f32 v4, $6.553500000e+04  }
0x7c4: {  	v7 =	vcvt.f32.s32 v7;
	v4 =	vtrunc.f32 v4  }
0x7c5: {  	v4 =	vcvt.f32.s32 v4  }
0x7c6: {  	p3 =	por p2, p2  }
.Ltmp28:
0x7c7: {  	_ = 	snop;
	(pc) =	sbr.rel @p3 .LBB2_49-.Ltmp28, $4  }
0x7c8: {  	[tilespmem:v6+s24+$0x0] =	vst.idx.add.f32.msk $0xffff, v1  }
0x7c9: {  	[tilespmem:v5+s24+$0x0] =	vst.idx.add.f32.msk $0xffff, v1  }
0x7ca: {  	[tilespmem:v7+s24+$0x0] =	vst.idx.add.f32.msk $0xffff, v1  }
0x7cb: {  	p1 =	por $0x1, $0x1;
	p2 =	por $0x0, $0x0;
	s25 =	simm.s32 $0x2000;
	[tilespmem:v4+s24+$0x0] =	vst.idx.add.f32.msk $0xffff, v1  }
0x7cc: {  	p2 =	por $0x1, $0x1;
	s25 =	simm.s32 $0x0  }
.LBB2_51:
0x7cd: {  	s25 =	sshra.s32 s25, $0x2  }
0x7ce: {  	v4 =	vld [tilespmem:s25+$0x13100]  }
0x7cf: {  	v5 =	vld [tilespmem:s25+$0x13140];
	_ =	sdelay $0x3  }
0x7d0: {  	v4 =	vsub.f32 v4, v2  }
0x7d1: {  	v5 =	vsub.f32 v5, v2  }
0x7d2: {  	v6 =	vld [tilespmem:s25+$0x13500];
	v4 =	vmul.f32 v4, v3  }
0x7d3: {  	v5 =	vmul.f32 v5, v3  }
0x7d4: {  	v7 =	vld [tilespmem:s25+$0x13540];
	v4 =	vmax.f32 v4, $0.0e+00  }
0x7d5: {  	v5 =	vmax.f32 v5, $0.0e+00;
	v4 =	vmin.f32 v4, $6.553500000e+04  }
0x7d6: {  	v5 =	vmin.f32 v5, $6.553500000e+04;
	v4 =	vtrunc.f32 v4  }
0x7d7: {  	v6 =	vsub.f32 v6, v2;
	v5 =	vtrunc.f32 v5;
	v4 =	vcvt.f32.s32 v4  }
0x7d8: {  	v5 =	vcvt.f32.s32 v5  }
0x7d9: {  	v7 =	vsub.f32 v7, v2;
	v6 =	vmul.f32 v6, v3;
	_ =	sdelay $0x1  }
0x7da: {  	v7 =	vmul.f32 v7, v3;
	v6 =	vmax.f32 v6, $0.0e+00  }
0x7db: {  	v6 =	vmin.f32 v6, $6.553500000e+04  }
0x7dc: {  	v7 =	vmax.f32 v7, $0.0e+00;
	v6 =	vtrunc.f32 v6;
	[tilespmem:v4+s24+$0x0] =	vst.idx.add.f32.msk $0xffff, v1  }
0x7dd: {  	v60 =	vmin.f32 v7, $6.553500000e+04;
	v4 =	vcvt.f32.s32 v6;
	[tilespmem:v5+s24+$0x0] =	vst.idx.add.f32.msk $0xffff, v1  }
0x7de: {  	v6 =	vtrunc.f32 v60;
	v61 =	vld [tilespmem:s25+$0x13110]  }
0x7df: {  	v6 =	vcvt.f32.s32 v6;
	v5 =	vld [tilespmem:s25+$0x13150];
	_ =	sdelay $0x3  }
0x7e0: {  	v7 =	vsub.f32 v61, v2;
	[tilespmem:v4+s24+$0x0] =	vst.idx.add.f32.msk $0xffff, v1  }
0x7e1: {  	v5 =	vsub.f32 v5, v2;
	v4 =	vld [tilespmem:s25+$0x13510]  }
0x7e2: {  	[tilespmem:v6+s24+$0x0] =	vst.idx.add.f32.msk $0xffff, v1;
	v7 =	vmul.f32 v7, v3  }
0x7e3: {  	v6 =	vld [tilespmem:s25+$0x13550];
	v5 =	vmul.f32 v5, v3  }
0x7e4: {  	v7 =	vmax.f32 v7, $0.0e+00  }
0x7e5: {  	v5 =	vmax.f32 v5, $0.0e+00;
	v7 =	vmin.f32 v7, $6.553500000e+04  }
0x7e6: {  	v5 =	vmin.f32 v5, $6.553500000e+04;
	v7 =	vtrunc.f32 v7;
	v4 =	vsub.f32 v4, v2  }
0x7e7: {  	v5 =	vtrunc.f32 v5;
	v7 =	vcvt.f32.s32 v7  }
0x7e8: {  	v6 =	vsub.f32 v6, v2;
	v5 =	vcvt.f32.s32 v5;
	v4 =	vmul.f32 v4, v3;
	_ =	sdelay $0x1  }
0x7e9: {  	v6 =	vmul.f32 v6, v3;
	v4 =	vmax.f32 v4, $0.0e+00  }
0x7ea: {  	v4 =	vmin.f32 v4, $6.553500000e+04  }
0x7eb: {  	v6 =	vmax.f32 v6, $0.0e+00;
	v4 =	vtrunc.f32 v4  }
0x7ec: {  	v6 =	vmin.f32 v6, $6.553500000e+04;
	v4 =	vcvt.f32.s32 v4;
	[tilespmem:v7+s24+$0x0] =	vst.idx.add.f32.msk $0xffff, v1  }
0x7ed: {  	v6 =	vtrunc.f32 v6;
	[tilespmem:v5+s24+$0x0] =	vst.idx.add.f32.msk $0xffff, v1  }
0x7ee: {  	v7 =	vld [tilespmem:s25+$0x13120];
	v6 =	vcvt.f32.s32 v6  }
0x7ef: {  	v5 =	vld [tilespmem:s25+$0x13160];
	_ =	sdelay $0x2  }
0x7f0: {  	[tilespmem:v4+s24+$0x0] =	vst.idx.add.f32.msk $0xffff, v1  }
0x7f1: {  	v62 =	vld [tilespmem:s25+$0x13520]  }
0x7f2: {  	v4 =	vsub.f32 v7, v2;
	v5 =	vsub.f32 v5, v2;
	[tilespmem:v6+s24+$0x0] =	vst.idx.add.f32.msk $0xffff, v1  }
0x7f3: {  	v6 =	vld [tilespmem:s25+$0x13560]  }
0x7f4: {  	v4 =	vmul.f32 v4, v3;
	v5 =	vmul.f32 v5, v3;
	_ =	sdelay $0x1  }
0x7f5: {  	v4 =	vmax.f32 v4, $0.0e+00;
	v5 =	vmax.f32 v5, $0.0e+00;
	v7 =	vsub.f32 v62, v2  }
0x7f6: {  	v4 =	vmin.f32 v4, $6.553500000e+04;
	v5 =	vmin.f32 v5, $6.553500000e+04  }
0x7f7: {  	v4 =	vtrunc.f32 v4;
	v6 =	vsub.f32 v6, v2;
	v7 =	vmul.f32 v7, v3  }
0x7f8: {  	v5 =	vtrunc.f32 v5;
	v4 =	vcvt.f32.s32 v4  }
0x7f9: {  	v5 =	vcvt.f32.s32 v5;
	v6 =	vmul.f32 v6, v3;
	v7 =	vmax.f32 v7, $0.0e+00  }
0x7fa: {  	v7 =	vmin.f32 v7, $6.553500000e+04  }
0x7fb: {  	v6 =	vmax.f32 v6, $0.0e+00;
	v7 =	vtrunc.f32 v7  }
0x7fc: {  	v6 =	vmin.f32 v6, $6.553500000e+04;
	v7 =	vcvt.f32.s32 v7  }
0x7fd: {  	v6 =	vtrunc.f32 v6  }
0x7fe: {  	[tilespmem:v4+s24+$0x0] =	vst.idx.add.f32.msk $0xffff, v1;
	v4 =	vcvt.f32.s32 v6  }
0x7ff: {  	[tilespmem:v5+s24+$0x0] =	vst.idx.add.f32.msk $0xffff, v1  }
0x800: {  	v63 =	vld [tilespmem:s25+$0x13130]  }
0x801: {  	v5 =	vld [tilespmem:s25+$0x13170]  }
0x802: {  	[tilespmem:v7+s24+$0x0] =	vst.idx.add.f32.msk $0xffff, v1  }
0x803: {  	v7 =	vld [tilespmem:s25+$0x13530]  }
0x804: {  	[tilespmem:v4+s24+$0x0] =	vst.idx.add.f32.msk $0xffff, v1  }
0x805: {  	v4 =	vld [tilespmem:s25+$0x13570];
	_ =	sdelay $0x1  }
0x806: {  	v6 =	vsub.f32 v63, v2;
	v5 =	vsub.f32 v5, v2;
	_ =	sdelay $0x1  }
0x807: {  	v6 =	vmul.f32 v6, v3;
	v5 =	vmul.f32 v5, v3;
	v7 =	vsub.f32 v7, v2  }
0x808: {  	v4 =	vsub.f32 v4, v2  }
0x809: {  	v6 =	vmax.f32 v6, $0.0e+00;
	v5 =	vmax.f32 v5, $0.0e+00;
	v7 =	vmul.f32 v7, v3  }
0x80a: {  	v6 =	vmin.f32 v6, $6.553500000e+04;
	v5 =	vmin.f32 v5, $6.553500000e+04;
	v4 =	vmul.f32 v4, v3  }
0x80b: {  	v6 =	vtrunc.f32 v6;
	v5 =	vtrunc.f32 v5;
	v7 =	vmax.f32 v7, $0.0e+00  }
0x80c: {  	v6 =	vcvt.f32.s32 v6;
	v7 =	vmin.f32 v7, $6.553500000e+04;
	v4 =	vmax.f32 v4, $0.0e+00  }
0x80d: {  	v5 =	vcvt.f32.s32 v5;
	v7 =	vtrunc.f32 v7;
	v4 =	vmin.f32 v4, $6.553500000e+04  }
0x80e: {  	v7 =	vcvt.f32.s32 v7;
	v4 =	vtrunc.f32 v4  }
0x80f: {  	v4 =	vcvt.f32.s32 v4  }
0x810: {  	p3 =	por p2, p2  }
.Ltmp29:
0x811: {  	_ = 	snop;
	(pc) =	sbr.rel @p3 .LBB2_51-.Ltmp29, $4  }
0x812: {  	[tilespmem:v6+s24+$0x0] =	vst.idx.add.f32.msk $0xffff, v1  }
0x813: {  	[tilespmem:v5+s24+$0x0] =	vst.idx.add.f32.msk $0xffff, v1  }
0x814: {  	[tilespmem:v7+s24+$0x0] =	vst.idx.add.f32.msk $0xffff, v1  }
0x815: {  	p2 =	por $0x0, $0x0;
	s25 =	simm.s32 $0x2000;
	[tilespmem:v4+s24+$0x0] =	vst.idx.add.f32.msk $0xffff, v1  }
.LBB2_52:
0x816: {  	s24 =	sshra.s32 s24, $0x2  }
0x817: {  	v4 =	vld [tilespmem:s24+$0x13180]  }
0x818: {  	v5 =	vld [tilespmem:s24+$0x131C0];
	_ =	sdelay $0x3  }
0x819: {  	v4 =	vsub.f32 v4, v2  }
0x81a: {  	v5 =	vsub.f32 v5, v2  }
0x81b: {  	v6 =	vld [tilespmem:s24+$0x13580];
	v4 =	vmul.f32 v4, v3  }
0x81c: {  	v5 =	vmul.f32 v5, v3  }
0x81d: {  	v7 =	vld [tilespmem:s24+$0x135C0];
	v4 =	vmax.f32 v4, $0.0e+00  }
0x81e: {  	v5 =	vmax.f32 v5, $0.0e+00;
	v4 =	vmin.f32 v4, $6.553500000e+04  }
0x81f: {  	v5 =	vmin.f32 v5, $6.553500000e+04;
	v4 =	vtrunc.f32 v4  }
0x820: {  	v6 =	vsub.f32 v6, v2;
	v5 =	vtrunc.f32 v5;
	v4 =	vcvt.f32.s32 v4  }
0x821: {  	v5 =	vcvt.f32.s32 v5  }
0x822: {  	v7 =	vsub.f32 v7, v2;
	v6 =	vmul.f32 v6, v3;
	_ =	sdelay $0x1  }
0x823: {  	v7 =	vmul.f32 v7, v3;
	v6 =	vmax.f32 v6, $0.0e+00  }
0x824: {  	s25 =	simm.s32 $0x0;
	v6 =	vmin.f32 v6, $6.553500000e+04  }
0x825: {  	v7 =	vmax.f32 v7, $0.0e+00;
	v6 =	vtrunc.f32 v6;
	[tilespmem:v4+s25+$0x0] =	vst.idx.add.f32.msk $0xffff, v1  }
0x826: {  	v60 =	vmin.f32 v7, $6.553500000e+04;
	v4 =	vcvt.f32.s32 v6;
	[tilespmem:v5+s25+$0x0] =	vst.idx.add.f32.msk $0xffff, v1  }
0x827: {  	v6 =	vtrunc.f32 v60;
	v61 =	vld [tilespmem:s24+$0x13190]  }
0x828: {  	v6 =	vcvt.f32.s32 v6;
	v5 =	vld [tilespmem:s24+$0x131D0];
	_ =	sdelay $0x3  }
0x829: {  	v7 =	vsub.f32 v61, v2;
	[tilespmem:v4+s25+$0x0] =	vst.idx.add.f32.msk $0xffff, v1  }
0x82a: {  	v5 =	vsub.f32 v5, v2;
	v4 =	vld [tilespmem:s24+$0x13590]  }
0x82b: {  	[tilespmem:v6+s25+$0x0] =	vst.idx.add.f32.msk $0xffff, v1;
	v7 =	vmul.f32 v7, v3  }
0x82c: {  	v6 =	vld [tilespmem:s24+$0x135D0];
	v5 =	vmul.f32 v5, v3  }
0x82d: {  	v7 =	vmax.f32 v7, $0.0e+00  }
0x82e: {  	v5 =	vmax.f32 v5, $0.0e+00;
	v7 =	vmin.f32 v7, $6.553500000e+04  }
0x82f: {  	v5 =	vmin.f32 v5, $6.553500000e+04;
	v7 =	vtrunc.f32 v7;
	v4 =	vsub.f32 v4, v2  }
0x830: {  	v5 =	vtrunc.f32 v5;
	v7 =	vcvt.f32.s32 v7  }
0x831: {  	v6 =	vsub.f32 v6, v2;
	v5 =	vcvt.f32.s32 v5;
	v4 =	vmul.f32 v4, v3;
	_ =	sdelay $0x1  }
0x832: {  	v6 =	vmul.f32 v6, v3;
	v4 =	vmax.f32 v4, $0.0e+00  }
0x833: {  	v4 =	vmin.f32 v4, $6.553500000e+04  }
0x834: {  	v6 =	vmax.f32 v6, $0.0e+00;
	v4 =	vtrunc.f32 v4  }
0x835: {  	v6 =	vmin.f32 v6, $6.553500000e+04;
	v4 =	vcvt.f32.s32 v4;
	[tilespmem:v7+s25+$0x0] =	vst.idx.add.f32.msk $0xffff, v1  }
0x836: {  	v6 =	vtrunc.f32 v6;
	[tilespmem:v5+s25+$0x0] =	vst.idx.add.f32.msk $0xffff, v1  }
0x837: {  	v7 =	vld [tilespmem:s24+$0x131A0];
	v6 =	vcvt.f32.s32 v6  }
0x838: {  	v5 =	vld [tilespmem:s24+$0x131E0];
	_ =	sdelay $0x2  }
0x839: {  	[tilespmem:v4+s25+$0x0] =	vst.idx.add.f32.msk $0xffff, v1  }
0x83a: {  	v62 =	vld [tilespmem:s24+$0x135A0]  }
0x83b: {  	v4 =	vsub.f32 v7, v2;
	v5 =	vsub.f32 v5, v2;
	[tilespmem:v6+s25+$0x0] =	vst.idx.add.f32.msk $0xffff, v1  }
0x83c: {  	v6 =	vld [tilespmem:s24+$0x135E0]  }
0x83d: {  	v4 =	vmul.f32 v4, v3;
	v5 =	vmul.f32 v5, v3;
	_ =	sdelay $0x1  }
0x83e: {  	v4 =	vmax.f32 v4, $0.0e+00;
	v5 =	vmax.f32 v5, $0.0e+00;
	v7 =	vsub.f32 v62, v2  }
0x83f: {  	v4 =	vmin.f32 v4, $6.553500000e+04;
	v5 =	vmin.f32 v5, $6.553500000e+04  }
0x840: {  	v4 =	vtrunc.f32 v4;
	v6 =	vsub.f32 v6, v2;
	v7 =	vmul.f32 v7, v3  }
0x841: {  	v5 =	vtrunc.f32 v5;
	v4 =	vcvt.f32.s32 v4  }
0x842: {  	v5 =	vcvt.f32.s32 v5;
	v6 =	vmul.f32 v6, v3;
	v7 =	vmax.f32 v7, $0.0e+00  }
0x843: {  	v7 =	vmin.f32 v7, $6.553500000e+04  }
0x844: {  	v6 =	vmax.f32 v6, $0.0e+00;
	v7 =	vtrunc.f32 v7  }
0x845: {  	v6 =	vmin.f32 v6, $6.553500000e+04;
	v7 =	vcvt.f32.s32 v7  }
0x846: {  	v6 =	vtrunc.f32 v6  }
0x847: {  	[tilespmem:v4+s25+$0x0] =	vst.idx.add.f32.msk $0xffff, v1;
	v4 =	vcvt.f32.s32 v6  }
0x848: {  	[tilespmem:v5+s25+$0x0] =	vst.idx.add.f32.msk $0xffff, v1  }
0x849: {  	v63 =	vld [tilespmem:s24+$0x131B0]  }
0x84a: {  	v5 =	vld [tilespmem:s24+$0x131F0]  }
0x84b: {  	[tilespmem:v7+s25+$0x0] =	vst.idx.add.f32.msk $0xffff, v1  }
0x84c: {  	v7 =	vld [tilespmem:s24+$0x135B0]  }
0x84d: {  	[tilespmem:v4+s25+$0x0] =	vst.idx.add.f32.msk $0xffff, v1  }
0x84e: {  	v4 =	vld [tilespmem:s24+$0x135F0];
	_ =	sdelay $0x1  }
0x84f: {  	v6 =	vsub.f32 v63, v2;
	v5 =	vsub.f32 v5, v2;
	_ =	sdelay $0x1  }
0x850: {  	v6 =	vmul.f32 v6, v3;
	v5 =	vmul.f32 v5, v3;
	v7 =	vsub.f32 v7, v2  }
0x851: {  	v4 =	vsub.f32 v4, v2  }
0x852: {  	v6 =	vmax.f32 v6, $0.0e+00;
	v5 =	vmax.f32 v5, $0.0e+00;
	v7 =	vmul.f32 v7, v3  }
0x853: {  	v6 =	vmin.f32 v6, $6.553500000e+04;
	v5 =	vmin.f32 v5, $6.553500000e+04;
	v4 =	vmul.f32 v4, v3  }
0x854: {  	v6 =	vtrunc.f32 v6;
	v5 =	vtrunc.f32 v5;
	v7 =	vmax.f32 v7, $0.0e+00  }
0x855: {  	v6 =	vcvt.f32.s32 v6;
	v7 =	vmin.f32 v7, $6.553500000e+04;
	v4 =	vmax.f32 v4, $0.0e+00  }
0x856: {  	v5 =	vcvt.f32.s32 v5;
	v7 =	vtrunc.f32 v7;
	v4 =	vmin.f32 v4, $6.553500000e+04  }
0x857: {  	v7 =	vcvt.f32.s32 v7;
	v4 =	vtrunc.f32 v4  }
0x858: {  	v4 =	vcvt.f32.s32 v4  }
0x859: {  	p3 =	por p1, p1  }
.Ltmp30:
0x85a: {  	_ = 	snop;
	(pc) =	sbr.rel @p3 .LBB2_52-.Ltmp30, $4  }
0x85b: {  	[tilespmem:v6+s25+$0x0] =	vst.idx.add.f32.msk $0xffff, v1  }
0x85c: {  	[tilespmem:v5+s25+$0x0] =	vst.idx.add.f32.msk $0xffff, v1  }
0x85d: {  	[tilespmem:v7+s25+$0x0] =	vst.idx.add.f32.msk $0xffff, v1  }
0x85e: {  	p2 =	por $0x1, $0x1;
	p1 =	por $0x0, $0x0;
	s24 =	simm.s32 $0x2000;
	[tilespmem:v4+s25+$0x0] =	vst.idx.add.f32.msk $0xffff, v1  }
0x85f: {  	p1 =	por $0x1, $0x1;
	s24 =	simm.s32 $0x0  }
.LBB2_54:
0x860: {  	s24 =	sshra.s32 s24, $0x2  }
0x861: {  	v4 =	vld [tilespmem:s24+$0x13200]  }
0x862: {  	v5 =	vld [tilespmem:s24+$0x13240];
	_ =	sdelay $0x3  }
0x863: {  	v4 =	vsub.f32 v4, v2  }
0x864: {  	v5 =	vsub.f32 v5, v2  }
0x865: {  	v6 =	vld [tilespmem:s24+$0x13600];
	v4 =	vmul.f32 v4, v3  }
0x866: {  	v5 =	vmul.f32 v5, v3  }
0x867: {  	v7 =	vld [tilespmem:s24+$0x13640];
	v4 =	vmax.f32 v4, $0.0e+00  }
0x868: {  	v5 =	vmax.f32 v5, $0.0e+00;
	v4 =	vmin.f32 v4, $6.553500000e+04  }
0x869: {  	v5 =	vmin.f32 v5, $6.553500000e+04;
	v4 =	vtrunc.f32 v4  }
0x86a: {  	v6 =	vsub.f32 v6, v2;
	v5 =	vtrunc.f32 v5;
	v4 =	vcvt.f32.s32 v4  }
0x86b: {  	v5 =	vcvt.f32.s32 v5  }
0x86c: {  	v7 =	vsub.f32 v7, v2;
	v6 =	vmul.f32 v6, v3;
	_ =	sdelay $0x1  }
0x86d: {  	v7 =	vmul.f32 v7, v3;
	v6 =	vmax.f32 v6, $0.0e+00  }
0x86e: {  	v6 =	vmin.f32 v6, $6.553500000e+04  }
0x86f: {  	v7 =	vmax.f32 v7, $0.0e+00;
	v6 =	vtrunc.f32 v6;
	[tilespmem:v4+s25+$0x0] =	vst.idx.add.f32.msk $0xffff, v1  }
0x870: {  	v60 =	vmin.f32 v7, $6.553500000e+04;
	v4 =	vcvt.f32.s32 v6;
	[tilespmem:v5+s25+$0x0] =	vst.idx.add.f32.msk $0xffff, v1  }
0x871: {  	v6 =	vtrunc.f32 v60;
	v61 =	vld [tilespmem:s24+$0x13210]  }
0x872: {  	v6 =	vcvt.f32.s32 v6;
	v5 =	vld [tilespmem:s24+$0x13250];
	_ =	sdelay $0x3  }
0x873: {  	v7 =	vsub.f32 v61, v2;
	[tilespmem:v4+s25+$0x0] =	vst.idx.add.f32.msk $0xffff, v1  }
0x874: {  	v5 =	vsub.f32 v5, v2;
	v4 =	vld [tilespmem:s24+$0x13610]  }
0x875: {  	[tilespmem:v6+s25+$0x0] =	vst.idx.add.f32.msk $0xffff, v1;
	v7 =	vmul.f32 v7, v3  }
0x876: {  	v6 =	vld [tilespmem:s24+$0x13650];
	v5 =	vmul.f32 v5, v3  }
0x877: {  	v7 =	vmax.f32 v7, $0.0e+00  }
0x878: {  	v5 =	vmax.f32 v5, $0.0e+00;
	v7 =	vmin.f32 v7, $6.553500000e+04  }
0x879: {  	v5 =	vmin.f32 v5, $6.553500000e+04;
	v7 =	vtrunc.f32 v7;
	v4 =	vsub.f32 v4, v2  }
0x87a: {  	v5 =	vtrunc.f32 v5;
	v7 =	vcvt.f32.s32 v7  }
0x87b: {  	v6 =	vsub.f32 v6, v2;
	v5 =	vcvt.f32.s32 v5;
	v4 =	vmul.f32 v4, v3;
	_ =	sdelay $0x1  }
0x87c: {  	v6 =	vmul.f32 v6, v3;
	v4 =	vmax.f32 v4, $0.0e+00  }
0x87d: {  	v4 =	vmin.f32 v4, $6.553500000e+04  }
0x87e: {  	v6 =	vmax.f32 v6, $0.0e+00;
	v4 =	vtrunc.f32 v4  }
0x87f: {  	v6 =	vmin.f32 v6, $6.553500000e+04;
	v4 =	vcvt.f32.s32 v4;
	[tilespmem:v7+s25+$0x0] =	vst.idx.add.f32.msk $0xffff, v1  }
0x880: {  	v6 =	vtrunc.f32 v6;
	[tilespmem:v5+s25+$0x0] =	vst.idx.add.f32.msk $0xffff, v1  }
0x881: {  	v7 =	vld [tilespmem:s24+$0x13220];
	v6 =	vcvt.f32.s32 v6  }
0x882: {  	v5 =	vld [tilespmem:s24+$0x13260];
	_ =	sdelay $0x2  }
0x883: {  	[tilespmem:v4+s25+$0x0] =	vst.idx.add.f32.msk $0xffff, v1  }
0x884: {  	v62 =	vld [tilespmem:s24+$0x13620]  }
0x885: {  	v4 =	vsub.f32 v7, v2;
	v5 =	vsub.f32 v5, v2;
	[tilespmem:v6+s25+$0x0] =	vst.idx.add.f32.msk $0xffff, v1  }
0x886: {  	v6 =	vld [tilespmem:s24+$0x13660]  }
0x887: {  	v4 =	vmul.f32 v4, v3;
	v5 =	vmul.f32 v5, v3;
	_ =	sdelay $0x1  }
0x888: {  	v4 =	vmax.f32 v4, $0.0e+00;
	v5 =	vmax.f32 v5, $0.0e+00;
	v7 =	vsub.f32 v62, v2  }
0x889: {  	v4 =	vmin.f32 v4, $6.553500000e+04;
	v5 =	vmin.f32 v5, $6.553500000e+04  }
0x88a: {  	v4 =	vtrunc.f32 v4;
	v6 =	vsub.f32 v6, v2;
	v7 =	vmul.f32 v7, v3  }
0x88b: {  	v5 =	vtrunc.f32 v5;
	v4 =	vcvt.f32.s32 v4  }
0x88c: {  	v5 =	vcvt.f32.s32 v5;
	v6 =	vmul.f32 v6, v3;
	v7 =	vmax.f32 v7, $0.0e+00  }
0x88d: {  	v7 =	vmin.f32 v7, $6.553500000e+04  }
0x88e: {  	v6 =	vmax.f32 v6, $0.0e+00;
	v7 =	vtrunc.f32 v7  }
0x88f: {  	v6 =	vmin.f32 v6, $6.553500000e+04;
	v7 =	vcvt.f32.s32 v7  }
0x890: {  	v6 =	vtrunc.f32 v6  }
0x891: {  	[tilespmem:v4+s25+$0x0] =	vst.idx.add.f32.msk $0xffff, v1;
	v4 =	vcvt.f32.s32 v6  }
0x892: {  	[tilespmem:v5+s25+$0x0] =	vst.idx.add.f32.msk $0xffff, v1  }
0x893: {  	v63 =	vld [tilespmem:s24+$0x13230]  }
0x894: {  	v5 =	vld [tilespmem:s24+$0x13270]  }
0x895: {  	[tilespmem:v7+s25+$0x0] =	vst.idx.add.f32.msk $0xffff, v1  }
0x896: {  	v7 =	vld [tilespmem:s24+$0x13630]  }
0x897: {  	[tilespmem:v4+s25+$0x0] =	vst.idx.add.f32.msk $0xffff, v1  }
0x898: {  	v4 =	vld [tilespmem:s24+$0x13670];
	_ =	sdelay $0x1  }
0x899: {  	v6 =	vsub.f32 v63, v2;
	v5 =	vsub.f32 v5, v2;
	_ =	sdelay $0x1  }
0x89a: {  	v6 =	vmul.f32 v6, v3;
	v5 =	vmul.f32 v5, v3;
	v7 =	vsub.f32 v7, v2  }
0x89b: {  	v4 =	vsub.f32 v4, v2  }
0x89c: {  	v6 =	vmax.f32 v6, $0.0e+00;
	v5 =	vmax.f32 v5, $0.0e+00;
	v7 =	vmul.f32 v7, v3  }
0x89d: {  	v6 =	vmin.f32 v6, $6.553500000e+04;
	v5 =	vmin.f32 v5, $6.553500000e+04;
	v4 =	vmul.f32 v4, v3  }
0x89e: {  	v6 =	vtrunc.f32 v6;
	v5 =	vtrunc.f32 v5;
	v7 =	vmax.f32 v7, $0.0e+00  }
0x89f: {  	v6 =	vcvt.f32.s32 v6;
	v7 =	vmin.f32 v7, $6.553500000e+04;
	v4 =	vmax.f32 v4, $0.0e+00  }
0x8a0: {  	v5 =	vcvt.f32.s32 v5;
	v7 =	vtrunc.f32 v7;
	v4 =	vmin.f32 v4, $6.553500000e+04  }
0x8a1: {  	v7 =	vcvt.f32.s32 v7;
	v4 =	vtrunc.f32 v4  }
0x8a2: {  	v4 =	vcvt.f32.s32 v4  }
0x8a3: {  	p3 =	por p1, p1  }
.Ltmp31:
0x8a4: {  	_ = 	snop;
	(pc) =	sbr.rel @p3 .LBB2_54-.Ltmp31, $4  }
0x8a5: {  	[tilespmem:v6+s25+$0x0] =	vst.idx.add.f32.msk $0xffff, v1  }
0x8a6: {  	[tilespmem:v5+s25+$0x0] =	vst.idx.add.f32.msk $0xffff, v1  }
0x8a7: {  	[tilespmem:v7+s25+$0x0] =	vst.idx.add.f32.msk $0xffff, v1  }
0x8a8: {  	p1 =	por $0x0, $0x0;
	s24 =	simm.s32 $0x2000;
	[tilespmem:v4+s25+$0x0] =	vst.idx.add.f32.msk $0xffff, v1  }
.LBB2_55:
0x8a9: {  	s25 =	sshra.s32 s25, $0x2  }
0x8aa: {  	v4 =	vld [tilespmem:s25+$0x13280]  }
0x8ab: {  	v5 =	vld [tilespmem:s25+$0x132C0];
	_ =	sdelay $0x3  }
0x8ac: {  	v4 =	vsub.f32 v4, v2  }
0x8ad: {  	v5 =	vsub.f32 v5, v2  }
0x8ae: {  	v6 =	vld [tilespmem:s25+$0x13680];
	v4 =	vmul.f32 v4, v3  }
0x8af: {  	v5 =	vmul.f32 v5, v3  }
0x8b0: {  	v7 =	vld [tilespmem:s25+$0x136C0];
	v4 =	vmax.f32 v4, $0.0e+00  }
0x8b1: {  	v5 =	vmax.f32 v5, $0.0e+00;
	v4 =	vmin.f32 v4, $6.553500000e+04  }
0x8b2: {  	v5 =	vmin.f32 v5, $6.553500000e+04;
	v4 =	vtrunc.f32 v4  }
0x8b3: {  	v6 =	vsub.f32 v6, v2;
	v5 =	vtrunc.f32 v5;
	v4 =	vcvt.f32.s32 v4  }
0x8b4: {  	v5 =	vcvt.f32.s32 v5  }
0x8b5: {  	v7 =	vsub.f32 v7, v2;
	v6 =	vmul.f32 v6, v3;
	_ =	sdelay $0x1  }
0x8b6: {  	v7 =	vmul.f32 v7, v3;
	v6 =	vmax.f32 v6, $0.0e+00  }
0x8b7: {  	s24 =	simm.s32 $0x0;
	v6 =	vmin.f32 v6, $6.553500000e+04  }
0x8b8: {  	v7 =	vmax.f32 v7, $0.0e+00;
	v6 =	vtrunc.f32 v6;
	[tilespmem:v4+s24+$0x0] =	vst.idx.add.f32.msk $0xffff, v1  }
0x8b9: {  	v60 =	vmin.f32 v7, $6.553500000e+04;
	v4 =	vcvt.f32.s32 v6;
	[tilespmem:v5+s24+$0x0] =	vst.idx.add.f32.msk $0xffff, v1  }
0x8ba: {  	v6 =	vtrunc.f32 v60;
	v61 =	vld [tilespmem:s25+$0x13290]  }
0x8bb: {  	v6 =	vcvt.f32.s32 v6;
	v5 =	vld [tilespmem:s25+$0x132D0];
	_ =	sdelay $0x3  }
0x8bc: {  	v7 =	vsub.f32 v61, v2;
	[tilespmem:v4+s24+$0x0] =	vst.idx.add.f32.msk $0xffff, v1  }
0x8bd: {  	v5 =	vsub.f32 v5, v2;
	v4 =	vld [tilespmem:s25+$0x13690]  }
0x8be: {  	[tilespmem:v6+s24+$0x0] =	vst.idx.add.f32.msk $0xffff, v1;
	v7 =	vmul.f32 v7, v3  }
0x8bf: {  	v6 =	vld [tilespmem:s25+$0x136D0];
	v5 =	vmul.f32 v5, v3  }
0x8c0: {  	v7 =	vmax.f32 v7, $0.0e+00  }
0x8c1: {  	v5 =	vmax.f32 v5, $0.0e+00;
	v7 =	vmin.f32 v7, $6.553500000e+04  }
0x8c2: {  	v5 =	vmin.f32 v5, $6.553500000e+04;
	v7 =	vtrunc.f32 v7;
	v4 =	vsub.f32 v4, v2  }
0x8c3: {  	v5 =	vtrunc.f32 v5;
	v7 =	vcvt.f32.s32 v7  }
0x8c4: {  	v6 =	vsub.f32 v6, v2;
	v5 =	vcvt.f32.s32 v5;
	v4 =	vmul.f32 v4, v3;
	_ =	sdelay $0x1  }
0x8c5: {  	v6 =	vmul.f32 v6, v3;
	v4 =	vmax.f32 v4, $0.0e+00  }
0x8c6: {  	v4 =	vmin.f32 v4, $6.553500000e+04  }
0x8c7: {  	v6 =	vmax.f32 v6, $0.0e+00;
	v4 =	vtrunc.f32 v4  }
0x8c8: {  	v6 =	vmin.f32 v6, $6.553500000e+04;
	v4 =	vcvt.f32.s32 v4;
	[tilespmem:v7+s24+$0x0] =	vst.idx.add.f32.msk $0xffff, v1  }
0x8c9: {  	v6 =	vtrunc.f32 v6;
	[tilespmem:v5+s24+$0x0] =	vst.idx.add.f32.msk $0xffff, v1  }
0x8ca: {  	v7 =	vld [tilespmem:s25+$0x132A0];
	v6 =	vcvt.f32.s32 v6  }
0x8cb: {  	v5 =	vld [tilespmem:s25+$0x132E0];
	_ =	sdelay $0x2  }
0x8cc: {  	[tilespmem:v4+s24+$0x0] =	vst.idx.add.f32.msk $0xffff, v1  }
0x8cd: {  	v62 =	vld [tilespmem:s25+$0x136A0]  }
0x8ce: {  	v4 =	vsub.f32 v7, v2;
	v5 =	vsub.f32 v5, v2;
	[tilespmem:v6+s24+$0x0] =	vst.idx.add.f32.msk $0xffff, v1  }
0x8cf: {  	v6 =	vld [tilespmem:s25+$0x136E0]  }
0x8d0: {  	v4 =	vmul.f32 v4, v3;
	v5 =	vmul.f32 v5, v3;
	_ =	sdelay $0x1  }
0x8d1: {  	v4 =	vmax.f32 v4, $0.0e+00;
	v5 =	vmax.f32 v5, $0.0e+00;
	v7 =	vsub.f32 v62, v2  }
0x8d2: {  	v4 =	vmin.f32 v4, $6.553500000e+04;
	v5 =	vmin.f32 v5, $6.553500000e+04  }
0x8d3: {  	v4 =	vtrunc.f32 v4;
	v6 =	vsub.f32 v6, v2;
	v7 =	vmul.f32 v7, v3  }
0x8d4: {  	v5 =	vtrunc.f32 v5;
	v4 =	vcvt.f32.s32 v4  }
0x8d5: {  	v5 =	vcvt.f32.s32 v5;
	v6 =	vmul.f32 v6, v3;
	v7 =	vmax.f32 v7, $0.0e+00  }
0x8d6: {  	v7 =	vmin.f32 v7, $6.553500000e+04  }
0x8d7: {  	v6 =	vmax.f32 v6, $0.0e+00;
	v7 =	vtrunc.f32 v7  }
0x8d8: {  	v6 =	vmin.f32 v6, $6.553500000e+04;
	v7 =	vcvt.f32.s32 v7  }
0x8d9: {  	v6 =	vtrunc.f32 v6  }
0x8da: {  	[tilespmem:v4+s24+$0x0] =	vst.idx.add.f32.msk $0xffff, v1;
	v4 =	vcvt.f32.s32 v6  }
0x8db: {  	[tilespmem:v5+s24+$0x0] =	vst.idx.add.f32.msk $0xffff, v1  }
0x8dc: {  	v63 =	vld [tilespmem:s25+$0x132B0]  }
0x8dd: {  	v5 =	vld [tilespmem:s25+$0x132F0]  }
0x8de: {  	[tilespmem:v7+s24+$0x0] =	vst.idx.add.f32.msk $0xffff, v1  }
0x8df: {  	v7 =	vld [tilespmem:s25+$0x136B0]  }
0x8e0: {  	[tilespmem:v4+s24+$0x0] =	vst.idx.add.f32.msk $0xffff, v1  }
0x8e1: {  	v4 =	vld [tilespmem:s25+$0x136F0];
	_ =	sdelay $0x1  }
0x8e2: {  	v6 =	vsub.f32 v63, v2;
	v5 =	vsub.f32 v5, v2;
	_ =	sdelay $0x1  }
0x8e3: {  	v6 =	vmul.f32 v6, v3;
	v5 =	vmul.f32 v5, v3;
	v7 =	vsub.f32 v7, v2  }
0x8e4: {  	v4 =	vsub.f32 v4, v2  }
0x8e5: {  	v6 =	vmax.f32 v6, $0.0e+00;
	v5 =	vmax.f32 v5, $0.0e+00;
	v7 =	vmul.f32 v7, v3  }
0x8e6: {  	v6 =	vmin.f32 v6, $6.553500000e+04;
	v5 =	vmin.f32 v5, $6.553500000e+04;
	v4 =	vmul.f32 v4, v3  }
0x8e7: {  	v6 =	vtrunc.f32 v6;
	v5 =	vtrunc.f32 v5;
	v7 =	vmax.f32 v7, $0.0e+00  }
0x8e8: {  	v6 =	vcvt.f32.s32 v6;
	v7 =	vmin.f32 v7, $6.553500000e+04;
	v4 =	vmax.f32 v4, $0.0e+00  }
0x8e9: {  	v5 =	vcvt.f32.s32 v5;
	v7 =	vtrunc.f32 v7;
	v4 =	vmin.f32 v4, $6.553500000e+04  }
0x8ea: {  	v7 =	vcvt.f32.s32 v7;
	v4 =	vtrunc.f32 v4  }
0x8eb: {  	v4 =	vcvt.f32.s32 v4  }
0x8ec: {  	p3 =	por p2, p2  }
.Ltmp32:
0x8ed: {  	_ = 	snop;
	(pc) =	sbr.rel @p3 .LBB2_55-.Ltmp32, $4  }
0x8ee: {  	[tilespmem:v6+s24+$0x0] =	vst.idx.add.f32.msk $0xffff, v1  }
0x8ef: {  	[tilespmem:v5+s24+$0x0] =	vst.idx.add.f32.msk $0xffff, v1  }
0x8f0: {  	[tilespmem:v7+s24+$0x0] =	vst.idx.add.f32.msk $0xffff, v1  }
0x8f1: {  	p1 =	por $0x1, $0x1;
	p2 =	por $0x0, $0x0;
	s25 =	simm.s32 $0x2000;
	[tilespmem:v4+s24+$0x0] =	vst.idx.add.f32.msk $0xffff, v1  }
0x8f2: {  	p2 =	por $0x1, $0x1;
	s25 =	simm.s32 $0x0  }
.LBB2_57:
0x8f3: {  	s25 =	sshra.s32 s25, $0x2  }
0x8f4: {  	v4 =	vld [tilespmem:s25+$0x13300]  }
0x8f5: {  	v5 =	vld [tilespmem:s25+$0x13340];
	_ =	sdelay $0x3  }
0x8f6: {  	v4 =	vsub.f32 v4, v2  }
0x8f7: {  	v5 =	vsub.f32 v5, v2  }
0x8f8: {  	v6 =	vld [tilespmem:s25+$0x13700];
	v4 =	vmul.f32 v4, v3  }
0x8f9: {  	v5 =	vmul.f32 v5, v3  }
0x8fa: {  	v7 =	vld [tilespmem:s25+$0x13740];
	v4 =	vmax.f32 v4, $0.0e+00  }
0x8fb: {  	v5 =	vmax.f32 v5, $0.0e+00;
	v4 =	vmin.f32 v4, $6.553500000e+04  }
0x8fc: {  	v5 =	vmin.f32 v5, $6.553500000e+04;
	v4 =	vtrunc.f32 v4  }
0x8fd: {  	v6 =	vsub.f32 v6, v2;
	v5 =	vtrunc.f32 v5;
	v4 =	vcvt.f32.s32 v4  }
0x8fe: {  	v5 =	vcvt.f32.s32 v5  }
0x8ff: {  	v7 =	vsub.f32 v7, v2;
	v6 =	vmul.f32 v6, v3;
	_ =	sdelay $0x1  }
0x900: {  	v7 =	vmul.f32 v7, v3;
	v6 =	vmax.f32 v6, $0.0e+00  }
0x901: {  	v6 =	vmin.f32 v6, $6.553500000e+04  }
0x902: {  	v7 =	vmax.f32 v7, $0.0e+00;
	v6 =	vtrunc.f32 v6;
	[tilespmem:v4+s24+$0x0] =	vst.idx.add.f32.msk $0xffff, v1  }
0x903: {  	v60 =	vmin.f32 v7, $6.553500000e+04;
	v4 =	vcvt.f32.s32 v6;
	[tilespmem:v5+s24+$0x0] =	vst.idx.add.f32.msk $0xffff, v1  }
0x904: {  	v6 =	vtrunc.f32 v60;
	v61 =	vld [tilespmem:s25+$0x13310]  }
0x905: {  	v6 =	vcvt.f32.s32 v6;
	v5 =	vld [tilespmem:s25+$0x13350];
	_ =	sdelay $0x3  }
0x906: {  	v7 =	vsub.f32 v61, v2;
	[tilespmem:v4+s24+$0x0] =	vst.idx.add.f32.msk $0xffff, v1  }
0x907: {  	v5 =	vsub.f32 v5, v2;
	v4 =	vld [tilespmem:s25+$0x13710]  }
0x908: {  	[tilespmem:v6+s24+$0x0] =	vst.idx.add.f32.msk $0xffff, v1;
	v7 =	vmul.f32 v7, v3  }
0x909: {  	v6 =	vld [tilespmem:s25+$0x13750];
	v5 =	vmul.f32 v5, v3  }
0x90a: {  	v7 =	vmax.f32 v7, $0.0e+00  }
0x90b: {  	v5 =	vmax.f32 v5, $0.0e+00;
	v7 =	vmin.f32 v7, $6.553500000e+04  }
0x90c: {  	v5 =	vmin.f32 v5, $6.553500000e+04;
	v7 =	vtrunc.f32 v7;
	v4 =	vsub.f32 v4, v2  }
0x90d: {  	v5 =	vtrunc.f32 v5;
	v7 =	vcvt.f32.s32 v7  }
0x90e: {  	v6 =	vsub.f32 v6, v2;
	v5 =	vcvt.f32.s32 v5;
	v4 =	vmul.f32 v4, v3;
	_ =	sdelay $0x1  }
0x90f: {  	v6 =	vmul.f32 v6, v3;
	v4 =	vmax.f32 v4, $0.0e+00  }
0x910: {  	v4 =	vmin.f32 v4, $6.553500000e+04  }
0x911: {  	v6 =	vmax.f32 v6, $0.0e+00;
	v4 =	vtrunc.f32 v4  }
0x912: {  	v6 =	vmin.f32 v6, $6.553500000e+04;
	v4 =	vcvt.f32.s32 v4;
	[tilespmem:v7+s24+$0x0] =	vst.idx.add.f32.msk $0xffff, v1  }
0x913: {  	v6 =	vtrunc.f32 v6;
	[tilespmem:v5+s24+$0x0] =	vst.idx.add.f32.msk $0xffff, v1  }
0x914: {  	v7 =	vld [tilespmem:s25+$0x13320];
	v6 =	vcvt.f32.s32 v6  }
0x915: {  	v5 =	vld [tilespmem:s25+$0x13360];
	_ =	sdelay $0x2  }
0x916: {  	[tilespmem:v4+s24+$0x0] =	vst.idx.add.f32.msk $0xffff, v1  }
0x917: {  	v62 =	vld [tilespmem:s25+$0x13720]  }
0x918: {  	v4 =	vsub.f32 v7, v2;
	v5 =	vsub.f32 v5, v2;
	[tilespmem:v6+s24+$0x0] =	vst.idx.add.f32.msk $0xffff, v1  }
0x919: {  	v6 =	vld [tilespmem:s25+$0x13760]  }
0x91a: {  	v4 =	vmul.f32 v4, v3;
	v5 =	vmul.f32 v5, v3;
	_ =	sdelay $0x1  }
0x91b: {  	v4 =	vmax.f32 v4, $0.0e+00;
	v5 =	vmax.f32 v5, $0.0e+00;
	v7 =	vsub.f32 v62, v2  }
0x91c: {  	v4 =	vmin.f32 v4, $6.553500000e+04;
	v5 =	vmin.f32 v5, $6.553500000e+04  }
0x91d: {  	v4 =	vtrunc.f32 v4;
	v6 =	vsub.f32 v6, v2;
	v7 =	vmul.f32 v7, v3  }
0x91e: {  	v5 =	vtrunc.f32 v5;
	v4 =	vcvt.f32.s32 v4  }
0x91f: {  	v5 =	vcvt.f32.s32 v5;
	v6 =	vmul.f32 v6, v3;
	v7 =	vmax.f32 v7, $0.0e+00  }
0x920: {  	v7 =	vmin.f32 v7, $6.553500000e+04  }
0x921: {  	v6 =	vmax.f32 v6, $0.0e+00;
	v7 =	vtrunc.f32 v7  }
0x922: {  	v6 =	vmin.f32 v6, $6.553500000e+04;
	v7 =	vcvt.f32.s32 v7  }
0x923: {  	v6 =	vtrunc.f32 v6  }
0x924: {  	[tilespmem:v4+s24+$0x0] =	vst.idx.add.f32.msk $0xffff, v1;
	v4 =	vcvt.f32.s32 v6  }
0x925: {  	[tilespmem:v5+s24+$0x0] =	vst.idx.add.f32.msk $0xffff, v1  }
0x926: {  	v63 =	vld [tilespmem:s25+$0x13330]  }
0x927: {  	v5 =	vld [tilespmem:s25+$0x13370]  }
0x928: {  	[tilespmem:v7+s24+$0x0] =	vst.idx.add.f32.msk $0xffff, v1  }
0x929: {  	v7 =	vld [tilespmem:s25+$0x13730]  }
0x92a: {  	[tilespmem:v4+s24+$0x0] =	vst.idx.add.f32.msk $0xffff, v1  }
0x92b: {  	v4 =	vld [tilespmem:s25+$0x13770];
	_ =	sdelay $0x1  }
0x92c: {  	v6 =	vsub.f32 v63, v2;
	v5 =	vsub.f32 v5, v2;
	_ =	sdelay $0x1  }
0x92d: {  	v6 =	vmul.f32 v6, v3;
	v5 =	vmul.f32 v5, v3;
	v7 =	vsub.f32 v7, v2  }
0x92e: {  	v4 =	vsub.f32 v4, v2  }
0x92f: {  	v6 =	vmax.f32 v6, $0.0e+00;
	v5 =	vmax.f32 v5, $0.0e+00;
	v7 =	vmul.f32 v7, v3  }
0x930: {  	v6 =	vmin.f32 v6, $6.553500000e+04;
	v5 =	vmin.f32 v5, $6.553500000e+04;
	v4 =	vmul.f32 v4, v3  }
0x931: {  	v6 =	vtrunc.f32 v6;
	v5 =	vtrunc.f32 v5;
	v7 =	vmax.f32 v7, $0.0e+00  }
0x932: {  	v6 =	vcvt.f32.s32 v6;
	v7 =	vmin.f32 v7, $6.553500000e+04;
	v4 =	vmax.f32 v4, $0.0e+00  }
0x933: {  	v5 =	vcvt.f32.s32 v5;
	v7 =	vtrunc.f32 v7;
	v4 =	vmin.f32 v4, $6.553500000e+04  }
0x934: {  	v7 =	vcvt.f32.s32 v7;
	v4 =	vtrunc.f32 v4  }
0x935: {  	v4 =	vcvt.f32.s32 v4  }
0x936: {  	p3 =	por p2, p2  }
.Ltmp33:
0x937: {  	_ = 	snop;
	(pc) =	sbr.rel @p3 .LBB2_57-.Ltmp33, $4  }
0x938: {  	[tilespmem:v6+s24+$0x0] =	vst.idx.add.f32.msk $0xffff, v1  }
0x939: {  	[tilespmem:v5+s24+$0x0] =	vst.idx.add.f32.msk $0xffff, v1  }
0x93a: {  	[tilespmem:v7+s24+$0x0] =	vst.idx.add.f32.msk $0xffff, v1  }
0x93b: {  	p2 =	por $0x0, $0x0;
	s25 =	simm.s32 $0x2000;
	[tilespmem:v4+s24+$0x0] =	vst.idx.add.f32.msk $0xffff, v1  }
.LBB2_58:
0x93c: {  	s24 =	sshra.s32 s24, $0x2  }
0x93d: {  	v4 =	vld [tilespmem:s24+$0x13380]  }
0x93e: {  	v5 =	vld [tilespmem:s24+$0x133C0];
	_ =	sdelay $0x3  }
0x93f: {  	v4 =	vsub.f32 v4, v2  }
0x940: {  	v5 =	vsub.f32 v5, v2  }
0x941: {  	v6 =	vld [tilespmem:s24+$0x13780];
	v4 =	vmul.f32 v4, v3  }
0x942: {  	v5 =	vmul.f32 v5, v3  }
0x943: {  	v7 =	vld [tilespmem:s24+$0x137C0];
	v4 =	vmax.f32 v4, $0.0e+00  }
0x944: {  	v5 =	vmax.f32 v5, $0.0e+00;
	v4 =	vmin.f32 v4, $6.553500000e+04  }
0x945: {  	v5 =	vmin.f32 v5, $6.553500000e+04;
	v4 =	vtrunc.f32 v4  }
0x946: {  	v6 =	vsub.f32 v6, v2;
	v5 =	vtrunc.f32 v5;
	v4 =	vcvt.f32.s32 v4  }
0x947: {  	v5 =	vcvt.f32.s32 v5  }
0x948: {  	v7 =	vsub.f32 v7, v2;
	v6 =	vmul.f32 v6, v3;
	_ =	sdelay $0x1  }
0x949: {  	v7 =	vmul.f32 v7, v3;
	v6 =	vmax.f32 v6, $0.0e+00  }
0x94a: {  	v6 =	vmin.f32 v6, $6.553500000e+04  }
0x94b: {  	v7 =	vmax.f32 v7, $0.0e+00;
	v6 =	vtrunc.f32 v6;
	[tilespmem:v4+s3+$0x0] =	vst.idx.add.f32.msk $0xffff, v1  }
0x94c: {  	v60 =	vmin.f32 v7, $6.553500000e+04;
	v4 =	vcvt.f32.s32 v6;
	[tilespmem:v5+s3+$0x0] =	vst.idx.add.f32.msk $0xffff, v1  }
0x94d: {  	v6 =	vtrunc.f32 v60;
	v61 =	vld [tilespmem:s24+$0x13390]  }
0x94e: {  	v6 =	vcvt.f32.s32 v6;
	v5 =	vld [tilespmem:s24+$0x133D0];
	_ =	sdelay $0x3  }
0x94f: {  	v7 =	vsub.f32 v61, v2;
	[tilespmem:v4+s3+$0x0] =	vst.idx.add.f32.msk $0xffff, v1  }
0x950: {  	v5 =	vsub.f32 v5, v2;
	v4 =	vld [tilespmem:s24+$0x13790]  }
0x951: {  	[tilespmem:v6+s3+$0x0] =	vst.idx.add.f32.msk $0xffff, v1;
	v7 =	vmul.f32 v7, v3  }
0x952: {  	v6 =	vld [tilespmem:s24+$0x137D0];
	v5 =	vmul.f32 v5, v3  }
0x953: {  	v7 =	vmax.f32 v7, $0.0e+00  }
0x954: {  	v5 =	vmax.f32 v5, $0.0e+00;
	v7 =	vmin.f32 v7, $6.553500000e+04  }
0x955: {  	v5 =	vmin.f32 v5, $6.553500000e+04;
	v7 =	vtrunc.f32 v7;
	v4 =	vsub.f32 v4, v2  }
0x956: {  	v5 =	vtrunc.f32 v5;
	v7 =	vcvt.f32.s32 v7  }
0x957: {  	v6 =	vsub.f32 v6, v2;
	v5 =	vcvt.f32.s32 v5;
	v4 =	vmul.f32 v4, v3;
	_ =	sdelay $0x1  }
0x958: {  	v6 =	vmul.f32 v6, v3;
	v4 =	vmax.f32 v4, $0.0e+00  }
0x959: {  	v4 =	vmin.f32 v4, $6.553500000e+04  }
0x95a: {  	v6 =	vmax.f32 v6, $0.0e+00;
	v4 =	vtrunc.f32 v4  }
0x95b: {  	v6 =	vmin.f32 v6, $6.553500000e+04;
	v4 =	vcvt.f32.s32 v4;
	[tilespmem:v7+s3+$0x0] =	vst.idx.add.f32.msk $0xffff, v1  }
0x95c: {  	v6 =	vtrunc.f32 v6;
	[tilespmem:v5+s3+$0x0] =	vst.idx.add.f32.msk $0xffff, v1  }
0x95d: {  	v7 =	vld [tilespmem:s24+$0x133A0];
	v6 =	vcvt.f32.s32 v6  }
0x95e: {  	v5 =	vld [tilespmem:s24+$0x133E0];
	_ =	sdelay $0x2  }
0x95f: {  	[tilespmem:v4+s3+$0x0] =	vst.idx.add.f32.msk $0xffff, v1  }
0x960: {  	v62 =	vld [tilespmem:s24+$0x137A0]  }
0x961: {  	v4 =	vsub.f32 v7, v2;
	v5 =	vsub.f32 v5, v2;
	[tilespmem:v6+s3+$0x0] =	vst.idx.add.f32.msk $0xffff, v1  }
0x962: {  	v6 =	vld [tilespmem:s24+$0x137E0]  }
0x963: {  	v4 =	vmul.f32 v4, v3;
	v5 =	vmul.f32 v5, v3;
	_ =	sdelay $0x1  }
0x964: {  	v4 =	vmax.f32 v4, $0.0e+00;
	v5 =	vmax.f32 v5, $0.0e+00;
	v7 =	vsub.f32 v62, v2  }
0x965: {  	v4 =	vmin.f32 v4, $6.553500000e+04;
	v5 =	vmin.f32 v5, $6.553500000e+04  }
0x966: {  	v4 =	vtrunc.f32 v4;
	v6 =	vsub.f32 v6, v2;
	v7 =	vmul.f32 v7, v3  }
0x967: {  	v5 =	vtrunc.f32 v5;
	v4 =	vcvt.f32.s32 v4  }
0x968: {  	v5 =	vcvt.f32.s32 v5;
	v6 =	vmul.f32 v6, v3;
	v7 =	vmax.f32 v7, $0.0e+00  }
0x969: {  	v7 =	vmin.f32 v7, $6.553500000e+04  }
0x96a: {  	v6 =	vmax.f32 v6, $0.0e+00;
	v7 =	vtrunc.f32 v7  }
0x96b: {  	v6 =	vmin.f32 v6, $6.553500000e+04;
	v7 =	vcvt.f32.s32 v7  }
0x96c: {  	v6 =	vtrunc.f32 v6  }
0x96d: {  	[tilespmem:v4+s3+$0x0] =	vst.idx.add.f32.msk $0xffff, v1;
	v4 =	vcvt.f32.s32 v6  }
0x96e: {  	[tilespmem:v5+s3+$0x0] =	vst.idx.add.f32.msk $0xffff, v1  }
0x96f: {  	v63 =	vld [tilespmem:s24+$0x133B0]  }
0x970: {  	v5 =	vld [tilespmem:s24+$0x133F0]  }
0x971: {  	[tilespmem:v7+s3+$0x0] =	vst.idx.add.f32.msk $0xffff, v1  }
0x972: {  	v7 =	vld [tilespmem:s24+$0x137B0]  }
0x973: {  	[tilespmem:v4+s3+$0x0] =	vst.idx.add.f32.msk $0xffff, v1  }
0x974: {  	v4 =	vld [tilespmem:s24+$0x137F0];
	_ =	sdelay $0x1  }
0x975: {  	v6 =	vsub.f32 v63, v2;
	v5 =	vsub.f32 v5, v2;
	_ =	sdelay $0x1  }
0x976: {  	v6 =	vmul.f32 v6, v3;
	v5 =	vmul.f32 v5, v3;
	v7 =	vsub.f32 v7, v2  }
0x977: {  	v4 =	vsub.f32 v4, v2  }
0x978: {  	v6 =	vmax.f32 v6, $0.0e+00;
	v5 =	vmax.f32 v5, $0.0e+00;
	v7 =	vmul.f32 v7, v3  }
0x979: {  	v6 =	vmin.f32 v6, $6.553500000e+04;
	v5 =	vmin.f32 v5, $6.553500000e+04;
	v4 =	vmul.f32 v4, v3  }
0x97a: {  	v6 =	vtrunc.f32 v6;
	v5 =	vtrunc.f32 v5;
	v7 =	vmax.f32 v7, $0.0e+00  }
0x97b: {  	v6 =	vcvt.f32.s32 v6;
	v7 =	vmin.f32 v7, $6.553500000e+04;
	v4 =	vmax.f32 v4, $0.0e+00  }
0x97c: {  	v5 =	vcvt.f32.s32 v5;
	v7 =	vtrunc.f32 v7;
	v4 =	vmin.f32 v4, $6.553500000e+04  }
0x97d: {  	v7 =	vcvt.f32.s32 v7;
	v4 =	vtrunc.f32 v4  }
0x97e: {  	v4 =	vcvt.f32.s32 v4  }
0x97f: {  	p2 =	por p1, p1  }
.Ltmp34:
0x980: {  	_ = 	snop;
	(pc) =	sbr.rel @p2 .LBB2_58-.Ltmp34, $4  }
0x981: {  	[tilespmem:v6+s3+$0x0] =	vst.idx.add.f32.msk $0xffff, v1  }
0x982: {  	[tilespmem:v5+s3+$0x0] =	vst.idx.add.f32.msk $0xffff, v1  }
0x983: {  	[tilespmem:v7+s3+$0x0] =	vst.idx.add.f32.msk $0xffff, v1  }
0x984: {  	p1 =	por $0x0, $0x0;
	s24 =	simm.s32 $0x2000;
	[tilespmem:v4+s3+$0x0] =	vst.idx.add.f32.msk $0xffff, v1  }
.Ltmp35:
0x985: {  	(pc) =	sbr.rel @p0 .LBB2_61-.Ltmp35, $1  }
0x986: {  	_ =	sdelay $0x3  }
.Ltmp36:
0x987: {  	(pc) =	sbr.rel .LBB2_4-.Ltmp36, $4  }
0x988: {  	_ = 	snop  }
0x989: {  	s23 =	sshll.u32 s23, $0x6  }
0x98a: {  	s22 =	sadd.s32 $0x1, s22;
	s23 =	sadd.s32 s23, s9  }
0x98b: {  	[tilespmem:s13], [sflag:$0x2] =	stream.linear.gather [hbm4b:s23+s3], $0x2000, $0x38;
	[tilespmem:$0x14100] =	vst v63  }
.LBB2_62:
0x98c: {  	_ =	sfence.sel $0x180000  }
0x98d: {  	[bflag:$0x0] =	sbarrier.arrive $0xFFFF  }
0x98e: {  	p0 =	sne.s32 s2, $0x0;
	_ =	strace $0x90000047  }
0x98f: {  	s0 =	sadd.s32 @!p0 $0x100000, s0;
	[bflag:$0x2] =	sbarrier.arrive $0xFFFF  }
0x990: {  	[sflag:s0] =	ssyncadd.tile.s32 @!p0 $0x1;
	_ =	shalt  }
.Lfunc_end2:
_tile_overlayer_lowered:
.L_overlay_start_2:
0x991: {  	(tag) =	ssettag $0x2  }
0x992: {  	s0 =	rddreg [dreg:$0x0];
	s2 =	stileid.u32  }
0x993: {  	s1 =	rddreg [dreg:$0x1];
	p0 =	sne.s32 s2, $0x0  }
0x994: {  	s3 =	rddreg [dreg:$0x2];
	[bflag:$0x3] =	sbarrier.arrive $0xFFFF;
	s2 =	simm.s32 @!p0 $0x1C03  }
0x995: {  	[timem:s3], [sflag:s2] =	dma.local @!p0 [hbm:s0], s1  }
0x996: {  	s0 =	simm.s32 @!p0 $0x3  }
0x997: {  	_ =	swait.ge @!p0 [sflag:s0], s1  }
0x998: {  	s1 =	ssub.s32 @!p0 $0x0, s1;
	[sflag:s0] =	ssyncset.done @!p0 $0x0  }
0x999: {  	[sflag:s0] =	ssyncadd.s32 @!p0 s1  }
0x99a: {  	[bflag:$0x3] =	sbarrier.arrive $0xFFFF  }
0x99b: {  	_ =	shalt  }

</sc_bundles>
